<compile_context>
chip_gen: v7x
topology: tpu7x:2x2x1
jax: 0.10.2.dev20260603
libtpu: 0.0.44.dev20260713+nightly
codegen_flags: <defaults>
</compile_context>

<pallas_src>
import functools
import math

import jax
import jax.numpy as jnp
import numpy as np
from jax import lax
from jax.experimental import pallas as pl
from jax.experimental.pallas import tpu as pltpu
from jax.experimental.pallas import tpu_sc as plsc

N = 50000
E = 800000
NODE_DIM = 16
MEM_DIM = 32
EMBED_DIM = 32
HEADS = 2
QK_DIM = HEADS * EMBED_DIM

NW = 32
NPAD = 65536
EPAD = 819200
EPT = EPAD // NW
SUB = 128
ACC = 51200
DUMMY = N

_mesh = plsc.VectorSubcoreMesh(core_axis_name="c", subcore_axis_name="s")
_sc_params = pltpu.CompilerParams(use_tc_tiling_on_sc=False,
                                  needs_layout_passes=False)


def _k1_body(nid_hbm, emb_hbm, mem_hbm, xe_hbm, xm_hbm, idx_v, xe_v, xm_v, sem):
    c = lax.axis_index("c")
    s = lax.axis_index("s")
    wid = s * 2 + c
    pltpu.sync_copy(nid_hbm.at[pl.ds(wid * 16, 16)], idx_v)
    cps = []
    for j in range(16):
        cps.append(pltpu.async_copy(emb_hbm.at[idx_v.at[j]],
                                    xe_v.at[pl.ds(j * 128, 128)], sem))
        cps.append(pltpu.async_copy(mem_hbm.at[idx_v.at[j]],
                                    xm_v.at[pl.ds(j * 128, 128)], sem))
    for cp in cps:
        cp.wait()
    pltpu.sync_copy(xe_v, xe_hbm.at[pl.ds(wid * 2048, 2048)])
    pltpu.sync_copy(xm_v, xm_hbm.at[pl.ds(wid * 2048, 2048)])


_k1 = functools.partial(
    pl.kernel,
    compiler_params=_sc_params,
    out_type=(jax.ShapeDtypeStruct((NPAD, NODE_DIM), jnp.float32),
              jax.ShapeDtypeStruct((NPAD, MEM_DIM), jnp.float32)),
    mesh=_mesh,
    scratch_types=[
        pltpu.VMEM((16, 128), jnp.int32),
        pltpu.VMEM((2048, NODE_DIM), jnp.float32),
        pltpu.VMEM((2048, MEM_DIM), jnp.float32),
        pltpu.SemaphoreType.DMA,
    ],
)(_k1_body)


def _k2_body(xe_ref, xm_ref, w1_ref, w2_ref, b_ref, q_ref, k_ref, v_ref, s_ref):
    xe = xe_ref[...]
    xm = xm_ref[...]
    out = (jnp.dot(xe, w1_ref[...], preferred_element_type=jnp.float32)
           + jnp.dot(xm, w2_ref[...], preferred_element_type=jnp.float32)
           + b_ref[...])
    q_ref[...] = out[:, 0:64]
    k_ref[...] = out[:, 64:128]
    v_ref[...] = out[:, 128:192]
    s_ref[...] = out[:, 192:224]


def _run_k2(xe, xm, w1, w2, b):
    blk = 512
    grid = NPAD // blk
    return pl.pallas_call(
        _k2_body,
        grid=(grid,),
        in_specs=[
            pl.BlockSpec((blk, NODE_DIM), lambda i: (i, 0)),
            pl.BlockSpec((blk, MEM_DIM), lambda i: (i, 0)),
            pl.BlockSpec((NODE_DIM, 224), lambda i: (0, 0)),
            pl.BlockSpec((MEM_DIM, 224), lambda i: (0, 0)),
            pl.BlockSpec((1, 224), lambda i: (0, 0)),
        ],
        out_specs=[
            pl.BlockSpec((blk, 64), lambda i: (i, 0)),
            pl.BlockSpec((blk, 64), lambda i: (i, 0)),
            pl.BlockSpec((blk, 64), lambda i: (i, 0)),
            pl.BlockSpec((blk, 32), lambda i: (i, 0)),
        ],
        out_shape=[
            jax.ShapeDtypeStruct((NPAD, 64), jnp.float32),
            jax.ShapeDtypeStruct((NPAD, 64), jnp.float32),
            jax.ShapeDtypeStruct((NPAD, 64), jnp.float32),
            jax.ShapeDtypeStruct((NPAD, 32), jnp.float32),
        ],
    )(xe, xm, w1, w2, b)


def _k3_body(dst_hbm, src_hbm, q_hbm, kt_hbm, ex_hbm, den_hbm,
             dsti, srci, q_v, k_v, expad_v, exc_v, zbuf, acc_sh, sem):
    c = lax.axis_index("c")
    s = lax.axis_index("s")
    wid = s * 2 + c
    zero16 = jnp.zeros((16,), jnp.float32)

    def zb(i, _):
        zbuf[i, :] = zero16
        return 0
    lax.fori_loop(0, 128, zb, 0)

    def ze(i, _):
        expad_v[i, :] = zero16
        return 0
    lax.fori_loop(0, SUB, ze, 0)

    def zacc(t, _):
        pltpu.sync_copy(zbuf, acc_sh.at[pl.ds(s * 3200 + t * 128, 128)])
        return 0
    lax.fori_loop(0, 25, zacc, 0)
    plsc.subcore_barrier()

    inv_sqrt = jnp.float32(1.0 / math.sqrt(EMBED_DIM))

    def chunk(i, _):
        row = wid * 200 + i * 8
        pltpu.sync_copy(dst_hbm.at[pl.ds(row, 8)], dsti)
        pltpu.sync_copy(src_hbm.at[pl.ds(row, 8)], srci)

        def sub(j, _):
            cq = pltpu.async_copy(q_hbm.at[dsti.at[j]], q_v, sem)
            ck = pltpu.async_copy(kt_hbm.at[srci.at[j]], k_v, sem)
            cq.wait()
            ck.wait()

            def grp(g, _):
                rows = g * 16 + lax.iota(jnp.int32, 16)
                for h in range(HEADS):
                    acc = jnp.zeros((16,), jnp.float32)
                    for d in range(EMBED_DIM):
                        col = jnp.full((16,), h * EMBED_DIM + d, jnp.int32)
                        qc = plsc.load_gather(q_v, [rows, col])
                        kc = plsc.load_gather(k_v, [rows, col])
                        acc = acc + qc * kc
                    ex = jnp.exp(acc * inv_sqrt)
                    colh = jnp.full((16,), h, jnp.int32)
                    plsc.store_scatter(expad_v, [rows, colh], ex)
                    plsc.store_scatter(exc_v, [rows, colh], ex)
                return 0
            lax.fori_loop(0, SUB // 16, grp, 0)

            pltpu.sync_copy(expad_v, acc_sh.at[dsti.at[j]], add=True)
            pltpu.sync_copy(
                exc_v, ex_hbm.at[pl.ds(wid * EPT + (i * 8 + j) * SUB, SUB)])
            return 0
        lax.fori_loop(0, 8, sub, 0)
        return 0
    lax.fori_loop(0, 25, chunk, 0)

    plsc.subcore_barrier()
    pltpu.sync_copy(acc_sh.at[pl.ds(s * 3200, 3200)],
                    den_hbm.at[pl.ds(c * ACC + s * 3200, 3200)])


_k3 = functools.partial(
    pl.kernel,
    compiler_params=_sc_params,
    out_type=(jax.ShapeDtypeStruct((EPAD, HEADS), jnp.float32),
              jax.ShapeDtypeStruct((2 * ACC, 16), jnp.float32)),
    mesh=_mesh,
    scratch_types=[
        pltpu.VMEM((8, 128), jnp.int32),
        pltpu.VMEM((8, 128), jnp.int32),
        pltpu.VMEM((SUB, QK_DIM), jnp.float32),
        pltpu.VMEM((SUB, QK_DIM), jnp.float32),
        pltpu.VMEM((SUB, 16), jnp.float32),
        pltpu.VMEM((SUB, HEADS), jnp.float32),
        pltpu.VMEM((128, 16), jnp.float32),
        pltpu.VMEM_SHARED((ACC, 16), jnp.float32),
        pltpu.SemaphoreType.DMA,
    ],
)(_k3_body)


def _k4_body(p0_ref, p1_ref, o_ref):
    o_ref[...] = 1.0 / (p0_ref[...] + p1_ref[...] + 1e-16)


def _run_k4(p0, p1):
    blk = 400
    grid = (ACC * 16 // 128) // blk
    return pl.pallas_call(
        _k4_body,
        grid=(grid,),
        in_specs=[pl.BlockSpec((blk, 128), lambda i: (i, 0)),
                  pl.BlockSpec((blk, 128), lambda i: (i, 0))],
        out_specs=pl.BlockSpec((blk, 128), lambda i: (i, 0)),
        out_shape=jax.ShapeDtypeStruct((ACC * 16 // 128, 128), jnp.float32),
    )(p0, p1)


def _k5_body(dst_hbm, src_hbm, ex_hbm, invd_hbm, v_hbm, out_hbm,
             dsti, srci, v_v, invd_v, exc_v, cbuf, msg_v, zbuf, acc_sh, sem):
    c = lax.axis_index("c")
    s = lax.axis_index("s")
    wid = s * 2 + c
    zero16 = jnp.zeros((16,), jnp.float32)

    def zb(i, _):
        zbuf[i, pl.ds(0, 16)] = zero16
        zbuf[i, pl.ds(16, 16)] = zero16
        return 0
    lax.fori_loop(0, 128, zb, 0)

    def zacc(t, _):
        pltpu.sync_copy(zbuf, acc_sh.at[pl.ds(s * 3200 + t * 128, 128)])
        return 0
    lax.fori_loop(0, 25, zacc, 0)
    plsc.subcore_barrier()

    def chunk(i, _):
        row = wid * 200 + i * 8
        pltpu.sync_copy(dst_hbm.at[pl.ds(row, 8)], dsti)
        pltpu.sync_copy(src_hbm.at[pl.ds(row, 8)], srci)

        def sub(j, _):
            cv = pltpu.async_copy(v_hbm.at[srci.at[j]], v_v, sem)
            cd = pltpu.async_copy(invd_hbm.at[dsti.at[j]], invd_v, sem)
            pltpu.sync_copy(
                ex_hbm.at[pl.ds(wid * EPT + (i * 8 + j) * SUB, SUB)], exc_v)
            cv.wait()
            cd.wait()

            def grp(g, _):
                rows = g * 16 + lax.iota(jnp.int32, 16)
                for h in range(HEADS):
                    colh = jnp.full((16,), h, jnp.int32)
                    e = plsc.load_gather(exc_v, [rows, colh])
                    dv = plsc.load_gather(invd_v, [rows, colh])
                    plsc.store_scatter(cbuf, [rows, colh], e * dv * 0.5)
                return 0
            lax.fori_loop(0, SUB // 16, grp, 0)

            def edge(e, _):
                esplat = jnp.full((16,), e, jnp.int32)
                b0 = plsc.load_gather(cbuf,
                                      [esplat, jnp.zeros((16,), jnp.int32)])
                b1 = plsc.load_gather(cbuf,
                                      [esplat, jnp.ones((16,), jnp.int32)])
                for jj in range(2):
                    msg = (b0 * v_v[e, pl.ds(jj * 16, 16)]
                           + b1 * v_v[e, pl.ds(32 + jj * 16, 16)])
                    msg_v[e, pl.ds(jj * 16, 16)] = msg
                return 0
            lax.fori_loop(0, SUB, edge, 0)

            pltpu.sync_copy(msg_v, acc_sh.at[dsti.at[j]], add=True)
            return 0
        lax.fori_loop(0, 8, sub, 0)
        return 0
    lax.fori_loop(0, 25, chunk, 0)

    plsc.subcore_barrier()
    pltpu.sync_copy(acc_sh.at[pl.ds(s * 3200, 3200)],
                    out_hbm.at[pl.ds(c * ACC + s * 3200, 3200)])


_k5 = functools.partial(
    pl.kernel,
    compiler_params=_sc_params,
    out_type=jax.ShapeDtypeStruct((2 * ACC, EMBED_DIM), jnp.float32),
    mesh=_mesh,
    scratch_types=[
        pltpu.VMEM((8, 128), jnp.int32),
        pltpu.VMEM((8, 128), jnp.int32),
        pltpu.VMEM((SUB, QK_DIM), jnp.float32),
        pltpu.VMEM((SUB, 16), jnp.float32),
        pltpu.VMEM((SUB, HEADS), jnp.float32),
        pltpu.VMEM((SUB, HEADS), jnp.float32),
        pltpu.VMEM((SUB, EMBED_DIM), jnp.float32),
        pltpu.VMEM((128, EMBED_DIM), jnp.float32),
        pltpu.VMEM_SHARED((ACC, EMBED_DIM), jnp.float32),
        pltpu.SemaphoreType.DMA,
    ],
)(_k5_body)


def _k6_body(p0_ref, p1_ref, s_ref, o_ref):
    o_ref[...] = p0_ref[...] + p1_ref[...] + s_ref[...]


def _run_k6(p0, p1, sk):
    blk = 1000
    grid = N // blk
    return pl.pallas_call(
        _k6_body,
        grid=(grid,),
        in_specs=[pl.BlockSpec((blk, EMBED_DIM), lambda i: (i, 0)),
                  pl.BlockSpec((blk, EMBED_DIM), lambda i: (i, 0)),
                  pl.BlockSpec((blk, EMBED_DIM), lambda i: (i, 0))],
        out_specs=pl.BlockSpec((blk, EMBED_DIM), lambda i: (i, 0)),
        out_shape=jax.ShapeDtypeStruct((N, EMBED_DIM), jnp.float32),
    )(p0, p1, sk)


def kernel(n_id, edge_index, emb_table, memory_state, Wq, bq, Wk, bk, Wv, bv,
           Ws, bs):
    n_id2d = jnp.pad(n_id.astype(jnp.int32), (0, NPAD - N)).reshape(NPAD // 128, 128)
    dst2d = jnp.pad(edge_index[1].astype(jnp.int32), (0, EPAD - E),
                    constant_values=DUMMY).reshape(EPAD // 128, 128)
    src2d = jnp.pad(edge_index[0].astype(jnp.int32), (0, EPAD - E)
                    ).reshape(EPAD // 128, 128)

    xe, xm = _k1(n_id2d, emb_table, memory_state)

    w1 = jnp.concatenate([Wq[:NODE_DIM], Wk[:NODE_DIM], Wv[:NODE_DIM],
                          Ws[:NODE_DIM]], axis=1)
    w2 = jnp.concatenate([Wq[NODE_DIM:], Wk[NODE_DIM:], Wv[NODE_DIM:],
                          Ws[NODE_DIM:]], axis=1)
    b = jnp.concatenate([bq, bk, bv, bs]).reshape(1, 224)
    q_t, k_t, v_t, s_t = _run_k2(xe, xm, w1, w2, b)

    ex, den = _k3(dst2d, src2d, q_t, k_t)
    den2d = den.reshape(2 * ACC * 16 // 128, 128)
    invd2d = _run_k4(den2d[:ACC * 16 // 128], den2d[ACC * 16 // 128:])
    invd = invd2d.reshape(ACC, 16)

    outp = _k5(dst2d, src2d, ex, invd, v_t)
    return _run_k6(outp[:N], outp[ACC:ACC + N], s_t[:N])

# --- scband reference (transcript-rebuilt; emitter-appended) ---
"""Pipeline reference for scband-temporal-graph-encoder-49709951484667 (READ-ONLY COPY).

The authoritative reference and input builder live on the scoring server;
editing this copy changes nothing except your own understanding.
"""

import jax, jax.numpy as jnp
import numpy as np

NUM_NODES = 50000
NODE_DIM = 16
MEM_DIM = 32
EMBED_DIM = 32
HEADS = 2
IN_DIM = NODE_DIM + MEM_DIM
N = 50000
E = 800000


def _lin_init(k, fan_in, fan_out):
    lim = 1.0 / np.sqrt(fan_in)
    k1, k2 = jax.random.split(k)
    W = jax.random.uniform(k1, (fan_in, fan_out), jnp.float32, -lim, lim)
    b = jax.random.uniform(k2, (fan_out,), jnp.float32, -lim, lim)
    return W, b


def setup_inputs(seed: int = 0) -> dict:
    key = jax.random.key(seed)
    ks = jax.random.split(key, 8)
    n_id = jax.random.randint(ks[0], (N,), 0, NUM_NODES)
    edge_index = jax.random.randint(ks[1], (2, E), 0, N)
    emb_table = jax.random.normal(ks[2], (NUM_NODES, NODE_DIM), jnp.float32) * 0.02
    memory_state = jax.random.normal(ks[3], (NUM_NODES, MEM_DIM), jnp.float32) * 0.02
    Wq, bq = _lin_init(ks[4], IN_DIM, HEADS * EMBED_DIM)
    Wk, bk = _lin_init(ks[5], IN_DIM, HEADS * EMBED_DIM)
    Wv, bv = _lin_init(ks[6], IN_DIM, HEADS * EMBED_DIM)
    Ws, bs = _lin_init(ks[7], IN_DIM, EMBED_DIM)
    return {"n_id": n_id, "edge_index": edge_index, "emb_table": emb_table,
            "memory_state": memory_state, "Wq": Wq, "bq": bq, "Wk": Wk, "bk": bk,
            "Wv": Wv, "bv": bv, "Ws": Ws, "bs": bs}


def reference(n_id, edge_index, emb_table, memory_state, Wq, bq, Wk, bk, Wv, bv, Ws, bs):
    # TGNMemory lookup (z, last_update); z is detached in the torch module
    z = jax.lax.stop_gradient(jnp.take(memory_state, n_id, axis=0))
    x_emb = jnp.take(emb_table, n_id, axis=0)
    x = jnp.concatenate([x_emb, z], axis=-1)  # [N, IN_DIM]
    n = x.shape[0]
    # TransformerConv(heads=2, concat=False, root_weight=True)
    q = (x @ Wq + bq).reshape(n, HEADS, EMBED_DIM)
    k = (x @ Wk + bk).reshape(n, HEADS, EMBED_DIM)
    v = (x @ Wv + bv).reshape(n, HEADS, EMBED_DIM)
    src = edge_index[0]  # source j
    dst = edge_index[1]  # target i
    logits = (jnp.take(q, dst, axis=0) * jnp.take(k, src, axis=0)).sum(-1) / jnp.sqrt(jnp.float32(EMBED_DIM))  # [E, H]
    m = jax.ops.segment_max(logits, dst, num_segments=n)
    ex = jnp.exp(logits - jnp.take(m, dst, axis=0))
    denom = jax.ops.segment_sum(ex, dst, num_segments=n)
    alpha = ex / (jnp.take(denom, dst, axis=0) + 1e-16)  # segment softmax over incoming edges
    msg = jnp.take(v, src, axis=0) * alpha[:, :, None]
    out = jax.ops.segment_sum(msg, dst, num_segments=n)  # [N, H, C]
    out = out.mean(axis=1)  # concat=False -> average heads
    out = out + x @ Ws + bs  # root/skip connection
    return out

if __name__ == "__main__":
    import jax
    _d = setup_inputs()
    print(jax.jit(kernel)(*tuple(_d.values())))

</pallas_src>

<mosaic_0001>
#map = affine_map<(d0, d1) -> (0, 0)>
module attributes {stable_mosaic.version = 14 : i64} {
  func.func @_k1_body(%arg0: i32, %arg1: i32, %arg2: memref<512x128xi32, #tpu.memory_space<hbm>>, %arg3: memref<50000x16xf32, #tpu.memory_space<hbm>>, %arg4: memref<50000x32xf32, #tpu.memory_space<hbm>>, %arg5: memref<65536x16xf32, #tpu.memory_space<hbm>>, %arg6: memref<65536x32xf32, #tpu.memory_space<hbm>>, %arg7: memref<16x128xi32, #tpu.memory_space<vmem>>, %arg8: memref<2048x16xf32, #tpu.memory_space<vmem>>, %arg9: memref<2048x32xf32, #tpu.memory_space<vmem>>, %arg10: memref<!tpu.dma_semaphore, #tpu.memory_space<semaphore_mem>>) attributes {dimension_semantics = [#tpu.dimension_semantics<core_parallel>, #tpu.dimension_semantics<subcore_parallel>], iteration_bounds = array<i64: 2, 16>, scalar_prefetch = 0 : i64, scratch_operands = 4 : i64, tpu.core_type = #tpu.core_type<sc_vector_subcore>, window_params = [{transform_indices = #map}, {transform_indices = #map}, {transform_indices = #map}, {transform_indices = #map}, {transform_indices = #map}]} {
    %mul3A = arith.constant 2 : i32
    %mul3A_0 = arith.muli %arg1, %mul3A : i32
    %add3A = arith.addi %mul3A_0, %arg0 : i32
    %mul3A_1 = arith.constant 16 : i32
    %mul3A_2 = arith.muli %add3A, %mul3A_1 : i32
    "tpu.region"() ({
      %run_scoped3A = tpu.sem_alloc : memref<!tpu.dma_semaphore, #tpu.memory_space<semaphore_mem>>
      %dma_start3A_645 = arith.constant 0 : i32
      %dma_start3A_646 = tpu.memref_slice %arg2[%mul3A_2, %dma_start3A_645] : memref<512x128xi32, #tpu.memory_space<hbm>> -> memref<16x128xi32, #tpu.memory_space<hbm>>
      %dma_start3A_647 = arith.constant 0 : i32
      %dma_start3A_648 = tpu.memref_slice %arg2[%mul3A_2, %dma_start3A_647] : memref<512x128xi32, #tpu.memory_space<hbm>> -> memref<16x128xi32, #tpu.memory_space<hbm>>
      tpu.enqueue_dma source(%dma_start3A_648 : memref<16x128xi32, #tpu.memory_space<hbm>>) target(%arg7 : memref<16x128xi32, #tpu.memory_space<vmem>>) target_semaphore(%run_scoped3A : memref<!tpu.dma_semaphore, #tpu.memory_space<semaphore_mem>>)
      %dma_wait3A_649 = arith.constant 0 : i32
      %dma_wait3A_650 = tpu.memref_slice %arg2[%mul3A_2, %dma_wait3A_649] : memref<512x128xi32, #tpu.memory_space<hbm>> -> memref<16x128xi32, #tpu.memory_space<hbm>>
      %dma_wait3A_651 = arith.constant 0 : i32
      %dma_wait3A_652 = tpu.memref_slice %arg2[%mul3A_2, %dma_wait3A_651] : memref<512x128xi32, #tpu.memory_space<hbm>> -> memref<16x128xi32, #tpu.memory_space<hbm>>
      tpu.wait_dma2 semaphore(%run_scoped3A : memref<!tpu.dma_semaphore, #tpu.memory_space<semaphore_mem>>) src(%dma_wait3A_652 : memref<16x128xi32, #tpu.memory_space<hbm>>) dst(%arg7 : memref<16x128xi32, #tpu.memory_space<vmem>>)
      tpu.yield
    }) : () -> ()
    %dma_start3A = arith.constant 0 : i32
    %dma_start3A_3 = arith.constant 0 : i32
    %dma_start3A_4 = arith.constant 0 : i32
    %dma_start3A_5 = tpu.memref_slice %arg8[%dma_start3A_3, %dma_start3A_4] : memref<2048x16xf32, #tpu.memory_space<vmem>> -> memref<128x16xf32, #tpu.memory_space<vmem>>
    %dma_start3A_6 = arith.constant 0 : i32
    %dma_start3A_7 = tpu.memref_slice %arg7[%dma_start3A, %dma_start3A_6] : memref<16x128xi32, #tpu.memory_space<vmem>> -> memref<1x128xi32, #tpu.memory_space<vmem>>
    %dma_start3A_8 = tpu.memref_squeeze %dma_start3A_7 : memref<1x128xi32, #tpu.memory_space<vmem>> -> memref<128xi32, #tpu.memory_space<vmem>>
    %dma_start3A_9 = arith.constant 0 : i32
    %dma_start3A_10 = arith.constant 0 : i32
    %dma_start3A_11 = tpu.memref_slice %arg3[%dma_start3A_9, %dma_start3A_10] : memref<50000x16xf32, #tpu.memory_space<hbm>> -> memref<50000x16xf32, #tpu.memory_space<hbm>>
    tpu.enqueue_indirect_dma source(%dma_start3A_11 : memref<50000x16xf32, #tpu.memory_space<hbm>>) target(%dma_start3A_5 : memref<128x16xf32, #tpu.memory_space<vmem>>) offsets(%dma_start3A_8 : memref<128xi32, #tpu.memory_space<vmem>>) semaphore(%arg10 : memref<!tpu.dma_semaphore, #tpu.memory_space<semaphore_mem>>)
    %dma_start3A_12 = arith.constant 0 : i32
    %dma_start3A_13 = arith.constant 0 : i32
    %dma_start3A_14 = arith.constant 0 : i32
    %dma_start3A_15 = tpu.memref_slice %arg9[%dma_start3A_13, %dma_start3A_14] : memref<2048x32xf32, #tpu.memory_space<vmem>> -> memref<128x32xf32, #tpu.memory_space<vmem>>
    %dma_start3A_16 = arith.constant 0 : i32
    %dma_start3A_17 = tpu.memref_slice %arg7[%dma_start3A_12, %dma_start3A_16] : memref<16x128xi32, #tpu.memory_space<vmem>> -> memref<1x128xi32, #tpu.memory_space<vmem>>
    %dma_start3A_18 = tpu.memref_squeeze %dma_start3A_17 : memref<1x128xi32, #tpu.memory_space<vmem>> -> memref<128xi32, #tpu.memory_space<vmem>>
    %dma_start3A_19 = arith.constant 0 : i32
    %dma_start3A_20 = arith.constant 0 : i32
    %dma_start3A_21 = tpu.memref_slice %arg4[%dma_start3A_19, %dma_start3A_20] : memref<50000x32xf32, #tpu.memory_space<hbm>> -> memref<50000x32xf32, #tpu.memory_space<hbm>>
    tpu.enqueue_indirect_dma source(%dma_start3A_21 : memref<50000x32xf32, #tpu.memory_space<hbm>>) target(%dma_start3A_15 : memref<128x32xf32, #tpu.memory_space<vmem>>) offsets(%dma_start3A_18 : memref<128xi32, #tpu.memory_space<vmem>>) semaphore(%arg10 : memref<!tpu.dma_semaphore, #tpu.memory_space<semaphore_mem>>)
    %dma_start3A_22 = arith.constant 1 : i32
    %dma_start3A_23 = arith.constant 128 : i32
    %dma_start3A_24 = arith.constant 0 : i32
    %dma_start3A_25 = tpu.memref_slice %arg8[%dma_start3A_23, %dma_start3A_24] : memref<2048x16xf32, #tpu.memory_space<vmem>> -> memref<128x16xf32, #tpu.memory_space<vmem>>
    %dma_start3A_26 = arith.constant 0 : i32
    %dma_start3A_27 = tpu.memref_slice %arg7[%dma_start3A_22, %dma_start3A_26] : memref<16x128xi32, #tpu.memory_space<vmem>> -> memref<1x128xi32, #tpu.memory_space<vmem>>
    %dma_start3A_28 = tpu.memref_squeeze %dma_start3A_27 : memref<1x128xi32, #tpu.memory_space<vmem>> -> memref<128xi32, #tpu.memory_space<vmem>>
    %dma_start3A_29 = arith.constant 0 : i32
    %dma_start3A_30 = arith.constant 0 : i32
    %dma_start3A_31 = tpu.memref_slice %arg3[%dma_start3A_29, %dma_start3A_30] : memref<50000x16xf32, #tpu.memory_space<hbm>> -> memref<50000x16xf32, #tpu.memory_space<hbm>>
    tpu.enqueue_indirect_dma source(%dma_start3A_31 : memref<50000x16xf32, #tpu.memory_space<hbm>>) target(%dma_start3A_25 : memref<128x16xf32, #tpu.memory_space<vmem>>) offsets(%dma_start3A_28 : memref<128xi32, #tpu.memory_space<vmem>>) semaphore(%arg10 : memref<!tpu.dma_semaphore, #tpu.memory_space<semaphore_mem>>)
    %dma_start3A_32 = arith.constant 1 : i32
    %dma_start3A_33 = arith.constant 128 : i32
    %dma_start3A_34 = arith.constant 0 : i32
    %dma_start3A_35 = tpu.memref_slice %arg9[%dma_start3A_33, %dma_start3A_34] : memref<2048x32xf32, #tpu.memory_space<vmem>> -> memref<128x32xf32, #tpu.memory_space<vmem>>
    %dma_start3A_36 = arith.constant 0 : i32
    %dma_start3A_37 = tpu.memref_slice %arg7[%dma_start3A_32, %dma_start3A_36] : memref<16x128xi32, #tpu.memory_space<vmem>> -> memref<1x128xi32, #tpu.memory_space<vmem>>
    %dma_start3A_38 = tpu.memref_squeeze %dma_start3A_37 : memref<1x128xi32, #tpu.memory_space<vmem>> -> memref<128xi32, #tpu.memory_space<vmem>>
    %dma_start3A_39 = arith.constant 0 : i32
    %dma_start3A_40 = arith.constant 0 : i32
    %dma_start3A_41 = tpu.memref_slice %arg4[%dma_start3A_39, %dma_start3A_40] : memref<50000x32xf32, #tpu.memory_space<hbm>> -> memref<50000x32xf32, #tpu.memory_space<hbm>>
    tpu.enqueue_indirect_dma source(%dma_start3A_41 : memref<50000x32xf32, #tpu.memory_space<hbm>>) target(%dma_start3A_35 : memref<128x32xf32, #tpu.memory_space<vmem>>) offsets(%dma_start3A_38 : memref<128xi32, #tpu.memory_space<vmem>>) semaphore(%arg10 : memref<!tpu.dma_semaphore, #tpu.memory_space<semaphore_mem>>)
    %dma_start3A_42 = arith.constant 2 : i32
    %dma_start3A_43 = arith.constant 256 : i32
    %dma_start3A_44 = arith.constant 0 : i32
    %dma_start3A_45 = tpu.memref_slice %arg8[%dma_start3A_43, %dma_start3A_44] : memref<2048x16xf32, #tpu.memory_space<vmem>> -> memref<128x16xf32, #tpu.memory_space<vmem>>
    %dma_start3A_46 = arith.constant 0 : i32
    %dma_start3A_47 = tpu.memref_slice %arg7[%dma_start3A_42, %dma_start3A_46] : memref<16x128xi32, #tpu.memory_space<vmem>> -> memref<1x128xi32, #tpu.memory_space<vmem>>
    %dma_start3A_48 = tpu.memref_squeeze %dma_start3A_47 : memref<1x128xi32, #tpu.memory_space<vmem>> -> memref<128xi32, #tpu.memory_space<vmem>>
    %dma_start3A_49 = arith.constant 0 : i32
    %dma_start3A_50 = arith.constant 0 : i32
    %dma_start3A_51 = tpu.memref_slice %arg3[%dma_start3A_49, %dma_start3A_50] : memref<50000x16xf32, #tpu.memory_space<hbm>> -> memref<50000x16xf32, #tpu.memory_space<hbm>>
    tpu.enqueue_indirect_dma source(%dma_start3A_51 : memref<50000x16xf32, #tpu.memory_space<hbm>>) target(%dma_start3A_45 : memref<128x16xf32, #tpu.memory_space<vmem>>) offsets(%dma_start3A_48 : memref<128xi32, #tpu.memory_space<vmem>>) semaphore(%arg10 : memref<!tpu.dma_semaphore, #tpu.memory_space<semaphore_mem>>)
    %dma_start3A_52 = arith.constant 2 : i32
    %dma_start3A_53 = arith.constant 256 : i32
    %dma_start3A_54 = arith.constant 0 : i32
    %dma_start3A_55 = tpu.memref_slice %arg9[%dma_start3A_53, %dma_start3A_54] : memref<2048x32xf32, #tpu.memory_space<vmem>> -> memref<128x32xf32, #tpu.memory_space<vmem>>
    %dma_start3A_56 = arith.constant 0 : i32
    %dma_start3A_57 = tpu.memref_slice %arg7[%dma_start3A_52, %dma_start3A_56] : memref<16x128xi32, #tpu.memory_space<vmem>> -> memref<1x128xi32, #tpu.memory_space<vmem>>
    %dma_start3A_58 = tpu.memref_squeeze %dma_start3A_57 : memref<1x128xi32, #tpu.memory_space<vmem>> -> memref<128xi32, #tpu.memory_space<vmem>>
    %dma_start3A_59 = arith.constant 0 : i32
    %dma_start3A_60 = arith.constant 0 : i32
    %dma_start3A_61 = tpu.memref_slice %arg4[%dma_start3A_59, %dma_start3A_60] : memref<50000x32xf32, #tpu.memory_space<hbm>> -> memref<50000x32xf32, #tpu.memory_space<hbm>>
    tpu.enqueue_indirect_dma source(%dma_start3A_61 : memref<50000x32xf32, #tpu.memory_space<hbm>>) target(%dma_start3A_55 : memref<128x32xf32, #tpu.memory_space<vmem>>) offsets(%dma_start3A_58 : memref<128xi32, #tpu.memory_space<vmem>>) semaphore(%arg10 : memref<!tpu.dma_semaphore, #tpu.memory_space<semaphore_mem>>)
    %dma_start3A_62 = arith.constant 3 : i32
    %dma_start3A_63 = arith.constant 384 : i32
    %dma_start3A_64 = arith.constant 0 : i32
    %dma_start3A_65 = tpu.memref_slice %arg8[%dma_start3A_63, %dma_start3A_64] : memref<2048x16xf32, #tpu.memory_space<vmem>> -> memref<128x16xf32, #tpu.memory_space<vmem>>
    %dma_start3A_66 = arith.constant 0 : i32
    %dma_start3A_67 = tpu.memref_slice %arg7[%dma_start3A_62, %dma_start3A_66] : memref<16x128xi32, #tpu.memory_space<vmem>> -> memref<1x128xi32, #tpu.memory_space<vmem>>
    %dma_start3A_68 = tpu.memref_squeeze %dma_start3A_67 : memref<1x128xi32, #tpu.memory_space<vmem>> -> memref<128xi32, #tpu.memory_space<vmem>>
    %dma_start3A_69 = arith.constant 0 : i32
    %dma_start3A_70 = arith.constant 0 : i32
    %dma_start3A_71 = tpu.memref_slice %arg3[%dma_start3A_69, %dma_start3A_70] : memref<50000x16xf32, #tpu.memory_space<hbm>> -> memref<50000x16xf32, #tpu.memory_space<hbm>>
    tpu.enqueue_indirect_dma source(%dma_start3A_71 : memref<50000x16xf32, #tpu.memory_space<hbm>>) target(%dma_start3A_65 : memref<128x16xf32, #tpu.memory_space<vmem>>) offsets(%dma_start3A_68 : memref<128xi32, #tpu.memory_space<vmem>>) semaphore(%arg10 : memref<!tpu.dma_semaphore, #tpu.memory_space<semaphore_mem>>)
    %dma_start3A_72 = arith.constant 3 : i32
    %dma_start3A_73 = arith.constant 384 : i32
    %dma_start3A_74 = arith.constant 0 : i32
    %dma_start3A_75 = tpu.memref_slice %arg9[%dma_start3A_73, %dma_start3A_74] : memref<2048x32xf32, #tpu.memory_space<vmem>> -> memref<128x32xf32, #tpu.memory_space<vmem>>
    %dma_start3A_76 = arith.constant 0 : i32
    %dma_start3A_77 = tpu.memref_slice %arg7[%dma_start3A_72, %dma_start3A_76] : memref<16x128xi32, #tpu.memory_space<vmem>> -> memref<1x128xi32, #tpu.memory_space<vmem>>
    %dma_start3A_78 = tpu.memref_squeeze %dma_start3A_77 : memref<1x128xi32, #tpu.memory_space<vmem>> -> memref<128xi32, #tpu.memory_space<vmem>>
    %dma_start3A_79 = arith.constant 0 : i32
    %dma_start3A_80 = arith.constant 0 : i32
    %dma_start3A_81 = tpu.memref_slice %arg4[%dma_start3A_79, %dma_start3A_80] : memref<50000x32xf32, #tpu.memory_space<hbm>> -> memref<50000x32xf32, #tpu.memory_space<hbm>>
    tpu.enqueue_indirect_dma source(%dma_start3A_81 : memref<50000x32xf32, #tpu.memory_space<hbm>>) target(%dma_start3A_75 : memref<128x32xf32, #tpu.memory_space<vmem>>) offsets(%dma_start3A_78 : memref<128xi32, #tpu.memory_space<vmem>>) semaphore(%arg10 : memref<!tpu.dma_semaphore, #tpu.memory_space<semaphore_mem>>)
    %dma_start3A_82 = arith.constant 4 : i32
    %dma_start3A_83 = arith.constant 512 : i32
    %dma_start3A_84 = arith.constant 0 : i32
    %dma_start3A_85 = tpu.memref_slice %arg8[%dma_start3A_83, %dma_start3A_84] : memref<2048x16xf32, #tpu.memory_space<vmem>> -> memref<128x16xf32, #tpu.memory_space<vmem>>
    %dma_start3A_86 = arith.constant 0 : i32
    %dma_start3A_87 = tpu.memref_slice %arg7[%dma_start3A_82, %dma_start3A_86] : memref<16x128xi32, #tpu.memory_space<vmem>> -> memref<1x128xi32, #tpu.memory_space<vmem>>
    %dma_start3A_88 = tpu.memref_squeeze %dma_start3A_87 : memref<1x128xi32, #tpu.memory_space<vmem>> -> memref<128xi32, #tpu.memory_space<vmem>>
    %dma_start3A_89 = arith.constant 0 : i32
    %dma_start3A_90 = arith.constant 0 : i32
    %dma_start3A_91 = tpu.memref_slice %arg3[%dma_start3A_89, %dma_start3A_90] : memref<50000x16xf32, #tpu.memory_space<hbm>> -> memref<50000x16xf32, #tpu.memory_space<hbm>>
    tpu.enqueue_indirect_dma source(%dma_start3A_91 : memref<50000x16xf32, #tpu.memory_space<hbm>>) target(%dma_start3A_85 : memref<128x16xf32, #tpu.memory_space<vmem>>) offsets(%dma_start3A_88 : memref<128xi32, #tpu.memory_space<vmem>>) semaphore(%arg10 : memref<!tpu.dma_semaphore, #tpu.memory_space<semaphore_mem>>)
    %dma_start3A_92 = arith.constant 4 : i32
    %dma_start3A_93 = arith.constant 512 : i32
    %dma_start3A_94 = arith.constant 0 : i32
    %dma_start3A_95 = tpu.memref_slice %arg9[%dma_start3A_93, %dma_start3A_94] : memref<2048x32xf32, #tpu.memory_space<vmem>> -> memref<128x32xf32, #tpu.memory_space<vmem>>
    %dma_start3A_96 = arith.constant 0 : i32
    %dma_start3A_97 = tpu.memref_slice %arg7[%dma_start3A_92, %dma_start3A_96] : memref<16x128xi32, #tpu.memory_space<vmem>> -> memref<1x128xi32, #tpu.memory_space<vmem>>
    %dma_start3A_98 = tpu.memref_squeeze %dma_start3A_97 : memref<1x128xi32, #tpu.memory_space<vmem>> -> memref<128xi32, #tpu.memory_space<vmem>>
    %dma_start3A_99 = arith.constant 0 : i32
    %dma_start3A_100 = arith.constant 0 : i32
    %dma_start3A_101 = tpu.memref_slice %arg4[%dma_start3A_99, %dma_start3A_100] : memref<50000x32xf32, #tpu.memory_space<hbm>> -> memref<50000x32xf32, #tpu.memory_space<hbm>>
    tpu.enqueue_indirect_dma source(%dma_start3A_101 : memref<50000x32xf32, #tpu.memory_space<hbm>>) target(%dma_start3A_95 : memref<128x32xf32, #tpu.memory_space<vmem>>) offsets(%dma_start3A_98 : memref<128xi32, #tpu.memory_space<vmem>>) semaphore(%arg10 : memref<!tpu.dma_semaphore, #tpu.memory_space<semaphore_mem>>)
    %dma_start3A_102 = arith.constant 5 : i32
    %dma_start3A_103 = arith.constant 640 : i32
    %dma_start3A_104 = arith.constant 0 : i32
    %dma_start3A_105 = tpu.memref_slice %arg8[%dma_start3A_103, %dma_start3A_104] : memref<2048x16xf32, #tpu.memory_space<vmem>> -> memref<128x16xf32, #tpu.memory_space<vmem>>
    %dma_start3A_106 = arith.constant 0 : i32
    %dma_start3A_107 = tpu.memref_slice %arg7[%dma_start3A_102, %dma_start3A_106] : memref<16x128xi32, #tpu.memory_space<vmem>> -> memref<1x128xi32, #tpu.memory_space<vmem>>
    %dma_start3A_108 = tpu.memref_squeeze %dma_start3A_107 : memref<1x128xi32, #tpu.memory_space<vmem>> -> memref<128xi32, #tpu.memory_space<vmem>>
    %dma_start3A_109 = arith.constant 0 : i32
    %dma_start3A_110 = arith.constant 0 : i32
    %dma_start3A_111 = tpu.memref_slice %arg3[%dma_start3A_109, %dma_start3A_110] : memref<50000x16xf32, #tpu.memory_space<hbm>> -> memref<50000x16xf32, #tpu.memory_space<hbm>>
    tpu.enqueue_indirect_dma source(%dma_start3A_111 : memref<50000x16xf32, #tpu.memory_space<hbm>>) target(%dma_start3A_105 : memref<128x16xf32, #tpu.memory_space<vmem>>) offsets(%dma_start3A_108 : memref<128xi32, #tpu.memory_space<vmem>>) semaphore(%arg10 : memref<!tpu.dma_semaphore, #tpu.memory_space<semaphore_mem>>)
    %dma_start3A_112 = arith.constant 5 : i32
    %dma_start3A_113 = arith.constant 640 : i32
    %dma_start3A_114 = arith.constant 0 : i32
    %dma_start3A_115 = tpu.memref_slice %arg9[%dma_start3A_113, %dma_start3A_114] : memref<2048x32xf32, #tpu.memory_space<vmem>> -> memref<128x32xf32, #tpu.memory_space<vmem>>
    %dma_start3A_116 = arith.constant 0 : i32
    %dma_start3A_117 = tpu.memref_slice %arg7[%dma_start3A_112, %dma_start3A_116] : memref<16x128xi32, #tpu.memory_space<vmem>> -> memref<1x128xi32, #tpu.memory_space<vmem>>
    %dma_start3A_118 = tpu.memref_squeeze %dma_start3A_117 : memref<1x128xi32, #tpu.memory_space<vmem>> -> memref<128xi32, #tpu.memory_space<vmem>>
    %dma_start3A_119 = arith.constant 0 : i32
    %dma_start3A_120 = arith.constant 0 : i32
    %dma_start3A_121 = tpu.memref_slice %arg4[%dma_start3A_119, %dma_start3A_120] : memref<50000x32xf32, #tpu.memory_space<hbm>> -> memref<50000x32xf32, #tpu.memory_space<hbm>>
    tpu.enqueue_indirect_dma source(%dma_start3A_121 : memref<50000x32xf32, #tpu.memory_space<hbm>>) target(%dma_start3A_115 : memref<128x32xf32, #tpu.memory_space<vmem>>) offsets(%dma_start3A_118 : memref<128xi32, #tpu.memory_space<vmem>>) semaphore(%arg10 : memref<!tpu.dma_semaphore, #tpu.memory_space<semaphore_mem>>)
    %dma_start3A_122 = arith.constant 6 : i32
    %dma_start3A_123 = arith.constant 768 : i32
    %dma_start3A_124 = arith.constant 0 : i32
    %dma_start3A_125 = tpu.memref_slice %arg8[%dma_start3A_123, %dma_start3A_124] : memref<2048x16xf32, #tpu.memory_space<vmem>> -> memref<128x16xf32, #tpu.memory_space<vmem>>
    %dma_start3A_126 = arith.constant 0 : i32
    %dma_start3A_127 = tpu.memref_slice %arg7[%dma_start3A_122, %dma_start3A_126] : memref<16x128xi32, #tpu.memory_space<vmem>> -> memref<1x128xi32, #tpu.memory_space<vmem>>
    %dma_start3A_128 = tpu.memref_squeeze %dma_start3A_127 : memref<1x128xi32, #tpu.memory_space<vmem>> -> memref<128xi32, #tpu.memory_space<vmem>>
    %dma_start3A_129 = arith.constant 0 : i32
    %dma_start3A_130 = arith.constant 0 : i32
    %dma_start3A_131 = tpu.memref_slice %arg3[%dma_start3A_129, %dma_start3A_130] : memref<50000x16xf32, #tpu.memory_space<hbm>> -> memref<50000x16xf32, #tpu.memory_space<hbm>>
    tpu.enqueue_indirect_dma source(%dma_start3A_131 : memref<50000x16xf32, #tpu.memory_space<hbm>>) target(%dma_start3A_125 : memref<128x16xf32, #tpu.memory_space<vmem>>) offsets(%dma_start3A_128 : memref<128xi32, #tpu.memory_space<vmem>>) semaphore(%arg10 : memref<!tpu.dma_semaphore, #tpu.memory_space<semaphore_mem>>)
    %dma_start3A_132 = arith.constant 6 : i32
    %dma_start3A_133 = arith.constant 768 : i32
    %dma_start3A_134 = arith.constant 0 : i32
    %dma_start3A_135 = tpu.memref_slice %arg9[%dma_start3A_133, %dma_start3A_134] : memref<2048x32xf32, #tpu.memory_space<vmem>> -> memref<128x32xf32, #tpu.memory_space<vmem>>
    %dma_start3A_136 = arith.constant 0 : i32
    %dma_start3A_137 = tpu.memref_slice %arg7[%dma_start3A_132, %dma_start3A_136] : memref<16x128xi32, #tpu.memory_space<vmem>> -> memref<1x128xi32, #tpu.memory_space<vmem>>
    %dma_start3A_138 = tpu.memref_squeeze %dma_start3A_137 : memref<1x128xi32, #tpu.memory_space<vmem>> -> memref<128xi32, #tpu.memory_space<vmem>>
    %dma_start3A_139 = arith.constant 0 : i32
    %dma_start3A_140 = arith.constant 0 : i32
    %dma_start3A_141 = tpu.memref_slice %arg4[%dma_start3A_139, %dma_start3A_140] : memref<50000x32xf32, #tpu.memory_space<hbm>> -> memref<50000x32xf32, #tpu.memory_space<hbm>>
    tpu.enqueue_indirect_dma source(%dma_start3A_141 : memref<50000x32xf32, #tpu.memory_space<hbm>>) target(%dma_start3A_135 : memref<128x32xf32, #tpu.memory_space<vmem>>) offsets(%dma_start3A_138 : memref<128xi32, #tpu.memory_space<vmem>>) semaphore(%arg10 : memref<!tpu.dma_semaphore, #tpu.memory_space<semaphore_mem>>)
    %dma_start3A_142 = arith.constant 7 : i32
    %dma_start3A_143 = arith.constant 896 : i32
    %dma_start3A_144 = arith.constant 0 : i32
    %dma_start3A_145 = tpu.memref_slice %arg8[%dma_start3A_143, %dma_start3A_144] : memref<2048x16xf32, #tpu.memory_space<vmem>> -> memref<128x16xf32, #tpu.memory_space<vmem>>
    %dma_start3A_146 = arith.constant 0 : i32
    %dma_start3A_147 = tpu.memref_slice %arg7[%dma_start3A_142, %dma_start3A_146] : memref<16x128xi32, #tpu.memory_space<vmem>> -> memref<1x128xi32, #tpu.memory_space<vmem>>
    %dma_start3A_148 = tpu.memref_squeeze %dma_start3A_147 : memref<1x128xi32, #tpu.memory_space<vmem>> -> memref<128xi32, #tpu.memory_space<vmem>>
    %dma_start3A_149 = arith.constant 0 : i32
    %dma_start3A_150 = arith.constant 0 : i32
    %dma_start3A_151 = tpu.memref_slice %arg3[%dma_start3A_149, %dma_start3A_150] : memref<50000x16xf32, #tpu.memory_space<hbm>> -> memref<50000x16xf32, #tpu.memory_space<hbm>>
    tpu.enqueue_indirect_dma source(%dma_start3A_151 : memref<50000x16xf32, #tpu.memory_space<hbm>>) target(%dma_start3A_145 : memref<128x16xf32, #tpu.memory_space<vmem>>) offsets(%dma_start3A_148 : memref<128xi32, #tpu.memory_space<vmem>>) semaphore(%arg10 : memref<!tpu.dma_semaphore, #tpu.memory_space<semaphore_mem>>)
    %dma_start3A_152 = arith.constant 7 : i32
    %dma_start3A_153 = arith.constant 896 : i32
    %dma_start3A_154 = arith.constant 0 : i32
    %dma_start3A_155 = tpu.memref_slice %arg9[%dma_start3A_153, %dma_start3A_154] : memref<2048x32xf32, #tpu.memory_space<vmem>> -> memref<128x32xf32, #tpu.memory_space<vmem>>
    %dma_start3A_156 = arith.constant 0 : i32
    %dma_start3A_157 = tpu.memref_slice %arg7[%dma_start3A_152, %dma_start3A_156] : memref<16x128xi32, #tpu.memory_space<vmem>> -> memref<1x128xi32, #tpu.memory_space<vmem>>
    %dma_start3A_158 = tpu.memref_squeeze %dma_start3A_157 : memref<1x128xi32, #tpu.memory_space<vmem>> -> memref<128xi32, #tpu.memory_space<vmem>>
    %dma_start3A_159 = arith.constant 0 : i32
    %dma_start3A_160 = arith.constant 0 : i32
    %dma_start3A_161 = tpu.memref_slice %arg4[%dma_start3A_159, %dma_start3A_160] : memref<50000x32xf32, #tpu.memory_space<hbm>> -> memref<50000x32xf32, #tpu.memory_space<hbm>>
    tpu.enqueue_indirect_dma source(%dma_start3A_161 : memref<50000x32xf32, #tpu.memory_space<hbm>>) target(%dma_start3A_155 : memref<128x32xf32, #tpu.memory_space<vmem>>) offsets(%dma_start3A_158 : memref<128xi32, #tpu.memory_space<vmem>>) semaphore(%arg10 : memref<!tpu.dma_semaphore, #tpu.memory_space<semaphore_mem>>)
    %dma_start3A_162 = arith.constant 8 : i32
    %dma_start3A_163 = arith.constant 1024 : i32
    %dma_start3A_164 = arith.constant 0 : i32
    %dma_start3A_165 = tpu.memref_slice %arg8[%dma_start3A_163, %dma_start3A_164] : memref<2048x16xf32, #tpu.memory_space<vmem>> -> memref<128x16xf32, #tpu.memory_space<vmem>>
    %dma_start3A_166 = arith.constant 0 : i32
    %dma_start3A_167 = tpu.memref_slice %arg7[%dma_start3A_162, %dma_start3A_166] : memref<16x128xi32, #tpu.memory_space<vmem>> -> memref<1x128xi32, #tpu.memory_space<vmem>>
    %dma_start3A_168 = tpu.memref_squeeze %dma_start3A_167 : memref<1x128xi32, #tpu.memory_space<vmem>> -> memref<128xi32, #tpu.memory_space<vmem>>
    %dma_start3A_169 = arith.constant 0 : i32
    %dma_start3A_170 = arith.constant 0 : i32
    %dma_start3A_171 = tpu.memref_slice %arg3[%dma_start3A_169, %dma_start3A_170] : memref<50000x16xf32, #tpu.memory_space<hbm>> -> memref<50000x16xf32, #tpu.memory_space<hbm>>
    tpu.enqueue_indirect_dma source(%dma_start3A_171 : memref<50000x16xf32, #tpu.memory_space<hbm>>) target(%dma_start3A_165 : memref<128x16xf32, #tpu.memory_space<vmem>>) offsets(%dma_start3A_168 : memref<128xi32, #tpu.memory_space<vmem>>) semaphore(%arg10 : memref<!tpu.dma_semaphore, #tpu.memory_space<semaphore_mem>>)
    %dma_start3A_172 = arith.constant 8 : i32
    %dma_start3A_173 = arith.constant 1024 : i32
    %dma_start3A_174 = arith.constant 0 : i32
    %dma_start3A_175 = tpu.memref_slice %arg9[%dma_start3A_173, %dma_start3A_174] : memref<2048x32xf32, #tpu.memory_space<vmem>> -> memref<128x32xf32, #tpu.memory_space<vmem>>
    %dma_start3A_176 = arith.constant 0 : i32
    %dma_start3A_177 = tpu.memref_slice %arg7[%dma_start3A_172, %dma_start3A_176] : memref<16x128xi32, #tpu.memory_space<vmem>> -> memref<1x128xi32, #tpu.memory_space<vmem>>
    %dma_start3A_178 = tpu.memref_squeeze %dma_start3A_177 : memref<1x128xi32, #tpu.memory_space<vmem>> -> memref<128xi32, #tpu.memory_space<vmem>>
    %dma_start3A_179 = arith.constant 0 : i32
    %dma_start3A_180 = arith.constant 0 : i32
    %dma_start3A_181 = tpu.memref_slice %arg4[%dma_start3A_179, %dma_start3A_180] : memref<50000x32xf32, #tpu.memory_space<hbm>> -> memref<50000x32xf32, #tpu.memory_space<hbm>>
    tpu.enqueue_indirect_dma source(%dma_start3A_181 : memref<50000x32xf32, #tpu.memory_space<hbm>>) target(%dma_start3A_175 : memref<128x32xf32, #tpu.memory_space<vmem>>) offsets(%dma_start3A_178 : memref<128xi32, #tpu.memory_space<vmem>>) semaphore(%arg10 : memref<!tpu.dma_semaphore, #tpu.memory_space<semaphore_mem>>)
    %dma_start3A_182 = arith.constant 9 : i32
    %dma_start3A_183 = arith.constant 1152 : i32
    %dma_start3A_184 = arith.constant 0 : i32
    %dma_start3A_185 = tpu.memref_slice %arg8[%dma_start3A_183, %dma_start3A_184] : memref<2048x16xf32, #tpu.memory_space<vmem>> -> memref<128x16xf32, #tpu.memory_space<vmem>>
    %dma_start3A_186 = arith.constant 0 : i32
    %dma_start3A_187 = tpu.memref_slice %arg7[%dma_start3A_182, %dma_start3A_186] : memref<16x128xi32, #tpu.memory_space<vmem>> -> memref<1x128xi32, #tpu.memory_space<vmem>>
    %dma_start3A_188 = tpu.memref_squeeze %dma_start3A_187 : memref<1x128xi32, #tpu.memory_space<vmem>> -> memref<128xi32, #tpu.memory_space<vmem>>
    %dma_start3A_189 = arith.constant 0 : i32
    %dma_start3A_190 = arith.constant 0 : i32
    %dma_start3A_191 = tpu.memref_slice %arg3[%dma_start3A_189, %dma_start3A_190] : memref<50000x16xf32, #tpu.memory_space<hbm>> -> memref<50000x16xf32, #tpu.memory_space<hbm>>
    tpu.enqueue_indirect_dma source(%dma_start3A_191 : memref<50000x16xf32, #tpu.memory_space<hbm>>) target(%dma_start3A_185 : memref<128x16xf32, #tpu.memory_space<vmem>>) offsets(%dma_start3A_188 : memref<128xi32, #tpu.memory_space<vmem>>) semaphore(%arg10 : memref<!tpu.dma_semaphore, #tpu.memory_space<semaphore_mem>>)
    %dma_start3A_192 = arith.constant 9 : i32
    %dma_start3A_193 = arith.constant 1152 : i32
    %dma_start3A_194 = arith.constant 0 : i32
    %dma_start3A_195 = tpu.memref_slice %arg9[%dma_start3A_193, %dma_start3A_194] : memref<2048x32xf32, #tpu.memory_space<vmem>> -> memref<128x32xf32, #tpu.memory_space<vmem>>
    %dma_start3A_196 = arith.constant 0 : i32
    %dma_start3A_197 = tpu.memref_slice %arg7[%dma_start3A_192, %dma_start3A_196] : memref<16x128xi32, #tpu.memory_space<vmem>> -> memref<1x128xi32, #tpu.memory_space<vmem>>
    %dma_start3A_198 = tpu.memref_squeeze %dma_start3A_197 : memref<1x128xi32, #tpu.memory_space<vmem>> -> memref<128xi32, #tpu.memory_space<vmem>>
    %dma_start3A_199 = arith.constant 0 : i32
    %dma_start3A_200 = arith.constant 0 : i32
    %dma_start3A_201 = tpu.memref_slice %arg4[%dma_start3A_199, %dma_start3A_200] : memref<50000x32xf32, #tpu.memory_space<hbm>> -> memref<50000x32xf32, #tpu.memory_space<hbm>>
    tpu.enqueue_indirect_dma source(%dma_start3A_201 : memref<50000x32xf32, #tpu.memory_space<hbm>>) target(%dma_start3A_195 : memref<128x32xf32, #tpu.memory_space<vmem>>) offsets(%dma_start3A_198 : memref<128xi32, #tpu.memory_space<vmem>>) semaphore(%arg10 : memref<!tpu.dma_semaphore, #tpu.memory_space<semaphore_mem>>)
    %dma_start3A_202 = arith.constant 10 : i32
    %dma_start3A_203 = arith.constant 1280 : i32
    %dma_start3A_204 = arith.constant 0 : i32
    %dma_start3A_205 = tpu.memref_slice %arg8[%dma_start3A_203, %dma_start3A_204] : memref<2048x16xf32, #tpu.memory_space<vmem>> -> memref<128x16xf32, #tpu.memory_space<vmem>>
    %dma_start3A_206 = arith.constant 0 : i32
    %dma_start3A_207 = tpu.memref_slice %arg7[%dma_start3A_202, %dma_start3A_206] : memref<16x128xi32, #tpu.memory_space<vmem>> -> memref<1x128xi32, #tpu.memory_space<vmem>>
    %dma_start3A_208 = tpu.memref_squeeze %dma_start3A_207 : memref<1x128xi32, #tpu.memory_space<vmem>> -> memref<128xi32, #tpu.memory_space<vmem>>
    %dma_start3A_209 = arith.constant 0 : i32
    %dma_start3A_210 = arith.constant 0 : i32
    %dma_start3A_211 = tpu.memref_slice %arg3[%dma_start3A_209, %dma_start3A_210] : memref<50000x16xf32, #tpu.memory_space<hbm>> -> memref<50000x16xf32, #tpu.memory_space<hbm>>
    tpu.enqueue_indirect_dma source(%dma_start3A_211 : memref<50000x16xf32, #tpu.memory_space<hbm>>) target(%dma_start3A_205 : memref<128x16xf32, #tpu.memory_space<vmem>>) offsets(%dma_start3A_208 : memref<128xi32, #tpu.memory_space<vmem>>) semaphore(%arg10 : memref<!tpu.dma_semaphore, #tpu.memory_space<semaphore_mem>>)
    %dma_start3A_212 = arith.constant 10 : i32
    %dma_start3A_213 = arith.constant 1280 : i32
    %dma_start3A_214 = arith.constant 0 : i32
    %dma_start3A_215 = tpu.memref_slice %arg9[%dma_start3A_213, %dma_start3A_214] : memref<2048x32xf32, #tpu.memory_space<vmem>> -> memref<128x32xf32, #tpu.memory_space<vmem>>
    %dma_start3A_216 = arith.constant 0 : i32
    %dma_start3A_217 = tpu.memref_slice %arg7[%dma_start3A_212, %dma_start3A_216] : memref<16x128xi32, #tpu.memory_space<vmem>> -> memref<1x128xi32, #tpu.memory_space<vmem>>
    %dma_start3A_218 = tpu.memref_squeeze %dma_start3A_217 : memref<1x128xi32, #tpu.memory_space<vmem>> -> memref<128xi32, #tpu.memory_space<vmem>>
    %dma_start3A_219 = arith.constant 0 : i32
    %dma_start3A_220 = arith.constant 0 : i32
    %dma_start3A_221 = tpu.memref_slice %arg4[%dma_start3A_219, %dma_start3A_220] : memref<50000x32xf32, #tpu.memory_space<hbm>> -> memref<50000x32xf32, #tpu.memory_space<hbm>>
    tpu.enqueue_indirect_dma source(%dma_start3A_221 : memref<50000x32xf32, #tpu.memory_space<hbm>>) target(%dma_start3A_215 : memref<128x32xf32, #tpu.memory_space<vmem>>) offsets(%dma_start3A_218 : memref<128xi32, #tpu.memory_space<vmem>>) semaphore(%arg10 : memref<!tpu.dma_semaphore, #tpu.memory_space<semaphore_mem>>)
    %dma_start3A_222 = arith.constant 11 : i32
    %dma_start3A_223 = arith.constant 1408 : i32
    %dma_start3A_224 = arith.constant 0 : i32
    %dma_start3A_225 = tpu.memref_slice %arg8[%dma_start3A_223, %dma_start3A_224] : memref<2048x16xf32, #tpu.memory_space<vmem>> -> memref<128x16xf32, #tpu.memory_space<vmem>>
    %dma_start3A_226 = arith.constant 0 : i32
    %dma_start3A_227 = tpu.memref_slice %arg7[%dma_start3A_222, %dma_start3A_226] : memref<16x128xi32, #tpu.memory_space<vmem>> -> memref<1x128xi32, #tpu.memory_space<vmem>>
    %dma_start3A_228 = tpu.memref_squeeze %dma_start3A_227 : memref<1x128xi32, #tpu.memory_space<vmem>> -> memref<128xi32, #tpu.memory_space<vmem>>
    %dma_start3A_229 = arith.constant 0 : i32
    %dma_start3A_230 = arith.constant 0 : i32
    %dma_start3A_231 = tpu.memref_slice %arg3[%dma_start3A_229, %dma_start3A_230] : memref<50000x16xf32, #tpu.memory_space<hbm>> -> memref<50000x16xf32, #tpu.memory_space<hbm>>
    tpu.enqueue_indirect_dma source(%dma_start3A_231 : memref<50000x16xf32, #tpu.memory_space<hbm>>) target(%dma_start3A_225 : memref<128x16xf32, #tpu.memory_space<vmem>>) offsets(%dma_start3A_228 : memref<128xi32, #tpu.memory_space<vmem>>) semaphore(%arg10 : memref<!tpu.dma_semaphore, #tpu.memory_space<semaphore_mem>>)
    %dma_start3A_232 = arith.constant 11 : i32
    %dma_start3A_233 = arith.constant 1408 : i32
    %dma_start3A_234 = arith.constant 0 : i32
    %dma_start3A_235 = tpu.memref_slice %arg9[%dma_start3A_233, %dma_start3A_234] : memref<2048x32xf32, #tpu.memory_space<vmem>> -> memref<128x32xf32, #tpu.memory_space<vmem>>
    %dma_start3A_236 = arith.constant 0 : i32
    %dma_start3A_237 = tpu.memref_slice %arg7[%dma_start3A_232, %dma_start3A_236] : memref<16x128xi32, #tpu.memory_space<vmem>> -> memref<1x128xi32, #tpu.memory_space<vmem>>
    %dma_start3A_238 = tpu.memref_squeeze %dma_start3A_237 : memref<1x128xi32, #tpu.memory_space<vmem>> -> memref<128xi32, #tpu.memory_space<vmem>>
    %dma_start3A_239 = arith.constant 0 : i32
    %dma_start3A_240 = arith.constant 0 : i32
    %dma_start3A_241 = tpu.memref_slice %arg4[%dma_start3A_239, %dma_start3A_240] : memref<50000x32xf32, #tpu.memory_space<hbm>> -> memref<50000x32xf32, #tpu.memory_space<hbm>>
    tpu.enqueue_indirect_dma source(%dma_start3A_241 : memref<50000x32xf32, #tpu.memory_space<hbm>>) target(%dma_start3A_235 : memref<128x32xf32, #tpu.memory_space<vmem>>) offsets(%dma_start3A_238 : memref<128xi32, #tpu.memory_space<vmem>>) semaphore(%arg10 : memref<!tpu.dma_semaphore, #tpu.memory_space<semaphore_mem>>)
    %dma_start3A_242 = arith.constant 12 : i32
    %dma_start3A_243 = arith.constant 1536 : i32
    %dma_start3A_244 = arith.constant 0 : i32
    %dma_start3A_245 = tpu.memref_slice %arg8[%dma_start3A_243, %dma_start3A_244] : memref<2048x16xf32, #tpu.memory_space<vmem>> -> memref<128x16xf32, #tpu.memory_space<vmem>>
    %dma_start3A_246 = arith.constant 0 : i32
    %dma_start3A_247 = tpu.memref_slice %arg7[%dma_start3A_242, %dma_start3A_246] : memref<16x128xi32, #tpu.memory_space<vmem>> -> memref<1x128xi32, #tpu.memory_space<vmem>>
    %dma_start3A_248 = tpu.memref_squeeze %dma_start3A_247 : memref<1x128xi32, #tpu.memory_space<vmem>> -> memref<128xi32, #tpu.memory_space<vmem>>
    %dma_start3A_249 = arith.constant 0 : i32
    %dma_start3A_250 = arith.constant 0 : i32
    %dma_start3A_251 = tpu.memref_slice %arg3[%dma_start3A_249, %dma_start3A_250] : memref<50000x16xf32, #tpu.memory_space<hbm>> -> memref<50000x16xf32, #tpu.memory_space<hbm>>
    tpu.enqueue_indirect_dma source(%dma_start3A_251 : memref<50000x16xf32, #tpu.memory_space<hbm>>) target(%dma_start3A_245 : memref<128x16xf32, #tpu.memory_space<vmem>>) offsets(%dma_start3A_248 : memref<128xi32, #tpu.memory_space<vmem>>) semaphore(%arg10 : memref<!tpu.dma_semaphore, #tpu.memory_space<semaphore_mem>>)
    %dma_start3A_252 = arith.constant 12 : i32
    %dma_start3A_253 = arith.constant 1536 : i32
    %dma_start3A_254 = arith.constant 0 : i32
    %dma_start3A_255 = tpu.memref_slice %arg9[%dma_start3A_253, %dma_start3A_254] : memref<2048x32xf32, #tpu.memory_space<vmem>> -> memref<128x32xf32, #tpu.memory_space<vmem>>
    %dma_start3A_256 = arith.constant 0 : i32
    %dma_start3A_257 = tpu.memref_slice %arg7[%dma_start3A_252, %dma_start3A_256] : memref<16x128xi32, #tpu.memory_space<vmem>> -> memref<1x128xi32, #tpu.memory_space<vmem>>
    %dma_start3A_258 = tpu.memref_squeeze %dma_start3A_257 : memref<1x128xi32, #tpu.memory_space<vmem>> -> memref<128xi32, #tpu.memory_space<vmem>>
    %dma_start3A_259 = arith.constant 0 : i32
    %dma_start3A_260 = arith.constant 0 : i32
    %dma_start3A_261 = tpu.memref_slice %arg4[%dma_start3A_259, %dma_start3A_260] : memref<50000x32xf32, #tpu.memory_space<hbm>> -> memref<50000x32xf32, #tpu.memory_space<hbm>>
    tpu.enqueue_indirect_dma source(%dma_start3A_261 : memref<50000x32xf32, #tpu.memory_space<hbm>>) target(%dma_start3A_255 : memref<128x32xf32, #tpu.memory_space<vmem>>) offsets(%dma_start3A_258 : memref<128xi32, #tpu.memory_space<vmem>>) semaphore(%arg10 : memref<!tpu.dma_semaphore, #tpu.memory_space<semaphore_mem>>)
    %dma_start3A_262 = arith.constant 13 : i32
    %dma_start3A_263 = arith.constant 1664 : i32
    %dma_start3A_264 = arith.constant 0 : i32
    %dma_start3A_265 = tpu.memref_slice %arg8[%dma_start3A_263, %dma_start3A_264] : memref<2048x16xf32, #tpu.memory_space<vmem>> -> memref<128x16xf32, #tpu.memory_space<vmem>>
    %dma_start3A_266 = arith.constant 0 : i32
    %dma_start3A_267 = tpu.memref_slice %arg7[%dma_start3A_262, %dma_start3A_266] : memref<16x128xi32, #tpu.memory_space<vmem>> -> memref<1x128xi32, #tpu.memory_space<vmem>>
    %dma_start3A_268 = tpu.memref_squeeze %dma_start3A_267 : memref<1x128xi32, #tpu.memory_space<vmem>> -> memref<128xi32, #tpu.memory_space<vmem>>
    %dma_start3A_269 = arith.constant 0 : i32
    %dma_start3A_270 = arith.constant 0 : i32
    %dma_start3A_271 = tpu.memref_slice %arg3[%dma_start3A_269, %dma_start3A_270] : memref<50000x16xf32, #tpu.memory_space<hbm>> -> memref<50000x16xf32, #tpu.memory_space<hbm>>
    tpu.enqueue_indirect_dma source(%dma_start3A_271 : memref<50000x16xf32, #tpu.memory_space<hbm>>) target(%dma_start3A_265 : memref<128x16xf32, #tpu.memory_space<vmem>>) offsets(%dma_start3A_268 : memref<128xi32, #tpu.memory_space<vmem>>) semaphore(%arg10 : memref<!tpu.dma_semaphore, #tpu.memory_space<semaphore_mem>>)
    %dma_start3A_272 = arith.constant 13 : i32
    %dma_start3A_273 = arith.constant 1664 : i32
    %dma_start3A_274 = arith.constant 0 : i32
    %dma_start3A_275 = tpu.memref_slice %arg9[%dma_start3A_273, %dma_start3A_274] : memref<2048x32xf32, #tpu.memory_space<vmem>> -> memref<128x32xf32, #tpu.memory_space<vmem>>
    %dma_start3A_276 = arith.constant 0 : i32
    %dma_start3A_277 = tpu.memref_slice %arg7[%dma_start3A_272, %dma_start3A_276] : memref<16x128xi32, #tpu.memory_space<vmem>> -> memref<1x128xi32, #tpu.memory_space<vmem>>
    %dma_start3A_278 = tpu.memref_squeeze %dma_start3A_277 : memref<1x128xi32, #tpu.memory_space<vmem>> -> memref<128xi32, #tpu.memory_space<vmem>>
    %dma_start3A_279 = arith.constant 0 : i32
    %dma_start3A_280 = arith.constant 0 : i32
    %dma_start3A_281 = tpu.memref_slice %arg4[%dma_start3A_279, %dma_start3A_280] : memref<50000x32xf32, #tpu.memory_space<hbm>> -> memref<50000x32xf32, #tpu.memory_space<hbm>>
    tpu.enqueue_indirect_dma source(%dma_start3A_281 : memref<50000x32xf32, #tpu.memory_space<hbm>>) target(%dma_start3A_275 : memref<128x32xf32, #tpu.memory_space<vmem>>) offsets(%dma_start3A_278 : memref<128xi32, #tpu.memory_space<vmem>>) semaphore(%arg10 : memref<!tpu.dma_semaphore, #tpu.memory_space<semaphore_mem>>)
    %dma_start3A_282 = arith.constant 14 : i32
    %dma_start3A_283 = arith.constant 1792 : i32
    %dma_start3A_284 = arith.constant 0 : i32
    %dma_start3A_285 = tpu.memref_slice %arg8[%dma_start3A_283, %dma_start3A_284] : memref<2048x16xf32, #tpu.memory_space<vmem>> -> memref<128x16xf32, #tpu.memory_space<vmem>>
    %dma_start3A_286 = arith.constant 0 : i32
    %dma_start3A_287 = tpu.memref_slice %arg7[%dma_start3A_282, %dma_start3A_286] : memref<16x128xi32, #tpu.memory_space<vmem>> -> memref<1x128xi32, #tpu.memory_space<vmem>>
    %dma_start3A_288 = tpu.memref_squeeze %dma_start3A_287 : memref<1x128xi32, #tpu.memory_space<vmem>> -> memref<128xi32, #tpu.memory_space<vmem>>
    %dma_start3A_289 = arith.constant 0 : i32
    %dma_start3A_290 = arith.constant 0 : i32
    %dma_start3A_291 = tpu.memref_slice %arg3[%dma_start3A_289, %dma_start3A_290] : memref<50000x16xf32, #tpu.memory_space<hbm>> -> memref<50000x16xf32, #tpu.memory_space<hbm>>
    tpu.enqueue_indirect_dma source(%dma_start3A_291 : memref<50000x16xf32, #tpu.memory_space<hbm>>) target(%dma_start3A_285 : memref<128x16xf32, #tpu.memory_space<vmem>>) offsets(%dma_start3A_288 : memref<128xi32, #tpu.memory_space<vmem>>) semaphore(%arg10 : memref<!tpu.dma_semaphore, #tpu.memory_space<semaphore_mem>>)
    %dma_start3A_292 = arith.constant 14 : i32
    %dma_start3A_293 = arith.constant 1792 : i32
    %dma_start3A_294 = arith.constant 0 : i32
    %dma_start3A_295 = tpu.memref_slice %arg9[%dma_start3A_293, %dma_start3A_294] : memref<2048x32xf32, #tpu.memory_space<vmem>> -> memref<128x32xf32, #tpu.memory_space<vmem>>
    %dma_start3A_296 = arith.constant 0 : i32
    %dma_start3A_297 = tpu.memref_slice %arg7[%dma_start3A_292, %dma_start3A_296] : memref<16x128xi32, #tpu.memory_space<vmem>> -> memref<1x128xi32, #tpu.memory_space<vmem>>
    %dma_start3A_298 = tpu.memref_squeeze %dma_start3A_297 : memref<1x128xi32, #tpu.memory_space<vmem>> -> memref<128xi32, #tpu.memory_space<vmem>>
    %dma_start3A_299 = arith.constant 0 : i32
    %dma_start3A_300 = arith.constant 0 : i32
    %dma_start3A_301 = tpu.memref_slice %arg4[%dma_start3A_299, %dma_start3A_300] : memref<50000x32xf32, #tpu.memory_space<hbm>> -> memref<50000x32xf32, #tpu.memory_space<hbm>>
    tpu.enqueue_indirect_dma source(%dma_start3A_301 : memref<50000x32xf32, #tpu.memory_space<hbm>>) target(%dma_start3A_295 : memref<128x32xf32, #tpu.memory_space<vmem>>) offsets(%dma_start3A_298 : memref<128xi32, #tpu.memory_space<vmem>>) semaphore(%arg10 : memref<!tpu.dma_semaphore, #tpu.memory_space<semaphore_mem>>)
    %dma_start3A_302 = arith.constant 15 : i32
    %dma_start3A_303 = arith.constant 1920 : i32
    %dma_start3A_304 = arith.constant 0 : i32
    %dma_start3A_305 = tpu.memref_slice %arg8[%dma_start3A_303, %dma_start3A_304] : memref<2048x16xf32, #tpu.memory_space<vmem>> -> memref<128x16xf32, #tpu.memory_space<vmem>>
    %dma_start3A_306 = arith.constant 0 : i32
    %dma_start3A_307 = tpu.memref_slice %arg7[%dma_start3A_302, %dma_start3A_306] : memref<16x128xi32, #tpu.memory_space<vmem>> -> memref<1x128xi32, #tpu.memory_space<vmem>>
    %dma_start3A_308 = tpu.memref_squeeze %dma_start3A_307 : memref<1x128xi32, #tpu.memory_space<vmem>> -> memref<128xi32, #tpu.memory_space<vmem>>
    %dma_start3A_309 = arith.constant 0 : i32
    %dma_start3A_310 = arith.constant 0 : i32
    %dma_start3A_311 = tpu.memref_slice %arg3[%dma_start3A_309, %dma_start3A_310] : memref<50000x16xf32, #tpu.memory_space<hbm>> -> memref<50000x16xf32, #tpu.memory_space<hbm>>
    tpu.enqueue_indirect_dma source(%dma_start3A_311 : memref<50000x16xf32, #tpu.memory_space<hbm>>) target(%dma_start3A_305 : memref<128x16xf32, #tpu.memory_space<vmem>>) offsets(%dma_start3A_308 : memref<128xi32, #tpu.memory_space<vmem>>) semaphore(%arg10 : memref<!tpu.dma_semaphore, #tpu.memory_space<semaphore_mem>>)
    %dma_start3A_312 = arith.constant 15 : i32
    %dma_start3A_313 = arith.constant 1920 : i32
    %dma_start3A_314 = arith.constant 0 : i32
    %dma_start3A_315 = tpu.memref_slice %arg9[%dma_start3A_313, %dma_start3A_314] : memref<2048x32xf32, #tpu.memory_space<vmem>> -> memref<128x32xf32, #tpu.memory_space<vmem>>
    %dma_start3A_316 = arith.constant 0 : i32
    %dma_start3A_317 = tpu.memref_slice %arg7[%dma_start3A_312, %dma_start3A_316] : memref<16x128xi32, #tpu.memory_space<vmem>> -> memref<1x128xi32, #tpu.memory_space<vmem>>
    %dma_start3A_318 = tpu.memref_squeeze %dma_start3A_317 : memref<1x128xi32, #tpu.memory_space<vmem>> -> memref<128xi32, #tpu.memory_space<vmem>>
    %dma_start3A_319 = arith.constant 0 : i32
    %dma_start3A_320 = arith.constant 0 : i32
    %dma_start3A_321 = tpu.memref_slice %arg4[%dma_start3A_319, %dma_start3A_320] : memref<50000x32xf32, #tpu.memory_space<hbm>> -> memref<50000x32xf32, #tpu.memory_space<hbm>>
    tpu.enqueue_indirect_dma source(%dma_start3A_321 : memref<50000x32xf32, #tpu.memory_space<hbm>>) target(%dma_start3A_315 : memref<128x32xf32, #tpu.memory_space<vmem>>) offsets(%dma_start3A_318 : memref<128xi32, #tpu.memory_space<vmem>>) semaphore(%arg10 : memref<!tpu.dma_semaphore, #tpu.memory_space<semaphore_mem>>)
    %dma_wait3A = arith.constant 0 : i32
    %dma_wait3A_322 = arith.constant 0 : i32
    %dma_wait3A_323 = arith.constant 0 : i32
    %dma_wait3A_324 = tpu.memref_slice %arg8[%dma_wait3A_322, %dma_wait3A_323] : memref<2048x16xf32, #tpu.memory_space<vmem>> -> memref<128x16xf32, #tpu.memory_space<vmem>>
    %dma_wait3A_325 = arith.constant 0 : i32
    %dma_wait3A_326 = tpu.memref_slice %arg7[%dma_wait3A, %dma_wait3A_325] : memref<16x128xi32, #tpu.memory_space<vmem>> -> memref<1x128xi32, #tpu.memory_space<vmem>>
    %dma_wait3A_327 = tpu.memref_squeeze %dma_wait3A_326 : memref<1x128xi32, #tpu.memory_space<vmem>> -> memref<128xi32, #tpu.memory_space<vmem>>
    %dma_wait3A_328 = arith.constant 0 : i32
    %dma_wait3A_329 = arith.constant 0 : i32
    %dma_wait3A_330 = tpu.memref_slice %arg3[%dma_wait3A_328, %dma_wait3A_329] : memref<50000x16xf32, #tpu.memory_space<hbm>> -> memref<50000x16xf32, #tpu.memory_space<hbm>>
    tpu.wait_indirect_dma semaphore(%arg10 : memref<!tpu.dma_semaphore, #tpu.memory_space<semaphore_mem>>) src(%dma_wait3A_330 : memref<50000x16xf32, #tpu.memory_space<hbm>>) dst(%dma_wait3A_324 : memref<128x16xf32, #tpu.memory_space<vmem>>)
    %dma_wait3A_331 = arith.constant 0 : i32
    %dma_wait3A_332 = arith.constant 0 : i32
    %dma_wait3A_333 = arith.constant 0 : i32
    %dma_wait3A_334 = tpu.memref_slice %arg9[%dma_wait3A_332, %dma_wait3A_333] : memref<2048x32xf32, #tpu.memory_space<vmem>> -> memref<128x32xf32, #tpu.memory_space<vmem>>
    %dma_wait3A_335 = arith.constant 0 : i32
    %dma_wait3A_336 = tpu.memref_slice %arg7[%dma_wait3A_331, %dma_wait3A_335] : memref<16x128xi32, #tpu.memory_space<vmem>> -> memref<1x128xi32, #tpu.memory_space<vmem>>
    %dma_wait3A_337 = tpu.memref_squeeze %dma_wait3A_336 : memref<1x128xi32, #tpu.memory_space<vmem>> -> memref<128xi32, #tpu.memory_space<vmem>>
    %dma_wait3A_338 = arith.constant 0 : i32
    %dma_wait3A_339 = arith.constant 0 : i32
    %dma_wait3A_340 = tpu.memref_slice %arg4[%dma_wait3A_338, %dma_wait3A_339] : memref<50000x32xf32, #tpu.memory_space<hbm>> -> memref<50000x32xf32, #tpu.memory_space<hbm>>
    tpu.wait_indirect_dma semaphore(%arg10 : memref<!tpu.dma_semaphore, #tpu.memory_space<semaphore_mem>>) src(%dma_wait3A_340 : memref<50000x32xf32, #tpu.memory_space<hbm>>) dst(%dma_wait3A_334 : memref<128x32xf32, #tpu.memory_space<vmem>>)
    %dma_wait3A_341 = arith.constant 1 : i32
    %dma_wait3A_342 = arith.constant 128 : i32
    %dma_wait3A_343 = arith.constant 0 : i32
    %dma_wait3A_344 = tpu.memref_slice %arg8[%dma_wait3A_342, %dma_wait3A_343] : memref<2048x16xf32, #tpu.memory_space<vmem>> -> memref<128x16xf32, #tpu.memory_space<vmem>>
    %dma_wait3A_345 = arith.constant 0 : i32
    %dma_wait3A_346 = tpu.memref_slice %arg7[%dma_wait3A_341, %dma_wait3A_345] : memref<16x128xi32, #tpu.memory_space<vmem>> -> memref<1x128xi32, #tpu.memory_space<vmem>>
    %dma_wait3A_347 = tpu.memref_squeeze %dma_wait3A_346 : memref<1x128xi32, #tpu.memory_space<vmem>> -> memref<128xi32, #tpu.memory_space<vmem>>
    %dma_wait3A_348 = arith.constant 0 : i32
    %dma_wait3A_349 = arith.constant 0 : i32
    %dma_wait3A_350 = tpu.memref_slice %arg3[%dma_wait3A_348, %dma_wait3A_349] : memref<50000x16xf32, #tpu.memory_space<hbm>> -> memref<50000x16xf32, #tpu.memory_space<hbm>>
    tpu.wait_indirect_dma semaphore(%arg10 : memref<!tpu.dma_semaphore, #tpu.memory_space<semaphore_mem>>) src(%dma_wait3A_350 : memref<50000x16xf32, #tpu.memory_space<hbm>>) dst(%dma_wait3A_344 : memref<128x16xf32, #tpu.memory_space<vmem>>)
    %dma_wait3A_351 = arith.constant 1 : i32
    %dma_wait3A_352 = arith.constant 128 : i32
    %dma_wait3A_353 = arith.constant 0 : i32
    %dma_wait3A_354 = tpu.memref_slice %arg9[%dma_wait3A_352, %dma_wait3A_353] : memref<2048x32xf32, #tpu.memory_space<vmem>> -> memref<128x32xf32, #tpu.memory_space<vmem>>
    %dma_wait3A_355 = arith.constant 0 : i32
    %dma_wait3A_356 = tpu.memref_slice %arg7[%dma_wait3A_351, %dma_wait3A_355] : memref<16x128xi32, #tpu.memory_space<vmem>> -> memref<1x128xi32, #tpu.memory_space<vmem>>
    %dma_wait3A_357 = tpu.memref_squeeze %dma_wait3A_356 : memref<1x128xi32, #tpu.memory_space<vmem>> -> memref<128xi32, #tpu.memory_space<vmem>>
    %dma_wait3A_358 = arith.constant 0 : i32
    %dma_wait3A_359 = arith.constant 0 : i32
    %dma_wait3A_360 = tpu.memref_slice %arg4[%dma_wait3A_358, %dma_wait3A_359] : memref<50000x32xf32, #tpu.memory_space<hbm>> -> memref<50000x32xf32, #tpu.memory_space<hbm>>
    tpu.wait_indirect_dma semaphore(%arg10 : memref<!tpu.dma_semaphore, #tpu.memory_space<semaphore_mem>>) src(%dma_wait3A_360 : memref<50000x32xf32, #tpu.memory_space<hbm>>) dst(%dma_wait3A_354 : memref<128x32xf32, #tpu.memory_space<vmem>>)
    %dma_wait3A_361 = arith.constant 2 : i32
    %dma_wait3A_362 = arith.constant 256 : i32
    %dma_wait3A_363 = arith.constant 0 : i32
    %dma_wait3A_364 = tpu.memref_slice %arg8[%dma_wait3A_362, %dma_wait3A_363] : memref<2048x16xf32, #tpu.memory_space<vmem>> -> memref<128x16xf32, #tpu.memory_space<vmem>>
    %dma_wait3A_365 = arith.constant 0 : i32
    %dma_wait3A_366 = tpu.memref_slice %arg7[%dma_wait3A_361, %dma_wait3A_365] : memref<16x128xi32, #tpu.memory_space<vmem>> -> memref<1x128xi32, #tpu.memory_space<vmem>>
    %dma_wait3A_367 = tpu.memref_squeeze %dma_wait3A_366 : memref<1x128xi32, #tpu.memory_space<vmem>> -> memref<128xi32, #tpu.memory_space<vmem>>
    %dma_wait3A_368 = arith.constant 0 : i32
    %dma_wait3A_369 = arith.constant 0 : i32
    %dma_wait3A_370 = tpu.memref_slice %arg3[%dma_wait3A_368, %dma_wait3A_369] : memref<50000x16xf32, #tpu.memory_space<hbm>> -> memref<50000x16xf32, #tpu.memory_space<hbm>>
    tpu.wait_indirect_dma semaphore(%arg10 : memref<!tpu.dma_semaphore, #tpu.memory_space<semaphore_mem>>) src(%dma_wait3A_370 : memref<50000x16xf32, #tpu.memory_space<hbm>>) dst(%dma_wait3A_364 : memref<128x16xf32, #tpu.memory_space<vmem>>)
    %dma_wait3A_371 = arith.constant 2 : i32
    %dma_wait3A_372 = arith.constant 256 : i32
    %dma_wait3A_373 = arith.constant 0 : i32
    %dma_wait3A_374 = tpu.memref_slice %arg9[%dma_wait3A_372, %dma_wait3A_373] : memref<2048x32xf32, #tpu.memory_space<vmem>> -> memref<128x32xf32, #tpu.memory_space<vmem>>
    %dma_wait3A_375 = arith.constant 0 : i32
    %dma_wait3A_376 = tpu.memref_slice %arg7[%dma_wait3A_371, %dma_wait3A_375] : memref<16x128xi32, #tpu.memory_space<vmem>> -> memref<1x128xi32, #tpu.memory_space<vmem>>
    %dma_wait3A_377 = tpu.memref_squeeze %dma_wait3A_376 : memref<1x128xi32, #tpu.memory_space<vmem>> -> memref<128xi32, #tpu.memory_space<vmem>>
    %dma_wait3A_378 = arith.constant 0 : i32
    %dma_wait3A_379 = arith.constant 0 : i32
    %dma_wait3A_380 = tpu.memref_slice %arg4[%dma_wait3A_378, %dma_wait3A_379] : memref<50000x32xf32, #tpu.memory_space<hbm>> -> memref<50000x32xf32, #tpu.memory_space<hbm>>
    tpu.wait_indirect_dma semaphore(%arg10 : memref<!tpu.dma_semaphore, #tpu.memory_space<semaphore_mem>>) src(%dma_wait3A_380 : memref<50000x32xf32, #tpu.memory_space<hbm>>) dst(%dma_wait3A_374 : memref<128x32xf32, #tpu.memory_space<vmem>>)
    %dma_wait3A_381 = arith.constant 3 : i32
    %dma_wait3A_382 = arith.constant 384 : i32
    %dma_wait3A_383 = arith.constant 0 : i32
    %dma_wait3A_384 = tpu.memref_slice %arg8[%dma_wait3A_382, %dma_wait3A_383] : memref<2048x16xf32, #tpu.memory_space<vmem>> -> memref<128x16xf32, #tpu.memory_space<vmem>>
    %dma_wait3A_385 = arith.constant 0 : i32
    %dma_wait3A_386 = tpu.memref_slice %arg7[%dma_wait3A_381, %dma_wait3A_385] : memref<16x128xi32, #tpu.memory_space<vmem>> -> memref<1x128xi32, #tpu.memory_space<vmem>>
    %dma_wait3A_387 = tpu.memref_squeeze %dma_wait3A_386 : memref<1x128xi32, #tpu.memory_space<vmem>> -> memref<128xi32, #tpu.memory_space<vmem>>
    %dma_wait3A_388 = arith.constant 0 : i32
    %dma_wait3A_389 = arith.constant 0 : i32
    %dma_wait3A_390 = tpu.memref_slice %arg3[%dma_wait3A_388, %dma_wait3A_389] : memref<50000x16xf32, #tpu.memory_space<hbm>> -> memref<50000x16xf32, #tpu.memory_space<hbm>>
    tpu.wait_indirect_dma semaphore(%arg10 : memref<!tpu.dma_semaphore, #tpu.memory_space<semaphore_mem>>) src(%dma_wait3A_390 : memref<50000x16xf32, #tpu.memory_space<hbm>>) dst(%dma_wait3A_384 : memref<128x16xf32, #tpu.memory_space<vmem>>)
    %dma_wait3A_391 = arith.constant 3 : i32
    %dma_wait3A_392 = arith.constant 384 : i32
    %dma_wait3A_393 = arith.constant 0 : i32
    %dma_wait3A_394 = tpu.memref_slice %arg9[%dma_wait3A_392, %dma_wait3A_393] : memref<2048x32xf32, #tpu.memory_space<vmem>> -> memref<128x32xf32, #tpu.memory_space<vmem>>
    %dma_wait3A_395 = arith.constant 0 : i32
    %dma_wait3A_396 = tpu.memref_slice %arg7[%dma_wait3A_391, %dma_wait3A_395] : memref<16x128xi32, #tpu.memory_space<vmem>> -> memref<1x128xi32, #tpu.memory_space<vmem>>
    %dma_wait3A_397 = tpu.memref_squeeze %dma_wait3A_396 : memref<1x128xi32, #tpu.memory_space<vmem>> -> memref<128xi32, #tpu.memory_space<vmem>>
    %dma_wait3A_398 = arith.constant 0 : i32
    %dma_wait3A_399 = arith.constant 0 : i32
    %dma_wait3A_400 = tpu.memref_slice %arg4[%dma_wait3A_398, %dma_wait3A_399] : memref<50000x32xf32, #tpu.memory_space<hbm>> -> memref<50000x32xf32, #tpu.memory_space<hbm>>
    tpu.wait_indirect_dma semaphore(%arg10 : memref<!tpu.dma_semaphore, #tpu.memory_space<semaphore_mem>>) src(%dma_wait3A_400 : memref<50000x32xf32, #tpu.memory_space<hbm>>) dst(%dma_wait3A_394 : memref<128x32xf32, #tpu.memory_space<vmem>>)
    %dma_wait3A_401 = arith.constant 4 : i32
    %dma_wait3A_402 = arith.constant 512 : i32
    %dma_wait3A_403 = arith.constant 0 : i32
    %dma_wait3A_404 = tpu.memref_slice %arg8[%dma_wait3A_402, %dma_wait3A_403] : memref<2048x16xf32, #tpu.memory_space<vmem>> -> memref<128x16xf32, #tpu.memory_space<vmem>>
    %dma_wait3A_405 = arith.constant 0 : i32
    %dma_wait3A_406 = tpu.memref_slice %arg7[%dma_wait3A_401, %dma_wait3A_405] : memref<16x128xi32, #tpu.memory_space<vmem>> -> memref<1x128xi32, #tpu.memory_space<vmem>>
    %dma_wait3A_407 = tpu.memref_squeeze %dma_wait3A_406 : memref<1x128xi32, #tpu.memory_space<vmem>> -> memref<128xi32, #tpu.memory_space<vmem>>
    %dma_wait3A_408 = arith.constant 0 : i32
    %dma_wait3A_409 = arith.constant 0 : i32
    %dma_wait3A_410 = tpu.memref_slice %arg3[%dma_wait3A_408, %dma_wait3A_409] : memref<50000x16xf32, #tpu.memory_space<hbm>> -> memref<50000x16xf32, #tpu.memory_space<hbm>>
    tpu.wait_indirect_dma semaphore(%arg10 : memref<!tpu.dma_semaphore, #tpu.memory_space<semaphore_mem>>) src(%dma_wait3A_410 : memref<50000x16xf32, #tpu.memory_space<hbm>>) dst(%dma_wait3A_404 : memref<128x16xf32, #tpu.memory_space<vmem>>)
    %dma_wait3A_411 = arith.constant 4 : i32
    %dma_wait3A_412 = arith.constant 512 : i32
    %dma_wait3A_413 = arith.constant 0 : i32
    %dma_wait3A_414 = tpu.memref_slice %arg9[%dma_wait3A_412, %dma_wait3A_413] : memref<2048x32xf32, #tpu.memory_space<vmem>> -> memref<128x32xf32, #tpu.memory_space<vmem>>
    %dma_wait3A_415 = arith.constant 0 : i32
    %dma_wait3A_416 = tpu.memref_slice %arg7[%dma_wait3A_411, %dma_wait3A_415] : memref<16x128xi32, #tpu.memory_space<vmem>> -> memref<1x128xi32, #tpu.memory_space<vmem>>
    %dma_wait3A_417 = tpu.memref_squeeze %dma_wait3A_416 : memref<1x128xi32, #tpu.memory_space<vmem>> -> memref<128xi32, #tpu.memory_space<vmem>>
    %dma_wait3A_418 = arith.constant 0 : i32
    %dma_wait3A_419 = arith.constant 0 : i32
    %dma_wait3A_420 = tpu.memref_slice %arg4[%dma_wait3A_418, %dma_wait3A_419] : memref<50000x32xf32, #tpu.memory_space<hbm>> -> memref<50000x32xf32, #tpu.memory_space<hbm>>
    tpu.wait_indirect_dma semaphore(%arg10 : memref<!tpu.dma_semaphore, #tpu.memory_space<semaphore_mem>>) src(%dma_wait3A_420 : memref<50000x32xf32, #tpu.memory_space<hbm>>) dst(%dma_wait3A_414 : memref<128x32xf32, #tpu.memory_space<vmem>>)
    %dma_wait3A_421 = arith.constant 5 : i32
    %dma_wait3A_422 = arith.constant 640 : i32
    %dma_wait3A_423 = arith.constant 0 : i32
    %dma_wait3A_424 = tpu.memref_slice %arg8[%dma_wait3A_422, %dma_wait3A_423] : memref<2048x16xf32, #tpu.memory_space<vmem>> -> memref<128x16xf32, #tpu.memory_space<vmem>>
    %dma_wait3A_425 = arith.constant 0 : i32
    %dma_wait3A_426 = tpu.memref_slice %arg7[%dma_wait3A_421, %dma_wait3A_425] : memref<16x128xi32, #tpu.memory_space<vmem>> -> memref<1x128xi32, #tpu.memory_space<vmem>>
    %dma_wait3A_427 = tpu.memref_squeeze %dma_wait3A_426 : memref<1x128xi32, #tpu.memory_space<vmem>> -> memref<128xi32, #tpu.memory_space<vmem>>
    %dma_wait3A_428 = arith.constant 0 : i32
    %dma_wait3A_429 = arith.constant 0 : i32
    %dma_wait3A_430 = tpu.memref_slice %arg3[%dma_wait3A_428, %dma_wait3A_429] : memref<50000x16xf32, #tpu.memory_space<hbm>> -> memref<50000x16xf32, #tpu.memory_space<hbm>>
    tpu.wait_indirect_dma semaphore(%arg10 : memref<!tpu.dma_semaphore, #tpu.memory_space<semaphore_mem>>) src(%dma_wait3A_430 : memref<50000x16xf32, #tpu.memory_space<hbm>>) dst(%dma_wait3A_424 : memref<128x16xf32, #tpu.memory_space<vmem>>)
    %dma_wait3A_431 = arith.constant 5 : i32
    %dma_wait3A_432 = arith.constant 640 : i32
    %dma_wait3A_433 = arith.constant 0 : i32
    %dma_wait3A_434 = tpu.memref_slice %arg9[%dma_wait3A_432, %dma_wait3A_433] : memref<2048x32xf32, #tpu.memory_space<vmem>> -> memref<128x32xf32, #tpu.memory_space<vmem>>
    %dma_wait3A_435 = arith.constant 0 : i32
    %dma_wait3A_436 = tpu.memref_slice %arg7[%dma_wait3A_431, %dma_wait3A_435] : memref<16x128xi32, #tpu.memory_space<vmem>> -> memref<1x128xi32, #tpu.memory_space<vmem>>
    %dma_wait3A_437 = tpu.memref_squeeze %dma_wait3A_436 : memref<1x128xi32, #tpu.memory_space<vmem>> -> memref<128xi32, #tpu.memory_space<vmem>>
    %dma_wait3A_438 = arith.constant 0 : i32
    %dma_wait3A_439 = arith.constant 0 : i32
    %dma_wait3A_440 = tpu.memref_slice %arg4[%dma_wait3A_438, %dma_wait3A_439] : memref<50000x32xf32, #tpu.memory_space<hbm>> -> memref<50000x32xf32, #tpu.memory_space<hbm>>
    tpu.wait_indirect_dma semaphore(%arg10 : memref<!tpu.dma_semaphore, #tpu.memory_space<semaphore_mem>>) src(%dma_wait3A_440 : memref<50000x32xf32, #tpu.memory_space<hbm>>) dst(%dma_wait3A_434 : memref<128x32xf32, #tpu.memory_space<vmem>>)
    %dma_wait3A_441 = arith.constant 6 : i32
    %dma_wait3A_442 = arith.constant 768 : i32
    %dma_wait3A_443 = arith.constant 0 : i32
    %dma_wait3A_444 = tpu.memref_slice %arg8[%dma_wait3A_442, %dma_wait3A_443] : memref<2048x16xf32, #tpu.memory_space<vmem>> -> memref<128x16xf32, #tpu.memory_space<vmem>>
    %dma_wait3A_445 = arith.constant 0 : i32
    %dma_wait3A_446 = tpu.memref_slice %arg7[%dma_wait3A_441, %dma_wait3A_445] : memref<16x128xi32, #tpu.memory_space<vmem>> -> memref<1x128xi32, #tpu.memory_space<vmem>>
    %dma_wait3A_447 = tpu.memref_squeeze %dma_wait3A_446 : memref<1x128xi32, #tpu.memory_space<vmem>> -> memref<128xi32, #tpu.memory_space<vmem>>
    %dma_wait3A_448 = arith.constant 0 : i32
    %dma_wait3A_449 = arith.constant 0 : i32
    %dma_wait3A_450 = tpu.memref_slice %arg3[%dma_wait3A_448, %dma_wait3A_449] : memref<50000x16xf32, #tpu.memory_space<hbm>> -> memref<50000x16xf32, #tpu.memory_space<hbm>>
    tpu.wait_indirect_dma semaphore(%arg10 : memref<!tpu.dma_semaphore, #tpu.memory_space<semaphore_mem>>) src(%dma_wait3A_450 : memref<50000x16xf32, #tpu.memory_space<hbm>>) dst(%dma_wait3A_444 : memref<128x16xf32, #tpu.memory_space<vmem>>)
    %dma_wait3A_451 = arith.constant 6 : i32
    %dma_wait3A_452 = arith.constant 768 : i32
    %dma_wait3A_453 = arith.constant 0 : i32
    %dma_wait3A_454 = tpu.memref_slice %arg9[%dma_wait3A_452, %dma_wait3A_453] : memref<2048x32xf32, #tpu.memory_space<vmem>> -> memref<128x32xf32, #tpu.memory_space<vmem>>
    %dma_wait3A_455 = arith.constant 0 : i32
    %dma_wait3A_456 = tpu.memref_slice %arg7[%dma_wait3A_451, %dma_wait3A_455] : memref<16x128xi32, #tpu.memory_space<vmem>> -> memref<1x128xi32, #tpu.memory_space<vmem>>
    %dma_wait3A_457 = tpu.memref_squeeze %dma_wait3A_456 : memref<1x128xi32, #tpu.memory_space<vmem>> -> memref<128xi32, #tpu.memory_space<vmem>>
    %dma_wait3A_458 = arith.constant 0 : i32
    %dma_wait3A_459 = arith.constant 0 : i32
    %dma_wait3A_460 = tpu.memref_slice %arg4[%dma_wait3A_458, %dma_wait3A_459] : memref<50000x32xf32, #tpu.memory_space<hbm>> -> memref<50000x32xf32, #tpu.memory_space<hbm>>
    tpu.wait_indirect_dma semaphore(%arg10 : memref<!tpu.dma_semaphore, #tpu.memory_space<semaphore_mem>>) src(%dma_wait3A_460 : memref<50000x32xf32, #tpu.memory_space<hbm>>) dst(%dma_wait3A_454 : memref<128x32xf32, #tpu.memory_space<vmem>>)
    %dma_wait3A_461 = arith.constant 7 : i32
    %dma_wait3A_462 = arith.constant 896 : i32
    %dma_wait3A_463 = arith.constant 0 : i32
    %dma_wait3A_464 = tpu.memref_slice %arg8[%dma_wait3A_462, %dma_wait3A_463] : memref<2048x16xf32, #tpu.memory_space<vmem>> -> memref<128x16xf32, #tpu.memory_space<vmem>>
    %dma_wait3A_465 = arith.constant 0 : i32
    %dma_wait3A_466 = tpu.memref_slice %arg7[%dma_wait3A_461, %dma_wait3A_465] : memref<16x128xi32, #tpu.memory_space<vmem>> -> memref<1x128xi32, #tpu.memory_space<vmem>>
    %dma_wait3A_467 = tpu.memref_squeeze %dma_wait3A_466 : memref<1x128xi32, #tpu.memory_space<vmem>> -> memref<128xi32, #tpu.memory_space<vmem>>
    %dma_wait3A_468 = arith.constant 0 : i32
    %dma_wait3A_469 = arith.constant 0 : i32
    %dma_wait3A_470 = tpu.memref_slice %arg3[%dma_wait3A_468, %dma_wait3A_469] : memref<50000x16xf32, #tpu.memory_space<hbm>> -> memref<50000x16xf32, #tpu.memory_space<hbm>>
    tpu.wait_indirect_dma semaphore(%arg10 : memref<!tpu.dma_semaphore, #tpu.memory_space<semaphore_mem>>) src(%dma_wait3A_470 : memref<50000x16xf32, #tpu.memory_space<hbm>>) dst(%dma_wait3A_464 : memref<128x16xf32, #tpu.memory_space<vmem>>)
    %dma_wait3A_471 = arith.constant 7 : i32
    %dma_wait3A_472 = arith.constant 896 : i32
    %dma_wait3A_473 = arith.constant 0 : i32
    %dma_wait3A_474 = tpu.memref_slice %arg9[%dma_wait3A_472, %dma_wait3A_473] : memref<2048x32xf32, #tpu.memory_space<vmem>> -> memref<128x32xf32, #tpu.memory_space<vmem>>
    %dma_wait3A_475 = arith.constant 0 : i32
    %dma_wait3A_476 = tpu.memref_slice %arg7[%dma_wait3A_471, %dma_wait3A_475] : memref<16x128xi32, #tpu.memory_space<vmem>> -> memref<1x128xi32, #tpu.memory_space<vmem>>
    %dma_wait3A_477 = tpu.memref_squeeze %dma_wait3A_476 : memref<1x128xi32, #tpu.memory_space<vmem>> -> memref<128xi32, #tpu.memory_space<vmem>>
    %dma_wait3A_478 = arith.constant 0 : i32
    %dma_wait3A_479 = arith.constant 0 : i32
    %dma_wait3A_480 = tpu.memref_slice %arg4[%dma_wait3A_478, %dma_wait3A_479] : memref<50000x32xf32, #tpu.memory_space<hbm>> -> memref<50000x32xf32, #tpu.memory_space<hbm>>
    tpu.wait_indirect_dma semaphore(%arg10 : memref<!tpu.dma_semaphore, #tpu.memory_space<semaphore_mem>>) src(%dma_wait3A_480 : memref<50000x32xf32, #tpu.memory_space<hbm>>) dst(%dma_wait3A_474 : memref<128x32xf32, #tpu.memory_space<vmem>>)
    %dma_wait3A_481 = arith.constant 8 : i32
    %dma_wait3A_482 = arith.constant 1024 : i32
    %dma_wait3A_483 = arith.constant 0 : i32
    %dma_wait3A_484 = tpu.memref_slice %arg8[%dma_wait3A_482, %dma_wait3A_483] : memref<2048x16xf32, #tpu.memory_space<vmem>> -> memref<128x16xf32, #tpu.memory_space<vmem>>
    %dma_wait3A_485 = arith.constant 0 : i32
    %dma_wait3A_486 = tpu.memref_slice %arg7[%dma_wait3A_481, %dma_wait3A_485] : memref<16x128xi32, #tpu.memory_space<vmem>> -> memref<1x128xi32, #tpu.memory_space<vmem>>
    %dma_wait3A_487 = tpu.memref_squeeze %dma_wait3A_486 : memref<1x128xi32, #tpu.memory_space<vmem>> -> memref<128xi32, #tpu.memory_space<vmem>>
    %dma_wait3A_488 = arith.constant 0 : i32
    %dma_wait3A_489 = arith.constant 0 : i32
    %dma_wait3A_490 = tpu.memref_slice %arg3[%dma_wait3A_488, %dma_wait3A_489] : memref<50000x16xf32, #tpu.memory_space<hbm>> -> memref<50000x16xf32, #tpu.memory_space<hbm>>
    tpu.wait_indirect_dma semaphore(%arg10 : memref<!tpu.dma_semaphore, #tpu.memory_space<semaphore_mem>>) src(%dma_wait3A_490 : memref<50000x16xf32, #tpu.memory_space<hbm>>) dst(%dma_wait3A_484 : memref<128x16xf32, #tpu.memory_space<vmem>>)
    %dma_wait3A_491 = arith.constant 8 : i32
    %dma_wait3A_492 = arith.constant 1024 : i32
    %dma_wait3A_493 = arith.constant 0 : i32
    %dma_wait3A_494 = tpu.memref_slice %arg9[%dma_wait3A_492, %dma_wait3A_493] : memref<2048x32xf32, #tpu.memory_space<vmem>> -> memref<128x32xf32, #tpu.memory_space<vmem>>
    %dma_wait3A_495 = arith.constant 0 : i32
    %dma_wait3A_496 = tpu.memref_slice %arg7[%dma_wait3A_491, %dma_wait3A_495] : memref<16x128xi32, #tpu.memory_space<vmem>> -> memref<1x128xi32, #tpu.memory_space<vmem>>
    %dma_wait3A_497 = tpu.memref_squeeze %dma_wait3A_496 : memref<1x128xi32, #tpu.memory_space<vmem>> -> memref<128xi32, #tpu.memory_space<vmem>>
    %dma_wait3A_498 = arith.constant 0 : i32
    %dma_wait3A_499 = arith.constant 0 : i32
    %dma_wait3A_500 = tpu.memref_slice %arg4[%dma_wait3A_498, %dma_wait3A_499] : memref<50000x32xf32, #tpu.memory_space<hbm>> -> memref<50000x32xf32, #tpu.memory_space<hbm>>
    tpu.wait_indirect_dma semaphore(%arg10 : memref<!tpu.dma_semaphore, #tpu.memory_space<semaphore_mem>>) src(%dma_wait3A_500 : memref<50000x32xf32, #tpu.memory_space<hbm>>) dst(%dma_wait3A_494 : memref<128x32xf32, #tpu.memory_space<vmem>>)
    %dma_wait3A_501 = arith.constant 9 : i32
    %dma_wait3A_502 = arith.constant 1152 : i32
    %dma_wait3A_503 = arith.constant 0 : i32
    %dma_wait3A_504 = tpu.memref_slice %arg8[%dma_wait3A_502, %dma_wait3A_503] : memref<2048x16xf32, #tpu.memory_space<vmem>> -> memref<128x16xf32, #tpu.memory_space<vmem>>
    %dma_wait3A_505 = arith.constant 0 : i32
    %dma_wait3A_506 = tpu.memref_slice %arg7[%dma_wait3A_501, %dma_wait3A_505] : memref<16x128xi32, #tpu.memory_space<vmem>> -> memref<1x128xi32, #tpu.memory_space<vmem>>
    %dma_wait3A_507 = tpu.memref_squeeze %dma_wait3A_506 : memref<1x128xi32, #tpu.memory_space<vmem>> -> memref<128xi32, #tpu.memory_space<vmem>>
    %dma_wait3A_508 = arith.constant 0 : i32
    %dma_wait3A_509 = arith.constant 0 : i32
    %dma_wait3A_510 = tpu.memref_slice %arg3[%dma_wait3A_508, %dma_wait3A_509] : memref<50000x16xf32, #tpu.memory_space<hbm>> -> memref<50000x16xf32, #tpu.memory_space<hbm>>
    tpu.wait_indirect_dma semaphore(%arg10 : memref<!tpu.dma_semaphore, #tpu.memory_space<semaphore_mem>>) src(%dma_wait3A_510 : memref<50000x16xf32, #tpu.memory_space<hbm>>) dst(%dma_wait3A_504 : memref<128x16xf32, #tpu.memory_space<vmem>>)
    %dma_wait3A_511 = arith.constant 9 : i32
    %dma_wait3A_512 = arith.constant 1152 : i32
    %dma_wait3A_513 = arith.constant 0 : i32
    %dma_wait3A_514 = tpu.memref_slice %arg9[%dma_wait3A_512, %dma_wait3A_513] : memref<2048x32xf32, #tpu.memory_space<vmem>> -> memref<128x32xf32, #tpu.memory_space<vmem>>
    %dma_wait3A_515 = arith.constant 0 : i32
    %dma_wait3A_516 = tpu.memref_slice %arg7[%dma_wait3A_511, %dma_wait3A_515] : memref<16x128xi32, #tpu.memory_space<vmem>> -> memref<1x128xi32, #tpu.memory_space<vmem>>
    %dma_wait3A_517 = tpu.memref_squeeze %dma_wait3A_516 : memref<1x128xi32, #tpu.memory_space<vmem>> -> memref<128xi32, #tpu.memory_space<vmem>>
    %dma_wait3A_518 = arith.constant 0 : i32
    %dma_wait3A_519 = arith.constant 0 : i32
    %dma_wait3A_520 = tpu.memref_slice %arg4[%dma_wait3A_518, %dma_wait3A_519] : memref<50000x32xf32, #tpu.memory_space<hbm>> -> memref<50000x32xf32, #tpu.memory_space<hbm>>
    tpu.wait_indirect_dma semaphore(%arg10 : memref<!tpu.dma_semaphore, #tpu.memory_space<semaphore_mem>>) src(%dma_wait3A_520 : memref<50000x32xf32, #tpu.memory_space<hbm>>) dst(%dma_wait3A_514 : memref<128x32xf32, #tpu.memory_space<vmem>>)
    %dma_wait3A_521 = arith.constant 10 : i32
    %dma_wait3A_522 = arith.constant 1280 : i32
    %dma_wait3A_523 = arith.constant 0 : i32
    %dma_wait3A_524 = tpu.memref_slice %arg8[%dma_wait3A_522, %dma_wait3A_523] : memref<2048x16xf32, #tpu.memory_space<vmem>> -> memref<128x16xf32, #tpu.memory_space<vmem>>
    %dma_wait3A_525 = arith.constant 0 : i32
    %dma_wait3A_526 = tpu.memref_slice %arg7[%dma_wait3A_521, %dma_wait3A_525] : memref<16x128xi32, #tpu.memory_space<vmem>> -> memref<1x128xi32, #tpu.memory_space<vmem>>
    %dma_wait3A_527 = tpu.memref_squeeze %dma_wait3A_526 : memref<1x128xi32, #tpu.memory_space<vmem>> -> memref<128xi32, #tpu.memory_space<vmem>>
    %dma_wait3A_528 = arith.constant 0 : i32
    %dma_wait3A_529 = arith.constant 0 : i32
    %dma_wait3A_530 = tpu.memref_slice %arg3[%dma_wait3A_528, %dma_wait3A_529] : memref<50000x16xf32, #tpu.memory_space<hbm>> -> memref<50000x16xf32, #tpu.memory_space<hbm>>
    tpu.wait_indirect_dma semaphore(%arg10 : memref<!tpu.dma_semaphore, #tpu.memory_space<semaphore_mem>>) src(%dma_wait3A_530 : memref<50000x16xf32, #tpu.memory_space<hbm>>) dst(%dma_wait3A_524 : memref<128x16xf32, #tpu.memory_space<vmem>>)
    %dma_wait3A_531 = arith.constant 10 : i32
    %dma_wait3A_532 = arith.constant 1280 : i32
    %dma_wait3A_533 = arith.constant 0 : i32
    %dma_wait3A_534 = tpu.memref_slice %arg9[%dma_wait3A_532, %dma_wait3A_533] : memref<2048x32xf32, #tpu.memory_space<vmem>> -> memref<128x32xf32, #tpu.memory_space<vmem>>
    %dma_wait3A_535 = arith.constant 0 : i32
    %dma_wait3A_536 = tpu.memref_slice %arg7[%dma_wait3A_531, %dma_wait3A_535] : memref<16x128xi32, #tpu.memory_space<vmem>> -> memref<1x128xi32, #tpu.memory_space<vmem>>
    %dma_wait3A_537 = tpu.memref_squeeze %dma_wait3A_536 : memref<1x128xi32, #tpu.memory_space<vmem>> -> memref<128xi32, #tpu.memory_space<vmem>>
    %dma_wait3A_538 = arith.constant 0 : i32
    %dma_wait3A_539 = arith.constant 0 : i32
    %dma_wait3A_540 = tpu.memref_slice %arg4[%dma_wait3A_538, %dma_wait3A_539] : memref<50000x32xf32, #tpu.memory_space<hbm>> -> memref<50000x32xf32, #tpu.memory_space<hbm>>
    tpu.wait_indirect_dma semaphore(%arg10 : memref<!tpu.dma_semaphore, #tpu.memory_space<semaphore_mem>>) src(%dma_wait3A_540 : memref<50000x32xf32, #tpu.memory_space<hbm>>) dst(%dma_wait3A_534 : memref<128x32xf32, #tpu.memory_space<vmem>>)
    %dma_wait3A_541 = arith.constant 11 : i32
    %dma_wait3A_542 = arith.constant 1408 : i32
    %dma_wait3A_543 = arith.constant 0 : i32
    %dma_wait3A_544 = tpu.memref_slice %arg8[%dma_wait3A_542, %dma_wait3A_543] : memref<2048x16xf32, #tpu.memory_space<vmem>> -> memref<128x16xf32, #tpu.memory_space<vmem>>
    %dma_wait3A_545 = arith.constant 0 : i32
    %dma_wait3A_546 = tpu.memref_slice %arg7[%dma_wait3A_541, %dma_wait3A_545] : memref<16x128xi32, #tpu.memory_space<vmem>> -> memref<1x128xi32, #tpu.memory_space<vmem>>
    %dma_wait3A_547 = tpu.memref_squeeze %dma_wait3A_546 : memref<1x128xi32, #tpu.memory_space<vmem>> -> memref<128xi32, #tpu.memory_space<vmem>>
    %dma_wait3A_548 = arith.constant 0 : i32
    %dma_wait3A_549 = arith.constant 0 : i32
    %dma_wait3A_550 = tpu.memref_slice %arg3[%dma_wait3A_548, %dma_wait3A_549] : memref<50000x16xf32, #tpu.memory_space<hbm>> -> memref<50000x16xf32, #tpu.memory_space<hbm>>
    tpu.wait_indirect_dma semaphore(%arg10 : memref<!tpu.dma_semaphore, #tpu.memory_space<semaphore_mem>>) src(%dma_wait3A_550 : memref<50000x16xf32, #tpu.memory_space<hbm>>) dst(%dma_wait3A_544 : memref<128x16xf32, #tpu.memory_space<vmem>>)
    %dma_wait3A_551 = arith.constant 11 : i32
    %dma_wait3A_552 = arith.constant 1408 : i32
    %dma_wait3A_553 = arith.constant 0 : i32
    %dma_wait3A_554 = tpu.memref_slice %arg9[%dma_wait3A_552, %dma_wait3A_553] : memref<2048x32xf32, #tpu.memory_space<vmem>> -> memref<128x32xf32, #tpu.memory_space<vmem>>
    %dma_wait3A_555 = arith.constant 0 : i32
    %dma_wait3A_556 = tpu.memref_slice %arg7[%dma_wait3A_551, %dma_wait3A_555] : memref<16x128xi32, #tpu.memory_space<vmem>> -> memref<1x128xi32, #tpu.memory_space<vmem>>
    %dma_wait3A_557 = tpu.memref_squeeze %dma_wait3A_556 : memref<1x128xi32, #tpu.memory_space<vmem>> -> memref<128xi32, #tpu.memory_space<vmem>>
    %dma_wait3A_558 = arith.constant 0 : i32
    %dma_wait3A_559 = arith.constant 0 : i32
    %dma_wait3A_560 = tpu.memref_slice %arg4[%dma_wait3A_558, %dma_wait3A_559] : memref<50000x32xf32, #tpu.memory_space<hbm>> -> memref<50000x32xf32, #tpu.memory_space<hbm>>
    tpu.wait_indirect_dma semaphore(%arg10 : memref<!tpu.dma_semaphore, #tpu.memory_space<semaphore_mem>>) src(%dma_wait3A_560 : memref<50000x32xf32, #tpu.memory_space<hbm>>) dst(%dma_wait3A_554 : memref<128x32xf32, #tpu.memory_space<vmem>>)
    %dma_wait3A_561 = arith.constant 12 : i32
    %dma_wait3A_562 = arith.constant 1536 : i32
    %dma_wait3A_563 = arith.constant 0 : i32
    %dma_wait3A_564 = tpu.memref_slice %arg8[%dma_wait3A_562, %dma_wait3A_563] : memref<2048x16xf32, #tpu.memory_space<vmem>> -> memref<128x16xf32, #tpu.memory_space<vmem>>
    %dma_wait3A_565 = arith.constant 0 : i32
    %dma_wait3A_566 = tpu.memref_slice %arg7[%dma_wait3A_561, %dma_wait3A_565] : memref<16x128xi32, #tpu.memory_space<vmem>> -> memref<1x128xi32, #tpu.memory_space<vmem>>
    %dma_wait3A_567 = tpu.memref_squeeze %dma_wait3A_566 : memref<1x128xi32, #tpu.memory_space<vmem>> -> memref<128xi32, #tpu.memory_space<vmem>>
    %dma_wait3A_568 = arith.constant 0 : i32
    %dma_wait3A_569 = arith.constant 0 : i32
    %dma_wait3A_570 = tpu.memref_slice %arg3[%dma_wait3A_568, %dma_wait3A_569] : memref<50000x16xf32, #tpu.memory_space<hbm>> -> memref<50000x16xf32, #tpu.memory_space<hbm>>
    tpu.wait_indirect_dma semaphore(%arg10 : memref<!tpu.dma_semaphore, #tpu.memory_space<semaphore_mem>>) src(%dma_wait3A_570 : memref<50000x16xf32, #tpu.memory_space<hbm>>) dst(%dma_wait3A_564 : memref<128x16xf32, #tpu.memory_space<vmem>>)
    %dma_wait3A_571 = arith.constant 12 : i32
    %dma_wait3A_572 = arith.constant 1536 : i32
    %dma_wait3A_573 = arith.constant 0 : i32
    %dma_wait3A_574 = tpu.memref_slice %arg9[%dma_wait3A_572, %dma_wait3A_573] : memref<2048x32xf32, #tpu.memory_space<vmem>> -> memref<128x32xf32, #tpu.memory_space<vmem>>
    %dma_wait3A_575 = arith.constant 0 : i32
    %dma_wait3A_576 = tpu.memref_slice %arg7[%dma_wait3A_571, %dma_wait3A_575] : memref<16x128xi32, #tpu.memory_space<vmem>> -> memref<1x128xi32, #tpu.memory_space<vmem>>
    %dma_wait3A_577 = tpu.memref_squeeze %dma_wait3A_576 : memref<1x128xi32, #tpu.memory_space<vmem>> -> memref<128xi32, #tpu.memory_space<vmem>>
    %dma_wait3A_578 = arith.constant 0 : i32
    %dma_wait3A_579 = arith.constant 0 : i32
    %dma_wait3A_580 = tpu.memref_slice %arg4[%dma_wait3A_578, %dma_wait3A_579] : memref<50000x32xf32, #tpu.memory_space<hbm>> -> memref<50000x32xf32, #tpu.memory_space<hbm>>
    tpu.wait_indirect_dma semaphore(%arg10 : memref<!tpu.dma_semaphore, #tpu.memory_space<semaphore_mem>>) src(%dma_wait3A_580 : memref<50000x32xf32, #tpu.memory_space<hbm>>) dst(%dma_wait3A_574 : memref<128x32xf32, #tpu.memory_space<vmem>>)
    %dma_wait3A_581 = arith.constant 13 : i32
    %dma_wait3A_582 = arith.constant 1664 : i32
    %dma_wait3A_583 = arith.constant 0 : i32
    %dma_wait3A_584 = tpu.memref_slice %arg8[%dma_wait3A_582, %dma_wait3A_583] : memref<2048x16xf32, #tpu.memory_space<vmem>> -> memref<128x16xf32, #tpu.memory_space<vmem>>
    %dma_wait3A_585 = arith.constant 0 : i32
    %dma_wait3A_586 = tpu.memref_slice %arg7[%dma_wait3A_581, %dma_wait3A_585] : memref<16x128xi32, #tpu.memory_space<vmem>> -> memref<1x128xi32, #tpu.memory_space<vmem>>
    %dma_wait3A_587 = tpu.memref_squeeze %dma_wait3A_586 : memref<1x128xi32, #tpu.memory_space<vmem>> -> memref<128xi32, #tpu.memory_space<vmem>>
    %dma_wait3A_588 = arith.constant 0 : i32
    %dma_wait3A_589 = arith.constant 0 : i32
    %dma_wait3A_590 = tpu.memref_slice %arg3[%dma_wait3A_588, %dma_wait3A_589] : memref<50000x16xf32, #tpu.memory_space<hbm>> -> memref<50000x16xf32, #tpu.memory_space<hbm>>
    tpu.wait_indirect_dma semaphore(%arg10 : memref<!tpu.dma_semaphore, #tpu.memory_space<semaphore_mem>>) src(%dma_wait3A_590 : memref<50000x16xf32, #tpu.memory_space<hbm>>) dst(%dma_wait3A_584 : memref<128x16xf32, #tpu.memory_space<vmem>>)
    %dma_wait3A_591 = arith.constant 13 : i32
    %dma_wait3A_592 = arith.constant 1664 : i32
    %dma_wait3A_593 = arith.constant 0 : i32
    %dma_wait3A_594 = tpu.memref_slice %arg9[%dma_wait3A_592, %dma_wait3A_593] : memref<2048x32xf32, #tpu.memory_space<vmem>> -> memref<128x32xf32, #tpu.memory_space<vmem>>
    %dma_wait3A_595 = arith.constant 0 : i32
    %dma_wait3A_596 = tpu.memref_slice %arg7[%dma_wait3A_591, %dma_wait3A_595] : memref<16x128xi32, #tpu.memory_space<vmem>> -> memref<1x128xi32, #tpu.memory_space<vmem>>
    %dma_wait3A_597 = tpu.memref_squeeze %dma_wait3A_596 : memref<1x128xi32, #tpu.memory_space<vmem>> -> memref<128xi32, #tpu.memory_space<vmem>>
    %dma_wait3A_598 = arith.constant 0 : i32
    %dma_wait3A_599 = arith.constant 0 : i32
    %dma_wait3A_600 = tpu.memref_slice %arg4[%dma_wait3A_598, %dma_wait3A_599] : memref<50000x32xf32, #tpu.memory_space<hbm>> -> memref<50000x32xf32, #tpu.memory_space<hbm>>
    tpu.wait_indirect_dma semaphore(%arg10 : memref<!tpu.dma_semaphore, #tpu.memory_space<semaphore_mem>>) src(%dma_wait3A_600 : memref<50000x32xf32, #tpu.memory_space<hbm>>) dst(%dma_wait3A_594 : memref<128x32xf32, #tpu.memory_space<vmem>>)
    %dma_wait3A_601 = arith.constant 14 : i32
    %dma_wait3A_602 = arith.constant 1792 : i32
    %dma_wait3A_603 = arith.constant 0 : i32
    %dma_wait3A_604 = tpu.memref_slice %arg8[%dma_wait3A_602, %dma_wait3A_603] : memref<2048x16xf32, #tpu.memory_space<vmem>> -> memref<128x16xf32, #tpu.memory_space<vmem>>
    %dma_wait3A_605 = arith.constant 0 : i32
    %dma_wait3A_606 = tpu.memref_slice %arg7[%dma_wait3A_601, %dma_wait3A_605] : memref<16x128xi32, #tpu.memory_space<vmem>> -> memref<1x128xi32, #tpu.memory_space<vmem>>
    %dma_wait3A_607 = tpu.memref_squeeze %dma_wait3A_606 : memref<1x128xi32, #tpu.memory_space<vmem>> -> memref<128xi32, #tpu.memory_space<vmem>>
    %dma_wait3A_608 = arith.constant 0 : i32
    %dma_wait3A_609 = arith.constant 0 : i32
    %dma_wait3A_610 = tpu.memref_slice %arg3[%dma_wait3A_608, %dma_wait3A_609] : memref<50000x16xf32, #tpu.memory_space<hbm>> -> memref<50000x16xf32, #tpu.memory_space<hbm>>
    tpu.wait_indirect_dma semaphore(%arg10 : memref<!tpu.dma_semaphore, #tpu.memory_space<semaphore_mem>>) src(%dma_wait3A_610 : memref<50000x16xf32, #tpu.memory_space<hbm>>) dst(%dma_wait3A_604 : memref<128x16xf32, #tpu.memory_space<vmem>>)
    %dma_wait3A_611 = arith.constant 14 : i32
    %dma_wait3A_612 = arith.constant 1792 : i32
    %dma_wait3A_613 = arith.constant 0 : i32
    %dma_wait3A_614 = tpu.memref_slice %arg9[%dma_wait3A_612, %dma_wait3A_613] : memref<2048x32xf32, #tpu.memory_space<vmem>> -> memref<128x32xf32, #tpu.memory_space<vmem>>
    %dma_wait3A_615 = arith.constant 0 : i32
    %dma_wait3A_616 = tpu.memref_slice %arg7[%dma_wait3A_611, %dma_wait3A_615] : memref<16x128xi32, #tpu.memory_space<vmem>> -> memref<1x128xi32, #tpu.memory_space<vmem>>
    %dma_wait3A_617 = tpu.memref_squeeze %dma_wait3A_616 : memref<1x128xi32, #tpu.memory_space<vmem>> -> memref<128xi32, #tpu.memory_space<vmem>>
    %dma_wait3A_618 = arith.constant 0 : i32
    %dma_wait3A_619 = arith.constant 0 : i32
    %dma_wait3A_620 = tpu.memref_slice %arg4[%dma_wait3A_618, %dma_wait3A_619] : memref<50000x32xf32, #tpu.memory_space<hbm>> -> memref<50000x32xf32, #tpu.memory_space<hbm>>
    tpu.wait_indirect_dma semaphore(%arg10 : memref<!tpu.dma_semaphore, #tpu.memory_space<semaphore_mem>>) src(%dma_wait3A_620 : memref<50000x32xf32, #tpu.memory_space<hbm>>) dst(%dma_wait3A_614 : memref<128x32xf32, #tpu.memory_space<vmem>>)
    %dma_wait3A_621 = arith.constant 15 : i32
    %dma_wait3A_622 = arith.constant 1920 : i32
    %dma_wait3A_623 = arith.constant 0 : i32
    %dma_wait3A_624 = tpu.memref_slice %arg8[%dma_wait3A_622, %dma_wait3A_623] : memref<2048x16xf32, #tpu.memory_space<vmem>> -> memref<128x16xf32, #tpu.memory_space<vmem>>
    %dma_wait3A_625 = arith.constant 0 : i32
    %dma_wait3A_626 = tpu.memref_slice %arg7[%dma_wait3A_621, %dma_wait3A_625] : memref<16x128xi32, #tpu.memory_space<vmem>> -> memref<1x128xi32, #tpu.memory_space<vmem>>
    %dma_wait3A_627 = tpu.memref_squeeze %dma_wait3A_626 : memref<1x128xi32, #tpu.memory_space<vmem>> -> memref<128xi32, #tpu.memory_space<vmem>>
    %dma_wait3A_628 = arith.constant 0 : i32
    %dma_wait3A_629 = arith.constant 0 : i32
    %dma_wait3A_630 = tpu.memref_slice %arg3[%dma_wait3A_628, %dma_wait3A_629] : memref<50000x16xf32, #tpu.memory_space<hbm>> -> memref<50000x16xf32, #tpu.memory_space<hbm>>
    tpu.wait_indirect_dma semaphore(%arg10 : memref<!tpu.dma_semaphore, #tpu.memory_space<semaphore_mem>>) src(%dma_wait3A_630 : memref<50000x16xf32, #tpu.memory_space<hbm>>) dst(%dma_wait3A_624 : memref<128x16xf32, #tpu.memory_space<vmem>>)
    %dma_wait3A_631 = arith.constant 15 : i32
    %dma_wait3A_632 = arith.constant 1920 : i32
    %dma_wait3A_633 = arith.constant 0 : i32
    %dma_wait3A_634 = tpu.memref_slice %arg9[%dma_wait3A_632, %dma_wait3A_633] : memref<2048x32xf32, #tpu.memory_space<vmem>> -> memref<128x32xf32, #tpu.memory_space<vmem>>
    %dma_wait3A_635 = arith.constant 0 : i32
    %dma_wait3A_636 = tpu.memref_slice %arg7[%dma_wait3A_631, %dma_wait3A_635] : memref<16x128xi32, #tpu.memory_space<vmem>> -> memref<1x128xi32, #tpu.memory_space<vmem>>
    %dma_wait3A_637 = tpu.memref_squeeze %dma_wait3A_636 : memref<1x128xi32, #tpu.memory_space<vmem>> -> memref<128xi32, #tpu.memory_space<vmem>>
    %dma_wait3A_638 = arith.constant 0 : i32
    %dma_wait3A_639 = arith.constant 0 : i32
    %dma_wait3A_640 = tpu.memref_slice %arg4[%dma_wait3A_638, %dma_wait3A_639] : memref<50000x32xf32, #tpu.memory_space<hbm>> -> memref<50000x32xf32, #tpu.memory_space<hbm>>
    tpu.wait_indirect_dma semaphore(%arg10 : memref<!tpu.dma_semaphore, #tpu.memory_space<semaphore_mem>>) src(%dma_wait3A_640 : memref<50000x32xf32, #tpu.memory_space<hbm>>) dst(%dma_wait3A_634 : memref<128x32xf32, #tpu.memory_space<vmem>>)
    %mul3A_641 = arith.constant 2048 : i32
    %mul3A_642 = arith.muli %add3A, %mul3A_641 : i32
    "tpu.region"() ({
      %run_scoped3A = tpu.sem_alloc : memref<!tpu.dma_semaphore, #tpu.memory_space<semaphore_mem>>
      %dma_start3A_645 = arith.constant 0 : i32
      %dma_start3A_646 = tpu.memref_slice %arg5[%mul3A_642, %dma_start3A_645] : memref<65536x16xf32, #tpu.memory_space<hbm>> -> memref<2048x16xf32, #tpu.memory_space<hbm>>
      %dma_start3A_647 = arith.constant 0 : i32
      %dma_start3A_648 = tpu.memref_slice %arg5[%mul3A_642, %dma_start3A_647] : memref<65536x16xf32, #tpu.memory_space<hbm>> -> memref<2048x16xf32, #tpu.memory_space<hbm>>
      tpu.enqueue_dma source(%arg8 : memref<2048x16xf32, #tpu.memory_space<vmem>>) target(%dma_start3A_648 : memref<2048x16xf32, #tpu.memory_space<hbm>>) target_semaphore(%run_scoped3A : memref<!tpu.dma_semaphore, #tpu.memory_space<semaphore_mem>>)
      %dma_wait3A_649 = arith.constant 0 : i32
      %dma_wait3A_650 = tpu.memref_slice %arg5[%mul3A_642, %dma_wait3A_649] : memref<65536x16xf32, #tpu.memory_space<hbm>> -> memref<2048x16xf32, #tpu.memory_space<hbm>>
      %dma_wait3A_651 = arith.constant 0 : i32
      %dma_wait3A_652 = tpu.memref_slice %arg5[%mul3A_642, %dma_wait3A_651] : memref<65536x16xf32, #tpu.memory_space<hbm>> -> memref<2048x16xf32, #tpu.memory_space<hbm>>
      tpu.wait_dma2 semaphore(%run_scoped3A : memref<!tpu.dma_semaphore, #tpu.memory_space<semaphore_mem>>) src(%arg8 : memref<2048x16xf32, #tpu.memory_space<vmem>>) dst(%dma_wait3A_652 : memref<2048x16xf32, #tpu.memory_space<hbm>>)
      tpu.yield
    }) : () -> ()
    %mul3A_643 = arith.constant 2048 : i32
    %mul3A_644 = arith.muli %add3A, %mul3A_643 : i32
    "tpu.region"() ({
      %run_scoped3A = tpu.sem_alloc : memref<!tpu.dma_semaphore, #tpu.memory_space<semaphore_mem>>
      %dma_start3A_645 = arith.constant 0 : i32
      %dma_start3A_646 = tpu.memref_slice %arg6[%mul3A_644, %dma_start3A_645] : memref<65536x32xf32, #tpu.memory_space<hbm>> -> memref<2048x32xf32, #tpu.memory_space<hbm>>
      %dma_start3A_647 = arith.constant 0 : i32
      %dma_start3A_648 = tpu.memref_slice %arg6[%mul3A_644, %dma_start3A_647] : memref<65536x32xf32, #tpu.memory_space<hbm>> -> memref<2048x32xf32, #tpu.memory_space<hbm>>
      tpu.enqueue_dma source(%arg9 : memref<2048x32xf32, #tpu.memory_space<vmem>>) target(%dma_start3A_648 : memref<2048x32xf32, #tpu.memory_space<hbm>>) target_semaphore(%run_scoped3A : memref<!tpu.dma_semaphore, #tpu.memory_space<semaphore_mem>>)
      %dma_wait3A_649 = arith.constant 0 : i32
      %dma_wait3A_650 = tpu.memref_slice %arg6[%mul3A_644, %dma_wait3A_649] : memref<65536x32xf32, #tpu.memory_space<hbm>> -> memref<2048x32xf32, #tpu.memory_space<hbm>>
      %dma_wait3A_651 = arith.constant 0 : i32
      %dma_wait3A_652 = tpu.memref_slice %arg6[%mul3A_644, %dma_wait3A_651] : memref<65536x32xf32, #tpu.memory_space<hbm>> -> memref<2048x32xf32, #tpu.memory_space<hbm>>
      tpu.wait_dma2 semaphore(%run_scoped3A : memref<!tpu.dma_semaphore, #tpu.memory_space<semaphore_mem>>) src(%arg9 : memref<2048x32xf32, #tpu.memory_space<vmem>>) dst(%dma_wait3A_652 : memref<2048x32xf32, #tpu.memory_space<hbm>>)
      tpu.yield
    }) : () -> ()
    return
  }
}

#map = affine_map<(d0, d1) -> (0, 0)>
module attributes {stable_mosaic.version = 14 : i64} {
  func.func @_k3_body(%arg0: i32, %arg1: i32, %arg2: memref<6400x128xi32, #tpu.memory_space<hbm>>, %arg3: memref<6400x128xi32, #tpu.memory_space<hbm>>, %arg4: memref<65536x64xf32, #tpu.memory_space<hbm>>, %arg5: memref<65536x64xf32, #tpu.memory_space<hbm>>, %arg6: memref<819200x2xf32, #tpu.memory_space<hbm>>, %arg7: memref<102400x16xf32, #tpu.memory_space<hbm>>, %arg8: memref<8x128xi32, #tpu.memory_space<vmem>>, %arg9: memref<8x128xi32, #tpu.memory_space<vmem>>, %arg10: memref<128x64xf32, #tpu.memory_space<vmem>>, %arg11: memref<128x64xf32, #tpu.memory_space<vmem>>, %arg12: memref<128x16xf32, #tpu.memory_space<vmem>>, %arg13: memref<128x2xf32, #tpu.memory_space<vmem>>, %arg14: memref<128x16xf32, #tpu.memory_space<vmem>>, %arg15: memref<51200x16xf32, #tpu.memory_space<vmem_shared>>, %arg16: memref<!tpu.dma_semaphore, #tpu.memory_space<semaphore_mem>>) attributes {dimension_semantics = [#tpu.dimension_semantics<core_parallel>, #tpu.dimension_semantics<subcore_parallel>], iteration_bounds = array<i64: 2, 16>, scalar_prefetch = 0 : i64, scratch_operands = 9 : i64, tpu.core_type = #tpu.core_type<sc_vector_subcore>, window_params = [{transform_indices = #map}, {transform_indices = #map}, {transform_indices = #map}, {transform_indices = #map}, {transform_indices = #map}, {transform_indices = #map}]} {
    %mul3A = arith.constant 2 : i32
    %mul3A_0 = arith.muli %arg1, %mul3A : i32
    %add3A = arith.addi %mul3A_0, %arg0 : i32
    %broadcast_in_dim3A = arith.constant 0.000000e+00 : f32
    %broadcast_in_dim3A_1 = vector.broadcast %broadcast_in_dim3A : f32 to vector<16xf32>
    %scan3A = arith.constant 0 : i32
    %scan3A_2 = arith.constant 0 : i32
    %scan3A_3 = arith.constant 128 : i32
    %scan3A_4 = arith.addi %scan3A_2, %scan3A_3 : i32
    %scan3A_5 = arith.constant 1 : i32
    %scan3A_6 = scf.for %scan3A_38 = %scan3A_2 to %scan3A_4 step %scan3A_5 iter_args(%scan3A_39 = %scan3A) -> (i32)  : i32 {
      %swap3A = arith.index_cast %scan3A_38 : i32 to index
      %swap3A_40 = arith.constant 0 : index
      %swap3A_41 = tpu.vector_load %arg14[%swap3A, %swap3A_40] {strides = array<i32>} : memref<128x16xf32, #tpu.memory_space<vmem>>, vector<16xf32>,
      tpu.vector_store %arg14[%swap3A, %swap3A_40], %broadcast_in_dim3A_1 {strides = array<i32>} : memref<128x16xf32, #tpu.memory_space<vmem>>, vector<16xf32>,
      %scan3A_42 = arith.constant 0 : i32
      scf.yield %scan3A_42 : i32
    }
    %scan3A_7 = arith.constant 128 : i32
    %scan3A_8 = arith.constant 0 : i32
    %scan3A_9 = arith.constant 0 : i32
    %scan3A_10 = arith.constant 128 : i32
    %scan3A_11 = arith.addi %scan3A_9, %scan3A_10 : i32
    %scan3A_12 = arith.constant 1 : i32
    %scan3A_13 = scf.for %scan3A_38 = %scan3A_9 to %scan3A_11 step %scan3A_12 iter_args(%scan3A_39 = %scan3A_8) -> (i32)  : i32 {
      %swap3A = arith.index_cast %scan3A_38 : i32 to index
      %swap3A_40 = arith.constant 0 : index
      %swap3A_41 = tpu.vector_load %arg12[%swap3A, %swap3A_40] {strides = array<i32>} : memref<128x16xf32, #tpu.memory_space<vmem>>, vector<16xf32>,
      tpu.vector_store %arg12[%swap3A, %swap3A_40], %broadcast_in_dim3A_1 {strides = array<i32>} : memref<128x16xf32, #tpu.memory_space<vmem>>, vector<16xf32>,
      %scan3A_42 = arith.constant 0 : i32
      scf.yield %scan3A_42 : i32
    }
    %scan3A_14 = arith.constant 128 : i32
    %scan3A_15 = arith.constant 0 : i32
    %scan3A_16 = arith.constant 0 : i32
    %scan3A_17 = arith.constant 25 : i32
    %scan3A_18 = arith.addi %scan3A_16, %scan3A_17 : i32
    %scan3A_19 = arith.constant 1 : i32
    %scan3A_20 = scf.for %scan3A_38 = %scan3A_16 to %scan3A_18 step %scan3A_19 iter_args(%scan3A_39 = %scan3A_15) -> (i32)  : i32 {
      %mul3A_40 = arith.constant 3200 : i32
      %mul3A_41 = arith.muli %arg1, %mul3A_40 : i32
      %mul3A_42 = arith.constant 128 : i32
      %mul3A_43 = arith.muli %scan3A_38, %mul3A_42 : i32
      %add3A_44 = arith.addi %mul3A_41, %mul3A_43 : i32
      "tpu.region"() ({
        %run_scoped3A = tpu.sem_alloc : memref<!tpu.dma_semaphore, #tpu.memory_space<semaphore_mem>>
        %dma_start3A = arith.constant 0 : i32
        %dma_start3A_46 = tpu.memref_slice %arg15[%add3A_44, %dma_start3A] : memref<51200x16xf32, #tpu.memory_space<vmem_shared>> -> memref<128x16xf32, #tpu.memory_space<vmem_shared>>
        %dma_start3A_47 = arith.constant 0 : i32
        %dma_start3A_48 = tpu.memref_slice %arg15[%add3A_44, %dma_start3A_47] : memref<51200x16xf32, #tpu.memory_space<vmem_shared>> -> memref<128x16xf32, #tpu.memory_space<vmem_shared>>
        tpu.enqueue_dma source(%arg14 : memref<128x16xf32, #tpu.memory_space<vmem>>) target(%dma_start3A_48 : memref<128x16xf32, #tpu.memory_space<vmem_shared>>) target_semaphore(%run_scoped3A : memref<!tpu.dma_semaphore, #tpu.memory_space<semaphore_mem>>)
        %dma_wait3A = arith.constant 0 : i32
        %dma_wait3A_49 = tpu.memref_slice %arg15[%add3A_44, %dma_wait3A] : memref<51200x16xf32, #tpu.memory_space<vmem_shared>> -> memref<128x16xf32, #tpu.memory_space<vmem_shared>>
        %dma_wait3A_50 = arith.constant 0 : i32
        %dma_wait3A_51 = tpu.memref_slice %arg15[%add3A_44, %dma_wait3A_50] : memref<51200x16xf32, #tpu.memory_space<vmem_shared>> -> memref<128x16xf32, #tpu.memory_space<vmem_shared>>
        tpu.wait_dma2 semaphore(%run_scoped3A : memref<!tpu.dma_semaphore, #tpu.memory_space<semaphore_mem>>) src(%arg14 : memref<128x16xf32, #tpu.memory_space<vmem>>) dst(%dma_wait3A_51 : memref<128x16xf32, #tpu.memory_space<vmem_shared>>)
        tpu.yield
      }) : () -> ()
      %scan3A_45 = arith.constant 0 : i32
      scf.yield %scan3A_45 : i32
    }
    %scan3A_21 = arith.constant 25 : i32
    %barrier3A = arith.constant 0 : index
    tpu.barrier barrier_id(%barrier3A)
    %scan3A_22 = arith.constant 0.176776692 : f32
    %scan3A_23 = arith.constant 0 : i32
    %scan3A_24 = arith.constant 0 : i32
    %scan3A_25 = arith.constant 25 : i32
    %scan3A_26 = arith.addi %scan3A_24, %scan3A_25 : i32
    %scan3A_27 = arith.constant 1 : i32
    %scan3A_28 = scf.for %scan3A_38 = %scan3A_24 to %scan3A_26 step %scan3A_27 iter_args(%scan3A_39 = %scan3A_23) -> (i32)  : i32 {
      %mul3A_40 = arith.constant 200 : i32
      %mul3A_41 = arith.muli %add3A, %mul3A_40 : i32
      %mul3A_42 = arith.constant 8 : i32
      %mul3A_43 = arith.muli %scan3A_38, %mul3A_42 : i32
      %add3A_44 = arith.addi %mul3A_41, %mul3A_43 : i32
      "tpu.region"() ({
        %run_scoped3A = tpu.sem_alloc : memref<!tpu.dma_semaphore, #tpu.memory_space<semaphore_mem>>
        %dma_start3A = arith.constant 0 : i32
        %dma_start3A_53 = tpu.memref_slice %arg2[%add3A_44, %dma_start3A] : memref<6400x128xi32, #tpu.memory_space<hbm>> -> memref<8x128xi32, #tpu.memory_space<hbm>>
        %dma_start3A_54 = arith.constant 0 : i32
        %dma_start3A_55 = tpu.memref_slice %arg2[%add3A_44, %dma_start3A_54] : memref<6400x128xi32, #tpu.memory_space<hbm>> -> memref<8x128xi32, #tpu.memory_space<hbm>>
        tpu.enqueue_dma source(%dma_start3A_55 : memref<8x128xi32, #tpu.memory_space<hbm>>) target(%arg8 : memref<8x128xi32, #tpu.memory_space<vmem>>) target_semaphore(%run_scoped3A : memref<!tpu.dma_semaphore, #tpu.memory_space<semaphore_mem>>)
        %dma_wait3A = arith.constant 0 : i32
        %dma_wait3A_56 = tpu.memref_slice %arg2[%add3A_44, %dma_wait3A] : memref<6400x128xi32, #tpu.memory_space<hbm>> -> memref<8x128xi32, #tpu.memory_space<hbm>>
        %dma_wait3A_57 = arith.constant 0 : i32
        %dma_wait3A_58 = tpu.memref_slice %arg2[%add3A_44, %dma_wait3A_57] : memref<6400x128xi32, #tpu.memory_space<hbm>> -> memref<8x128xi32, #tpu.memory_space<hbm>>
        tpu.wait_dma2 semaphore(%run_scoped3A : memref<!tpu.dma_semaphore, #tpu.memory_space<semaphore_mem>>) src(%dma_wait3A_58 : memref<8x128xi32, #tpu.memory_space<hbm>>) dst(%arg8 : memref<8x128xi32, #tpu.memory_space<vmem>>)
        tpu.yield
      }) : () -> ()
      "tpu.region"() ({
        %run_scoped3A = tpu.sem_alloc : memref<!tpu.dma_semaphore, #tpu.memory_space<semaphore_mem>>
        %dma_start3A = arith.constant 0 : i32
        %dma_start3A_53 = tpu.memref_slice %arg3[%add3A_44, %dma_start3A] : memref<6400x128xi32, #tpu.memory_space<hbm>> -> memref<8x128xi32, #tpu.memory_space<hbm>>
        %dma_start3A_54 = arith.constant 0 : i32
        %dma_start3A_55 = tpu.memref_slice %arg3[%add3A_44, %dma_start3A_54] : memref<6400x128xi32, #tpu.memory_space<hbm>> -> memref<8x128xi32, #tpu.memory_space<hbm>>
        tpu.enqueue_dma source(%dma_start3A_55 : memref<8x128xi32, #tpu.memory_space<hbm>>) target(%arg9 : memref<8x128xi32, #tpu.memory_space<vmem>>) target_semaphore(%run_scoped3A : memref<!tpu.dma_semaphore, #tpu.memory_space<semaphore_mem>>)
        %dma_wait3A = arith.constant 0 : i32
        %dma_wait3A_56 = tpu.memref_slice %arg3[%add3A_44, %dma_wait3A] : memref<6400x128xi32, #tpu.memory_space<hbm>> -> memref<8x128xi32, #tpu.memory_space<hbm>>
        %dma_wait3A_57 = arith.constant 0 : i32
        %dma_wait3A_58 = tpu.memref_slice %arg3[%add3A_44, %dma_wait3A_57] : memref<6400x128xi32, #tpu.memory_space<hbm>> -> memref<8x128xi32, #tpu.memory_space<hbm>>
        tpu.wait_dma2 semaphore(%run_scoped3A : memref<!tpu.dma_semaphore, #tpu.memory_space<semaphore_mem>>) src(%dma_wait3A_58 : memref<8x128xi32, #tpu.memory_space<hbm>>) dst(%arg9 : memref<8x128xi32, #tpu.memory_space<vmem>>)
        tpu.yield
      }) : () -> ()
      %scan3A_45 = arith.constant 0 : i32
      %scan3A_46 = arith.constant 0 : i32
      %scan3A_47 = arith.constant 8 : i32
      %scan3A_48 = arith.addi %scan3A_46, %scan3A_47 : i32
      %scan3A_49 = arith.constant 1 : i32
      %scan3A_50 = scf.for %scan3A_53 = %scan3A_46 to %scan3A_48 step %scan3A_49 iter_args(%scan3A_54 = %scan3A_45) -> (i32)  : i32 {
        %dma_start3A = arith.constant 0 : i32
        %dma_start3A_55 = tpu.memref_slice %arg8[%scan3A_53, %dma_start3A] : memref<8x128xi32, #tpu.memory_space<vmem>> -> memref<1x128xi32, #tpu.memory_space<vmem>>
        %dma_start3A_56 = tpu.memref_squeeze %dma_start3A_55 : memref<1x128xi32, #tpu.memory_space<vmem>> -> memref<128xi32, #tpu.memory_space<vmem>>
        %dma_start3A_57 = arith.constant 0 : i32
        %dma_start3A_58 = arith.constant 0 : i32
        %dma_start3A_59 = tpu.memref_slice %arg4[%dma_start3A_57, %dma_start3A_58] : memref<65536x64xf32, #tpu.memory_space<hbm>> -> memref<65536x64xf32, #tpu.memory_space<hbm>>
        tpu.enqueue_indirect_dma source(%dma_start3A_59 : memref<65536x64xf32, #tpu.memory_space<hbm>>) target(%arg10 : memref<128x64xf32, #tpu.memory_space<vmem>>) offsets(%dma_start3A_56 : memref<128xi32, #tpu.memory_space<vmem>>) semaphore(%arg16 : memref<!tpu.dma_semaphore, #tpu.memory_space<semaphore_mem>>)
        %dma_start3A_60 = arith.constant 0 : i32
        %dma_start3A_61 = tpu.memref_slice %arg9[%scan3A_53, %dma_start3A_60] : memref<8x128xi32, #tpu.memory_space<vmem>> -> memref<1x128xi32, #tpu.memory_space<vmem>>
        %dma_start3A_62 = tpu.memref_squeeze %dma_start3A_61 : memref<1x128xi32, #tpu.memory_space<vmem>> -> memref<128xi32, #tpu.memory_space<vmem>>
        %dma_start3A_63 = arith.constant 0 : i32
        %dma_start3A_64 = arith.constant 0 : i32
        %dma_start3A_65 = tpu.memref_slice %arg5[%dma_start3A_63, %dma_start3A_64] : memref<65536x64xf32, #tpu.memory_space<hbm>> -> memref<65536x64xf32, #tpu.memory_space<hbm>>
        tpu.enqueue_indirect_dma source(%dma_start3A_65 : memref<65536x64xf32, #tpu.memory_space<hbm>>) target(%arg11 : memref<128x64xf32, #tpu.memory_space<vmem>>) offsets(%dma_start3A_62 : memref<128xi32, #tpu.memory_space<vmem>>) semaphore(%arg16 : memref<!tpu.dma_semaphore, #tpu.memory_space<semaphore_mem>>)
        %dma_wait3A = arith.constant 0 : i32
        %dma_wait3A_66 = tpu.memref_slice %arg8[%scan3A_53, %dma_wait3A] : memref<8x128xi32, #tpu.memory_space<vmem>> -> memref<1x128xi32, #tpu.memory_space<vmem>>
        %dma_wait3A_67 = tpu.memref_squeeze %dma_wait3A_66 : memref<1x128xi32, #tpu.memory_space<vmem>> -> memref<128xi32, #tpu.memory_space<vmem>>
        %dma_wait3A_68 = arith.constant 0 : i32
        %dma_wait3A_69 = arith.constant 0 : i32
        %dma_wait3A_70 = tpu.memref_slice %arg4[%dma_wait3A_68, %dma_wait3A_69] : memref<65536x64xf32, #tpu.memory_space<hbm>> -> memref<65536x64xf32, #tpu.memory_space<hbm>>
        tpu.wait_indirect_dma semaphore(%arg16 : memref<!tpu.dma_semaphore, #tpu.memory_space<semaphore_mem>>) src(%dma_wait3A_70 : memref<65536x64xf32, #tpu.memory_space<hbm>>) dst(%arg10 : memref<128x64xf32, #tpu.memory_space<vmem>>)
        %dma_wait3A_71 = arith.constant 0 : i32
        %dma_wait3A_72 = tpu.memref_slice %arg9[%scan3A_53, %dma_wait3A_71] : memref<8x128xi32, #tpu.memory_space<vmem>> -> memref<1x128xi32, #tpu.memory_space<vmem>>
        %dma_wait3A_73 = tpu.memref_squeeze %dma_wait3A_72 : memref<1x128xi32, #tpu.memory_space<vmem>> -> memref<128xi32, #tpu.memory_space<vmem>>
        %dma_wait3A_74 = arith.constant 0 : i32
        %dma_wait3A_75 = arith.constant 0 : i32
        %dma_wait3A_76 = tpu.memref_slice %arg5[%dma_wait3A_74, %dma_wait3A_75] : memref<65536x64xf32, #tpu.memory_space<hbm>> -> memref<65536x64xf32, #tpu.memory_space<hbm>>
        tpu.wait_indirect_dma semaphore(%arg16 : memref<!tpu.dma_semaphore, #tpu.memory_space<semaphore_mem>>) src(%dma_wait3A_76 : memref<65536x64xf32, #tpu.memory_space<hbm>>) dst(%arg11 : memref<128x64xf32, #tpu.memory_space<vmem>>)
        %scan3A_77 = arith.constant 0 : i32
        %scan3A_78 = arith.constant 0 : i32
        %scan3A_79 = arith.constant 8 : i32
        %scan3A_80 = arith.addi %scan3A_78, %scan3A_79 : i32
        %scan3A_81 = arith.constant 1 : i32
        %scan3A_82 = scf.for %scan3A_93 = %scan3A_78 to %scan3A_80 step %scan3A_81 iter_args(%scan3A_94 = %scan3A_77) -> (i32)  : i32 {
          %mul3A_95 = arith.constant 16 : i32
          %mul3A_96 = arith.muli %scan3A_93, %mul3A_95 : i32
          %iota3A = tpu.iota {dimensions = array<i32: 0>} : vector<16xi32>
          %add3A_97 = vector.broadcast %mul3A_96 : i32 to vector<16xi32>
          %add3A_98 = arith.addi %add3A_97, %iota3A : vector<16xi32>
          %broadcast_in_dim3A_99 = arith.constant 0.000000e+00 : f32
          %broadcast_in_dim3A_100 = vector.broadcast %broadcast_in_dim3A_99 : f32 to vector<16xf32>
          %broadcast_in_dim3A_101 = arith.constant 0 : i32
          %broadcast_in_dim3A_102 = vector.broadcast %broadcast_in_dim3A_101 : i32 to vector<16xi32>
          %gather3A = tpu.vector_load_idx %arg10[%add3A_98, %broadcast_in_dim3A_102] : memref<128x64xf32, #tpu.memory_space<vmem>>[vector<16xi32>, vector<16xi32>], vector<16xf32>,
          %gather3A_103 = tpu.vector_load_idx %arg11[%add3A_98, %broadcast_in_dim3A_102] : memref<128x64xf32, #tpu.memory_space<vmem>>[vector<16xi32>, vector<16xi32>], vector<16xf32>,
          %mul3A_104 = arith.mulf %gather3A, %gather3A_103 : vector<16xf32>
          %add3A_105 = arith.addf %broadcast_in_dim3A_100, %mul3A_104 : vector<16xf32>
          %broadcast_in_dim3A_106 = arith.constant 1 : i32
          %broadcast_in_dim3A_107 = vector.broadcast %broadcast_in_dim3A_106 : i32 to vector<16xi32>
          %gather3A_108 = tpu.vector_load_idx %arg10[%add3A_98, %broadcast_in_dim3A_107] : memref<128x64xf32, #tpu.memory_space<vmem>>[vector<16xi32>, vector<16xi32>], vector<16xf32>,
          %gather3A_109 = tpu.vector_load_idx %arg11[%add3A_98, %broadcast_in_dim3A_107] : memref<128x64xf32, #tpu.memory_space<vmem>>[vector<16xi32>, vector<16xi32>], vector<16xf32>,
          %mul3A_110 = arith.mulf %gather3A_108, %gather3A_109 : vector<16xf32>
          %add3A_111 = arith.addf %add3A_105, %mul3A_110 : vector<16xf32>
          %broadcast_in_dim3A_112 = arith.constant 2 : i32
          %broadcast_in_dim3A_113 = vector.broadcast %broadcast_in_dim3A_112 : i32 to vector<16xi32>
          %gather3A_114 = tpu.vector_load_idx %arg10[%add3A_98, %broadcast_in_dim3A_113] : memref<128x64xf32, #tpu.memory_space<vmem>>[vector<16xi32>, vector<16xi32>], vector<16xf32>,
          %gather3A_115 = tpu.vector_load_idx %arg11[%add3A_98, %broadcast_in_dim3A_113] : memref<128x64xf32, #tpu.memory_space<vmem>>[vector<16xi32>, vector<16xi32>], vector<16xf32>,
          %mul3A_116 = arith.mulf %gather3A_114, %gather3A_115 : vector<16xf32>
          %add3A_117 = arith.addf %add3A_111, %mul3A_116 : vector<16xf32>
          %broadcast_in_dim3A_118 = arith.constant 3 : i32
          %broadcast_in_dim3A_119 = vector.broadcast %broadcast_in_dim3A_118 : i32 to vector<16xi32>
          %gather3A_120 = tpu.vector_load_idx %arg10[%add3A_98, %broadcast_in_dim3A_119] : memref<128x64xf32, #tpu.memory_space<vmem>>[vector<16xi32>, vector<16xi32>], vector<16xf32>,
          %gather3A_121 = tpu.vector_load_idx %arg11[%add3A_98, %broadcast_in_dim3A_119] : memref<128x64xf32, #tpu.memory_space<vmem>>[vector<16xi32>, vector<16xi32>], vector<16xf32>,
          %mul3A_122 = arith.mulf %gather3A_120, %gather3A_121 : vector<16xf32>
          %add3A_123 = arith.addf %add3A_117, %mul3A_122 : vector<16xf32>
          %broadcast_in_dim3A_124 = arith.constant 4 : i32
          %broadcast_in_dim3A_125 = vector.broadcast %broadcast_in_dim3A_124 : i32 to vector<16xi32>
          %gather3A_126 = tpu.vector_load_idx %arg10[%add3A_98, %broadcast_in_dim3A_125] : memref<128x64xf32, #tpu.memory_space<vmem>>[vector<16xi32>, vector<16xi32>], vector<16xf32>,
          %gather3A_127 = tpu.vector_load_idx %arg11[%add3A_98, %broadcast_in_dim3A_125] : memref<128x64xf32, #tpu.memory_space<vmem>>[vector<16xi32>, vector<16xi32>], vector<16xf32>,
          %mul3A_128 = arith.mulf %gather3A_126, %gather3A_127 : vector<16xf32>
          %add3A_129 = arith.addf %add3A_123, %mul3A_128 : vector<16xf32>
          %broadcast_in_dim3A_130 = arith.constant 5 : i32
          %broadcast_in_dim3A_131 = vector.broadcast %broadcast_in_dim3A_130 : i32 to vector<16xi32>
          %gather3A_132 = tpu.vector_load_idx %arg10[%add3A_98, %broadcast_in_dim3A_131] : memref<128x64xf32, #tpu.memory_space<vmem>>[vector<16xi32>, vector<16xi32>], vector<16xf32>,
          %gather3A_133 = tpu.vector_load_idx %arg11[%add3A_98, %broadcast_in_dim3A_131] : memref<128x64xf32, #tpu.memory_space<vmem>>[vector<16xi32>, vector<16xi32>], vector<16xf32>,
          %mul3A_134 = arith.mulf %gather3A_132, %gather3A_133 : vector<16xf32>
          %add3A_135 = arith.addf %add3A_129, %mul3A_134 : vector<16xf32>
          %broadcast_in_dim3A_136 = arith.constant 6 : i32
          %broadcast_in_dim3A_137 = vector.broadcast %broadcast_in_dim3A_136 : i32 to vector<16xi32>
          %gather3A_138 = tpu.vector_load_idx %arg10[%add3A_98, %broadcast_in_dim3A_137] : memref<128x64xf32, #tpu.memory_space<vmem>>[vector<16xi32>, vector<16xi32>], vector<16xf32>,
          %gather3A_139 = tpu.vector_load_idx %arg11[%add3A_98, %broadcast_in_dim3A_137] : memref<128x64xf32, #tpu.memory_space<vmem>>[vector<16xi32>, vector<16xi32>], vector<16xf32>,
          %mul3A_140 = arith.mulf %gather3A_138, %gather3A_139 : vector<16xf32>
          %add3A_141 = arith.addf %add3A_135, %mul3A_140 : vector<16xf32>
          %broadcast_in_dim3A_142 = arith.constant 7 : i32
          %broadcast_in_dim3A_143 = vector.broadcast %broadcast_in_dim3A_142 : i32 to vector<16xi32>
          %gather3A_144 = tpu.vector_load_idx %arg10[%add3A_98, %broadcast_in_dim3A_143] : memref<128x64xf32, #tpu.memory_space<vmem>>[vector<16xi32>, vector<16xi32>], vector<16xf32>,
          %gather3A_145 = tpu.vector_load_idx %arg11[%add3A_98, %broadcast_in_dim3A_143] : memref<128x64xf32, #tpu.memory_space<vmem>>[vector<16xi32>, vector<16xi32>], vector<16xf32>,
          %mul3A_146 = arith.mulf %gather3A_144, %gather3A_145 : vector<16xf32>
          %add3A_147 = arith.addf %add3A_141, %mul3A_146 : vector<16xf32>
          %broadcast_in_dim3A_148 = arith.constant 8 : i32
          %broadcast_in_dim3A_149 = vector.broadcast %broadcast_in_dim3A_148 : i32 to vector<16xi32>
          %gather3A_150 = tpu.vector_load_idx %arg10[%add3A_98, %broadcast_in_dim3A_149] : memref<128x64xf32, #tpu.memory_space<vmem>>[vector<16xi32>, vector<16xi32>], vector<16xf32>,
          %gather3A_151 = tpu.vector_load_idx %arg11[%add3A_98, %broadcast_in_dim3A_149] : memref<128x64xf32, #tpu.memory_space<vmem>>[vector<16xi32>, vector<16xi32>], vector<16xf32>,
          %mul3A_152 = arith.mulf %gather3A_150, %gather3A_151 : vector<16xf32>
          %add3A_153 = arith.addf %add3A_147, %mul3A_152 : vector<16xf32>
          %broadcast_in_dim3A_154 = arith.constant 9 : i32
          %broadcast_in_dim3A_155 = vector.broadcast %broadcast_in_dim3A_154 : i32 to vector<16xi32>
          %gather3A_156 = tpu.vector_load_idx %arg10[%add3A_98, %broadcast_in_dim3A_155] : memref<128x64xf32, #tpu.memory_space<vmem>>[vector<16xi32>, vector<16xi32>], vector<16xf32>,
          %gather3A_157 = tpu.vector_load_idx %arg11[%add3A_98, %broadcast_in_dim3A_155] : memref<128x64xf32, #tpu.memory_space<vmem>>[vector<16xi32>, vector<16xi32>], vector<16xf32>,
          %mul3A_158 = arith.mulf %gather3A_156, %gather3A_157 : vector<16xf32>
          %add3A_159 = arith.addf %add3A_153, %mul3A_158 : vector<16xf32>
          %broadcast_in_dim3A_160 = arith.constant 10 : i32
          %broadcast_in_dim3A_161 = vector.broadcast %broadcast_in_dim3A_160 : i32 to vector<16xi32>
          %gather3A_162 = tpu.vector_load_idx %arg10[%add3A_98, %broadcast_in_dim3A_161] : memref<128x64xf32, #tpu.memory_space<vmem>>[vector<16xi32>, vector<16xi32>], vector<16xf32>,
          %gather3A_163 = tpu.vector_load_idx %arg11[%add3A_98, %broadcast_in_dim3A_161] : memref<128x64xf32, #tpu.memory_space<vmem>>[vector<16xi32>, vector<16xi32>], vector<16xf32>,
          %mul3A_164 = arith.mulf %gather3A_162, %gather3A_163 : vector<16xf32>
          %add3A_165 = arith.addf %add3A_159, %mul3A_164 : vector<16xf32>
          %broadcast_in_dim3A_166 = arith.constant 11 : i32
          %broadcast_in_dim3A_167 = vector.broadcast %broadcast_in_dim3A_166 : i32 to vector<16xi32>
          %gather3A_168 = tpu.vector_load_idx %arg10[%add3A_98, %broadcast_in_dim3A_167] : memref<128x64xf32, #tpu.memory_space<vmem>>[vector<16xi32>, vector<16xi32>], vector<16xf32>,
          %gather3A_169 = tpu.vector_load_idx %arg11[%add3A_98, %broadcast_in_dim3A_167] : memref<128x64xf32, #tpu.memory_space<vmem>>[vector<16xi32>, vector<16xi32>], vector<16xf32>,
          %mul3A_170 = arith.mulf %gather3A_168, %gather3A_169 : vector<16xf32>
          %add3A_171 = arith.addf %add3A_165, %mul3A_170 : vector<16xf32>
          %broadcast_in_dim3A_172 = arith.constant 12 : i32
          %broadcast_in_dim3A_173 = vector.broadcast %broadcast_in_dim3A_172 : i32 to vector<16xi32>
          %gather3A_174 = tpu.vector_load_idx %arg10[%add3A_98, %broadcast_in_dim3A_173] : memref<128x64xf32, #tpu.memory_space<vmem>>[vector<16xi32>, vector<16xi32>], vector<16xf32>,
          %gather3A_175 = tpu.vector_load_idx %arg11[%add3A_98, %broadcast_in_dim3A_173] : memref<128x64xf32, #tpu.memory_space<vmem>>[vector<16xi32>, vector<16xi32>], vector<16xf32>,
          %mul3A_176 = arith.mulf %gather3A_174, %gather3A_175 : vector<16xf32>
          %add3A_177 = arith.addf %add3A_171, %mul3A_176 : vector<16xf32>
          %broadcast_in_dim3A_178 = arith.constant 13 : i32
          %broadcast_in_dim3A_179 = vector.broadcast %broadcast_in_dim3A_178 : i32 to vector<16xi32>
          %gather3A_180 = tpu.vector_load_idx %arg10[%add3A_98, %broadcast_in_dim3A_179] : memref<128x64xf32, #tpu.memory_space<vmem>>[vector<16xi32>, vector<16xi32>], vector<16xf32>,
          %gather3A_181 = tpu.vector_load_idx %arg11[%add3A_98, %broadcast_in_dim3A_179] : memref<128x64xf32, #tpu.memory_space<vmem>>[vector<16xi32>, vector<16xi32>], vector<16xf32>,
          %mul3A_182 = arith.mulf %gather3A_180, %gather3A_181 : vector<16xf32>
          %add3A_183 = arith.addf %add3A_177, %mul3A_182 : vector<16xf32>
          %broadcast_in_dim3A_184 = arith.constant 14 : i32
          %broadcast_in_dim3A_185 = vector.broadcast %broadcast_in_dim3A_184 : i32 to vector<16xi32>
          %gather3A_186 = tpu.vector_load_idx %arg10[%add3A_98, %broadcast_in_dim3A_185] : memref<128x64xf32, #tpu.memory_space<vmem>>[vector<16xi32>, vector<16xi32>], vector<16xf32>,
          %gather3A_187 = tpu.vector_load_idx %arg11[%add3A_98, %broadcast_in_dim3A_185] : memref<128x64xf32, #tpu.memory_space<vmem>>[vector<16xi32>, vector<16xi32>], vector<16xf32>,
          %mul3A_188 = arith.mulf %gather3A_186, %gather3A_187 : vector<16xf32>
          %add3A_189 = arith.addf %add3A_183, %mul3A_188 : vector<16xf32>
          %broadcast_in_dim3A_190 = arith.constant 15 : i32
          %broadcast_in_dim3A_191 = vector.broadcast %broadcast_in_dim3A_190 : i32 to vector<16xi32>
          %gather3A_192 = tpu.vector_load_idx %arg10[%add3A_98, %broadcast_in_dim3A_191] : memref<128x64xf32, #tpu.memory_space<vmem>>[vector<16xi32>, vector<16xi32>], vector<16xf32>,
          %gather3A_193 = tpu.vector_load_idx %arg11[%add3A_98, %broadcast_in_dim3A_191] : memref<128x64xf32, #tpu.memory_space<vmem>>[vector<16xi32>, vector<16xi32>], vector<16xf32>,
          %mul3A_194 = arith.mulf %gather3A_192, %gather3A_193 : vector<16xf32>
          %add3A_195 = arith.addf %add3A_189, %mul3A_194 : vector<16xf32>
          %broadcast_in_dim3A_196 = arith.constant 16 : i32
          %broadcast_in_dim3A_197 = vector.broadcast %broadcast_in_dim3A_196 : i32 to vector<16xi32>
          %gather3A_198 = tpu.vector_load_idx %arg10[%add3A_98, %broadcast_in_dim3A_197] : memref<128x64xf32, #tpu.memory_space<vmem>>[vector<16xi32>, vector<16xi32>], vector<16xf32>,
          %gather3A_199 = tpu.vector_load_idx %arg11[%add3A_98, %broadcast_in_dim3A_197] : memref<128x64xf32, #tpu.memory_space<vmem>>[vector<16xi32>, vector<16xi32>], vector<16xf32>,
          %mul3A_200 = arith.mulf %gather3A_198, %gather3A_199 : vector<16xf32>
          %add3A_201 = arith.addf %add3A_195, %mul3A_200 : vector<16xf32>
          %broadcast_in_dim3A_202 = arith.constant 17 : i32
          %broadcast_in_dim3A_203 = vector.broadcast %broadcast_in_dim3A_202 : i32 to vector<16xi32>
          %gather3A_204 = tpu.vector_load_idx %arg10[%add3A_98, %broadcast_in_dim3A_203] : memref<128x64xf32, #tpu.memory_space<vmem>>[vector<16xi32>, vector<16xi32>], vector<16xf32>,
          %gather3A_205 = tpu.vector_load_idx %arg11[%add3A_98, %broadcast_in_dim3A_203] : memref<128x64xf32, #tpu.memory_space<vmem>>[vector<16xi32>, vector<16xi32>], vector<16xf32>,
          %mul3A_206 = arith.mulf %gather3A_204, %gather3A_205 : vector<16xf32>
          %add3A_207 = arith.addf %add3A_201, %mul3A_206 : vector<16xf32>
          %broadcast_in_dim3A_208 = arith.constant 18 : i32
          %broadcast_in_dim3A_209 = vector.broadcast %broadcast_in_dim3A_208 : i32 to vector<16xi32>
          %gather3A_210 = tpu.vector_load_idx %arg10[%add3A_98, %broadcast_in_dim3A_209] : memref<128x64xf32, #tpu.memory_space<vmem>>[vector<16xi32>, vector<16xi32>], vector<16xf32>,
          %gather3A_211 = tpu.vector_load_idx %arg11[%add3A_98, %broadcast_in_dim3A_209] : memref<128x64xf32, #tpu.memory_space<vmem>>[vector<16xi32>, vector<16xi32>], vector<16xf32>,
          %mul3A_212 = arith.mulf %gather3A_210, %gather3A_211 : vector<16xf32>
          %add3A_213 = arith.addf %add3A_207, %mul3A_212 : vector<16xf32>
          %broadcast_in_dim3A_214 = arith.constant 19 : i32
          %broadcast_in_dim3A_215 = vector.broadcast %broadcast_in_dim3A_214 : i32 to vector<16xi32>
          %gather3A_216 = tpu.vector_load_idx %arg10[%add3A_98, %broadcast_in_dim3A_215] : memref<128x64xf32, #tpu.memory_space<vmem>>[vector<16xi32>, vector<16xi32>], vector<16xf32>,
          %gather3A_217 = tpu.vector_load_idx %arg11[%add3A_98, %broadcast_in_dim3A_215] : memref<128x64xf32, #tpu.memory_space<vmem>>[vector<16xi32>, vector<16xi32>], vector<16xf32>,
          %mul3A_218 = arith.mulf %gather3A_216, %gather3A_217 : vector<16xf32>
          %add3A_219 = arith.addf %add3A_213, %mul3A_218 : vector<16xf32>
          %broadcast_in_dim3A_220 = arith.constant 20 : i32
          %broadcast_in_dim3A_221 = vector.broadcast %broadcast_in_dim3A_220 : i32 to vector<16xi32>
          %gather3A_222 = tpu.vector_load_idx %arg10[%add3A_98, %broadcast_in_dim3A_221] : memref<128x64xf32, #tpu.memory_space<vmem>>[vector<16xi32>, vector<16xi32>], vector<16xf32>,
          %gather3A_223 = tpu.vector_load_idx %arg11[%add3A_98, %broadcast_in_dim3A_221] : memref<128x64xf32, #tpu.memory_space<vmem>>[vector<16xi32>, vector<16xi32>], vector<16xf32>,
          %mul3A_224 = arith.mulf %gather3A_222, %gather3A_223 : vector<16xf32>
          %add3A_225 = arith.addf %add3A_219, %mul3A_224 : vector<16xf32>
          %broadcast_in_dim3A_226 = arith.constant 21 : i32
          %broadcast_in_dim3A_227 = vector.broadcast %broadcast_in_dim3A_226 : i32 to vector<16xi32>
          %gather3A_228 = tpu.vector_load_idx %arg10[%add3A_98, %broadcast_in_dim3A_227] : memref<128x64xf32, #tpu.memory_space<vmem>>[vector<16xi32>, vector<16xi32>], vector<16xf32>,
          %gather3A_229 = tpu.vector_load_idx %arg11[%add3A_98, %broadcast_in_dim3A_227] : memref<128x64xf32, #tpu.memory_space<vmem>>[vector<16xi32>, vector<16xi32>], vector<16xf32>,
          %mul3A_230 = arith.mulf %gather3A_228, %gather3A_229 : vector<16xf32>
          %add3A_231 = arith.addf %add3A_225, %mul3A_230 : vector<16xf32>
          %broadcast_in_dim3A_232 = arith.constant 22 : i32
          %broadcast_in_dim3A_233 = vector.broadcast %broadcast_in_dim3A_232 : i32 to vector<16xi32>
          %gather3A_234 = tpu.vector_load_idx %arg10[%add3A_98, %broadcast_in_dim3A_233] : memref<128x64xf32, #tpu.memory_space<vmem>>[vector<16xi32>, vector<16xi32>], vector<16xf32>,
          %gather3A_235 = tpu.vector_load_idx %arg11[%add3A_98, %broadcast_in_dim3A_233] : memref<128x64xf32, #tpu.memory_space<vmem>>[vector<16xi32>, vector<16xi32>], vector<16xf32>,
          %mul3A_236 = arith.mulf %gather3A_234, %gather3A_235 : vector<16xf32>
          %add3A_237 = arith.addf %add3A_231, %mul3A_236 : vector<16xf32>
          %broadcast_in_dim3A_238 = arith.constant 23 : i32
          %broadcast_in_dim3A_239 = vector.broadcast %broadcast_in_dim3A_238 : i32 to vector<16xi32>
          %gather3A_240 = tpu.vector_load_idx %arg10[%add3A_98, %broadcast_in_dim3A_239] : memref<128x64xf32, #tpu.memory_space<vmem>>[vector<16xi32>, vector<16xi32>], vector<16xf32>,
          %gather3A_241 = tpu.vector_load_idx %arg11[%add3A_98, %broadcast_in_dim3A_239] : memref<128x64xf32, #tpu.memory_space<vmem>>[vector<16xi32>, vector<16xi32>], vector<16xf32>,
          %mul3A_242 = arith.mulf %gather3A_240, %gather3A_241 : vector<16xf32>
          %add3A_243 = arith.addf %add3A_237, %mul3A_242 : vector<16xf32>
          %broadcast_in_dim3A_244 = arith.constant 24 : i32
          %broadcast_in_dim3A_245 = vector.broadcast %broadcast_in_dim3A_244 : i32 to vector<16xi32>
          %gather3A_246 = tpu.vector_load_idx %arg10[%add3A_98, %broadcast_in_dim3A_245] : memref<128x64xf32, #tpu.memory_space<vmem>>[vector<16xi32>, vector<16xi32>], vector<16xf32>,
          %gather3A_247 = tpu.vector_load_idx %arg11[%add3A_98, %broadcast_in_dim3A_245] : memref<128x64xf32, #tpu.memory_space<vmem>>[vector<16xi32>, vector<16xi32>], vector<16xf32>,
          %mul3A_248 = arith.mulf %gather3A_246, %gather3A_247 : vector<16xf32>
          %add3A_249 = arith.addf %add3A_243, %mul3A_248 : vector<16xf32>
          %broadcast_in_dim3A_250 = arith.constant 25 : i32
          %broadcast_in_dim3A_251 = vector.broadcast %broadcast_in_dim3A_250 : i32 to vector<16xi32>
          %gather3A_252 = tpu.vector_load_idx %arg10[%add3A_98, %broadcast_in_dim3A_251] : memref<128x64xf32, #tpu.memory_space<vmem>>[vector<16xi32>, vector<16xi32>], vector<16xf32>,
          %gather3A_253 = tpu.vector_load_idx %arg11[%add3A_98, %broadcast_in_dim3A_251] : memref<128x64xf32, #tpu.memory_space<vmem>>[vector<16xi32>, vector<16xi32>], vector<16xf32>,
          %mul3A_254 = arith.mulf %gather3A_252, %gather3A_253 : vector<16xf32>
          %add3A_255 = arith.addf %add3A_249, %mul3A_254 : vector<16xf32>
          %broadcast_in_dim3A_256 = arith.constant 26 : i32
          %broadcast_in_dim3A_257 = vector.broadcast %broadcast_in_dim3A_256 : i32 to vector<16xi32>
          %gather3A_258 = tpu.vector_load_idx %arg10[%add3A_98, %broadcast_in_dim3A_257] : memref<128x64xf32, #tpu.memory_space<vmem>>[vector<16xi32>, vector<16xi32>], vector<16xf32>,
          %gather3A_259 = tpu.vector_load_idx %arg11[%add3A_98, %broadcast_in_dim3A_257] : memref<128x64xf32, #tpu.memory_space<vmem>>[vector<16xi32>, vector<16xi32>], vector<16xf32>,
          %mul3A_260 = arith.mulf %gather3A_258, %gather3A_259 : vector<16xf32>
          %add3A_261 = arith.addf %add3A_255, %mul3A_260 : vector<16xf32>
          %broadcast_in_dim3A_262 = arith.constant 27 : i32
          %broadcast_in_dim3A_263 = vector.broadcast %broadcast_in_dim3A_262 : i32 to vector<16xi32>
          %gather3A_264 = tpu.vector_load_idx %arg10[%add3A_98, %broadcast_in_dim3A_263] : memref<128x64xf32, #tpu.memory_space<vmem>>[vector<16xi32>, vector<16xi32>], vector<16xf32>,
          %gather3A_265 = tpu.vector_load_idx %arg11[%add3A_98, %broadcast_in_dim3A_263] : memref<128x64xf32, #tpu.memory_space<vmem>>[vector<16xi32>, vector<16xi32>], vector<16xf32>,
          %mul3A_266 = arith.mulf %gather3A_264, %gather3A_265 : vector<16xf32>
          %add3A_267 = arith.addf %add3A_261, %mul3A_266 : vector<16xf32>
          %broadcast_in_dim3A_268 = arith.constant 28 : i32
          %broadcast_in_dim3A_269 = vector.broadcast %broadcast_in_dim3A_268 : i32 to vector<16xi32>
          %gather3A_270 = tpu.vector_load_idx %arg10[%add3A_98, %broadcast_in_dim3A_269] : memref<128x64xf32, #tpu.memory_space<vmem>>[vector<16xi32>, vector<16xi32>], vector<16xf32>,
          %gather3A_271 = tpu.vector_load_idx %arg11[%add3A_98, %broadcast_in_dim3A_269] : memref<128x64xf32, #tpu.memory_space<vmem>>[vector<16xi32>, vector<16xi32>], vector<16xf32>,
          %mul3A_272 = arith.mulf %gather3A_270, %gather3A_271 : vector<16xf32>
          %add3A_273 = arith.addf %add3A_267, %mul3A_272 : vector<16xf32>
          %broadcast_in_dim3A_274 = arith.constant 29 : i32
          %broadcast_in_dim3A_275 = vector.broadcast %broadcast_in_dim3A_274 : i32 to vector<16xi32>
          %gather3A_276 = tpu.vector_load_idx %arg10[%add3A_98, %broadcast_in_dim3A_275] : memref<128x64xf32, #tpu.memory_space<vmem>>[vector<16xi32>, vector<16xi32>], vector<16xf32>,
          %gather3A_277 = tpu.vector_load_idx %arg11[%add3A_98, %broadcast_in_dim3A_275] : memref<128x64xf32, #tpu.memory_space<vmem>>[vector<16xi32>, vector<16xi32>], vector<16xf32>,
          %mul3A_278 = arith.mulf %gather3A_276, %gather3A_277 : vector<16xf32>
          %add3A_279 = arith.addf %add3A_273, %mul3A_278 : vector<16xf32>
          %broadcast_in_dim3A_280 = arith.constant 30 : i32
          %broadcast_in_dim3A_281 = vector.broadcast %broadcast_in_dim3A_280 : i32 to vector<16xi32>
          %gather3A_282 = tpu.vector_load_idx %arg10[%add3A_98, %broadcast_in_dim3A_281] : memref<128x64xf32, #tpu.memory_space<vmem>>[vector<16xi32>, vector<16xi32>], vector<16xf32>,
          %gather3A_283 = tpu.vector_load_idx %arg11[%add3A_98, %broadcast_in_dim3A_281] : memref<128x64xf32, #tpu.memory_space<vmem>>[vector<16xi32>, vector<16xi32>], vector<16xf32>,
          %mul3A_284 = arith.mulf %gather3A_282, %gather3A_283 : vector<16xf32>
          %add3A_285 = arith.addf %add3A_279, %mul3A_284 : vector<16xf32>
          %broadcast_in_dim3A_286 = arith.constant 31 : i32
          %broadcast_in_dim3A_287 = vector.broadcast %broadcast_in_dim3A_286 : i32 to vector<16xi32>
          %gather3A_288 = tpu.vector_load_idx %arg10[%add3A_98, %broadcast_in_dim3A_287] : memref<128x64xf32, #tpu.memory_space<vmem>>[vector<16xi32>, vector<16xi32>], vector<16xf32>,
          %gather3A_289 = tpu.vector_load_idx %arg11[%add3A_98, %broadcast_in_dim3A_287] : memref<128x64xf32, #tpu.memory_space<vmem>>[vector<16xi32>, vector<16xi32>], vector<16xf32>,
          %mul3A_290 = arith.mulf %gather3A_288, %gather3A_289 : vector<16xf32>
          %add3A_291 = arith.addf %add3A_285, %mul3A_290 : vector<16xf32>
          %mul3A_292 = vector.broadcast %scan3A_22 : f32 to vector<16xf32>
          %mul3A_293 = arith.mulf %add3A_291, %mul3A_292 : vector<16xf32>
          %exp3A = math.exp %mul3A_293 : vector<16xf32>
          %broadcast_in_dim3A_294 = arith.constant 0 : i32
          %broadcast_in_dim3A_295 = vector.broadcast %broadcast_in_dim3A_294 : i32 to vector<16xi32>
          tpu.vector_store_idx %arg12[%add3A_98, %broadcast_in_dim3A_295], %exp3A : memref<128x16xf32, #tpu.memory_space<vmem>>[vector<16xi32>, vector<16xi32>], vector<16xf32>,
          tpu.vector_store_idx %arg13[%add3A_98, %broadcast_in_dim3A_295], %exp3A : memref<128x2xf32, #tpu.memory_space<vmem>>[vector<16xi32>, vector<16xi32>], vector<16xf32>,
          %broadcast_in_dim3A_296 = arith.constant 0.000000e+00 : f32
          %broadcast_in_dim3A_297 = vector.broadcast %broadcast_in_dim3A_296 : f32 to vector<16xf32>
          %broadcast_in_dim3A_298 = arith.constant 32 : i32
          %broadcast_in_dim3A_299 = vector.broadcast %broadcast_in_dim3A_298 : i32 to vector<16xi32>
          %gather3A_300 = tpu.vector_load_idx %arg10[%add3A_98, %broadcast_in_dim3A_299] : memref<128x64xf32, #tpu.memory_space<vmem>>[vector<16xi32>, vector<16xi32>], vector<16xf32>,
          %gather3A_301 = tpu.vector_load_idx %arg11[%add3A_98, %broadcast_in_dim3A_299] : memref<128x64xf32, #tpu.memory_space<vmem>>[vector<16xi32>, vector<16xi32>], vector<16xf32>,
          %mul3A_302 = arith.mulf %gather3A_300, %gather3A_301 : vector<16xf32>
          %add3A_303 = arith.addf %broadcast_in_dim3A_297, %mul3A_302 : vector<16xf32>
          %broadcast_in_dim3A_304 = arith.constant 33 : i32
          %broadcast_in_dim3A_305 = vector.broadcast %broadcast_in_dim3A_304 : i32 to vector<16xi32>
          %gather3A_306 = tpu.vector_load_idx %arg10[%add3A_98, %broadcast_in_dim3A_305] : memref<128x64xf32, #tpu.memory_space<vmem>>[vector<16xi32>, vector<16xi32>], vector<16xf32>,
          %gather3A_307 = tpu.vector_load_idx %arg11[%add3A_98, %broadcast_in_dim3A_305] : memref<128x64xf32, #tpu.memory_space<vmem>>[vector<16xi32>, vector<16xi32>], vector<16xf32>,
          %mul3A_308 = arith.mulf %gather3A_306, %gather3A_307 : vector<16xf32>
          %add3A_309 = arith.addf %add3A_303, %mul3A_308 : vector<16xf32>
          %broadcast_in_dim3A_310 = arith.constant 34 : i32
          %broadcast_in_dim3A_311 = vector.broadcast %broadcast_in_dim3A_310 : i32 to vector<16xi32>
          %gather3A_312 = tpu.vector_load_idx %arg10[%add3A_98, %broadcast_in_dim3A_311] : memref<128x64xf32, #tpu.memory_space<vmem>>[vector<16xi32>, vector<16xi32>], vector<16xf32>,
          %gather3A_313 = tpu.vector_load_idx %arg11[%add3A_98, %broadcast_in_dim3A_311] : memref<128x64xf32, #tpu.memory_space<vmem>>[vector<16xi32>, vector<16xi32>], vector<16xf32>,
          %mul3A_314 = arith.mulf %gather3A_312, %gather3A_313 : vector<16xf32>
          %add3A_315 = arith.addf %add3A_309, %mul3A_314 : vector<16xf32>
          %broadcast_in_dim3A_316 = arith.constant 35 : i32
          %broadcast_in_dim3A_317 = vector.broadcast %broadcast_in_dim3A_316 : i32 to vector<16xi32>
          %gather3A_318 = tpu.vector_load_idx %arg10[%add3A_98, %broadcast_in_dim3A_317] : memref<128x64xf32, #tpu.memory_space<vmem>>[vector<16xi32>, vector<16xi32>], vector<16xf32>,
          %gather3A_319 = tpu.vector_load_idx %arg11[%add3A_98, %broadcast_in_dim3A_317] : memref<128x64xf32, #tpu.memory_space<vmem>>[vector<16xi32>, vector<16xi32>], vector<16xf32>,
          %mul3A_320 = arith.mulf %gather3A_318, %gather3A_319 : vector<16xf32>
          %add3A_321 = arith.addf %add3A_315, %mul3A_320 : vector<16xf32>
          %broadcast_in_dim3A_322 = arith.constant 36 : i32
          %broadcast_in_dim3A_323 = vector.broadcast %broadcast_in_dim3A_322 : i32 to vector<16xi32>
          %gather3A_324 = tpu.vector_load_idx %arg10[%add3A_98, %broadcast_in_dim3A_323] : memref<128x64xf32, #tpu.memory_space<vmem>>[vector<16xi32>, vector<16xi32>], vector<16xf32>,
          %gather3A_325 = tpu.vector_load_idx %arg11[%add3A_98, %broadcast_in_dim3A_323] : memref<128x64xf32, #tpu.memory_space<vmem>>[vector<16xi32>, vector<16xi32>], vector<16xf32>,
          %mul3A_326 = arith.mulf %gather3A_324, %gather3A_325 : vector<16xf32>
          %add3A_327 = arith.addf %add3A_321, %mul3A_326 : vector<16xf32>
          %broadcast_in_dim3A_328 = arith.constant 37 : i32
          %broadcast_in_dim3A_329 = vector.broadcast %broadcast_in_dim3A_328 : i32 to vector<16xi32>
          %gather3A_330 = tpu.vector_load_idx %arg10[%add3A_98, %broadcast_in_dim3A_329] : memref<128x64xf32, #tpu.memory_space<vmem>>[vector<16xi32>, vector<16xi32>], vector<16xf32>,
          %gather3A_331 = tpu.vector_load_idx %arg11[%add3A_98, %broadcast_in_dim3A_329] : memref<128x64xf32, #tpu.memory_space<vmem>>[vector<16xi32>, vector<16xi32>], vector<16xf32>,
          %mul3A_332 = arith.mulf %gather3A_330, %gather3A_331 : vector<16xf32>
          %add3A_333 = arith.addf %add3A_327, %mul3A_332 : vector<16xf32>
          %broadcast_in_dim3A_334 = arith.constant 38 : i32
          %broadcast_in_dim3A_335 = vector.broadcast %broadcast_in_dim3A_334 : i32 to vector<16xi32>
          %gather3A_336 = tpu.vector_load_idx %arg10[%add3A_98, %broadcast_in_dim3A_335] : memref<128x64xf32, #tpu.memory_space<vmem>>[vector<16xi32>, vector<16xi32>], vector<16xf32>,
          %gather3A_337 = tpu.vector_load_idx %arg11[%add3A_98, %broadcast_in_dim3A_335] : memref<128x64xf32, #tpu.memory_space<vmem>>[vector<16xi32>, vector<16xi32>], vector<16xf32>,
          %mul3A_338 = arith.mulf %gather3A_336, %gather3A_337 : vector<16xf32>
          %add3A_339 = arith.addf %add3A_333, %mul3A_338 : vector<16xf32>
          %broadcast_in_dim3A_340 = arith.constant 39 : i32
          %broadcast_in_dim3A_341 = vector.broadcast %broadcast_in_dim3A_340 : i32 to vector<16xi32>
          %gather3A_342 = tpu.vector_load_idx %arg10[%add3A_98, %broadcast_in_dim3A_341] : memref<128x64xf32, #tpu.memory_space<vmem>>[vector<16xi32>, vector<16xi32>], vector<16xf32>,
          %gather3A_343 = tpu.vector_load_idx %arg11[%add3A_98, %broadcast_in_dim3A_341] : memref<128x64xf32, #tpu.memory_space<vmem>>[vector<16xi32>, vector<16xi32>], vector<16xf32>,
          %mul3A_344 = arith.mulf %gather3A_342, %gather3A_343 : vector<16xf32>
          %add3A_345 = arith.addf %add3A_339, %mul3A_344 : vector<16xf32>
          %broadcast_in_dim3A_346 = arith.constant 40 : i32
          %broadcast_in_dim3A_347 = vector.broadcast %broadcast_in_dim3A_346 : i32 to vector<16xi32>
          %gather3A_348 = tpu.vector_load_idx %arg10[%add3A_98, %broadcast_in_dim3A_347] : memref<128x64xf32, #tpu.memory_space<vmem>>[vector<16xi32>, vector<16xi32>], vector<16xf32>,
          %gather3A_349 = tpu.vector_load_idx %arg11[%add3A_98, %broadcast_in_dim3A_347] : memref<128x64xf32, #tpu.memory_space<vmem>>[vector<16xi32>, vector<16xi32>], vector<16xf32>,
          %mul3A_350 = arith.mulf %gather3A_348, %gather3A_349 : vector<16xf32>
          %add3A_351 = arith.addf %add3A_345, %mul3A_350 : vector<16xf32>
          %broadcast_in_dim3A_352 = arith.constant 41 : i32
          %broadcast_in_dim3A_353 = vector.broadcast %broadcast_in_dim3A_352 : i32 to vector<16xi32>
          %gather3A_354 = tpu.vector_load_idx %arg10[%add3A_98, %broadcast_in_dim3A_353] : memref<128x64xf32, #tpu.memory_space<vmem>>[vector<16xi32>, vector<16xi32>], vector<16xf32>,
          %gather3A_355 = tpu.vector_load_idx %arg11[%add3A_98, %broadcast_in_dim3A_353] : memref<128x64xf32, #tpu.memory_space<vmem>>[vector<16xi32>, vector<16xi32>], vector<16xf32>,
          %mul3A_356 = arith.mulf %gather3A_354, %gather3A_355 : vector<16xf32>
          %add3A_357 = arith.addf %add3A_351, %mul3A_356 : vector<16xf32>
          %broadcast_in_dim3A_358 = arith.constant 42 : i32
          %broadcast_in_dim3A_359 = vector.broadcast %broadcast_in_dim3A_358 : i32 to vector<16xi32>
          %gather3A_360 = tpu.vector_load_idx %arg10[%add3A_98, %broadcast_in_dim3A_359] : memref<128x64xf32, #tpu.memory_space<vmem>>[vector<16xi32>, vector<16xi32>], vector<16xf32>,
          %gather3A_361 = tpu.vector_load_idx %arg11[%add3A_98, %broadcast_in_dim3A_359] : memref<128x64xf32, #tpu.memory_space<vmem>>[vector<16xi32>, vector<16xi32>], vector<16xf32>,
          %mul3A_362 = arith.mulf %gather3A_360, %gather3A_361 : vector<16xf32>
          %add3A_363 = arith.addf %add3A_357, %mul3A_362 : vector<16xf32>
          %broadcast_in_dim3A_364 = arith.constant 43 : i32
          %broadcast_in_dim3A_365 = vector.broadcast %broadcast_in_dim3A_364 : i32 to vector<16xi32>
          %gather3A_366 = tpu.vector_load_idx %arg10[%add3A_98, %broadcast_in_dim3A_365] : memref<128x64xf32, #tpu.memory_space<vmem>>[vector<16xi32>, vector<16xi32>], vector<16xf32>,
          %gather3A_367 = tpu.vector_load_idx %arg11[%add3A_98, %broadcast_in_dim3A_365] : memref<128x64xf32, #tpu.memory_space<vmem>>[vector<16xi32>, vector<16xi32>], vector<16xf32>,
          %mul3A_368 = arith.mulf %gather3A_366, %gather3A_367 : vector<16xf32>
          %add3A_369 = arith.addf %add3A_363, %mul3A_368 : vector<16xf32>
          %broadcast_in_dim3A_370 = arith.constant 44 : i32
          %broadcast_in_dim3A_371 = vector.broadcast %broadcast_in_dim3A_370 : i32 to vector<16xi32>
          %gather3A_372 = tpu.vector_load_idx %arg10[%add3A_98, %broadcast_in_dim3A_371] : memref<128x64xf32, #tpu.memory_space<vmem>>[vector<16xi32>, vector<16xi32>], vector<16xf32>,
          %gather3A_373 = tpu.vector_load_idx %arg11[%add3A_98, %broadcast_in_dim3A_371] : memref<128x64xf32, #tpu.memory_space<vmem>>[vector<16xi32>, vector<16xi32>], vector<16xf32>,
          %mul3A_374 = arith.mulf %gather3A_372, %gather3A_373 : vector<16xf32>
          %add3A_375 = arith.addf %add3A_369, %mul3A_374 : vector<16xf32>
          %broadcast_in_dim3A_376 = arith.constant 45 : i32
          %broadcast_in_dim3A_377 = vector.broadcast %broadcast_in_dim3A_376 : i32 to vector<16xi32>
          %gather3A_378 = tpu.vector_load_idx %arg10[%add3A_98, %broadcast_in_dim3A_377] : memref<128x64xf32, #tpu.memory_space<vmem>>[vector<16xi32>, vector<16xi32>], vector<16xf32>,
          %gather3A_379 = tpu.vector_load_idx %arg11[%add3A_98, %broadcast_in_dim3A_377] : memref<128x64xf32, #tpu.memory_space<vmem>>[vector<16xi32>, vector<16xi32>], vector<16xf32>,
          %mul3A_380 = arith.mulf %gather3A_378, %gather3A_379 : vector<16xf32>
          %add3A_381 = arith.addf %add3A_375, %mul3A_380 : vector<16xf32>
          %broadcast_in_dim3A_382 = arith.constant 46 : i32
          %broadcast_in_dim3A_383 = vector.broadcast %broadcast_in_dim3A_382 : i32 to vector<16xi32>
          %gather3A_384 = tpu.vector_load_idx %arg10[%add3A_98, %broadcast_in_dim3A_383] : memref<128x64xf32, #tpu.memory_space<vmem>>[vector<16xi32>, vector<16xi32>], vector<16xf32>,
          %gather3A_385 = tpu.vector_load_idx %arg11[%add3A_98, %broadcast_in_dim3A_383] : memref<128x64xf32, #tpu.memory_space<vmem>>[vector<16xi32>, vector<16xi32>], vector<16xf32>,
          %mul3A_386 = arith.mulf %gather3A_384, %gather3A_385 : vector<16xf32>
          %add3A_387 = arith.addf %add3A_381, %mul3A_386 : vector<16xf32>
          %broadcast_in_dim3A_388 = arith.constant 47 : i32
          %broadcast_in_dim3A_389 = vector.broadcast %broadcast_in_dim3A_388 : i32 to vector<16xi32>
          %gather3A_390 = tpu.vector_load_idx %arg10[%add3A_98, %broadcast_in_dim3A_389] : memref<128x64xf32, #tpu.memory_space<vmem>>[vector<16xi32>, vector<16xi32>], vector<16xf32>,
          %gather3A_391 = tpu.vector_load_idx %arg11[%add3A_98, %broadcast_in_dim3A_389] : memref<128x64xf32, #tpu.memory_space<vmem>>[vector<16xi32>, vector<16xi32>], vector<16xf32>,
          %mul3A_392 = arith.mulf %gather3A_390, %gather3A_391 : vector<16xf32>
          %add3A_393 = arith.addf %add3A_387, %mul3A_392 : vector<16xf32>
          %broadcast_in_dim3A_394 = arith.constant 48 : i32
          %broadcast_in_dim3A_395 = vector.broadcast %broadcast_in_dim3A_394 : i32 to vector<16xi32>
          %gather3A_396 = tpu.vector_load_idx %arg10[%add3A_98, %broadcast_in_dim3A_395] : memref<128x64xf32, #tpu.memory_space<vmem>>[vector<16xi32>, vector<16xi32>], vector<16xf32>,
          %gather3A_397 = tpu.vector_load_idx %arg11[%add3A_98, %broadcast_in_dim3A_395] : memref<128x64xf32, #tpu.memory_space<vmem>>[vector<16xi32>, vector<16xi32>], vector<16xf32>,
          %mul3A_398 = arith.mulf %gather3A_396, %gather3A_397 : vector<16xf32>
          %add3A_399 = arith.addf %add3A_393, %mul3A_398 : vector<16xf32>
          %broadcast_in_dim3A_400 = arith.constant 49 : i32
          %broadcast_in_dim3A_401 = vector.broadcast %broadcast_in_dim3A_400 : i32 to vector<16xi32>
          %gather3A_402 = tpu.vector_load_idx %arg10[%add3A_98, %broadcast_in_dim3A_401] : memref<128x64xf32, #tpu.memory_space<vmem>>[vector<16xi32>, vector<16xi32>], vector<16xf32>,
          %gather3A_403 = tpu.vector_load_idx %arg11[%add3A_98, %broadcast_in_dim3A_401] : memref<128x64xf32, #tpu.memory_space<vmem>>[vector<16xi32>, vector<16xi32>], vector<16xf32>,
          %mul3A_404 = arith.mulf %gather3A_402, %gather3A_403 : vector<16xf32>
          %add3A_405 = arith.addf %add3A_399, %mul3A_404 : vector<16xf32>
          %broadcast_in_dim3A_406 = arith.constant 50 : i32
          %broadcast_in_dim3A_407 = vector.broadcast %broadcast_in_dim3A_406 : i32 to vector<16xi32>
          %gather3A_408 = tpu.vector_load_idx %arg10[%add3A_98, %broadcast_in_dim3A_407] : memref<128x64xf32, #tpu.memory_space<vmem>>[vector<16xi32>, vector<16xi32>], vector<16xf32>,
          %gather3A_409 = tpu.vector_load_idx %arg11[%add3A_98, %broadcast_in_dim3A_407] : memref<128x64xf32, #tpu.memory_space<vmem>>[vector<16xi32>, vector<16xi32>], vector<16xf32>,
          %mul3A_410 = arith.mulf %gather3A_408, %gather3A_409 : vector<16xf32>
          %add3A_411 = arith.addf %add3A_405, %mul3A_410 : vector<16xf32>
          %broadcast_in_dim3A_412 = arith.constant 51 : i32
          %broadcast_in_dim3A_413 = vector.broadcast %broadcast_in_dim3A_412 : i32 to vector<16xi32>
          %gather3A_414 = tpu.vector_load_idx %arg10[%add3A_98, %broadcast_in_dim3A_413] : memref<128x64xf32, #tpu.memory_space<vmem>>[vector<16xi32>, vector<16xi32>], vector<16xf32>,
          %gather3A_415 = tpu.vector_load_idx %arg11[%add3A_98, %broadcast_in_dim3A_413] : memref<128x64xf32, #tpu.memory_space<vmem>>[vector<16xi32>, vector<16xi32>], vector<16xf32>,
          %mul3A_416 = arith.mulf %gather3A_414, %gather3A_415 : vector<16xf32>
          %add3A_417 = arith.addf %add3A_411, %mul3A_416 : vector<16xf32>
          %broadcast_in_dim3A_418 = arith.constant 52 : i32
          %broadcast_in_dim3A_419 = vector.broadcast %broadcast_in_dim3A_418 : i32 to vector<16xi32>
          %gather3A_420 = tpu.vector_load_idx %arg10[%add3A_98, %broadcast_in_dim3A_419] : memref<128x64xf32, #tpu.memory_space<vmem>>[vector<16xi32>, vector<16xi32>], vector<16xf32>,
          %gather3A_421 = tpu.vector_load_idx %arg11[%add3A_98, %broadcast_in_dim3A_419] : memref<128x64xf32, #tpu.memory_space<vmem>>[vector<16xi32>, vector<16xi32>], vector<16xf32>,
          %mul3A_422 = arith.mulf %gather3A_420, %gather3A_421 : vector<16xf32>
          %add3A_423 = arith.addf %add3A_417, %mul3A_422 : vector<16xf32>
          %broadcast_in_dim3A_424 = arith.constant 53 : i32
          %broadcast_in_dim3A_425 = vector.broadcast %broadcast_in_dim3A_424 : i32 to vector<16xi32>
          %gather3A_426 = tpu.vector_load_idx %arg10[%add3A_98, %broadcast_in_dim3A_425] : memref<128x64xf32, #tpu.memory_space<vmem>>[vector<16xi32>, vector<16xi32>], vector<16xf32>,
          %gather3A_427 = tpu.vector_load_idx %arg11[%add3A_98, %broadcast_in_dim3A_425] : memref<128x64xf32, #tpu.memory_space<vmem>>[vector<16xi32>, vector<16xi32>], vector<16xf32>,
          %mul3A_428 = arith.mulf %gather3A_426, %gather3A_427 : vector<16xf32>
          %add3A_429 = arith.addf %add3A_423, %mul3A_428 : vector<16xf32>
          %broadcast_in_dim3A_430 = arith.constant 54 : i32
          %broadcast_in_dim3A_431 = vector.broadcast %broadcast_in_dim3A_430 : i32 to vector<16xi32>
          %gather3A_432 = tpu.vector_load_idx %arg10[%add3A_98, %broadcast_in_dim3A_431] : memref<128x64xf32, #tpu.memory_space<vmem>>[vector<16xi32>, vector<16xi32>], vector<16xf32>,
          %gather3A_433 = tpu.vector_load_idx %arg11[%add3A_98, %broadcast_in_dim3A_431] : memref<128x64xf32, #tpu.memory_space<vmem>>[vector<16xi32>, vector<16xi32>], vector<16xf32>,
          %mul3A_434 = arith.mulf %gather3A_432, %gather3A_433 : vector<16xf32>
          %add3A_435 = arith.addf %add3A_429, %mul3A_434 : vector<16xf32>
          %broadcast_in_dim3A_436 = arith.constant 55 : i32
          %broadcast_in_dim3A_437 = vector.broadcast %broadcast_in_dim3A_436 : i32 to vector<16xi32>
          %gather3A_438 = tpu.vector_load_idx %arg10[%add3A_98, %broadcast_in_dim3A_437] : memref<128x64xf32, #tpu.memory_space<vmem>>[vector<16xi32>, vector<16xi32>], vector<16xf32>,
          %gather3A_439 = tpu.vector_load_idx %arg11[%add3A_98, %broadcast_in_dim3A_437] : memref<128x64xf32, #tpu.memory_space<vmem>>[vector<16xi32>, vector<16xi32>], vector<16xf32>,
          %mul3A_440 = arith.mulf %gather3A_438, %gather3A_439 : vector<16xf32>
          %add3A_441 = arith.addf %add3A_435, %mul3A_440 : vector<16xf32>
          %broadcast_in_dim3A_442 = arith.constant 56 : i32
          %broadcast_in_dim3A_443 = vector.broadcast %broadcast_in_dim3A_442 : i32 to vector<16xi32>
          %gather3A_444 = tpu.vector_load_idx %arg10[%add3A_98, %broadcast_in_dim3A_443] : memref<128x64xf32, #tpu.memory_space<vmem>>[vector<16xi32>, vector<16xi32>], vector<16xf32>,
          %gather3A_445 = tpu.vector_load_idx %arg11[%add3A_98, %broadcast_in_dim3A_443] : memref<128x64xf32, #tpu.memory_space<vmem>>[vector<16xi32>, vector<16xi32>], vector<16xf32>,
          %mul3A_446 = arith.mulf %gather3A_444, %gather3A_445 : vector<16xf32>
          %add3A_447 = arith.addf %add3A_441, %mul3A_446 : vector<16xf32>
          %broadcast_in_dim3A_448 = arith.constant 57 : i32
          %broadcast_in_dim3A_449 = vector.broadcast %broadcast_in_dim3A_448 : i32 to vector<16xi32>
          %gather3A_450 = tpu.vector_load_idx %arg10[%add3A_98, %broadcast_in_dim3A_449] : memref<128x64xf32, #tpu.memory_space<vmem>>[vector<16xi32>, vector<16xi32>], vector<16xf32>,
          %gather3A_451 = tpu.vector_load_idx %arg11[%add3A_98, %broadcast_in_dim3A_449] : memref<128x64xf32, #tpu.memory_space<vmem>>[vector<16xi32>, vector<16xi32>], vector<16xf32>,
          %mul3A_452 = arith.mulf %gather3A_450, %gather3A_451 : vector<16xf32>
          %add3A_453 = arith.addf %add3A_447, %mul3A_452 : vector<16xf32>
          %broadcast_in_dim3A_454 = arith.constant 58 : i32
          %broadcast_in_dim3A_455 = vector.broadcast %broadcast_in_dim3A_454 : i32 to vector<16xi32>
          %gather3A_456 = tpu.vector_load_idx %arg10[%add3A_98, %broadcast_in_dim3A_455] : memref<128x64xf32, #tpu.memory_space<vmem>>[vector<16xi32>, vector<16xi32>], vector<16xf32>,
          %gather3A_457 = tpu.vector_load_idx %arg11[%add3A_98, %broadcast_in_dim3A_455] : memref<128x64xf32, #tpu.memory_space<vmem>>[vector<16xi32>, vector<16xi32>], vector<16xf32>,
          %mul3A_458 = arith.mulf %gather3A_456, %gather3A_457 : vector<16xf32>
          %add3A_459 = arith.addf %add3A_453, %mul3A_458 : vector<16xf32>
          %broadcast_in_dim3A_460 = arith.constant 59 : i32
          %broadcast_in_dim3A_461 = vector.broadcast %broadcast_in_dim3A_460 : i32 to vector<16xi32>
          %gather3A_462 = tpu.vector_load_idx %arg10[%add3A_98, %broadcast_in_dim3A_461] : memref<128x64xf32, #tpu.memory_space<vmem>>[vector<16xi32>, vector<16xi32>], vector<16xf32>,
          %gather3A_463 = tpu.vector_load_idx %arg11[%add3A_98, %broadcast_in_dim3A_461] : memref<128x64xf32, #tpu.memory_space<vmem>>[vector<16xi32>, vector<16xi32>], vector<16xf32>,
          %mul3A_464 = arith.mulf %gather3A_462, %gather3A_463 : vector<16xf32>
          %add3A_465 = arith.addf %add3A_459, %mul3A_464 : vector<16xf32>
          %broadcast_in_dim3A_466 = arith.constant 60 : i32
          %broadcast_in_dim3A_467 = vector.broadcast %broadcast_in_dim3A_466 : i32 to vector<16xi32>
          %gather3A_468 = tpu.vector_load_idx %arg10[%add3A_98, %broadcast_in_dim3A_467] : memref<128x64xf32, #tpu.memory_space<vmem>>[vector<16xi32>, vector<16xi32>], vector<16xf32>,
          %gather3A_469 = tpu.vector_load_idx %arg11[%add3A_98, %broadcast_in_dim3A_467] : memref<128x64xf32, #tpu.memory_space<vmem>>[vector<16xi32>, vector<16xi32>], vector<16xf32>,
          %mul3A_470 = arith.mulf %gather3A_468, %gather3A_469 : vector<16xf32>
          %add3A_471 = arith.addf %add3A_465, %mul3A_470 : vector<16xf32>
          %broadcast_in_dim3A_472 = arith.constant 61 : i32
          %broadcast_in_dim3A_473 = vector.broadcast %broadcast_in_dim3A_472 : i32 to vector<16xi32>
          %gather3A_474 = tpu.vector_load_idx %arg10[%add3A_98, %broadcast_in_dim3A_473] : memref<128x64xf32, #tpu.memory_space<vmem>>[vector<16xi32>, vector<16xi32>], vector<16xf32>,
          %gather3A_475 = tpu.vector_load_idx %arg11[%add3A_98, %broadcast_in_dim3A_473] : memref<128x64xf32, #tpu.memory_space<vmem>>[vector<16xi32>, vector<16xi32>], vector<16xf32>,
          %mul3A_476 = arith.mulf %gather3A_474, %gather3A_475 : vector<16xf32>
          %add3A_477 = arith.addf %add3A_471, %mul3A_476 : vector<16xf32>
          %broadcast_in_dim3A_478 = arith.constant 62 : i32
          %broadcast_in_dim3A_479 = vector.broadcast %broadcast_in_dim3A_478 : i32 to vector<16xi32>
          %gather3A_480 = tpu.vector_load_idx %arg10[%add3A_98, %broadcast_in_dim3A_479] : memref<128x64xf32, #tpu.memory_space<vmem>>[vector<16xi32>, vector<16xi32>], vector<16xf32>,
          %gather3A_481 = tpu.vector_load_idx %arg11[%add3A_98, %broadcast_in_dim3A_479] : memref<128x64xf32, #tpu.memory_space<vmem>>[vector<16xi32>, vector<16xi32>], vector<16xf32>,
          %mul3A_482 = arith.mulf %gather3A_480, %gather3A_481 : vector<16xf32>
          %add3A_483 = arith.addf %add3A_477, %mul3A_482 : vector<16xf32>
          %broadcast_in_dim3A_484 = arith.constant 63 : i32
          %broadcast_in_dim3A_485 = vector.broadcast %broadcast_in_dim3A_484 : i32 to vector<16xi32>
          %gather3A_486 = tpu.vector_load_idx %arg10[%add3A_98, %broadcast_in_dim3A_485] : memref<128x64xf32, #tpu.memory_space<vmem>>[vector<16xi32>, vector<16xi32>], vector<16xf32>,
          %gather3A_487 = tpu.vector_load_idx %arg11[%add3A_98, %broadcast_in_dim3A_485] : memref<128x64xf32, #tpu.memory_space<vmem>>[vector<16xi32>, vector<16xi32>], vector<16xf32>,
          %mul3A_488 = arith.mulf %gather3A_486, %gather3A_487 : vector<16xf32>
          %add3A_489 = arith.addf %add3A_483, %mul3A_488 : vector<16xf32>
          %mul3A_490 = vector.broadcast %scan3A_22 : f32 to vector<16xf32>
          %mul3A_491 = arith.mulf %add3A_489, %mul3A_490 : vector<16xf32>
          %exp3A_492 = math.exp %mul3A_491 : vector<16xf32>
          %broadcast_in_dim3A_493 = arith.constant 1 : i32
          %broadcast_in_dim3A_494 = vector.broadcast %broadcast_in_dim3A_493 : i32 to vector<16xi32>
          tpu.vector_store_idx %arg12[%add3A_98, %broadcast_in_dim3A_494], %exp3A_492 : memref<128x16xf32, #tpu.memory_space<vmem>>[vector<16xi32>, vector<16xi32>], vector<16xf32>,
          tpu.vector_store_idx %arg13[%add3A_98, %broadcast_in_dim3A_494], %exp3A_492 : memref<128x2xf32, #tpu.memory_space<vmem>>[vector<16xi32>, vector<16xi32>], vector<16xf32>,
          %scan3A_495 = arith.constant 0 : i32
          scf.yield %scan3A_495 : i32
        }
        %scan3A_83 = arith.constant 8 : i32
        "tpu.region"() ({
          %run_scoped3A = tpu.sem_alloc : memref<!tpu.dma_semaphore, #tpu.memory_space<semaphore_mem>>
          %dma_start3A_93 = arith.constant 0 : i32
          %dma_start3A_94 = tpu.memref_slice %arg8[%scan3A_53, %dma_start3A_93] : memref<8x128xi32, #tpu.memory_space<vmem>> -> memref<1x128xi32, #tpu.memory_space<vmem>>
          %dma_start3A_95 = tpu.memref_squeeze %dma_start3A_94 : memref<1x128xi32, #tpu.memory_space<vmem>> -> memref<128xi32, #tpu.memory_space<vmem>>
          %dma_start3A_96 = arith.constant 0 : i32
          %dma_start3A_97 = arith.constant 0 : i32
          %dma_start3A_98 = tpu.memref_slice %arg15[%dma_start3A_96, %dma_start3A_97] : memref<51200x16xf32, #tpu.memory_space<vmem_shared>> -> memref<51200x16xf32, #tpu.memory_space<vmem_shared>>
          tpu.enqueue_indirect_dma source(%arg12 : memref<128x16xf32, #tpu.memory_space<vmem>>) target(%dma_start3A_98 : memref<51200x16xf32, #tpu.memory_space<vmem_shared>>) offsets(%dma_start3A_95 : memref<128xi32, #tpu.memory_space<vmem>>) semaphore(%run_scoped3A : memref<!tpu.dma_semaphore, #tpu.memory_space<semaphore_mem>>) {add = true}
          %dma_wait3A_99 = arith.constant 0 : i32
          %dma_wait3A_100 = tpu.memref_slice %arg8[%scan3A_53, %dma_wait3A_99] : memref<8x128xi32, #tpu.memory_space<vmem>> -> memref<1x128xi32, #tpu.memory_space<vmem>>
          %dma_wait3A_101 = tpu.memref_squeeze %dma_wait3A_100 : memref<1x128xi32, #tpu.memory_space<vmem>> -> memref<128xi32, #tpu.memory_space<vmem>>
          %dma_wait3A_102 = arith.constant 0 : i32
          %dma_wait3A_103 = arith.constant 0 : i32
          %dma_wait3A_104 = tpu.memref_slice %arg15[%dma_wait3A_102, %dma_wait3A_103] : memref<51200x16xf32, #tpu.memory_space<vmem_shared>> -> memref<51200x16xf32, #tpu.memory_space<vmem_shared>>
          tpu.wait_indirect_dma semaphore(%run_scoped3A : memref<!tpu.dma_semaphore, #tpu.memory_space<semaphore_mem>>) src(%arg12 : memref<128x16xf32, #tpu.memory_space<vmem>>) dst(%dma_wait3A_104 : memref<51200x16xf32, #tpu.memory_space<vmem_shared>>)
          tpu.yield
        }) : () -> ()
        %mul3A_84 = arith.constant 25600 : i32
        %mul3A_85 = arith.muli %add3A, %mul3A_84 : i32
        %mul3A_86 = arith.constant 8 : i32
        %mul3A_87 = arith.muli %scan3A_38, %mul3A_86 : i32
        %add3A_88 = arith.addi %mul3A_87, %scan3A_53 : i32
        %mul3A_89 = arith.constant 128 : i32
        %mul3A_90 = arith.muli %add3A_88, %mul3A_89 : i32
        %add3A_91 = arith.addi %mul3A_85, %mul3A_90 : i32
        "tpu.region"() ({
          %run_scoped3A = tpu.sem_alloc : memref<!tpu.dma_semaphore, #tpu.memory_space<semaphore_mem>>
          %dma_start3A_93 = arith.constant 0 : i32
          %dma_start3A_94 = tpu.memref_slice %arg6[%add3A_91, %dma_start3A_93] : memref<819200x2xf32, #tpu.memory_space<hbm>> -> memref<128x2xf32, #tpu.memory_space<hbm>>
          %dma_start3A_95 = arith.constant 0 : i32
          %dma_start3A_96 = tpu.memref_slice %arg6[%add3A_91, %dma_start3A_95] : memref<819200x2xf32, #tpu.memory_space<hbm>> -> memref<128x2xf32, #tpu.memory_space<hbm>>
          tpu.enqueue_dma source(%arg13 : memref<128x2xf32, #tpu.memory_space<vmem>>) target(%dma_start3A_96 : memref<128x2xf32, #tpu.memory_space<hbm>>) target_semaphore(%run_scoped3A : memref<!tpu.dma_semaphore, #tpu.memory_space<semaphore_mem>>)
          %dma_wait3A_97 = arith.constant 0 : i32
          %dma_wait3A_98 = tpu.memref_slice %arg6[%add3A_91, %dma_wait3A_97] : memref<819200x2xf32, #tpu.memory_space<hbm>> -> memref<128x2xf32, #tpu.memory_space<hbm>>
          %dma_wait3A_99 = arith.constant 0 : i32
          %dma_wait3A_100 = tpu.memref_slice %arg6[%add3A_91, %dma_wait3A_99] : memref<819200x2xf32, #tpu.memory_space<hbm>> -> memref<128x2xf32, #tpu.memory_space<hbm>>
          tpu.wait_dma2 semaphore(%run_scoped3A : memref<!tpu.dma_semaphore, #tpu.memory_space<semaphore_mem>>) src(%arg13 : memref<128x2xf32, #tpu.memory_space<vmem>>) dst(%dma_wait3A_100 : memref<128x2xf32, #tpu.memory_space<hbm>>)
          tpu.yield
        }) : () -> ()
        %scan3A_92 = arith.constant 0 : i32
        scf.yield %scan3A_92 : i32
      }
      %scan3A_51 = arith.constant 8 : i32
      %scan3A_52 = arith.constant 0 : i32
      scf.yield %scan3A_52 : i32
    }
    %scan3A_29 = arith.constant 25 : i32
    %barrier3A_30 = arith.constant 0 : index
    tpu.barrier barrier_id(%barrier3A_30)
    %mul3A_31 = arith.constant 3200 : i32
    %mul3A_32 = arith.muli %arg1, %mul3A_31 : i32
    %mul3A_33 = arith.constant 51200 : i32
    %mul3A_34 = arith.muli %arg0, %mul3A_33 : i32
    %mul3A_35 = arith.constant 3200 : i32
    %mul3A_36 = arith.muli %arg1, %mul3A_35 : i32
    %add3A_37 = arith.addi %mul3A_34, %mul3A_36 : i32
    "tpu.region"() ({
      %run_scoped3A = tpu.sem_alloc : memref<!tpu.dma_semaphore, #tpu.memory_space<semaphore_mem>>
      %dma_start3A = arith.constant 0 : i32
      %dma_start3A_38 = tpu.memref_slice %arg7[%add3A_37, %dma_start3A] : memref<102400x16xf32, #tpu.memory_space<hbm>> -> memref<3200x16xf32, #tpu.memory_space<hbm>>
      %dma_start3A_39 = arith.constant 0 : i32
      %dma_start3A_40 = tpu.memref_slice %arg15[%mul3A_32, %dma_start3A_39] : memref<51200x16xf32, #tpu.memory_space<vmem_shared>> -> memref<3200x16xf32, #tpu.memory_space<vmem_shared>>
      tpu.enqueue_dma source(%dma_start3A_40 : memref<3200x16xf32, #tpu.memory_space<vmem_shared>>) target(%dma_start3A_38 : memref<3200x16xf32, #tpu.memory_space<hbm>>) target_semaphore(%run_scoped3A : memref<!tpu.dma_semaphore, #tpu.memory_space<semaphore_mem>>)
      %dma_wait3A = arith.constant 0 : i32
      %dma_wait3A_41 = tpu.memref_slice %arg7[%add3A_37, %dma_wait3A] : memref<102400x16xf32, #tpu.memory_space<hbm>> -> memref<3200x16xf32, #tpu.memory_space<hbm>>
      %dma_wait3A_42 = arith.constant 0 : i32
      %dma_wait3A_43 = tpu.memref_slice %arg15[%mul3A_32, %dma_wait3A_42] : memref<51200x16xf32, #tpu.memory_space<vmem_shared>> -> memref<3200x16xf32, #tpu.memory_space<vmem_shared>>
      tpu.wait_dma2 semaphore(%run_scoped3A : memref<!tpu.dma_semaphore, #tpu.memory_space<semaphore_mem>>) src(%dma_wait3A_43 : memref<3200x16xf32, #tpu.memory_space<vmem_shared>>) dst(%dma_wait3A_41 : memref<3200x16xf32, #tpu.memory_space<hbm>>)
      tpu.yield
    }) : () -> ()
    return
  }
}

#map = affine_map<(d0, d1) -> (0, 0)>
module attributes {stable_mosaic.version = 14 : i64} {
  func.func @_k5_body(%arg0: i32, %arg1: i32, %arg2: memref<6400x128xi32, #tpu.memory_space<hbm>>, %arg3: memref<6400x128xi32, #tpu.memory_space<hbm>>, %arg4: memref<819200x2xf32, #tpu.memory_space<hbm>>, %arg5: memref<51200x16xf32, #tpu.memory_space<hbm>>, %arg6: memref<65536x64xf32, #tpu.memory_space<hbm>>, %arg7: memref<102400x32xf32, #tpu.memory_space<hbm>>, %arg8: memref<8x128xi32, #tpu.memory_space<vmem>>, %arg9: memref<8x128xi32, #tpu.memory_space<vmem>>, %arg10: memref<128x64xf32, #tpu.memory_space<vmem>>, %arg11: memref<128x16xf32, #tpu.memory_space<vmem>>, %arg12: memref<128x2xf32, #tpu.memory_space<vmem>>, %arg13: memref<128x2xf32, #tpu.memory_space<vmem>>, %arg14: memref<128x32xf32, #tpu.memory_space<vmem>>, %arg15: memref<128x32xf32, #tpu.memory_space<vmem>>, %arg16: memref<51200x32xf32, #tpu.memory_space<vmem_shared>>, %arg17: memref<!tpu.dma_semaphore, #tpu.memory_space<semaphore_mem>>) attributes {dimension_semantics = [#tpu.dimension_semantics<core_parallel>, #tpu.dimension_semantics<subcore_parallel>], iteration_bounds = array<i64: 2, 16>, scalar_prefetch = 0 : i64, scratch_operands = 10 : i64, tpu.core_type = #tpu.core_type<sc_vector_subcore>, window_params = [{transform_indices = #map}, {transform_indices = #map}, {transform_indices = #map}, {transform_indices = #map}, {transform_indices = #map}, {transform_indices = #map}]} {
    %mul3A = arith.constant 2 : i32
    %mul3A_0 = arith.muli %arg1, %mul3A : i32
    %add3A = arith.addi %mul3A_0, %arg0 : i32
    %broadcast_in_dim3A = arith.constant 0.000000e+00 : f32
    %broadcast_in_dim3A_1 = vector.broadcast %broadcast_in_dim3A : f32 to vector<16xf32>
    %scan3A = arith.constant 0 : i32
    %scan3A_2 = arith.constant 0 : i32
    %scan3A_3 = arith.constant 128 : i32
    %scan3A_4 = arith.addi %scan3A_2, %scan3A_3 : i32
    %scan3A_5 = arith.constant 1 : i32
    %scan3A_6 = scf.for %scan3A_30 = %scan3A_2 to %scan3A_4 step %scan3A_5 iter_args(%scan3A_31 = %scan3A) -> (i32)  : i32 {
      %swap3A = arith.index_cast %scan3A_30 : i32 to index
      %swap3A_32 = arith.constant 0 : index
      %swap3A_33 = tpu.vector_load %arg15[%swap3A, %swap3A_32] {strides = array<i32>} : memref<128x32xf32, #tpu.memory_space<vmem>>, vector<16xf32>,
      tpu.vector_store %arg15[%swap3A, %swap3A_32], %broadcast_in_dim3A_1 {strides = array<i32>} : memref<128x32xf32, #tpu.memory_space<vmem>>, vector<16xf32>,
      %swap3A_34 = arith.index_cast %scan3A_30 : i32 to index
      %swap3A_35 = arith.constant 16 : index
      %swap3A_36 = tpu.vector_load %arg15[%swap3A_34, %swap3A_35] {strides = array<i32>} : memref<128x32xf32, #tpu.memory_space<vmem>>, vector<16xf32>,
      tpu.vector_store %arg15[%swap3A_34, %swap3A_35], %broadcast_in_dim3A_1 {strides = array<i32>} : memref<128x32xf32, #tpu.memory_space<vmem>>, vector<16xf32>,
      %scan3A_37 = arith.constant 0 : i32
      scf.yield %scan3A_37 : i32
    }
    %scan3A_7 = arith.constant 128 : i32
    %scan3A_8 = arith.constant 0 : i32
    %scan3A_9 = arith.constant 0 : i32
    %scan3A_10 = arith.constant 25 : i32
    %scan3A_11 = arith.addi %scan3A_9, %scan3A_10 : i32
    %scan3A_12 = arith.constant 1 : i32
    %scan3A_13 = scf.for %scan3A_30 = %scan3A_9 to %scan3A_11 step %scan3A_12 iter_args(%scan3A_31 = %scan3A_8) -> (i32)  : i32 {
      %mul3A_32 = arith.constant 3200 : i32
      %mul3A_33 = arith.muli %arg1, %mul3A_32 : i32
      %mul3A_34 = arith.constant 128 : i32
      %mul3A_35 = arith.muli %scan3A_30, %mul3A_34 : i32
      %add3A_36 = arith.addi %mul3A_33, %mul3A_35 : i32
      "tpu.region"() ({
        %run_scoped3A = tpu.sem_alloc : memref<!tpu.dma_semaphore, #tpu.memory_space<semaphore_mem>>
        %dma_start3A = arith.constant 0 : i32
        %dma_start3A_38 = tpu.memref_slice %arg16[%add3A_36, %dma_start3A] : memref<51200x32xf32, #tpu.memory_space<vmem_shared>> -> memref<128x32xf32, #tpu.memory_space<vmem_shared>>
        %dma_start3A_39 = arith.constant 0 : i32
        %dma_start3A_40 = tpu.memref_slice %arg16[%add3A_36, %dma_start3A_39] : memref<51200x32xf32, #tpu.memory_space<vmem_shared>> -> memref<128x32xf32, #tpu.memory_space<vmem_shared>>
        tpu.enqueue_dma source(%arg15 : memref<128x32xf32, #tpu.memory_space<vmem>>) target(%dma_start3A_40 : memref<128x32xf32, #tpu.memory_space<vmem_shared>>) target_semaphore(%run_scoped3A : memref<!tpu.dma_semaphore, #tpu.memory_space<semaphore_mem>>)
        %dma_wait3A = arith.constant 0 : i32
        %dma_wait3A_41 = tpu.memref_slice %arg16[%add3A_36, %dma_wait3A] : memref<51200x32xf32, #tpu.memory_space<vmem_shared>> -> memref<128x32xf32, #tpu.memory_space<vmem_shared>>
        %dma_wait3A_42 = arith.constant 0 : i32
        %dma_wait3A_43 = tpu.memref_slice %arg16[%add3A_36, %dma_wait3A_42] : memref<51200x32xf32, #tpu.memory_space<vmem_shared>> -> memref<128x32xf32, #tpu.memory_space<vmem_shared>>
        tpu.wait_dma2 semaphore(%run_scoped3A : memref<!tpu.dma_semaphore, #tpu.memory_space<semaphore_mem>>) src(%arg15 : memref<128x32xf32, #tpu.memory_space<vmem>>) dst(%dma_wait3A_43 : memref<128x32xf32, #tpu.memory_space<vmem_shared>>)
        tpu.yield
      }) : () -> ()
      %scan3A_37 = arith.constant 0 : i32
      scf.yield %scan3A_37 : i32
    }
    %scan3A_14 = arith.constant 25 : i32
    %barrier3A = arith.constant 0 : index
    tpu.barrier barrier_id(%barrier3A)
    %scan3A_15 = arith.constant 0 : i32
    %scan3A_16 = arith.constant 0 : i32
    %scan3A_17 = arith.constant 25 : i32
    %scan3A_18 = arith.addi %scan3A_16, %scan3A_17 : i32
    %scan3A_19 = arith.constant 1 : i32
    %scan3A_20 = scf.for %scan3A_30 = %scan3A_16 to %scan3A_18 step %scan3A_19 iter_args(%scan3A_31 = %scan3A_15) -> (i32)  : i32 {
      %mul3A_32 = arith.constant 200 : i32
      %mul3A_33 = arith.muli %add3A, %mul3A_32 : i32
      %mul3A_34 = arith.constant 8 : i32
      %mul3A_35 = arith.muli %scan3A_30, %mul3A_34 : i32
      %add3A_36 = arith.addi %mul3A_33, %mul3A_35 : i32
      "tpu.region"() ({
        %run_scoped3A = tpu.sem_alloc : memref<!tpu.dma_semaphore, #tpu.memory_space<semaphore_mem>>
        %dma_start3A = arith.constant 0 : i32
        %dma_start3A_45 = tpu.memref_slice %arg2[%add3A_36, %dma_start3A] : memref<6400x128xi32, #tpu.memory_space<hbm>> -> memref<8x128xi32, #tpu.memory_space<hbm>>
        %dma_start3A_46 = arith.constant 0 : i32
        %dma_start3A_47 = tpu.memref_slice %arg2[%add3A_36, %dma_start3A_46] : memref<6400x128xi32, #tpu.memory_space<hbm>> -> memref<8x128xi32, #tpu.memory_space<hbm>>
        tpu.enqueue_dma source(%dma_start3A_47 : memref<8x128xi32, #tpu.memory_space<hbm>>) target(%arg8 : memref<8x128xi32, #tpu.memory_space<vmem>>) target_semaphore(%run_scoped3A : memref<!tpu.dma_semaphore, #tpu.memory_space<semaphore_mem>>)
        %dma_wait3A = arith.constant 0 : i32
        %dma_wait3A_48 = tpu.memref_slice %arg2[%add3A_36, %dma_wait3A] : memref<6400x128xi32, #tpu.memory_space<hbm>> -> memref<8x128xi32, #tpu.memory_space<hbm>>
        %dma_wait3A_49 = arith.constant 0 : i32
        %dma_wait3A_50 = tpu.memref_slice %arg2[%add3A_36, %dma_wait3A_49] : memref<6400x128xi32, #tpu.memory_space<hbm>> -> memref<8x128xi32, #tpu.memory_space<hbm>>
        tpu.wait_dma2 semaphore(%run_scoped3A : memref<!tpu.dma_semaphore, #tpu.memory_space<semaphore_mem>>) src(%dma_wait3A_50 : memref<8x128xi32, #tpu.memory_space<hbm>>) dst(%arg8 : memref<8x128xi32, #tpu.memory_space<vmem>>)
        tpu.yield
      }) : () -> ()
      "tpu.region"() ({
        %run_scoped3A = tpu.sem_alloc : memref<!tpu.dma_semaphore, #tpu.memory_space<semaphore_mem>>
        %dma_start3A = arith.constant 0 : i32
        %dma_start3A_45 = tpu.memref_slice %arg3[%add3A_36, %dma_start3A] : memref<6400x128xi32, #tpu.memory_space<hbm>> -> memref<8x128xi32, #tpu.memory_space<hbm>>
        %dma_start3A_46 = arith.constant 0 : i32
        %dma_start3A_47 = tpu.memref_slice %arg3[%add3A_36, %dma_start3A_46] : memref<6400x128xi32, #tpu.memory_space<hbm>> -> memref<8x128xi32, #tpu.memory_space<hbm>>
        tpu.enqueue_dma source(%dma_start3A_47 : memref<8x128xi32, #tpu.memory_space<hbm>>) target(%arg9 : memref<8x128xi32, #tpu.memory_space<vmem>>) target_semaphore(%run_scoped3A : memref<!tpu.dma_semaphore, #tpu.memory_space<semaphore_mem>>)
        %dma_wait3A = arith.constant 0 : i32
        %dma_wait3A_48 = tpu.memref_slice %arg3[%add3A_36, %dma_wait3A] : memref<6400x128xi32, #tpu.memory_space<hbm>> -> memref<8x128xi32, #tpu.memory_space<hbm>>
        %dma_wait3A_49 = arith.constant 0 : i32
        %dma_wait3A_50 = tpu.memref_slice %arg3[%add3A_36, %dma_wait3A_49] : memref<6400x128xi32, #tpu.memory_space<hbm>> -> memref<8x128xi32, #tpu.memory_space<hbm>>
        tpu.wait_dma2 semaphore(%run_scoped3A : memref<!tpu.dma_semaphore, #tpu.memory_space<semaphore_mem>>) src(%dma_wait3A_50 : memref<8x128xi32, #tpu.memory_space<hbm>>) dst(%arg9 : memref<8x128xi32, #tpu.memory_space<vmem>>)
        tpu.yield
      }) : () -> ()
      %scan3A_37 = arith.constant 0 : i32
      %scan3A_38 = arith.constant 0 : i32
      %scan3A_39 = arith.constant 8 : i32
      %scan3A_40 = arith.addi %scan3A_38, %scan3A_39 : i32
      %scan3A_41 = arith.constant 1 : i32
      %scan3A_42 = scf.for %scan3A_45 = %scan3A_38 to %scan3A_40 step %scan3A_41 iter_args(%scan3A_46 = %scan3A_37) -> (i32)  : i32 {
        %dma_start3A = arith.constant 0 : i32
        %dma_start3A_47 = tpu.memref_slice %arg9[%scan3A_45, %dma_start3A] : memref<8x128xi32, #tpu.memory_space<vmem>> -> memref<1x128xi32, #tpu.memory_space<vmem>>
        %dma_start3A_48 = tpu.memref_squeeze %dma_start3A_47 : memref<1x128xi32, #tpu.memory_space<vmem>> -> memref<128xi32, #tpu.memory_space<vmem>>
        %dma_start3A_49 = arith.constant 0 : i32
        %dma_start3A_50 = arith.constant 0 : i32
        %dma_start3A_51 = tpu.memref_slice %arg6[%dma_start3A_49, %dma_start3A_50] : memref<65536x64xf32, #tpu.memory_space<hbm>> -> memref<65536x64xf32, #tpu.memory_space<hbm>>
        tpu.enqueue_indirect_dma source(%dma_start3A_51 : memref<65536x64xf32, #tpu.memory_space<hbm>>) target(%arg10 : memref<128x64xf32, #tpu.memory_space<vmem>>) offsets(%dma_start3A_48 : memref<128xi32, #tpu.memory_space<vmem>>) semaphore(%arg17 : memref<!tpu.dma_semaphore, #tpu.memory_space<semaphore_mem>>)
        %dma_start3A_52 = arith.constant 0 : i32
        %dma_start3A_53 = tpu.memref_slice %arg8[%scan3A_45, %dma_start3A_52] : memref<8x128xi32, #tpu.memory_space<vmem>> -> memref<1x128xi32, #tpu.memory_space<vmem>>
        %dma_start3A_54 = tpu.memref_squeeze %dma_start3A_53 : memref<1x128xi32, #tpu.memory_space<vmem>> -> memref<128xi32, #tpu.memory_space<vmem>>
        %dma_start3A_55 = arith.constant 0 : i32
        %dma_start3A_56 = arith.constant 0 : i32
        %dma_start3A_57 = tpu.memref_slice %arg5[%dma_start3A_55, %dma_start3A_56] : memref<51200x16xf32, #tpu.memory_space<hbm>> -> memref<51200x16xf32, #tpu.memory_space<hbm>>
        tpu.enqueue_indirect_dma source(%dma_start3A_57 : memref<51200x16xf32, #tpu.memory_space<hbm>>) target(%arg11 : memref<128x16xf32, #tpu.memory_space<vmem>>) offsets(%dma_start3A_54 : memref<128xi32, #tpu.memory_space<vmem>>) semaphore(%arg17 : memref<!tpu.dma_semaphore, #tpu.memory_space<semaphore_mem>>)
        %mul3A_58 = arith.constant 25600 : i32
        %mul3A_59 = arith.muli %add3A, %mul3A_58 : i32
        %mul3A_60 = arith.constant 8 : i32
        %mul3A_61 = arith.muli %scan3A_30, %mul3A_60 : i32
        %add3A_62 = arith.addi %mul3A_61, %scan3A_45 : i32
        %mul3A_63 = arith.constant 128 : i32
        %mul3A_64 = arith.muli %add3A_62, %mul3A_63 : i32
        %add3A_65 = arith.addi %mul3A_59, %mul3A_64 : i32
        "tpu.region"() ({
          %run_scoped3A = tpu.sem_alloc : memref<!tpu.dma_semaphore, #tpu.memory_space<semaphore_mem>>
          %dma_start3A_92 = arith.constant 0 : i32
          %dma_start3A_93 = tpu.memref_slice %arg4[%add3A_65, %dma_start3A_92] : memref<819200x2xf32, #tpu.memory_space<hbm>> -> memref<128x2xf32, #tpu.memory_space<hbm>>
          %dma_start3A_94 = arith.constant 0 : i32
          %dma_start3A_95 = tpu.memref_slice %arg4[%add3A_65, %dma_start3A_94] : memref<819200x2xf32, #tpu.memory_space<hbm>> -> memref<128x2xf32, #tpu.memory_space<hbm>>
          tpu.enqueue_dma source(%dma_start3A_95 : memref<128x2xf32, #tpu.memory_space<hbm>>) target(%arg12 : memref<128x2xf32, #tpu.memory_space<vmem>>) target_semaphore(%run_scoped3A : memref<!tpu.dma_semaphore, #tpu.memory_space<semaphore_mem>>)
          %dma_wait3A_96 = arith.constant 0 : i32
          %dma_wait3A_97 = tpu.memref_slice %arg4[%add3A_65, %dma_wait3A_96] : memref<819200x2xf32, #tpu.memory_space<hbm>> -> memref<128x2xf32, #tpu.memory_space<hbm>>
          %dma_wait3A_98 = arith.constant 0 : i32
          %dma_wait3A_99 = tpu.memref_slice %arg4[%add3A_65, %dma_wait3A_98] : memref<819200x2xf32, #tpu.memory_space<hbm>> -> memref<128x2xf32, #tpu.memory_space<hbm>>
          tpu.wait_dma2 semaphore(%run_scoped3A : memref<!tpu.dma_semaphore, #tpu.memory_space<semaphore_mem>>) src(%dma_wait3A_99 : memref<128x2xf32, #tpu.memory_space<hbm>>) dst(%arg12 : memref<128x2xf32, #tpu.memory_space<vmem>>)
          tpu.yield
        }) : () -> ()
        %dma_wait3A = arith.constant 0 : i32
        %dma_wait3A_66 = tpu.memref_slice %arg9[%scan3A_45, %dma_wait3A] : memref<8x128xi32, #tpu.memory_space<vmem>> -> memref<1x128xi32, #tpu.memory_space<vmem>>
        %dma_wait3A_67 = tpu.memref_squeeze %dma_wait3A_66 : memref<1x128xi32, #tpu.memory_space<vmem>> -> memref<128xi32, #tpu.memory_space<vmem>>
        %dma_wait3A_68 = arith.constant 0 : i32
        %dma_wait3A_69 = arith.constant 0 : i32
        %dma_wait3A_70 = tpu.memref_slice %arg6[%dma_wait3A_68, %dma_wait3A_69] : memref<65536x64xf32, #tpu.memory_space<hbm>> -> memref<65536x64xf32, #tpu.memory_space<hbm>>
        tpu.wait_indirect_dma semaphore(%arg17 : memref<!tpu.dma_semaphore, #tpu.memory_space<semaphore_mem>>) src(%dma_wait3A_70 : memref<65536x64xf32, #tpu.memory_space<hbm>>) dst(%arg10 : memref<128x64xf32, #tpu.memory_space<vmem>>)
        %dma_wait3A_71 = arith.constant 0 : i32
        %dma_wait3A_72 = tpu.memref_slice %arg8[%scan3A_45, %dma_wait3A_71] : memref<8x128xi32, #tpu.memory_space<vmem>> -> memref<1x128xi32, #tpu.memory_space<vmem>>
        %dma_wait3A_73 = tpu.memref_squeeze %dma_wait3A_72 : memref<1x128xi32, #tpu.memory_space<vmem>> -> memref<128xi32, #tpu.memory_space<vmem>>
        %dma_wait3A_74 = arith.constant 0 : i32
        %dma_wait3A_75 = arith.constant 0 : i32
        %dma_wait3A_76 = tpu.memref_slice %arg5[%dma_wait3A_74, %dma_wait3A_75] : memref<51200x16xf32, #tpu.memory_space<hbm>> -> memref<51200x16xf32, #tpu.memory_space<hbm>>
        tpu.wait_indirect_dma semaphore(%arg17 : memref<!tpu.dma_semaphore, #tpu.memory_space<semaphore_mem>>) src(%dma_wait3A_76 : memref<51200x16xf32, #tpu.memory_space<hbm>>) dst(%arg11 : memref<128x16xf32, #tpu.memory_space<vmem>>)
        %scan3A_77 = arith.constant 0 : i32
        %scan3A_78 = arith.constant 0 : i32
        %scan3A_79 = arith.constant 8 : i32
        %scan3A_80 = arith.addi %scan3A_78, %scan3A_79 : i32
        %scan3A_81 = arith.constant 1 : i32
        %scan3A_82 = scf.for %scan3A_92 = %scan3A_78 to %scan3A_80 step %scan3A_81 iter_args(%scan3A_93 = %scan3A_77) -> (i32)  : i32 {
          %mul3A_94 = arith.constant 16 : i32
          %mul3A_95 = arith.muli %scan3A_92, %mul3A_94 : i32
          %iota3A = tpu.iota {dimensions = array<i32: 0>} : vector<16xi32>
          %add3A_96 = vector.broadcast %mul3A_95 : i32 to vector<16xi32>
          %add3A_97 = arith.addi %add3A_96, %iota3A : vector<16xi32>
          %broadcast_in_dim3A_98 = arith.constant 0 : i32
          %broadcast_in_dim3A_99 = vector.broadcast %broadcast_in_dim3A_98 : i32 to vector<16xi32>
          %gather3A = tpu.vector_load_idx %arg12[%add3A_97, %broadcast_in_dim3A_99] : memref<128x2xf32, #tpu.memory_space<vmem>>[vector<16xi32>, vector<16xi32>], vector<16xf32>,
          %gather3A_100 = tpu.vector_load_idx %arg11[%add3A_97, %broadcast_in_dim3A_99] : memref<128x16xf32, #tpu.memory_space<vmem>>[vector<16xi32>, vector<16xi32>], vector<16xf32>,
          %mul3A_101 = arith.mulf %gather3A, %gather3A_100 : vector<16xf32>
          %mul3A_102 = arith.constant 5.000000e-01 : f32
          %mul3A_103 = vector.broadcast %mul3A_102 : f32 to vector<16xf32>
          %mul3A_104 = arith.mulf %mul3A_101, %mul3A_103 : vector<16xf32>
          tpu.vector_store_idx %arg13[%add3A_97, %broadcast_in_dim3A_99], %mul3A_104 : memref<128x2xf32, #tpu.memory_space<vmem>>[vector<16xi32>, vector<16xi32>], vector<16xf32>,
          %broadcast_in_dim3A_105 = arith.constant 1 : i32
          %broadcast_in_dim3A_106 = vector.broadcast %broadcast_in_dim3A_105 : i32 to vector<16xi32>
          %gather3A_107 = tpu.vector_load_idx %arg12[%add3A_97, %broadcast_in_dim3A_106] : memref<128x2xf32, #tpu.memory_space<vmem>>[vector<16xi32>, vector<16xi32>], vector<16xf32>,
          %gather3A_108 = tpu.vector_load_idx %arg11[%add3A_97, %broadcast_in_dim3A_106] : memref<128x16xf32, #tpu.memory_space<vmem>>[vector<16xi32>, vector<16xi32>], vector<16xf32>,
          %mul3A_109 = arith.mulf %gather3A_107, %gather3A_108 : vector<16xf32>
          %mul3A_110 = arith.constant 5.000000e-01 : f32
          %mul3A_111 = vector.broadcast %mul3A_110 : f32 to vector<16xf32>
          %mul3A_112 = arith.mulf %mul3A_109, %mul3A_111 : vector<16xf32>
          tpu.vector_store_idx %arg13[%add3A_97, %broadcast_in_dim3A_106], %mul3A_112 : memref<128x2xf32, #tpu.memory_space<vmem>>[vector<16xi32>, vector<16xi32>], vector<16xf32>,
          %scan3A_113 = arith.constant 0 : i32
          scf.yield %scan3A_113 : i32
        }
        %scan3A_83 = arith.constant 8 : i32
        %scan3A_84 = arith.constant 0 : i32
        %scan3A_85 = arith.constant 0 : i32
        %scan3A_86 = arith.constant 128 : i32
        %scan3A_87 = arith.addi %scan3A_85, %scan3A_86 : i32
        %scan3A_88 = arith.constant 1 : i32
        %scan3A_89 = scf.for %scan3A_92 = %scan3A_85 to %scan3A_87 step %scan3A_88 iter_args(%scan3A_93 = %scan3A_84) -> (i32)  : i32 {
          %broadcast_in_dim3A_94 = vector.broadcast %scan3A_92 : i32 to vector<16xi32>
          %broadcast_in_dim3A_95 = arith.constant 0 : i32
          %broadcast_in_dim3A_96 = vector.broadcast %broadcast_in_dim3A_95 : i32 to vector<16xi32>
          %gather3A = tpu.vector_load_idx %arg13[%broadcast_in_dim3A_94, %broadcast_in_dim3A_96] : memref<128x2xf32, #tpu.memory_space<vmem>>[vector<16xi32>, vector<16xi32>], vector<16xf32>,
          %broadcast_in_dim3A_97 = arith.constant 1 : i32
          %broadcast_in_dim3A_98 = vector.broadcast %broadcast_in_dim3A_97 : i32 to vector<16xi32>
          %gather3A_99 = tpu.vector_load_idx %arg13[%broadcast_in_dim3A_94, %broadcast_in_dim3A_98] : memref<128x2xf32, #tpu.memory_space<vmem>>[vector<16xi32>, vector<16xi32>], vector<16xf32>,
          %get3A = arith.index_cast %scan3A_92 : i32 to index
          %get3A_100 = arith.constant 0 : index
          %get3A_101 = tpu.vector_load %arg10[%get3A, %get3A_100] {strides = array<i32>} : memref<128x64xf32, #tpu.memory_space<vmem>>, vector<16xf32>,
          %mul3A_102 = arith.mulf %gather3A, %get3A_101 : vector<16xf32>
          %get3A_103 = arith.index_cast %scan3A_92 : i32 to index
          %get3A_104 = arith.constant 32 : index
          %get3A_105 = tpu.vector_load %arg10[%get3A_103, %get3A_104] {strides = array<i32>} : memref<128x64xf32, #tpu.memory_space<vmem>>, vector<16xf32>,
          %mul3A_106 = arith.mulf %gather3A_99, %get3A_105 : vector<16xf32>
          %add3A_107 = arith.addf %mul3A_102, %mul3A_106 : vector<16xf32>
          %swap3A = arith.index_cast %scan3A_92 : i32 to index
          %swap3A_108 = arith.constant 0 : index
          %swap3A_109 = tpu.vector_load %arg14[%swap3A, %swap3A_108] {strides = array<i32>} : memref<128x32xf32, #tpu.memory_space<vmem>>, vector<16xf32>,
          tpu.vector_store %arg14[%swap3A, %swap3A_108], %add3A_107 {strides = array<i32>} : memref<128x32xf32, #tpu.memory_space<vmem>>, vector<16xf32>,
          %get3A_110 = arith.index_cast %scan3A_92 : i32 to index
          %get3A_111 = arith.constant 16 : index
          %get3A_112 = tpu.vector_load %arg10[%get3A_110, %get3A_111] {strides = array<i32>} : memref<128x64xf32, #tpu.memory_space<vmem>>, vector<16xf32>,
          %mul3A_113 = arith.mulf %gather3A, %get3A_112 : vector<16xf32>
          %get3A_114 = arith.index_cast %scan3A_92 : i32 to index
          %get3A_115 = arith.constant 48 : index
          %get3A_116 = tpu.vector_load %arg10[%get3A_114, %get3A_115] {strides = array<i32>} : memref<128x64xf32, #tpu.memory_space<vmem>>, vector<16xf32>,
          %mul3A_117 = arith.mulf %gather3A_99, %get3A_116 : vector<16xf32>
          %add3A_118 = arith.addf %mul3A_113, %mul3A_117 : vector<16xf32>
          %swap3A_119 = arith.index_cast %scan3A_92 : i32 to index
          %swap3A_120 = arith.constant 16 : index
          %swap3A_121 = tpu.vector_load %arg14[%swap3A_119, %swap3A_120] {strides = array<i32>} : memref<128x32xf32, #tpu.memory_space<vmem>>, vector<16xf32>,
          tpu.vector_store %arg14[%swap3A_119, %swap3A_120], %add3A_118 {strides = array<i32>} : memref<128x32xf32, #tpu.memory_space<vmem>>, vector<16xf32>,
          %scan3A_122 = arith.constant 0 : i32
          scf.yield %scan3A_122 : i32
        }
        %scan3A_90 = arith.constant 128 : i32
        "tpu.region"() ({
          %run_scoped3A = tpu.sem_alloc : memref<!tpu.dma_semaphore, #tpu.memory_space<semaphore_mem>>
          %dma_start3A_92 = arith.constant 0 : i32
          %dma_start3A_93 = tpu.memref_slice %arg8[%scan3A_45, %dma_start3A_92] : memref<8x128xi32, #tpu.memory_space<vmem>> -> memref<1x128xi32, #tpu.memory_space<vmem>>
          %dma_start3A_94 = tpu.memref_squeeze %dma_start3A_93 : memref<1x128xi32, #tpu.memory_space<vmem>> -> memref<128xi32, #tpu.memory_space<vmem>>
          %dma_start3A_95 = arith.constant 0 : i32
          %dma_start3A_96 = arith.constant 0 : i32
          %dma_start3A_97 = tpu.memref_slice %arg16[%dma_start3A_95, %dma_start3A_96] : memref<51200x32xf32, #tpu.memory_space<vmem_shared>> -> memref<51200x32xf32, #tpu.memory_space<vmem_shared>>
          tpu.enqueue_indirect_dma source(%arg14 : memref<128x32xf32, #tpu.memory_space<vmem>>) target(%dma_start3A_97 : memref<51200x32xf32, #tpu.memory_space<vmem_shared>>) offsets(%dma_start3A_94 : memref<128xi32, #tpu.memory_space<vmem>>) semaphore(%run_scoped3A : memref<!tpu.dma_semaphore, #tpu.memory_space<semaphore_mem>>) {add = true}
          %dma_wait3A_98 = arith.constant 0 : i32
          %dma_wait3A_99 = tpu.memref_slice %arg8[%scan3A_45, %dma_wait3A_98] : memref<8x128xi32, #tpu.memory_space<vmem>> -> memref<1x128xi32, #tpu.memory_space<vmem>>
          %dma_wait3A_100 = tpu.memref_squeeze %dma_wait3A_99 : memref<1x128xi32, #tpu.memory_space<vmem>> -> memref<128xi32, #tpu.memory_space<vmem>>
          %dma_wait3A_101 = arith.constant 0 : i32
          %dma_wait3A_102 = arith.constant 0 : i32
          %dma_wait3A_103 = tpu.memref_slice %arg16[%dma_wait3A_101, %dma_wait3A_102] : memref<51200x32xf32, #tpu.memory_space<vmem_shared>> -> memref<51200x32xf32, #tpu.memory_space<vmem_shared>>
          tpu.wait_indirect_dma semaphore(%run_scoped3A : memref<!tpu.dma_semaphore, #tpu.memory_space<semaphore_mem>>) src(%arg14 : memref<128x32xf32, #tpu.memory_space<vmem>>) dst(%dma_wait3A_103 : memref<51200x32xf32, #tpu.memory_space<vmem_shared>>)
          tpu.yield
        }) : () -> ()
        %scan3A_91 = arith.constant 0 : i32
        scf.yield %scan3A_91 : i32
      }
      %scan3A_43 = arith.constant 8 : i32
      %scan3A_44 = arith.constant 0 : i32
      scf.yield %scan3A_44 : i32
    }
    %scan3A_21 = arith.constant 25 : i32
    %barrier3A_22 = arith.constant 0 : index
    tpu.barrier barrier_id(%barrier3A_22)
    %mul3A_23 = arith.constant 3200 : i32
    %mul3A_24 = arith.muli %arg1, %mul3A_23 : i32
    %mul3A_25 = arith.constant 51200 : i32
    %mul3A_26 = arith.muli %arg0, %mul3A_25 : i32
    %mul3A_27 = arith.constant 3200 : i32
    %mul3A_28 = arith.muli %arg1, %mul3A_27 : i32
    %add3A_29 = arith.addi %mul3A_26, %mul3A_28 : i32
    "tpu.region"() ({
      %run_scoped3A = tpu.sem_alloc : memref<!tpu.dma_semaphore, #tpu.memory_space<semaphore_mem>>
      %dma_start3A = arith.constant 0 : i32
      %dma_start3A_30 = tpu.memref_slice %arg7[%add3A_29, %dma_start3A] : memref<102400x32xf32, #tpu.memory_space<hbm>> -> memref<3200x32xf32, #tpu.memory_space<hbm>>
      %dma_start3A_31 = arith.constant 0 : i32
      %dma_start3A_32 = tpu.memref_slice %arg16[%mul3A_24, %dma_start3A_31] : memref<51200x32xf32, #tpu.memory_space<vmem_shared>> -> memref<3200x32xf32, #tpu.memory_space<vmem_shared>>
      tpu.enqueue_dma source(%dma_start3A_32 : memref<3200x32xf32, #tpu.memory_space<vmem_shared>>) target(%dma_start3A_30 : memref<3200x32xf32, #tpu.memory_space<hbm>>) target_semaphore(%run_scoped3A : memref<!tpu.dma_semaphore, #tpu.memory_space<semaphore_mem>>)
      %dma_wait3A = arith.constant 0 : i32
      %dma_wait3A_33 = tpu.memref_slice %arg7[%add3A_29, %dma_wait3A] : memref<102400x32xf32, #tpu.memory_space<hbm>> -> memref<3200x32xf32, #tpu.memory_space<hbm>>
      %dma_wait3A_34 = arith.constant 0 : i32
      %dma_wait3A_35 = tpu.memref_slice %arg16[%mul3A_24, %dma_wait3A_34] : memref<51200x32xf32, #tpu.memory_space<vmem_shared>> -> memref<3200x32xf32, #tpu.memory_space<vmem_shared>>
      tpu.wait_dma2 semaphore(%run_scoped3A : memref<!tpu.dma_semaphore, #tpu.memory_space<semaphore_mem>>) src(%dma_wait3A_35 : memref<3200x32xf32, #tpu.memory_space<vmem_shared>>) dst(%dma_wait3A_33 : memref<3200x32xf32, #tpu.memory_space<hbm>>)
      tpu.yield
    }) : () -> ()
    return
  }
}

module attributes {stable_mosaic.version = 14 : i64} {
  func.func @_k2_body(%arg0: i32, %arg1: memref<512x16xf32, #tpu.memory_space<vmem>>, %arg2: memref<512x32xf32, #tpu.memory_space<vmem>>, %arg3: memref<16x224xf32, #tpu.memory_space<vmem>>, %arg4: memref<32x224xf32, #tpu.memory_space<vmem>>, %arg5: memref<1x224xf32, #tpu.memory_space<vmem>>, %arg6: memref<512x64xf32, #tpu.memory_space<vmem>>, %arg7: memref<512x64xf32, #tpu.memory_space<vmem>>, %arg8: memref<512x64xf32, #tpu.memory_space<vmem>>, %arg9: memref<512x32xf32, #tpu.memory_space<vmem>>) attributes {dimension_semantics = [#tpu.dimension_semantics<arbitrary>], iteration_bounds = array<i64: 128>, scalar_prefetch = 0 : i64, scratch_operands = 0 : i64, tpu.core_type = #tpu.core_type<tc>, window_params = [{transform_indices = @transform_0, window_bounds = array<i64: 512, 16>}, {transform_indices = @transform_1, window_bounds = array<i64: 512, 32>}, {pipeline_mode = #tpu.pipeline_mode<synchronous>, transform_indices = @transform_2, window_bounds = array<i64: 16, 224>}, {pipeline_mode = #tpu.pipeline_mode<synchronous>, transform_indices = @transform_3, window_bounds = array<i64: 32, 224>}, {pipeline_mode = #tpu.pipeline_mode<synchronous>, transform_indices = @transform_4, window_bounds = array<i64: 1, 224>}, {transform_indices = @transform_5, window_bounds = array<i64: 512, 64>}, {transform_indices = @transform_6, window_bounds = array<i64: 512, 64>}, {transform_indices = @transform_7, window_bounds = array<i64: 512, 64>}, {transform_indices = @transform_8, window_bounds = array<i64: 512, 32>}]} {
    %get3A = arith.constant 0 : index
    %get3A_0 = arith.constant 0 : index
    %get3A_1 = vector.load %arg1[%get3A, %get3A_0] : memref<512x16xf32, #tpu.memory_space<vmem>>, vector<512x16xf32>
    %get3A_2 = arith.constant 0 : index
    %get3A_3 = arith.constant 0 : index
    %get3A_4 = vector.load %arg2[%get3A_2, %get3A_3] : memref<512x32xf32, #tpu.memory_space<vmem>>, vector<512x32xf32>
    %get3A_5 = arith.constant 0 : index
    %get3A_6 = arith.constant 0 : index
    %get3A_7 = vector.load %arg3[%get3A_5, %get3A_6] : memref<16x224xf32, #tpu.memory_space<vmem>>, vector<16x224xf32>
    %dot_general3A = arith.constant dense<0.000000e+00> : vector<512x224xf32>
    %dot_general3A_8 = tpu.matmul %get3A_1, %get3A_7, %dot_general3A {dimension_numbers = #tpu.dot_dimension_numbers<[1], [0], [0], [1], [0, 0, 1, 1], [], []>, transpose_lhs_hint = false} : vector<512x16xf32>, vector<16x224xf32>, vector<512x224xf32> -> vector<512x224xf32>
    %get3A_9 = arith.constant 0 : index
    %get3A_10 = arith.constant 0 : index
    %get3A_11 = vector.load %arg4[%get3A_9, %get3A_10] : memref<32x224xf32, #tpu.memory_space<vmem>>, vector<32x224xf32>
    %dot_general3A_12 = arith.constant dense<0.000000e+00> : vector<512x224xf32>
    %dot_general3A_13 = tpu.matmul %get3A_4, %get3A_11, %dot_general3A_12 {dimension_numbers = #tpu.dot_dimension_numbers<[1], [0], [0], [1], [0, 0, 1, 1], [], []>, transpose_lhs_hint = false} : vector<512x32xf32>, vector<32x224xf32>, vector<512x224xf32> -> vector<512x224xf32>
    %add3A = arith.addf %dot_general3A_8, %dot_general3A_13 : vector<512x224xf32>
    %get3A_14 = arith.constant 0 : index
    %get3A_15 = arith.constant 0 : index
    %get3A_16 = vector.load %arg5[%get3A_14, %get3A_15] : memref<1x224xf32, #tpu.memory_space<vmem>>, vector<1x224xf32>
    %add3A_17 = vector.broadcast %get3A_16 : vector<1x224xf32> to vector<512x224xf32>
    %add3A_18 = arith.addf %add3A, %add3A_17 : vector<512x224xf32>
    %slice3A = vector.extract_strided_slice %add3A_18 {offsets = [0, 0], sizes = [512, 64], strides = [1, 1]} : vector<512x224xf32> to vector<512x64xf32>
    %swap3A = arith.constant 0 : index
    %swap3A_19 = arith.constant 0 : index
    %swap3A_20 = vector.load %arg6[%swap3A, %swap3A_19] : memref<512x64xf32, #tpu.memory_space<vmem>>, vector<512x64xf32>
    tpu.vector_store %arg6[%swap3A, %swap3A_19], %slice3A {strides = array<i32>} : memref<512x64xf32, #tpu.memory_space<vmem>>, vector<512x64xf32>,
    %slice3A_21 = vector.extract_strided_slice %add3A_18 {offsets = [0, 64], sizes = [512, 64], strides = [1, 1]} : vector<512x224xf32> to vector<512x64xf32>
    %swap3A_22 = arith.constant 0 : index
    %swap3A_23 = arith.constant 0 : index
    %swap3A_24 = vector.load %arg7[%swap3A_22, %swap3A_23] : memref<512x64xf32, #tpu.memory_space<vmem>>, vector<512x64xf32>
    tpu.vector_store %arg7[%swap3A_22, %swap3A_23], %slice3A_21 {strides = array<i32>} : memref<512x64xf32, #tpu.memory_space<vmem>>, vector<512x64xf32>,
    %slice3A_25 = vector.extract_strided_slice %add3A_18 {offsets = [0, 128], sizes = [512, 64], strides = [1, 1]} : vector<512x224xf32> to vector<512x64xf32>
    %swap3A_26 = arith.constant 0 : index
    %swap3A_27 = arith.constant 0 : index
    %swap3A_28 = vector.load %arg8[%swap3A_26, %swap3A_27] : memref<512x64xf32, #tpu.memory_space<vmem>>, vector<512x64xf32>
    tpu.vector_store %arg8[%swap3A_26, %swap3A_27], %slice3A_25 {strides = array<i32>} : memref<512x64xf32, #tpu.memory_space<vmem>>, vector<512x64xf32>,
    %slice3A_29 = vector.extract_strided_slice %add3A_18 {offsets = [0, 192], sizes = [512, 32], strides = [1, 1]} : vector<512x224xf32> to vector<512x32xf32>
    %swap3A_30 = arith.constant 0 : index
    %swap3A_31 = arith.constant 0 : index
    %swap3A_32 = vector.load %arg9[%swap3A_30, %swap3A_31] : memref<512x32xf32, #tpu.memory_space<vmem>>, vector<512x32xf32>
    tpu.vector_store %arg9[%swap3A_30, %swap3A_31], %slice3A_29 {strides = array<i32>} : memref<512x32xf32, #tpu.memory_space<vmem>>, vector<512x32xf32>,
    return
  }
  func.func @transform_0(%arg0: i32) -> (i32, i32) {
    %c0_i32 = arith.constant 0 : i32
    %c0_i32_0 = arith.constant 0 : i32
    return %arg0, %c0_i32 : i32, i32
  }
  func.func @transform_1(%arg0: i32) -> (i32, i32) {
    %c0_i32 = arith.constant 0 : i32
    %c0_i32_0 = arith.constant 0 : i32
    return %arg0, %c0_i32 : i32, i32
  }
  func.func @transform_2(%arg0: i32) -> (i32, i32) {
    %c0_i32 = arith.constant 0 : i32
    %c0_i32_0 = arith.constant 0 : i32
    %c0_i32_1 = arith.constant 0 : i32
    return %c0_i32, %c0_i32_0 : i32, i32
  }
  func.func @transform_3(%arg0: i32) -> (i32, i32) {
    %c0_i32 = arith.constant 0 : i32
    %c0_i32_0 = arith.constant 0 : i32
    %c0_i32_1 = arith.constant 0 : i32
    return %c0_i32, %c0_i32_0 : i32, i32
  }
  func.func @transform_4(%arg0: i32) -> (i32, i32) {
    %c0_i32 = arith.constant 0 : i32
    %c0_i32_0 = arith.constant 0 : i32
    %c0_i32_1 = arith.constant 0 : i32
    return %c0_i32, %c0_i32_0 : i32, i32
  }
  func.func @transform_5(%arg0: i32) -> (i32, i32) {
    %c0_i32 = arith.constant 0 : i32
    %c0_i32_0 = arith.constant 0 : i32
    return %arg0, %c0_i32 : i32, i32
  }
  func.func @transform_6(%arg0: i32) -> (i32, i32) {
    %c0_i32 = arith.constant 0 : i32
    %c0_i32_0 = arith.constant 0 : i32
    return %arg0, %c0_i32 : i32, i32
  }
  func.func @transform_7(%arg0: i32) -> (i32, i32) {
    %c0_i32 = arith.constant 0 : i32
    %c0_i32_0 = arith.constant 0 : i32
    return %arg0, %c0_i32 : i32, i32
  }
  func.func @transform_8(%arg0: i32) -> (i32, i32) {
    %c0_i32 = arith.constant 0 : i32
    %c0_i32_0 = arith.constant 0 : i32
    return %arg0, %c0_i32 : i32, i32
  }
}

module attributes {stable_mosaic.version = 14 : i64} {
  func.func @_k4_body(%arg0: i32, %arg1: memref<400x128xf32, #tpu.memory_space<vmem>>, %arg2: memref<400x128xf32, #tpu.memory_space<vmem>>, %arg3: memref<400x128xf32, #tpu.memory_space<vmem>>) attributes {dimension_semantics = [#tpu.dimension_semantics<arbitrary>], iteration_bounds = array<i64: 16>, scalar_prefetch = 0 : i64, scratch_operands = 0 : i64, tpu.core_type = #tpu.core_type<tc>, window_params = [{transform_indices = @transform_0, window_bounds = array<i64: 400, 128>}, {transform_indices = @transform_1, window_bounds = array<i64: 400, 128>}, {transform_indices = @transform_2, window_bounds = array<i64: 400, 128>}]} {
    %get3A = arith.constant 0 : index
    %get3A_0 = arith.constant 0 : index
    %get3A_1 = vector.load %arg1[%get3A, %get3A_0] : memref<400x128xf32, #tpu.memory_space<vmem>>, vector<400x128xf32>
    %get3A_2 = arith.constant 0 : index
    %get3A_3 = arith.constant 0 : index
    %get3A_4 = vector.load %arg2[%get3A_2, %get3A_3] : memref<400x128xf32, #tpu.memory_space<vmem>>, vector<400x128xf32>
    %add3A = arith.addf %get3A_1, %get3A_4 : vector<400x128xf32>
    %add3A_5 = arith.constant 1.000000e-16 : f32
    %add3A_6 = vector.broadcast %add3A_5 : f32 to vector<400x128xf32>
    %add3A_7 = arith.addf %add3A, %add3A_6 : vector<400x128xf32>
    %div3A = arith.constant 1.000000e+00 : f32
    %div3A_8 = vector.broadcast %div3A : f32 to vector<400x128xf32>
    %div3A_9 = arith.divf %div3A_8, %add3A_7 : vector<400x128xf32>
    %swap3A = arith.constant 0 : index
    %swap3A_10 = arith.constant 0 : index
    %swap3A_11 = vector.load %arg3[%swap3A, %swap3A_10] : memref<400x128xf32, #tpu.memory_space<vmem>>, vector<400x128xf32>
    tpu.vector_store %arg3[%swap3A, %swap3A_10], %div3A_9 {strides = array<i32>} : memref<400x128xf32, #tpu.memory_space<vmem>>, vector<400x128xf32>,
    return
  }
  func.func @transform_0(%arg0: i32) -> (i32, i32) {
    %c0_i32 = arith.constant 0 : i32
    %c0_i32_0 = arith.constant 0 : i32
    return %arg0, %c0_i32 : i32, i32
  }
  func.func @transform_1(%arg0: i32) -> (i32, i32) {
    %c0_i32 = arith.constant 0 : i32
    %c0_i32_0 = arith.constant 0 : i32
    return %arg0, %c0_i32 : i32, i32
  }
  func.func @transform_2(%arg0: i32) -> (i32, i32) {
    %c0_i32 = arith.constant 0 : i32
    %c0_i32_0 = arith.constant 0 : i32
    return %arg0, %c0_i32 : i32, i32
  }
}

module attributes {stable_mosaic.version = 14 : i64} {
  func.func @_k6_body(%arg0: i32, %arg1: memref<1000x32xf32, #tpu.memory_space<vmem>>, %arg2: memref<1000x32xf32, #tpu.memory_space<vmem>>, %arg3: memref<1000x32xf32, #tpu.memory_space<vmem>>, %arg4: memref<1000x32xf32, #tpu.memory_space<vmem>>) attributes {dimension_semantics = [#tpu.dimension_semantics<arbitrary>], iteration_bounds = array<i64: 50>, scalar_prefetch = 0 : i64, scratch_operands = 0 : i64, tpu.core_type = #tpu.core_type<tc>, window_params = [{transform_indices = @transform_0, window_bounds = array<i64: 1000, 32>}, {transform_indices = @transform_1, window_bounds = array<i64: 1000, 32>}, {transform_indices = @transform_2, window_bounds = array<i64: 1000, 32>}, {transform_indices = @transform_3, window_bounds = array<i64: 1000, 32>}]} {
    %get3A = arith.constant 0 : index
    %get3A_0 = arith.constant 0 : index
    %get3A_1 = vector.load %arg1[%get3A, %get3A_0] : memref<1000x32xf32, #tpu.memory_space<vmem>>, vector<1000x32xf32>
    %get3A_2 = arith.constant 0 : index
    %get3A_3 = arith.constant 0 : index
    %get3A_4 = vector.load %arg2[%get3A_2, %get3A_3] : memref<1000x32xf32, #tpu.memory_space<vmem>>, vector<1000x32xf32>
    %add3A = arith.addf %get3A_1, %get3A_4 : vector<1000x32xf32>
    %get3A_5 = arith.constant 0 : index
    %get3A_6 = arith.constant 0 : index
    %get3A_7 = vector.load %arg3[%get3A_5, %get3A_6] : memref<1000x32xf32, #tpu.memory_space<vmem>>, vector<1000x32xf32>
    %add3A_8 = arith.addf %add3A, %get3A_7 : vector<1000x32xf32>
    %swap3A = arith.constant 0 : index
    %swap3A_9 = arith.constant 0 : index
    %swap3A_10 = vector.load %arg4[%swap3A, %swap3A_9] : memref<1000x32xf32, #tpu.memory_space<vmem>>, vector<1000x32xf32>
    tpu.vector_store %arg4[%swap3A, %swap3A_9], %add3A_8 {strides = array<i32>} : memref<1000x32xf32, #tpu.memory_space<vmem>>, vector<1000x32xf32>,
    return
  }
  func.func @transform_0(%arg0: i32) -> (i32, i32) {
    %c0_i32 = arith.constant 0 : i32
    %c0_i32_0 = arith.constant 0 : i32
    return %arg0, %c0_i32 : i32, i32
  }
  func.func @transform_1(%arg0: i32) -> (i32, i32) {
    %c0_i32 = arith.constant 0 : i32
    %c0_i32_0 = arith.constant 0 : i32
    return %arg0, %c0_i32 : i32, i32
  }
  func.func @transform_2(%arg0: i32) -> (i32, i32) {
    %c0_i32 = arith.constant 0 : i32
    %c0_i32_0 = arith.constant 0 : i32
    return %arg0, %c0_i32 : i32, i32
  }
  func.func @transform_3(%arg0: i32) -> (i32, i32) {
    %c0_i32 = arith.constant 0 : i32
    %c0_i32_0 = arith.constant 0 : i32
    return %arg0, %c0_i32 : i32, i32
  }
}

</mosaic_0001>

<sc_bundles>
// kernel: kernel.11.cloned.1.call-start
scs
__scs_entry_jumppad:
0x0: {  	(pc) =	sbr.rel $0x88, $3  }
0x1: {  	(tag) =	ssettag $0x0;
	lr =	simm.s32 $0x1  }
0x2: {  	[smem:$0x3F95] =	sst lr;
	_ =	strace $0xD0000000  }
0x3: {  	_ = 	snop  }
0x4: {  	_ = 	snop  }
0x5: {  	_ = 	snop  }
0x6: {  	_ = 	snop  }
0x7: {  	_ = 	snop  }
__scs_overlays_trampoline_lowered:
0x8: {  	[smem:$0x3FA4] =	sst s0  }
0x9: {  	[smem:$0x3FA5] =	sst s1  }
0xa: {  	[smem:$0x3FA6] =	sst s2  }
0xb: {  	[smem:$0x3FA7] =	sst s3  }
0xc: {  	[smem:$0x3FA8] =	sst s4  }
0xd: {  	[smem:$0x3FA9] =	sst s5  }
0xe: {  	[smem:$0x3FAA] =	sst s6  }
0xf: {  	[smem:$0x3FAB] =	sst s7  }
0x10: {  	[smem:$0x3FAC] =	sst s8  }
0x11: {  	[smem:$0x3FAD] =	sst s9;
	s0 =	simm.s32 @!p0 $0x0  }
0x12: {  	s1 =	sld [smem:$0x3F93];
	s0 =	simm.s32 @p0 $0x1  }
0x13: {  	[smem:$0x3FAE] =	sst s0;
	s0 =	simm.s32 @!p1 $0x0  }
0x14: {  	s2 =	sld [smem:$0x3F92];
	s0 =	simm.s32 @p1 $0x1  }
0x15: {  	[smem:$0x3FAF] =	sst s0;
	s0 =	simm.s32 @!p2 $0x0  }
0x16: {  	s3 =	sld [smem:$0x3FDB];
	s0 =	simm.s32 @p2 $0x1  }
0x17: {  	s4 =	simm.s32 $0x1BF5;
	[smem:$0x3FB1] =	sst s0  }
0x18: {  	s0 =	sld [smem:$0x3F94];
	_ =	swait.ge [sflag:s4], $0x0  }
0x19: {  	s7 =	sld [smem:$0x3F95]  }
0x1a: {  	s8 =	sadd.s32 $0xFFFFE003, lr  }
0x1b: {  	s9 =	sadd.s32 $0xFFFFFEF7, lr;
	s5 =	simm.s32 $0xFFFFFFFF;
	p2 =	slt.u32 s8, $0xFFFFF086  }
0x1c: {  	p1 =	slt.u32 s9, $0xF7A;
	s5 =	simm.s32 @!p2 $0x0  }
0x1d: {  	s5 =	simm.s32 @p1 $0x1;
	p0 =	seq.s32 s7, s2  }
0x1e: {  	s7 =	smul.u32 @!p0 $0xF7A, s2;
	p2 =	seq.s32 @!p0 s5, $0x0  }
0x1f: {  	s9 =	smul.u32 $0xF7A, s1;
	s8 =	simm.s32 @!p0 $0x1BF5;
	p2 =	por !p2, p0  }
0x20: {  	[sflag:s8] =	ssyncset.s32 @!p0 $0xFFFFF086;
	s6 =	sadd.s32 @!p0 s3, s7;
	s7 =	simm.s32 @!p0 $0x108  }
0x21: {  	s3 =	sadd.s32 s3, s9;
	s6 =	sadd.s32 @!p0 $0x88, s6;
	s7 =	simm.s32 @p2 $0x1082  }
0x22: {  	[simem:s7], [sflag:s8] =	dma.local @!p0 [hbm:s6], $0xF7A  }
0x23: {  	s9 =	sor.u32 $0xD0000000, s2;
	s6 =	simm.s32 $0x108;
	_ =	swait.ge @!p0 [sflag:s8], $0x0  }
0x24: {  	s3 =	sadd.s32 $0x88, s3;
	s6 =	simm.s32 @!p1 $0x1082;
	[sflag:s4] =	ssyncset.s32 $0xFFFFF086  }
0x25: {  	[simem:s6], [sflag:s4] =	dma.local [hbm:s3], $0xF7A  }
0x26: {  	[smem:$0x3F95] =	sst s1;
	(tag) =	ssettag s2;
	_ =	strace s9  }
0x27: {  	s1 =	sld [smem:$0x3FA5]  }
0x28: {  	s2 =	sld [smem:$0x3FA6]  }
0x29: {  	s4 =	sld [smem:$0x3FA8]  }
0x2a: {  	p0 =	seq.s32 s5, $0x0;
	s5 =	sld [smem:$0x3FA9]  }
0x2b: {  	s6 =	sld [smem:$0x3FAA]  }
0x2c: {  	s7 =	sld [smem:$0x3FAB]  }
0x2d: {  	s3 =	simm.s32 $0x108;
	s8 =	sld [smem:$0x3FAC]  }
0x2e: {  	s3 =	simm.s32 @!p0 $0x1082;
	s9 =	sld [smem:$0x3FAD]  }
0x2f: {  	lr =	sadd.s32 s0, s3;
	s0 =	sld [smem:$0x3FA4]  }
0x30: {  	s3 =	sld [smem:$0x3FA7]  }
0x31: {  	[smem:$0x3FB0] =	sst s10  }
0x32: {  	s10 =	sld [smem:$0x3FAE];
	_ =	sdelay $0x3  }
0x33: {  	p0 =	seq.s32 s10, $0x1;
	s10 =	sld [smem:$0x3FB0];
	_ =	sdelay $0x3  }
0x34: {  	[smem:$0x3FB0] =	sst s10  }
0x35: {  	s10 =	sld [smem:$0x3FAF];
	_ =	sdelay $0x3  }
0x36: {  	p1 =	seq.s32 s10, $0x1;
	s10 =	sld [smem:$0x3FB0];
	_ =	sdelay $0x3  }
0x37: {  	[smem:$0x3FB0] =	sst s10  }
0x38: {  	s10 =	sld [smem:$0x3FB1]  }
0x39: {  	_ = 	snop;
	(pc) =	sbr.ind lr, $3  }
0x3a: {  	_ = 	snop  }
0x3b: {  	_ = 	snop  }
0x3c: {  	p2 =	seq.s32 s10, $0x1;
	s10 =	sld [smem:$0x3FB0]  }
0x3d: {  	_ =	shalt  }
0x3e: {  	_ =	shalt  }
0x3f: {  	_ =	shalt  }
0x40: {  	_ =	shalt  }
0x41: {  	_ =	shalt  }
0x42: {  	_ =	shalt  }
0x43: {  	_ =	shalt  }
0x44: {  	_ =	shalt  }
0x45: {  	_ =	shalt  }
0x46: {  	_ =	shalt  }
0x47: {  	_ =	shalt  }
0x48: {  	_ =	shalt  }
0x49: {  	_ =	shalt  }
0x4a: {  	_ =	shalt  }
0x4b: {  	_ =	shalt  }
0x4c: {  	_ =	shalt  }
0x4d: {  	_ =	shalt  }
0x4e: {  	_ =	shalt  }
0x4f: {  	_ =	shalt  }
0x50: {  	_ =	shalt  }
0x51: {  	_ =	shalt  }
0x52: {  	_ =	shalt  }
0x53: {  	_ =	shalt  }
0x54: {  	_ =	shalt  }
0x55: {  	_ =	shalt  }
0x56: {  	_ =	shalt  }
0x57: {  	_ =	shalt  }
0x58: {  	_ =	shalt  }
0x59: {  	_ =	shalt  }
0x5a: {  	_ =	shalt  }
0x5b: {  	_ =	shalt  }
0x5c: {  	_ =	shalt  }
0x5d: {  	_ =	shalt  }
0x5e: {  	_ =	shalt  }
0x5f: {  	_ =	shalt  }
0x60: {  	_ =	shalt  }
0x61: {  	_ =	shalt  }
0x62: {  	_ =	shalt  }
0x63: {  	_ =	shalt  }
0x64: {  	_ =	shalt  }
0x65: {  	_ =	shalt  }
0x66: {  	_ =	shalt  }
0x67: {  	_ =	shalt  }
0x68: {  	_ =	shalt  }
0x69: {  	_ =	shalt  }
0x6a: {  	_ =	shalt  }
0x6b: {  	_ =	shalt  }
0x6c: {  	_ =	shalt  }
0x6d: {  	_ =	shalt  }
0x6e: {  	_ =	shalt  }
0x6f: {  	_ =	shalt  }
0x70: {  	_ =	shalt  }
0x71: {  	_ =	shalt  }
0x72: {  	_ =	shalt  }
0x73: {  	_ =	shalt  }
0x74: {  	_ =	shalt  }
0x75: {  	_ =	shalt  }
0x76: {  	_ =	shalt  }
0x77: {  	_ =	shalt  }
0x78: {  	_ =	shalt  }
0x79: {  	_ =	shalt  }
0x7a: {  	_ =	shalt  }
0x7b: {  	_ =	shalt  }
0x7c: {  	_ =	shalt  }
0x7d: {  	_ =	shalt  }
0x7e: {  	_ =	shalt  }
0x7f: {  	_ =	shalt  }
0x80: {  	_ =	shalt  }
0x81: {  	_ =	shalt  }
0x82: {  	_ =	shalt  }
0x83: {  	_ =	shalt  }
0x84: {  	_ =	shalt  }
0x85: {  	_ =	shalt  }
0x86: {  	_ =	shalt  }
0x87: {  	_ =	shalt  }
.Lfunc_end0:
.L_simem_size_0:
called_computation.1_lowered:
.L_overlay_start_0:
0x88: {  	s2 =	sld [smem:$0x3FD9]  }
0x89: {  	s3 =	sld [smem:$0x3FFE];
	_ =	sdelay $0x1  }
0x8a: {  	s1 =	srdreg.scid  }
0x8b: {  	s0 =	sand.u32 $0x1, s1  }
0x8c: {  	s16 =	sshll.u32 s0, $0xA;
	s2 =	sadd.s32 s3, s2  }
0x8d: {  	s2 =	sadd.s32 s2, s16  }
0x8e: {  	[smem:$0x3FBC] =	sst s2  }
0x8f: {  	_ = 	snop  }
0x90: {  	(tm) =	ssettm $0x1  }
0x91: {  	s17 =	sld [smem:$0x3FFB];
	_ =	sdelay $0x3  }
0x92: {  	_ =	strace s17  }
0x93: {  	s2 =	sld [smem:$0x3FFC];
	_ =	sdelay $0x3  }
0x94: {  	_ =	strace s2  }
0x95: {  	s2 =	sld [smem:$0x3FFD];
	_ =	sdelay $0x3  }
0x96: {  	_ =	strace s2  }
0x97: {  	_ =	strace $0x8FFFFFFF  }
0x98: {  	s18 =	sld [smem:$0x3FDB];
	_ =	sdelay $0x1  }
0x99: {  	s19 =	simm.s32 $_scs_section_size  }
0x9a: {  	s4 =	simm.s32 $_size__tile_overlayer_lowered;
	s5 =	simm.s32 $_tile_overlayer_lowered  }
0x9b: {  	s22 =	simm.s32 $0x1BFF;
	s21 =	sshll.u32 s5, $0x1;
	s2 =	sadd.s32 s19, s18  }
0x9c: {  	s6 =	simm.s32 $0x0;
	s20 =	sshll.u32 s4, $0x1;
	s4 =	sadd.s32 s21, s2  }
0x9d: {  	[timem:s6], [sflag:s22] =	dma.local [hbm:s4], s20  }
0x9e: {  	_ =	swait.ge [sflag:s22], s20  }
0x9f: {  	s3 =	ssub.s32 $0x0, s20;
	[sflag:s22] =	ssyncset.done $0x0  }
0xa0: {  	[sflag:s22] =	ssyncadd.s32 s3;
	_ =	sdelay $0x1  }
0xa1: {  	s23 =	simm.s32 $0x1B8B  }
0xa2: {  	_ =	swait.ge [sflag:s23], $0x1  }
0xa3: {  	[sflag:s23] =	ssyncset.done $0x0  }
0xa4: {  	s25 =	simm.s32 $0x1B8E;
	s24 =	sld [smem:$0x3FFE];
	[sflag:s23] =	ssyncadd.s32 $0xFFFFFFFF  }
0xa5: {  	s26 =	simm.s32 $execute0_lowered;
	[smem:$0x3FD2] =	sst s25  }
0xa6: {  	s4 =	sshll.u32 s26, $0x1;
	_ =	strace $0x80000049;
	[dreg:$0x1] =	wrdreg $0xFFFFFFFF  }
0xa7: {  	s28 =	simm.s32 $_size_execute0_lowered;
	s2 =	sadd.s32 s2, s4;
	[dreg:$0x0] =	wrdreg $0x0  }
0xa8: {  	s4 =	sshll.u32 s28, $0x1;
	[dreg:$0x2] =	wrdreg s2  }
0xa9: {  	[dreg:$0x3] =	wrdreg s4  }
0xaa: {  	[dreg:$0x4] =	wrdreg $0xC0  }
0xab: {  	_ =	task [dreg:s6], $0x5FFFF  }
0xac: {  	[dreg:$0x1] =	wrdreg $0xFFFFFFFF  }
0xad: {  	[dreg:$0x0] =	wrdreg $0x60  }
0xae: {  	[dreg:$0x2] =	wrdreg s24  }
0xaf: {  	[dreg:$0x3] =	wrdreg $0x5C000  }
0xb0: {  	[dreg:$0x4] =	wrdreg $0x9  }
0xb1: {  	_ =	task.clear_ibuf [dreg:s6], $0x5FFFF;
	_ =	strace $0x90000049  }
0xb2: {  	s29 =	simm.s32 $0x9;
	_ =	strace $0x8000004B  }
0xb3: {  	_ =	swait.ge [sflag:s29], $0x1  }
0xb4: {  	[sflag:s29] =	ssyncadd.s32 $0xFFFFFFFF  }
0xb5: {  	_ =	strace $0x9000004B  }
0xb6: {  	_ =	sfence  }
0xb7: {  	s30 =	sld [smem:$0x0];
	_ =	sdelay $0x2  }
0xb8: {  	s31 =	sshll.u32 s1, $0xD;
	s1 =	sshrl.u32 s1, $0x2  }
0xb9: {  	s3 =	sand.u32 $0x4000, s31;
	s1 =	sadd.s32 s1, s30  }
0xba: {  	s0 =	sor.u32 s3, s0;
	s1 =	sshll.u32 s1, $0x11  }
0xbb: {  	s0 =	sor.u32 s1, s0  }
0xbc: {  	s0 =	sadd.s32 $0x8F2B, s0  }
0xbd: {  	[sflag:s0] =	ssyncadd.remote.s32 $0x1  }
0xbe: {  	_ =	sfence.sel $0xFFFF  }
0xbf: {  	[dreg:$0x0] =	wrdreg $0xFFFFFFFF;
	(pc) =	sbr.abs _section_cstart, $3  }
0xc0: {  	[dreg:$0x1] =	wrdreg $0xFFFFFFFF  }
0xc1: {  	_ =	task.clear_ibuf [dreg:s6], $0x2FFFF;
	_ =	strace $0x9FFFFFFF  }
0xc2: {  	(tm) =	ssettm $0x7FFFFFFF  }
0xc3: {  	_ =	shalt  }
tec
execute0_lowered:
.L_overlay_start_1:
0x0: {  	(tag) =	ssettag $0x1  }
0x1: {  	s9 =	rddreg [dreg:$0x0]  }
0x2: {  	s1 =	rddreg [dreg:$0x1]  }
0x3: {  	s0 =	rddreg [dreg:$0x2];
	s2 =	simm.s32 $0x0  }
0x4: {  	s3 =	srdreg.scid;
	s16 =	simm.s32 $0x400;
	s17 =	simm.s32 $0x80  }
0x5: {  	s18 =	simm.s32 $0x800;
	s19 =	simm.s32 $0x2800;
	s20 =	simm.s32 $0x1  }
0x6: {  	s21 =	simm.s32 $0x4800;
	s22 =	simm.s32 $0x5000;
	s23 =	simm.s32 $0x0  }
0x7: {  	[smem:$0x7FF] =	sst s2;
	s10 =	sand.u32 $0x1, s3;
	s3 =	stileid.u32  }
0x8: {  	s4 =	sadd.s32 $0x97E00, s9;
	s5 =	sadd.s32 $0x130E00, s9;
	s11 =	smul.u32 $0x19000, s10  }
0x9: {  	s6 =	sadd.s32 $0x7EE00, s9;
	s7 =	sadd.s32 $0xB0E00, s9;
	s12 =	smul.u32 $0x1900, s3  }
0xa: {  	s8 =	sadd.s32 $0x1B0E00, s9;
	s13 =	smul.u32 $0x32000, s3;
	s30 =	ssub.s32 $0x2, s10  }
0xb: {  	_ =	strace $0x8000004A;
	s29 =	sshll.u32 s3, $0x1;
	s31 =	sshrl.u32 s30, $0x1  }
0xc: {  	s11 =	sadd.s32 s12, s11;
	s12 =	sor.u32 s10, s29;
	s13 =	sshrl.u32 s13, $0x2  }
0xd: {  	s15 =	ssub.s32 s30, s31;
	s14 =	sadd.s32 s11, s9;
	s9 =	smul.u32 $0xC8, s12  }
0xe: {  	s10 =	sadd.s32 s13, s1;
	s11 =	smul.u32 $0x32000, s12;
	s13 =	smax.u32 s15, $0x1  }
0xf: {  	v0 =	vimm.f32 $0.0e+00;
	v1 =	vlaneseq.u32;
	s15 =	simm.s32 $0x2;
	s12 =	sadd.s32 $0x4600, s14;
	s14 =	simm.s32 $0x5400  }
.LBB2_1:
0x10: {  	s24 =	simm.s32 $0x40;
	s25 =	simm.s32 $0x0  }
.LBB2_2:
0x11: {  	p0 =	sne.s32 s24, $0x1FC0;
	[tilespmem:s25+$0x5400] =	vst v0;
	s25 =	smov.u32 s24;
	s24 =	sadd.s32 $0x40, s24  }
.Ltmp0:
0x12: {  	(pc) =	sbr.rel @p0 .LBB2_2-.Ltmp0, $2  }
0x13: {  	_ =	sdelay $0x2  }
0x14: {  	s25 =	sshra.s32 s25, $0x2  }
0x15: {  	[tilespmem:s25+$0x5400] =	vst v0;
	s24 =	simm.s32 $0x40;
	s25 =	simm.s32 $0x0  }
.LBB2_4:
0x16: {  	p0 =	sne.s32 s24, $0x1FC0;
	[tilespmem:s25+$0x4800] =	vst v0;
	s25 =	smov.u32 s24;
	s24 =	sadd.s32 $0x40, s24  }
.Ltmp1:
0x17: {  	(pc) =	sbr.rel @p0 .LBB2_4-.Ltmp1, $2  }
0x18: {  	_ =	sdelay $0x2  }
0x19: {  	s25 =	sshra.s32 s25, $0x2  }
0x1a: {  	[tilespmem:s25+$0x4800] =	vst v0;
	s24 =	sadd.s32 $0x0, s10  }
0x1b: {  	[spmem:s24] =	stream.linear.scatter [tilespmem:s14], [sflag:$0x2], $0x800, $0x38;
	[tilespmem:$0x12400] =	vst v63  }
0x1c: {  	s24 =	simm.s32 $0x2000;
	_ =	swait.ge [sflag:s15], $0x800  }
.LBB2_6:
0x1d: {  	s25 =	sshra.s32 s24, $0x2;
	[sflag:s15] =	ssyncset.done $0x0;
	p0 =	sne.s32 s24, $0x30000  }
.Ltmp2:
0x1e: {  	s25 =	sadd.s32 s25, s10;
	[sflag:s15] =	ssyncadd.s32 $0xFFFFF800;
	(pc) =	sbr.rel @p0 .LBB2_6-.Ltmp2, $3  }
0x1f: {  	[spmem:s25] =	stream.linear.scatter [tilespmem:s14], [sflag:$0x2], $0x800, $0x38;
	[tilespmem:$0x12400] =	vst v63  }
0x20: {  	s24 =	sadd.s32 $0x2000, s24;
	_ =	sdelay $0x1  }
0x21: {  	_ =	swait.ge [sflag:s15], $0x800  }
0x22: {  	[sflag:s15] =	ssyncset.done $0x0  }
0x23: {  	[sflag:s15] =	ssyncadd.s32 $0xFFFFF800  }
0x24: {  	s24 =	simm.s32 $0x0;
	s25 =	simm.s32 $0x0;
	[bflag:$0x0] =	sbarrier.arrive $0xFFFF  }
.LBB2_8:
0x25: {  	s26 =	sshll.u32 s25, $0x3  }
0x26: {  	s28 =	sadd.s32 s9, s26  }
0x27: {  	s28 =	sshll.u32 s28, $0x4  }
0x28: {  	s29 =	sadd.s32 s4, s28  }
0x29: {  	[tilespmem:s24], [sflag:$0x2] =	stream.linear.gather [hbm4b:s29+s24], $0x400, $0x38;
	[tilespmem:$0x12400] =	vst v63  }
0x2a: {  	_ =	swait.ge [sflag:s15], $0x400  }
0x2b: {  	[sflag:s15] =	ssyncset.done $0x0  }
0x2c: {  	s28 =	sadd.s32 s6, s28;
	[sflag:s15] =	ssyncadd.s32 $0xFFFFFC00  }
0x2d: {  	[tilespmem:s16], [sflag:$0x2] =	stream.linear.gather [hbm4b:s28+s24], $0x400, $0x38;
	[tilespmem:$0x12400] =	vst v63  }
0x2e: {  	_ =	swait.ge [sflag:s15], $0x400  }
0x2f: {  	[sflag:s15] =	ssyncset.done $0x0  }
0x30: {  	s28 =	simm.s32 $0x0;
	[sflag:s15] =	ssyncadd.s32 $0xFFFFFC00  }
.LBB2_9:
0x31: {  	s29 =	sshll.u32 s28, $0x7  }
0x32: {  	[tilespmem:s18], [sflag:$0x1] =	stream.indirect.gather [hbm4b:s5+s17], $0x40, s29, s17, $0xb8;
	[tilespmem:$0x12400] =	vst v63  }
0x33: {  	s30 =	sadd.s32 $0x400, s29  }
0x34: {  	[tilespmem:s19], [sflag:$0x1] =	stream.indirect.gather [hbm4b:s7+s17], $0x40, s30, s17, $0xb8;
	[tilespmem:$0x12400] =	vst v63  }
0x35: {  	s30 =	simm.s32 $0x0  }
0x36: {  	_ =	swait.ge [sflag:s20], $0x2000;
	v3 =	vor.u32 s30, v1  }
0x37: {  	[sflag:s20] =	ssyncset.done $0x0;
	v2 =	vshll.u32 v3, $0x6  }
0x38: {  	[sflag:s20] =	ssyncadd.s32 $0xFFFFE000  }
0x39: {  	v4 =	vor.u32 $0x1, v2;
	_ =	swait.ge [sflag:s20], $0x2000  }
0x3a: {  	[sflag:s20] =	ssyncset.done $0x0  }
0x3b: {  	v5 =	vor.u32 $0x2, v2;
	[sflag:s20] =	ssyncadd.s32 $0xFFFFE000  }
0x3c: {  	v6 =	vld.idx.msk [tilespmem:v2+s19+$0x0], $0xffff  }
0x3d: {  	v7 =	vor.u32 $0x3, v2;
	v8 =	vld.idx.msk [tilespmem:v2+s18+$0x0], $0xffff  }
0x3e: {  	v9 =	vld.idx.msk [tilespmem:v4+s18+$0x0], $0xffff  }
0x3f: {  	v10 =	vor.u32 $0x4, v2;
	v4 =	vld.idx.msk [tilespmem:v4+s19+$0x0], $0xffff  }
0x40: {  	v11 =	vld.idx.msk [tilespmem:v5+s18+$0x0], $0xffff  }
0x41: {  	v12 =	vor.u32 $0x5, v2;
	v5 =	vld.idx.msk [tilespmem:v5+s19+$0x0], $0xffff  }
0x42: {  	v13 =	vld.idx.msk [tilespmem:v7+s18+$0x0], $0xffff;
	v6 =	vmul.f32 v6, v8  }
0x43: {  	v61 =	vor.u32 $0x6, v2;
	v7 =	vld.idx.msk [tilespmem:v7+s19+$0x0], $0xffff  }
0x44: {  	v14 =	vld.idx.msk [tilespmem:v10+s18+$0x0], $0xffff;
	v4 =	vmul.f32 v4, v9;
	v6 =	vadd.f32 $0.0e+00, v6  }
0x45: {  	v63 =	vor.u32 $0x7, v2;
	v62 =	vld.idx.msk [tilespmem:v10+s19+$0x0], $0xffff  }
0x46: {  	v18 =	vld.idx.msk [tilespmem:v12+s19+$0x0], $0xffff;
	v5 =	vmul.f32 v5, v11;
	v4 =	vadd.f32 v4, v6  }
0x47: {  	v19 =	vor.u32 $0x8, v2;
	v6 =	vld.idx.msk [tilespmem:v12+s18+$0x0], $0xffff  }
0x48: {  	v20 =	vld.idx.msk [tilespmem:v61+s19+$0x0], $0xffff;
	v7 =	vmul.f32 v7, v13;
	v4 =	vadd.f32 v5, v4  }
0x49: {  	v21 =	vor.u32 $0x9, v2;
	v5 =	vld.idx.msk [tilespmem:v61+s18+$0x0], $0xffff  }
0x4a: {  	v15 =	vld.idx.msk [tilespmem:v63+s19+$0x0], $0xffff;
	v4 =	vadd.f32 v7, v4;
	v7 =	vmul.f32 v62, v14  }
0x4b: {  	v23 =	vor.u32 $0xA, v2;
	v22 =	vld.idx.msk [tilespmem:v63+s18+$0x0], $0xffff  }
0x4c: {  	v24 =	vld.idx.msk [tilespmem:v19+s19+$0x0], $0xffff;
	v6 =	vmul.f32 v18, v6;
	v4 =	vadd.f32 v7, v4  }
0x4d: {  	v25 =	vor.u32 $0xB, v2;
	v7 =	vld.idx.msk [tilespmem:v19+s18+$0x0], $0xffff  }
0x4e: {  	v26 =	vld.idx.msk [tilespmem:v21+s19+$0x0], $0xffff;
	v5 =	vmul.f32 v20, v5;
	v4 =	vadd.f32 v6, v4  }
0x4f: {  	v27 =	vor.u32 $0xC, v2;
	v6 =	vld.idx.msk [tilespmem:v21+s18+$0x0], $0xffff  }
0x50: {  	v28 =	vld.idx.msk [tilespmem:v23+s19+$0x0], $0xffff;
	v4 =	vadd.f32 v5, v4;
	v5 =	vmul.f32 v15, v22  }
0x51: {  	v30 =	vor.u32 $0xD, v2;
	v29 =	vld.idx.msk [tilespmem:v23+s18+$0x0], $0xffff  }
0x52: {  	v31 =	vld.idx.msk [tilespmem:v25+s19+$0x0], $0xffff;
	v4 =	vadd.f32 v5, v4;
	v5 =	vmul.f32 v24, v7  }
0x53: {  	v32 =	vor.u32 $0xE, v2;
	v7 =	vld.idx.msk [tilespmem:v25+s18+$0x0], $0xffff  }
0x54: {  	v33 =	vld.idx.msk [tilespmem:v27+s19+$0x0], $0xffff;
	v4 =	vadd.f32 v5, v4;
	v5 =	vmul.f32 v26, v6  }
0x55: {  	v34 =	vor.u32 $0xF, v2;
	v6 =	vld.idx.msk [tilespmem:v27+s18+$0x0], $0xffff  }
0x56: {  	v35 =	vld.idx.msk [tilespmem:v30+s19+$0x0], $0xffff;
	v4 =	vadd.f32 v5, v4;
	v5 =	vmul.f32 v28, v29  }
0x57: {  	v37 =	vor.u32 $0x10, v2;
	v36 =	vld.idx.msk [tilespmem:v30+s18+$0x0], $0xffff  }
0x58: {  	v38 =	vld.idx.msk [tilespmem:v32+s19+$0x0], $0xffff;
	v4 =	vadd.f32 v5, v4;
	v5 =	vmul.f32 v31, v7  }
0x59: {  	v39 =	vor.u32 $0x11, v2;
	v7 =	vld.idx.msk [tilespmem:v32+s18+$0x0], $0xffff  }
0x5a: {  	v40 =	vld.idx.msk [tilespmem:v34+s19+$0x0], $0xffff;
	v4 =	vadd.f32 v5, v4;
	v5 =	vmul.f32 v33, v6  }
0x5b: {  	v41 =	vor.u32 $0x12, v2;
	v6 =	vld.idx.msk [tilespmem:v34+s18+$0x0], $0xffff  }
0x5c: {  	v42 =	vld.idx.msk [tilespmem:v37+s19+$0x0], $0xffff;
	v4 =	vadd.f32 v5, v4;
	v5 =	vmul.f32 v35, v36  }
0x5d: {  	v44 =	vor.u32 $0x13, v2;
	v43 =	vld.idx.msk [tilespmem:v37+s18+$0x0], $0xffff  }
0x5e: {  	v45 =	vld.idx.msk [tilespmem:v39+s19+$0x0], $0xffff;
	v4 =	vadd.f32 v5, v4;
	v5 =	vmul.f32 v38, v7  }
0x5f: {  	v46 =	vor.u32 $0x14, v2;
	v7 =	vld.idx.msk [tilespmem:v39+s18+$0x0], $0xffff  }
0x60: {  	v47 =	vld.idx.msk [tilespmem:v41+s19+$0x0], $0xffff;
	v4 =	vadd.f32 v5, v4;
	v5 =	vmul.f32 v40, v6  }
0x61: {  	v48 =	vor.u32 $0x15, v2;
	v6 =	vld.idx.msk [tilespmem:v41+s18+$0x0], $0xffff  }
0x62: {  	v49 =	vld.idx.msk [tilespmem:v44+s19+$0x0], $0xffff;
	v4 =	vadd.f32 v5, v4;
	v5 =	vmul.f32 v42, v43  }
0x63: {  	v51 =	vor.u32 $0x16, v2;
	v50 =	vld.idx.msk [tilespmem:v44+s18+$0x0], $0xffff  }
0x64: {  	v52 =	vld.idx.msk [tilespmem:v46+s19+$0x0], $0xffff;
	v4 =	vadd.f32 v5, v4;
	v5 =	vmul.f32 v45, v7  }
0x65: {  	v53 =	vor.u32 $0x17, v2;
	v7 =	vld.idx.msk [tilespmem:v46+s18+$0x0], $0xffff  }
0x66: {  	v54 =	vld.idx.msk [tilespmem:v48+s19+$0x0], $0xffff;
	v4 =	vadd.f32 v5, v4;
	v5 =	vmul.f32 v47, v6  }
0x67: {  	v55 =	vor.u32 $0x18, v2;
	v6 =	vld.idx.msk [tilespmem:v48+s18+$0x0], $0xffff  }
0x68: {  	v56 =	vld.idx.msk [tilespmem:v51+s19+$0x0], $0xffff;
	v4 =	vadd.f32 v5, v4;
	v5 =	vmul.f32 v49, v50  }
0x69: {  	v58 =	vor.u32 $0x19, v2;
	v57 =	vld.idx.msk [tilespmem:v51+s18+$0x0], $0xffff  }
0x6a: {  	v59 =	vld.idx.msk [tilespmem:v53+s19+$0x0], $0xffff;
	v4 =	vadd.f32 v5, v4;
	v5 =	vmul.f32 v52, v7  }
0x6b: {  	v60 =	vor.u32 $0x1A, v2;
	v7 =	vld.idx.msk [tilespmem:v53+s18+$0x0], $0xffff  }
0x6c: {  	v61 =	vld.idx.msk [tilespmem:v55+s19+$0x0], $0xffff;
	v4 =	vadd.f32 v5, v4;
	v5 =	vmul.f32 v54, v6  }
0x6d: {  	v62 =	vor.u32 $0x1B, v2;
	v6 =	vld.idx.msk [tilespmem:v55+s18+$0x0], $0xffff  }
0x6e: {  	v63 =	vld.idx.msk [tilespmem:v58+s19+$0x0], $0xffff;
	v4 =	vadd.f32 v5, v4;
	v5 =	vmul.f32 v56, v57  }
0x6f: {  	v18 =	vld.idx.msk [tilespmem:v58+s18+$0x0], $0xffff;
	v19 =	vor.u32 $0x1C, v2  }
0x70: {  	v20 =	vld.idx.msk [tilespmem:v60+s19+$0x0], $0xffff;
	v4 =	vadd.f32 v5, v4;
	v5 =	vmul.f32 v59, v7  }
0x71: {  	v21 =	vor.u32 $0x1D, v2;
	v7 =	vld.idx.msk [tilespmem:v60+s18+$0x0], $0xffff  }
0x72: {  	v22 =	vld.idx.msk [tilespmem:v62+s19+$0x0], $0xffff;
	v4 =	vadd.f32 v5, v4;
	v5 =	vmul.f32 v61, v6  }
0x73: {  	v23 =	vor.u32 $0x1E, v2;
	v6 =	vld.idx.msk [tilespmem:v62+s18+$0x0], $0xffff  }
0x74: {  	v24 =	vld.idx.msk [tilespmem:v19+s19+$0x0], $0xffff;
	v4 =	vadd.f32 v5, v4;
	v5 =	vmul.f32 v63, v18  }
0x75: {  	v25 =	vld.idx.msk [tilespmem:v19+s18+$0x0], $0xffff;
	v26 =	vor.u32 $0x1F, v2  }
0x76: {  	v27 =	vld.idx.msk [tilespmem:v21+s19+$0x0], $0xffff;
	v4 =	vadd.f32 v5, v4;
	v5 =	vmul.f32 v20, v7  }
0x77: {  	v7 =	vld.idx.msk [tilespmem:v21+s18+$0x0], $0xffff  }
0x78: {  	v28 =	vld.idx.msk [tilespmem:v23+s19+$0x0], $0xffff;
	v4 =	vadd.f32 v5, v4;
	v5 =	vmul.f32 v22, v6  }
0x79: {  	v6 =	vld.idx.msk [tilespmem:v23+s18+$0x0], $0xffff  }
0x7a: {  	v29 =	vld.idx.msk [tilespmem:v26+s19+$0x0], $0xffff;
	v4 =	vadd.f32 v5, v4;
	v5 =	vmul.f32 v24, v25  }
0x7b: {  	v30 =	vld.idx.msk [tilespmem:v26+s18+$0x0], $0xffff  }
0x7c: {  	v4 =	vadd.f32 v5, v4;
	v5 =	vmul.f32 v27, v7;
	_ =	sdelay $0x1  }
0x7d: {  	v4 =	vadd.f32 v5, v4;
	v5 =	vmul.f32 v28, v6;
	_ =	sdelay $0x1  }
0x7e: {  	v4 =	vadd.f32 v5, v4;
	v5 =	vmul.f32 v29, v30;
	_ =	sdelay $0x1  }
0x7f: {  	v4 =	vadd.f32 v5, v4;
	_ =	sdelay $0x1  }
0x80: {  	v4 =	vmul.f32 $1.767766920e-01, v4;
	_ =	sdelay $0x1  }
0x81: {  	v4 =	vmul.f32 $1.442695020e+00, v4;
	_ =	sdelay $0x1  }
0x82: {  	(erf) = vpow2.f32 v4;
	_ =	sdelay $0x4  }
0x83: {  	v5 =	vshll.u32 v3, $0x4  }
0x84: {  	v3 =	vshll.u32 v3, $0x3  }
0x85: {  	v4 =	vor.u32 $0x20, v2;
	_ =	sdelay $0x1  }
0x86: {  	v6 =	vor.u32 $0x21, v2;
	v7 =	vpop (erf)  }
0x87: {  	[tilespmem:v5+s21+$0x0] =	vst.idx.msk $0xffff, v7  }
0x88: {  	[tilespmem:v3+s22+$0x0] =	vst.idx.msk $0xffff, v7;
	v7 =	vor.u32 $0x22, v2  }
0x89: {  	v31 =	vld.idx.msk [tilespmem:v4+s18+$0x0], $0xffff  }
0x8a: {  	v32 =	vor.u32 $0x23, v2;
	v4 =	vld.idx.msk [tilespmem:v4+s19+$0x0], $0xffff  }
0x8b: {  	v33 =	vld.idx.msk [tilespmem:v6+s19+$0x0], $0xffff  }
0x8c: {  	v34 =	vor.u32 $0x24, v2;
	v6 =	vld.idx.msk [tilespmem:v6+s18+$0x0], $0xffff  }
0x8d: {  	v35 =	vld.idx.msk [tilespmem:v7+s19+$0x0], $0xffff  }
0x8e: {  	v36 =	vor.u32 $0x25, v2;
	v7 =	vld.idx.msk [tilespmem:v7+s18+$0x0], $0xffff  }
0x8f: {  	v37 =	vld.idx.msk [tilespmem:v32+s19+$0x0], $0xffff;
	v4 =	vmul.f32 v4, v31  }
0x90: {  	v39 =	vor.u32 $0x26, v2;
	v38 =	vld.idx.msk [tilespmem:v32+s18+$0x0], $0xffff  }
0x91: {  	v40 =	vld.idx.msk [tilespmem:v34+s19+$0x0], $0xffff;
	v6 =	vmul.f32 v33, v6;
	v4 =	vadd.f32 $0.0e+00, v4  }
0x92: {  	v42 =	vor.u32 $0x27, v2;
	v41 =	vld.idx.msk [tilespmem:v34+s18+$0x0], $0xffff  }
0x93: {  	v16 =	vld.idx.msk [tilespmem:v36+s19+$0x0], $0xffff;
	v4 =	vadd.f32 v6, v4;
	v6 =	vmul.f32 v35, v7  }
0x94: {  	v43 =	vor.u32 $0x28, v2;
	v7 =	vld.idx.msk [tilespmem:v36+s18+$0x0], $0xffff  }
0x95: {  	v44 =	vld.idx.msk [tilespmem:v39+s19+$0x0], $0xffff;
	v4 =	vadd.f32 v6, v4;
	v6 =	vmul.f32 v37, v38  }
0x96: {  	v46 =	vor.u32 $0x29, v2;
	v45 =	vld.idx.msk [tilespmem:v39+s18+$0x0], $0xffff  }
0x97: {  	v47 =	vld.idx.msk [tilespmem:v42+s19+$0x0], $0xffff;
	v4 =	vadd.f32 v6, v4;
	v6 =	vmul.f32 v40, v41  }
0x98: {  	v49 =	vor.u32 $0x2A, v2;
	v48 =	vld.idx.msk [tilespmem:v42+s18+$0x0], $0xffff  }
0x99: {  	v50 =	vld.idx.msk [tilespmem:v43+s19+$0x0], $0xffff;
	v4 =	vadd.f32 v6, v4;
	v6 =	vmul.f32 v16, v7  }
0x9a: {  	v51 =	vor.u32 $0x2B, v2;
	v7 =	vld.idx.msk [tilespmem:v43+s18+$0x0], $0xffff  }
0x9b: {  	v52 =	vld.idx.msk [tilespmem:v46+s19+$0x0], $0xffff;
	v4 =	vadd.f32 v6, v4;
	v6 =	vmul.f32 v44, v45  }
0x9c: {  	v54 =	vor.u32 $0x2C, v2;
	v53 =	vld.idx.msk [tilespmem:v46+s18+$0x0], $0xffff  }
0x9d: {  	v55 =	vld.idx.msk [tilespmem:v49+s19+$0x0], $0xffff;
	v4 =	vadd.f32 v6, v4;
	v6 =	vmul.f32 v47, v48  }
0x9e: {  	v57 =	vor.u32 $0x2D, v2;
	v56 =	vld.idx.msk [tilespmem:v49+s18+$0x0], $0xffff  }
0x9f: {  	v58 =	vld.idx.msk [tilespmem:v51+s19+$0x0], $0xffff;
	v4 =	vadd.f32 v6, v4;
	v6 =	vmul.f32 v50, v7  }
0xa0: {  	v59 =	vor.u32 $0x2E, v2;
	v7 =	vld.idx.msk [tilespmem:v51+s18+$0x0], $0xffff  }
0xa1: {  	v60 =	vld.idx.msk [tilespmem:v54+s19+$0x0], $0xffff;
	v4 =	vadd.f32 v6, v4;
	v6 =	vmul.f32 v52, v53  }
0xa2: {  	v62 =	vor.u32 $0x2F, v2;
	v61 =	vld.idx.msk [tilespmem:v54+s18+$0x0], $0xffff  }
0xa3: {  	v63 =	vld.idx.msk [tilespmem:v57+s19+$0x0], $0xffff;
	v4 =	vadd.f32 v6, v4;
	v6 =	vmul.f32 v55, v56  }
0xa4: {  	v20 =	vor.u32 $0x30, v2;
	v19 =	vld.idx.msk [tilespmem:v57+s18+$0x0], $0xffff  }
0xa5: {  	v21 =	vld.idx.msk [tilespmem:v59+s19+$0x0], $0xffff;
	v4 =	vadd.f32 v6, v4;
	v6 =	vmul.f32 v58, v7  }
0xa6: {  	v22 =	vor.u32 $0x31, v2;
	v7 =	vld.idx.msk [tilespmem:v59+s18+$0x0], $0xffff  }
0xa7: {  	v23 =	vld.idx.msk [tilespmem:v62+s19+$0x0], $0xffff;
	v4 =	vadd.f32 v6, v4;
	v6 =	vmul.f32 v60, v61  }
0xa8: {  	v25 =	vor.u32 $0x32, v2;
	v24 =	vld.idx.msk [tilespmem:v62+s18+$0x0], $0xffff  }
0xa9: {  	v26 =	vld.idx.msk [tilespmem:v20+s19+$0x0], $0xffff;
	v4 =	vadd.f32 v6, v4;
	v6 =	vmul.f32 v63, v19  }
0xaa: {  	v28 =	vor.u32 $0x33, v2;
	v27 =	vld.idx.msk [tilespmem:v20+s18+$0x0], $0xffff  }
0xab: {  	v29 =	vld.idx.msk [tilespmem:v22+s19+$0x0], $0xffff;
	v4 =	vadd.f32 v6, v4;
	v6 =	vmul.f32 v21, v7  }
0xac: {  	v30 =	vor.u32 $0x34, v2;
	v7 =	vld.idx.msk [tilespmem:v22+s18+$0x0], $0xffff  }
0xad: {  	v32 =	vld.idx.msk [tilespmem:v25+s18+$0x0], $0xffff;
	v4 =	vadd.f32 v6, v4;
	v6 =	vmul.f32 v23, v24  }
0xae: {  	v31 =	vld.idx.msk [tilespmem:v25+s19+$0x0], $0xffff;
	v33 =	vor.u32 $0x35, v2  }
0xaf: {  	v34 =	vld.idx.msk [tilespmem:v28+s19+$0x0], $0xffff;
	v4 =	vadd.f32 v6, v4;
	v6 =	vmul.f32 v26, v27  }
0xb0: {  	v35 =	vld.idx.msk [tilespmem:v28+s18+$0x0], $0xffff;
	v36 =	vor.u32 $0x36, v2  }
0xb1: {  	v37 =	vld.idx.msk [tilespmem:v30+s19+$0x0], $0xffff;
	v4 =	vadd.f32 v6, v4;
	v6 =	vmul.f32 v29, v7  }
0xb2: {  	v38 =	vor.u32 $0x37, v2;
	v7 =	vld.idx.msk [tilespmem:v30+s18+$0x0], $0xffff  }
0xb3: {  	v39 =	vld.idx.msk [tilespmem:v33+s19+$0x0], $0xffff;
	v4 =	vadd.f32 v6, v4;
	v6 =	vmul.f32 v31, v32  }
0xb4: {  	v40 =	vld.idx.msk [tilespmem:v33+s18+$0x0], $0xffff;
	v41 =	vor.u32 $0x38, v2  }
0xb5: {  	v42 =	vld.idx.msk [tilespmem:v36+s19+$0x0], $0xffff;
	v4 =	vadd.f32 v6, v4;
	v6 =	vmul.f32 v34, v35  }
0xb6: {  	v43 =	vld.idx.msk [tilespmem:v36+s18+$0x0], $0xffff;
	v44 =	vor.u32 $0x39, v2  }
0xb7: {  	v45 =	vld.idx.msk [tilespmem:v38+s19+$0x0], $0xffff;
	v4 =	vadd.f32 v6, v4;
	v6 =	vmul.f32 v37, v7  }
0xb8: {  	v46 =	vor.u32 $0x3A, v2;
	v7 =	vld.idx.msk [tilespmem:v38+s18+$0x0], $0xffff  }
0xb9: {  	v47 =	vld.idx.msk [tilespmem:v41+s19+$0x0], $0xffff;
	v4 =	vadd.f32 v6, v4;
	v6 =	vmul.f32 v39, v40  }
0xba: {  	v49 =	vor.u32 $0x3B, v2;
	v48 =	vld.idx.msk [tilespmem:v41+s18+$0x0], $0xffff  }
0xbb: {  	v50 =	vld.idx.msk [tilespmem:v44+s19+$0x0], $0xffff;
	v4 =	vadd.f32 v6, v4;
	v6 =	vmul.f32 v42, v43  }
0xbc: {  	v51 =	vld.idx.msk [tilespmem:v44+s18+$0x0], $0xffff;
	v52 =	vor.u32 $0x3C, v2  }
0xbd: {  	v53 =	vld.idx.msk [tilespmem:v46+s19+$0x0], $0xffff;
	v4 =	vadd.f32 v6, v4;
	v6 =	vmul.f32 v45, v7  }
0xbe: {  	v54 =	vor.u32 $0x3D, v2;
	v7 =	vld.idx.msk [tilespmem:v46+s18+$0x0], $0xffff  }
0xbf: {  	v55 =	vld.idx.msk [tilespmem:v49+s19+$0x0], $0xffff;
	v4 =	vadd.f32 v6, v4;
	v6 =	vmul.f32 v47, v48  }
0xc0: {  	v57 =	vor.u32 $0x3E, v2;
	v56 =	vld.idx.msk [tilespmem:v49+s18+$0x0], $0xffff  }
0xc1: {  	v58 =	vld.idx.msk [tilespmem:v52+s19+$0x0], $0xffff;
	v4 =	vadd.f32 v6, v4;
	v6 =	vmul.f32 v50, v51  }
0xc2: {  	v2 =	vor.u32 $0x3F, v2;
	v59 =	vld.idx.msk [tilespmem:v52+s18+$0x0], $0xffff  }
0xc3: {  	v60 =	vld.idx.msk [tilespmem:v54+s19+$0x0], $0xffff;
	v4 =	vadd.f32 v6, v4;
	v6 =	vmul.f32 v53, v7  }
0xc4: {  	v7 =	vld.idx.msk [tilespmem:v54+s18+$0x0], $0xffff  }
0xc5: {  	v62 =	vld.idx.msk [tilespmem:v57+s18+$0x0], $0xffff;
	v4 =	vadd.f32 v6, v4;
	v6 =	vmul.f32 v55, v56  }
0xc6: {  	v61 =	vld.idx.msk [tilespmem:v57+s19+$0x0], $0xffff  }
0xc7: {  	v63 =	vld.idx.msk [tilespmem:v2+s19+$0x0], $0xffff;
	v4 =	vadd.f32 v6, v4;
	v6 =	vmul.f32 v58, v59  }
0xc8: {  	v2 =	vld.idx.msk [tilespmem:v2+s18+$0x0], $0xffff  }
0xc9: {  	v4 =	vadd.f32 v6, v4;
	v6 =	vmul.f32 v60, v7;
	_ =	sdelay $0x1  }
0xca: {  	v4 =	vadd.f32 v6, v4;
	v6 =	vmul.f32 v61, v62;
	_ =	sdelay $0x1  }
0xcb: {  	v2 =	vmul.f32 v63, v2;
	v4 =	vadd.f32 v6, v4;
	_ =	sdelay $0x1  }
0xcc: {  	v2 =	vadd.f32 v2, v4;
	_ =	sdelay $0x1  }
0xcd: {  	v2 =	vmul.f32 $1.767766920e-01, v2;
	_ =	sdelay $0x1  }
0xce: {  	v2 =	vmul.f32 $1.442695020e+00, v2;
	_ =	sdelay $0x1  }
0xcf: {  	(erf) = vpow2.f32 v2;
	_ =	sdelay $0x2  }
0xd0: {  	s30 =	simm.s32 $0x10  }
0xd1: {  	v4 =	vor.u32 $0x1, v3;
	v3 =	vor.u32 s30, v1  }
0xd2: {  	v5 =	vor.u32 $0x1, v5;
	s30 =	simm.s32 $0x20;
	v2 =	vshll.u32 v3, $0x6  }
.LBB2_10:
0xd3: {  	p0 =	sne.s32 s30, $0x70;
	s31 =	smov.u32 s30;
	s30 =	sadd.s32 $0x10, s30  }
0xd4: {  	v6 =	vor.u32 $0x1, v2;
	_ =	sdelay $0x1  }
0xd5: {  	v7 =	vpop (erf)  }
0xd6: {  	v8 =	vor.u32 $0x2, v2;
	[tilespmem:v5+s21+$0x0] =	vst.idx.msk $0xffff, v7  }
0xd7: {  	[tilespmem:v4+s22+$0x0] =	vst.idx.msk $0xffff, v7  }
0xd8: {  	v4 =	vld.idx.msk [tilespmem:v2+s19+$0x0], $0xffff  }
0xd9: {  	v7 =	vor.u32 $0x3, v2;
	v5 =	vld.idx.msk [tilespmem:v6+s18+$0x0], $0xffff  }
0xda: {  	v9 =	vld.idx.msk [tilespmem:v2+s18+$0x0], $0xffff  }
0xdb: {  	v6 =	vld.idx.msk [tilespmem:v6+s19+$0x0], $0xffff  }
0xdc: {  	v11 =	vor.u32 $0x4, v2;
	v10 =	vld.idx.msk [tilespmem:v8+s18+$0x0], $0xffff  }
0xdd: {  	v8 =	vld.idx.msk [tilespmem:v8+s19+$0x0], $0xffff  }
0xde: {  	v13 =	vor.u32 $0x5, v2;
	v12 =	vld.idx.msk [tilespmem:v7+s18+$0x0], $0xffff  }
0xdf: {  	v7 =	vld.idx.msk [tilespmem:v7+s19+$0x0], $0xffff  }
0xe0: {  	v4 =	vmul.f32 v4, v9;
	v9 =	vor.u32 $0x6, v2  }
0xe1: {  	v14 =	vld.idx.msk [tilespmem:v11+s18+$0x0], $0xffff  }
0xe2: {  	v5 =	vmul.f32 v6, v5;
	v4 =	vadd.f32 $0.0e+00, v4;
	v6 =	vld.idx.msk [tilespmem:v11+s19+$0x0], $0xffff;
	v11 =	vor.u32 $0x7, v2  }
0xe3: {  	v8 =	vmul.f32 v8, v10;
	v10 =	vld.idx.msk [tilespmem:v13+s19+$0x0], $0xffff  }
0xe4: {  	v4 =	vadd.f32 v5, v4;
	v5 =	vld.idx.msk [tilespmem:v13+s18+$0x0], $0xffff;
	v13 =	vor.u32 $0x8, v2  }
0xe5: {  	v7 =	vmul.f32 v7, v12;
	v12 =	vld.idx.msk [tilespmem:v9+s19+$0x0], $0xffff  }
0xe6: {  	v4 =	vadd.f32 v8, v4;
	v8 =	vld.idx.msk [tilespmem:v9+s18+$0x0], $0xffff;
	v9 =	vor.u32 $0x9, v2  }
0xe7: {  	v15 =	vld.idx.msk [tilespmem:v11+s19+$0x0], $0xffff  }
0xe8: {  	v4 =	vadd.f32 v7, v4;
	v6 =	vmul.f32 v6, v14;
	v7 =	vld.idx.msk [tilespmem:v11+s18+$0x0], $0xffff;
	v11 =	vor.u32 $0xA, v2  }
0xe9: {  	v14 =	vld.idx.msk [tilespmem:v13+s19+$0x0], $0xffff  }
0xea: {  	v4 =	vadd.f32 v6, v4;
	v5 =	vmul.f32 v10, v5;
	v10 =	vor.u32 $0xB, v2;
	v6 =	vld.idx.msk [tilespmem:v13+s18+$0x0], $0xffff  }
0xeb: {  	v13 =	vld.idx.msk [tilespmem:v9+s19+$0x0], $0xffff  }
0xec: {  	v4 =	vadd.f32 v5, v4;
	v5 =	vmul.f32 v12, v8;
	v8 =	vld.idx.msk [tilespmem:v9+s18+$0x0], $0xffff;
	v9 =	vor.u32 $0xC, v2  }
0xed: {  	v12 =	vld.idx.msk [tilespmem:v11+s19+$0x0], $0xffff  }
0xee: {  	v4 =	vadd.f32 v5, v4;
	v5 =	vmul.f32 v15, v7;
	v7 =	vld.idx.msk [tilespmem:v11+s18+$0x0], $0xffff;
	v11 =	vor.u32 $0xD, v2  }
0xef: {  	v15 =	vld.idx.msk [tilespmem:v10+s19+$0x0], $0xffff  }
0xf0: {  	v4 =	vadd.f32 v5, v4;
	v5 =	vmul.f32 v14, v6;
	v6 =	vld.idx.msk [tilespmem:v10+s18+$0x0], $0xffff;
	v10 =	vor.u32 $0xE, v2  }
0xf1: {  	v14 =	vld.idx.msk [tilespmem:v9+s19+$0x0], $0xffff  }
0xf2: {  	v4 =	vadd.f32 v5, v4;
	v5 =	vmul.f32 v13, v8;
	v8 =	vld.idx.msk [tilespmem:v9+s18+$0x0], $0xffff;
	v9 =	vor.u32 $0xF, v2  }
0xf3: {  	v13 =	vld.idx.msk [tilespmem:v11+s19+$0x0], $0xffff  }
0xf4: {  	v4 =	vadd.f32 v5, v4;
	v5 =	vmul.f32 v12, v7;
	v7 =	vld.idx.msk [tilespmem:v11+s18+$0x0], $0xffff;
	v11 =	vor.u32 $0x10, v2  }
0xf5: {  	v12 =	vld.idx.msk [tilespmem:v10+s19+$0x0], $0xffff  }
0xf6: {  	v4 =	vadd.f32 v5, v4;
	v5 =	vmul.f32 v15, v6;
	v6 =	vld.idx.msk [tilespmem:v10+s18+$0x0], $0xffff;
	v10 =	vor.u32 $0x11, v2  }
0xf7: {  	v15 =	vld.idx.msk [tilespmem:v9+s19+$0x0], $0xffff  }
0xf8: {  	v4 =	vadd.f32 v5, v4;
	v5 =	vmul.f32 v14, v8;
	v8 =	vld.idx.msk [tilespmem:v9+s18+$0x0], $0xffff;
	v9 =	vor.u32 $0x12, v2  }
0xf9: {  	v14 =	vld.idx.msk [tilespmem:v11+s19+$0x0], $0xffff  }
0xfa: {  	v4 =	vadd.f32 v5, v4;
	v5 =	vmul.f32 v13, v7;
	v7 =	vld.idx.msk [tilespmem:v11+s18+$0x0], $0xffff;
	v11 =	vor.u32 $0x13, v2  }
0xfb: {  	v13 =	vld.idx.msk [tilespmem:v10+s19+$0x0], $0xffff  }
0xfc: {  	v4 =	vadd.f32 v5, v4;
	v5 =	vmul.f32 v12, v6;
	v6 =	vld.idx.msk [tilespmem:v10+s18+$0x0], $0xffff;
	v10 =	vor.u32 $0x14, v2  }
0xfd: {  	v12 =	vld.idx.msk [tilespmem:v9+s19+$0x0], $0xffff  }
0xfe: {  	v4 =	vadd.f32 v5, v4;
	v5 =	vmul.f32 v15, v8;
	v8 =	vld.idx.msk [tilespmem:v9+s18+$0x0], $0xffff;
	v9 =	vor.u32 $0x15, v2  }
0xff: {  	v15 =	vld.idx.msk [tilespmem:v11+s19+$0x0], $0xffff  }
0x100: {  	v4 =	vadd.f32 v5, v4;
	v5 =	vmul.f32 v14, v7;
	v7 =	vld.idx.msk [tilespmem:v11+s18+$0x0], $0xffff;
	v11 =	vor.u32 $0x16, v2  }
0x101: {  	v14 =	vld.idx.msk [tilespmem:v10+s19+$0x0], $0xffff  }
0x102: {  	v4 =	vadd.f32 v5, v4;
	v5 =	vmul.f32 v13, v6;
	v6 =	vld.idx.msk [tilespmem:v10+s18+$0x0], $0xffff;
	v10 =	vor.u32 $0x17, v2  }
0x103: {  	v13 =	vld.idx.msk [tilespmem:v9+s19+$0x0], $0xffff  }
0x104: {  	v4 =	vadd.f32 v5, v4;
	v5 =	vmul.f32 v12, v8;
	v8 =	vld.idx.msk [tilespmem:v9+s18+$0x0], $0xffff;
	v9 =	vor.u32 $0x18, v2  }
0x105: {  	v12 =	vld.idx.msk [tilespmem:v11+s19+$0x0], $0xffff  }
0x106: {  	v4 =	vadd.f32 v5, v4;
	v5 =	vmul.f32 v15, v7;
	v7 =	vld.idx.msk [tilespmem:v11+s18+$0x0], $0xffff;
	v11 =	vor.u32 $0x19, v2  }
0x107: {  	v15 =	vld.idx.msk [tilespmem:v10+s19+$0x0], $0xffff  }
0x108: {  	v4 =	vadd.f32 v5, v4;
	v5 =	vmul.f32 v14, v6;
	v6 =	vld.idx.msk [tilespmem:v10+s18+$0x0], $0xffff;
	v10 =	vor.u32 $0x1A, v2  }
0x109: {  	v14 =	vld.idx.msk [tilespmem:v9+s19+$0x0], $0xffff  }
0x10a: {  	v4 =	vadd.f32 v5, v4;
	v5 =	vmul.f32 v13, v8;
	v8 =	vld.idx.msk [tilespmem:v9+s18+$0x0], $0xffff;
	v9 =	vor.u32 $0x1B, v2  }
0x10b: {  	v13 =	vld.idx.msk [tilespmem:v11+s19+$0x0], $0xffff  }
0x10c: {  	v4 =	vadd.f32 v5, v4;
	v5 =	vmul.f32 v12, v7;
	v7 =	vld.idx.msk [tilespmem:v11+s18+$0x0], $0xffff;
	v11 =	vor.u32 $0x1C, v2  }
0x10d: {  	v12 =	vld.idx.msk [tilespmem:v10+s19+$0x0], $0xffff  }
0x10e: {  	v4 =	vadd.f32 v5, v4;
	v5 =	vmul.f32 v15, v6;
	v6 =	vld.idx.msk [tilespmem:v10+s18+$0x0], $0xffff;
	v10 =	vor.u32 $0x1D, v2  }
0x10f: {  	v15 =	vld.idx.msk [tilespmem:v9+s19+$0x0], $0xffff  }
0x110: {  	v4 =	vadd.f32 v5, v4;
	v5 =	vmul.f32 v14, v8;
	v8 =	vld.idx.msk [tilespmem:v9+s18+$0x0], $0xffff;
	v9 =	vor.u32 $0x1E, v2  }
0x111: {  	v14 =	vld.idx.msk [tilespmem:v11+s19+$0x0], $0xffff  }
0x112: {  	v4 =	vadd.f32 v5, v4;
	v5 =	vmul.f32 v13, v7;
	v7 =	vld.idx.msk [tilespmem:v11+s18+$0x0], $0xffff;
	v11 =	vor.u32 $0x1F, v2  }
0x113: {  	v13 =	vld.idx.msk [tilespmem:v10+s19+$0x0], $0xffff  }
0x114: {  	v4 =	vadd.f32 v5, v4;
	v5 =	vmul.f32 v12, v6;
	v6 =	vld.idx.msk [tilespmem:v10+s18+$0x0], $0xffff  }
0x115: {  	v10 =	vld.idx.msk [tilespmem:v9+s19+$0x0], $0xffff  }
0x116: {  	v4 =	vadd.f32 v5, v4;
	v5 =	vmul.f32 v15, v8;
	v8 =	vld.idx.msk [tilespmem:v9+s18+$0x0], $0xffff  }
0x117: {  	v9 =	vld.idx.msk [tilespmem:v11+s19+$0x0], $0xffff  }
0x118: {  	v4 =	vadd.f32 v5, v4;
	v5 =	vmul.f32 v14, v7;
	v7 =	vld.idx.msk [tilespmem:v11+s18+$0x0], $0xffff;
	_ =	sdelay $0x1  }
0x119: {  	v4 =	vadd.f32 v5, v4;
	v5 =	vmul.f32 v13, v6;
	_ =	sdelay $0x1  }
0x11a: {  	v4 =	vadd.f32 v5, v4;
	v5 =	vmul.f32 v10, v8;
	_ =	sdelay $0x1  }
0x11b: {  	v4 =	vadd.f32 v5, v4;
	v5 =	vmul.f32 v9, v7;
	_ =	sdelay $0x1  }
0x11c: {  	v4 =	vadd.f32 v5, v4;
	_ =	sdelay $0x1  }
0x11d: {  	v4 =	vmul.f32 $1.767766920e-01, v4;
	_ =	sdelay $0x1  }
0x11e: {  	v4 =	vmul.f32 $1.442695020e+00, v4;
	_ =	sdelay $0x1  }
0x11f: {  	(erf) = vpow2.f32 v4;
	_ =	sdelay $0x4  }
0x120: {  	v5 =	vshll.u32 v3, $0x4  }
0x121: {  	v3 =	vshll.u32 v3, $0x3  }
0x122: {  	v6 =	vor.u32 $0x20, v2;
	v4 =	vor.u32 $0x1, v3;
	_ =	sdelay $0x1  }
0x123: {  	v7 =	vor.u32 $0x21, v2;
	v8 =	vpop (erf)  }
0x124: {  	[tilespmem:v5+s21+$0x0] =	vst.idx.msk $0xffff, v8  }
0x125: {  	[tilespmem:v3+s22+$0x0] =	vst.idx.msk $0xffff, v8;
	v3 =	vor.u32 $0x22, v2  }
0x126: {  	v8 =	vld.idx.msk [tilespmem:v6+s18+$0x0], $0xffff  }
0x127: {  	v9 =	vor.u32 $0x23, v2;
	v6 =	vld.idx.msk [tilespmem:v6+s19+$0x0], $0xffff  }
0x128: {  	v10 =	vld.idx.msk [tilespmem:v7+s19+$0x0], $0xffff  }
0x129: {  	v11 =	vor.u32 $0x24, v2;
	v7 =	vld.idx.msk [tilespmem:v7+s18+$0x0], $0xffff  }
0x12a: {  	v12 =	vld.idx.msk [tilespmem:v3+s19+$0x0], $0xffff  }
0x12b: {  	v13 =	vor.u32 $0x25, v2;
	v3 =	vld.idx.msk [tilespmem:v3+s18+$0x0], $0xffff  }
0x12c: {  	v14 =	vld.idx.msk [tilespmem:v9+s19+$0x0], $0xffff  }
0x12d: {  	v6 =	vmul.f32 v6, v8;
	v8 =	vld.idx.msk [tilespmem:v9+s18+$0x0], $0xffff;
	v9 =	vor.u32 $0x26, v2  }
0x12e: {  	v15 =	vld.idx.msk [tilespmem:v11+s19+$0x0], $0xffff  }
0x12f: {  	v6 =	vadd.f32 $0.0e+00, v6;
	v7 =	vmul.f32 v10, v7;
	v10 =	vld.idx.msk [tilespmem:v11+s18+$0x0], $0xffff;
	v11 =	vor.u32 $0x27, v2  }
0x130: {  	v16 =	vld.idx.msk [tilespmem:v13+s19+$0x0], $0xffff  }
0x131: {  	v6 =	vadd.f32 v7, v6;
	v3 =	vmul.f32 v12, v3;
	v12 =	vor.u32 $0x28, v2;
	v7 =	vld.idx.msk [tilespmem:v13+s18+$0x0], $0xffff  }
0x132: {  	v13 =	vld.idx.msk [tilespmem:v9+s19+$0x0], $0xffff  }
0x133: {  	v3 =	vadd.f32 v3, v6;
	v6 =	vmul.f32 v14, v8;
	v8 =	vld.idx.msk [tilespmem:v9+s18+$0x0], $0xffff;
	v9 =	vor.u32 $0x29, v2  }
0x134: {  	v14 =	vld.idx.msk [tilespmem:v11+s19+$0x0], $0xffff  }
0x135: {  	v3 =	vadd.f32 v6, v3;
	v6 =	vmul.f32 v15, v10;
	v10 =	vld.idx.msk [tilespmem:v11+s18+$0x0], $0xffff;
	v11 =	vor.u32 $0x2A, v2  }
0x136: {  	v15 =	vld.idx.msk [tilespmem:v12+s19+$0x0], $0xffff  }
0x137: {  	v3 =	vadd.f32 v6, v3;
	v6 =	vmul.f32 v16, v7;
	v7 =	vld.idx.msk [tilespmem:v12+s18+$0x0], $0xffff;
	v12 =	vor.u32 $0x2B, v2  }
0x138: {  	v16 =	vld.idx.msk [tilespmem:v9+s19+$0x0], $0xffff  }
0x139: {  	v3 =	vadd.f32 v6, v3;
	v6 =	vmul.f32 v13, v8;
	v8 =	vld.idx.msk [tilespmem:v9+s18+$0x0], $0xffff;
	v9 =	vor.u32 $0x2C, v2  }
0x13a: {  	v13 =	vld.idx.msk [tilespmem:v11+s19+$0x0], $0xffff  }
0x13b: {  	v3 =	vadd.f32 v6, v3;
	v6 =	vmul.f32 v14, v10;
	v10 =	vld.idx.msk [tilespmem:v11+s18+$0x0], $0xffff;
	v11 =	vor.u32 $0x2D, v2  }
0x13c: {  	v14 =	vld.idx.msk [tilespmem:v12+s19+$0x0], $0xffff  }
0x13d: {  	v3 =	vadd.f32 v6, v3;
	v6 =	vmul.f32 v15, v7;
	v7 =	vld.idx.msk [tilespmem:v12+s18+$0x0], $0xffff;
	v12 =	vor.u32 $0x2E, v2  }
0x13e: {  	v15 =	vld.idx.msk [tilespmem:v9+s19+$0x0], $0xffff  }
0x13f: {  	v3 =	vadd.f32 v6, v3;
	v6 =	vmul.f32 v16, v8;
	v8 =	vld.idx.msk [tilespmem:v9+s18+$0x0], $0xffff;
	v9 =	vor.u32 $0x2F, v2  }
0x140: {  	v16 =	vld.idx.msk [tilespmem:v11+s19+$0x0], $0xffff  }
0x141: {  	v3 =	vadd.f32 v6, v3;
	v6 =	vmul.f32 v13, v10;
	v10 =	vld.idx.msk [tilespmem:v11+s18+$0x0], $0xffff;
	v11 =	vor.u32 $0x30, v2  }
0x142: {  	v13 =	vld.idx.msk [tilespmem:v12+s19+$0x0], $0xffff  }
0x143: {  	v3 =	vadd.f32 v6, v3;
	v6 =	vmul.f32 v14, v7;
	v7 =	vld.idx.msk [tilespmem:v12+s18+$0x0], $0xffff;
	v12 =	vor.u32 $0x31, v2  }
0x144: {  	v14 =	vld.idx.msk [tilespmem:v9+s19+$0x0], $0xffff  }
0x145: {  	v3 =	vadd.f32 v6, v3;
	v6 =	vmul.f32 v15, v8;
	v8 =	vld.idx.msk [tilespmem:v9+s18+$0x0], $0xffff;
	v9 =	vor.u32 $0x32, v2  }
0x146: {  	v15 =	vld.idx.msk [tilespmem:v11+s19+$0x0], $0xffff  }
0x147: {  	v3 =	vadd.f32 v6, v3;
	v6 =	vmul.f32 v16, v10;
	v10 =	vld.idx.msk [tilespmem:v11+s18+$0x0], $0xffff;
	v11 =	vor.u32 $0x33, v2  }
0x148: {  	v16 =	vld.idx.msk [tilespmem:v12+s19+$0x0], $0xffff  }
0x149: {  	v3 =	vadd.f32 v6, v3;
	v6 =	vmul.f32 v13, v7;
	v7 =	vld.idx.msk [tilespmem:v12+s18+$0x0], $0xffff;
	v12 =	vor.u32 $0x34, v2  }
0x14a: {  	v13 =	vld.idx.msk [tilespmem:v9+s19+$0x0], $0xffff  }
0x14b: {  	v3 =	vadd.f32 v6, v3;
	v6 =	vmul.f32 v14, v8;
	v8 =	vld.idx.msk [tilespmem:v9+s18+$0x0], $0xffff;
	v9 =	vor.u32 $0x35, v2  }
0x14c: {  	v14 =	vld.idx.msk [tilespmem:v11+s19+$0x0], $0xffff  }
0x14d: {  	v3 =	vadd.f32 v6, v3;
	v6 =	vmul.f32 v15, v10;
	v10 =	vld.idx.msk [tilespmem:v11+s18+$0x0], $0xffff;
	v11 =	vor.u32 $0x36, v2  }
0x14e: {  	v15 =	vld.idx.msk [tilespmem:v12+s19+$0x0], $0xffff  }
0x14f: {  	v3 =	vadd.f32 v6, v3;
	v6 =	vmul.f32 v16, v7;
	v7 =	vld.idx.msk [tilespmem:v12+s18+$0x0], $0xffff;
	v12 =	vor.u32 $0x37, v2  }
0x150: {  	v16 =	vld.idx.msk [tilespmem:v9+s19+$0x0], $0xffff  }
0x151: {  	v3 =	vadd.f32 v6, v3;
	v6 =	vmul.f32 v13, v8;
	v8 =	vld.idx.msk [tilespmem:v9+s18+$0x0], $0xffff;
	v9 =	vor.u32 $0x38, v2  }
0x152: {  	v13 =	vld.idx.msk [tilespmem:v11+s19+$0x0], $0xffff  }
0x153: {  	v3 =	vadd.f32 v6, v3;
	v6 =	vmul.f32 v14, v10;
	v10 =	vld.idx.msk [tilespmem:v11+s18+$0x0], $0xffff;
	v11 =	vor.u32 $0x39, v2  }
0x154: {  	v14 =	vld.idx.msk [tilespmem:v12+s19+$0x0], $0xffff  }
0x155: {  	v3 =	vadd.f32 v6, v3;
	v6 =	vmul.f32 v15, v7;
	v7 =	vld.idx.msk [tilespmem:v12+s18+$0x0], $0xffff;
	v12 =	vor.u32 $0x3A, v2  }
0x156: {  	v15 =	vld.idx.msk [tilespmem:v9+s19+$0x0], $0xffff  }
0x157: {  	v3 =	vadd.f32 v6, v3;
	v6 =	vmul.f32 v16, v8;
	v8 =	vld.idx.msk [tilespmem:v9+s18+$0x0], $0xffff;
	v9 =	vor.u32 $0x3B, v2  }
0x158: {  	v16 =	vld.idx.msk [tilespmem:v11+s19+$0x0], $0xffff  }
0x159: {  	v3 =	vadd.f32 v6, v3;
	v6 =	vmul.f32 v13, v10;
	v10 =	vld.idx.msk [tilespmem:v11+s18+$0x0], $0xffff;
	v11 =	vor.u32 $0x3C, v2  }
0x15a: {  	v13 =	vld.idx.msk [tilespmem:v12+s19+$0x0], $0xffff  }
0x15b: {  	v3 =	vadd.f32 v6, v3;
	v6 =	vmul.f32 v14, v7;
	v7 =	vld.idx.msk [tilespmem:v12+s18+$0x0], $0xffff;
	v12 =	vor.u32 $0x3D, v2  }
0x15c: {  	v14 =	vld.idx.msk [tilespmem:v9+s19+$0x0], $0xffff  }
0x15d: {  	v3 =	vadd.f32 v6, v3;
	v6 =	vmul.f32 v15, v8;
	v8 =	vld.idx.msk [tilespmem:v9+s18+$0x0], $0xffff;
	v9 =	vor.u32 $0x3E, v2  }
0x15e: {  	v15 =	vld.idx.msk [tilespmem:v11+s19+$0x0], $0xffff  }
0x15f: {  	v2 =	vor.u32 $0x3F, v2;
	v3 =	vadd.f32 v6, v3;
	v6 =	vmul.f32 v16, v10;
	v10 =	vld.idx.msk [tilespmem:v11+s18+$0x0], $0xffff  }
0x160: {  	v11 =	vld.idx.msk [tilespmem:v12+s19+$0x0], $0xffff  }
0x161: {  	v3 =	vadd.f32 v6, v3;
	v6 =	vmul.f32 v13, v7;
	v7 =	vld.idx.msk [tilespmem:v12+s18+$0x0], $0xffff  }
0x162: {  	v12 =	vld.idx.msk [tilespmem:v9+s19+$0x0], $0xffff  }
0x163: {  	v3 =	vadd.f32 v6, v3;
	v6 =	vmul.f32 v14, v8;
	v8 =	vld.idx.msk [tilespmem:v9+s18+$0x0], $0xffff  }
0x164: {  	v9 =	vld.idx.msk [tilespmem:v2+s19+$0x0], $0xffff  }
0x165: {  	v3 =	vadd.f32 v6, v3;
	v6 =	vmul.f32 v15, v10;
	v2 =	vld.idx.msk [tilespmem:v2+s18+$0x0], $0xffff;
	_ =	sdelay $0x1  }
0x166: {  	v3 =	vadd.f32 v6, v3;
	v6 =	vmul.f32 v11, v7;
	_ =	sdelay $0x1  }
0x167: {  	v3 =	vadd.f32 v6, v3;
	v6 =	vmul.f32 v12, v8;
	_ =	sdelay $0x1  }
0x168: {  	v3 =	vadd.f32 v6, v3;
	v2 =	vmul.f32 v9, v2;
	_ =	sdelay $0x1  }
0x169: {  	v2 =	vadd.f32 v2, v3;
	_ =	sdelay $0x1  }
0x16a: {  	v2 =	vmul.f32 $1.767766920e-01, v2;
	_ =	sdelay $0x1  }
0x16b: {  	v2 =	vmul.f32 $1.442695020e+00, v2;
	_ =	sdelay $0x1  }
0x16c: {  	(erf) = vpow2.f32 v2  }
.Ltmp3:
0x16d: {  	(pc) =	sbr.rel @p0 .LBB2_10-.Ltmp3, $3  }
0x16e: {  	_ =	sdelay $0x1  }
0x16f: {  	v3 =	vor.u32 s31, v1  }
0x170: {  	v5 =	vor.u32 $0x1, v5;
	v2 =	vshll.u32 v3, $0x6  }
0x171: {  	_ =	sdelay $0x2  }
0x172: {  	v6 =	vor.u32 $0x1, v2;
	v7 =	vpop (erf)  }
0x173: {  	[tilespmem:v5+s21+$0x0] =	vst.idx.msk $0xffff, v7  }
0x174: {  	v19 =	vor.u32 $0x2, v2;
	[tilespmem:v4+s22+$0x0] =	vst.idx.msk $0xffff, v7  }
0x175: {  	v4 =	vld.idx.msk [tilespmem:v2+s19+$0x0], $0xffff  }
0x176: {  	v20 =	vor.u32 $0x3, v2;
	v8 =	vld.idx.msk [tilespmem:v2+s18+$0x0], $0xffff  }
0x177: {  	v9 =	vld.idx.msk [tilespmem:v6+s18+$0x0], $0xffff  }
0x178: {  	v10 =	vor.u32 $0x4, v2;
	v6 =	vld.idx.msk [tilespmem:v6+s19+$0x0], $0xffff  }
0x179: {  	v11 =	vld.idx.msk [tilespmem:v19+s18+$0x0], $0xffff  }
0x17a: {  	v12 =	vor.u32 $0x5, v2;
	v5 =	vld.idx.msk [tilespmem:v19+s19+$0x0], $0xffff  }
0x17b: {  	v13 =	vld.idx.msk [tilespmem:v20+s18+$0x0], $0xffff;
	v4 =	vmul.f32 v4, v8  }
0x17c: {  	v21 =	vor.u32 $0x6, v2;
	v7 =	vld.idx.msk [tilespmem:v20+s19+$0x0], $0xffff  }
0x17d: {  	v14 =	vld.idx.msk [tilespmem:v10+s18+$0x0], $0xffff;
	v6 =	vmul.f32 v6, v9;
	v4 =	vadd.f32 $0.0e+00, v4  }
0x17e: {  	v23 =	vor.u32 $0x7, v2;
	v22 =	vld.idx.msk [tilespmem:v10+s19+$0x0], $0xffff  }
0x17f: {  	v24 =	vld.idx.msk [tilespmem:v12+s19+$0x0], $0xffff;
	v5 =	vmul.f32 v5, v11;
	v4 =	vadd.f32 v6, v4  }
0x180: {  	v26 =	vor.u32 $0x8, v2;
	v25 =	vld.idx.msk [tilespmem:v12+s18+$0x0], $0xffff  }
0x181: {  	v27 =	vld.idx.msk [tilespmem:v21+s19+$0x0], $0xffff;
	v7 =	vmul.f32 v7, v13;
	v4 =	vadd.f32 v5, v4  }
0x182: {  	v29 =	vor.u32 $0x9, v2;
	v28 =	vld.idx.msk [tilespmem:v21+s18+$0x0], $0xffff  }
0x183: {  	v15 =	vld.idx.msk [tilespmem:v23+s19+$0x0], $0xffff;
	v30 =	vmul.f32 v22, v14;
	v4 =	vadd.f32 v7, v4  }
0x184: {  	v32 =	vor.u32 $0xA, v2;
	v31 =	vld.idx.msk [tilespmem:v23+s18+$0x0], $0xffff  }
0x185: {  	v33 =	vld.idx.msk [tilespmem:v26+s19+$0x0], $0xffff;
	v6 =	vmul.f32 v24, v25;
	v4 =	vadd.f32 v30, v4  }
0x186: {  	v35 =	vor.u32 $0xB, v2;
	v34 =	vld.idx.msk [tilespmem:v26+s18+$0x0], $0xffff  }
0x187: {  	v36 =	vld.idx.msk [tilespmem:v29+s19+$0x0], $0xffff;
	v5 =	vmul.f32 v27, v28;
	v4 =	vadd.f32 v6, v4  }
0x188: {  	v38 =	vor.u32 $0xC, v2;
	v37 =	vld.idx.msk [tilespmem:v29+s18+$0x0], $0xffff  }
0x189: {  	v39 =	vld.idx.msk [tilespmem:v32+s19+$0x0], $0xffff;
	v40 =	vmul.f32 v15, v31;
	v4 =	vadd.f32 v5, v4  }
0x18a: {  	v42 =	vor.u32 $0xD, v2;
	v41 =	vld.idx.msk [tilespmem:v32+s18+$0x0], $0xffff  }
0x18b: {  	v43 =	vld.idx.msk [tilespmem:v35+s19+$0x0], $0xffff;
	v44 =	vmul.f32 v33, v34;
	v4 =	vadd.f32 v40, v4  }
0x18c: {  	v46 =	vor.u32 $0xE, v2;
	v45 =	vld.idx.msk [tilespmem:v35+s18+$0x0], $0xffff  }
0x18d: {  	v47 =	vld.idx.msk [tilespmem:v38+s19+$0x0], $0xffff;
	v48 =	vmul.f32 v36, v37;
	v4 =	vadd.f32 v44, v4  }
0x18e: {  	v50 =	vor.u32 $0xF, v2;
	v49 =	vld.idx.msk [tilespmem:v38+s18+$0x0], $0xffff  }
0x18f: {  	v51 =	vld.idx.msk [tilespmem:v42+s19+$0x0], $0xffff;
	v52 =	vmul.f32 v39, v41;
	v4 =	vadd.f32 v48, v4  }
0x190: {  	v54 =	vor.u32 $0x10, v2;
	v53 =	vld.idx.msk [tilespmem:v42+s18+$0x0], $0xffff  }
0x191: {  	v55 =	vld.idx.msk [tilespmem:v46+s19+$0x0], $0xffff;
	v56 =	vmul.f32 v43, v45;
	v4 =	vadd.f32 v52, v4  }
0x192: {  	v58 =	vor.u32 $0x11, v2;
	v57 =	vld.idx.msk [tilespmem:v46+s18+$0x0], $0xffff  }
0x193: {  	v59 =	vld.idx.msk [tilespmem:v50+s19+$0x0], $0xffff;
	v60 =	vmul.f32 v47, v49;
	v4 =	vadd.f32 v56, v4  }
0x194: {  	v62 =	vor.u32 $0x12, v2;
	v61 =	vld.idx.msk [tilespmem:v50+s18+$0x0], $0xffff  }
0x195: {  	v63 =	vld.idx.msk [tilespmem:v54+s19+$0x0], $0xffff;
	v17 =	vmul.f32 v51, v53;
	v4 =	vadd.f32 v60, v4  }
0x196: {  	v18 =	vld.idx.msk [tilespmem:v54+s18+$0x0], $0xffff;
	v19 =	vor.u32 $0x13, v2  }
0x197: {  	v20 =	vld.idx.msk [tilespmem:v58+s19+$0x0], $0xffff;
	v21 =	vmul.f32 v55, v57;
	v4 =	vadd.f32 v17, v4  }
0x198: {  	v23 =	vor.u32 $0x14, v2;
	v22 =	vld.idx.msk [tilespmem:v58+s18+$0x0], $0xffff  }
0x199: {  	v26 =	vld.idx.msk [tilespmem:v62+s18+$0x0], $0xffff;
	v25 =	vmul.f32 v59, v61;
	v4 =	vadd.f32 v21, v4  }
0x19a: {  	v24 =	vld.idx.msk [tilespmem:v62+s19+$0x0], $0xffff;
	v27 =	vor.u32 $0x15, v2  }
0x19b: {  	v29 =	vmul.f32 v63, v18;
	v28 =	vld.idx.msk [tilespmem:v19+s19+$0x0], $0xffff;
	v4 =	vadd.f32 v25, v4  }
0x19c: {  	v31 =	vor.u32 $0x16, v2;
	v30 =	vld.idx.msk [tilespmem:v19+s18+$0x0], $0xffff  }
0x19d: {  	v32 =	vld.idx.msk [tilespmem:v23+s19+$0x0], $0xffff;
	v33 =	vmul.f32 v20, v22;
	v4 =	vadd.f32 v29, v4  }
0x19e: {  	v35 =	vor.u32 $0x17, v2;
	v34 =	vld.idx.msk [tilespmem:v23+s18+$0x0], $0xffff  }
0x19f: {  	v37 =	vmul.f32 v24, v26;
	v36 =	vld.idx.msk [tilespmem:v27+s19+$0x0], $0xffff;
	v4 =	vadd.f32 v33, v4  }
0x1a0: {  	v39 =	vor.u32 $0x18, v2;
	v38 =	vld.idx.msk [tilespmem:v27+s18+$0x0], $0xffff  }
0x1a1: {  	v42 =	vld.idx.msk [tilespmem:v31+s18+$0x0], $0xffff;
	v41 =	vmul.f32 v28, v30;
	v4 =	vadd.f32 v37, v4  }
0x1a2: {  	v43 =	vor.u32 $0x19, v2;
	v40 =	vld.idx.msk [tilespmem:v31+s19+$0x0], $0xffff  }
0x1a3: {  	v46 =	vld.idx.msk [tilespmem:v35+s18+$0x0], $0xffff;
	v45 =	vmul.f32 v32, v34;
	v4 =	vadd.f32 v41, v4  }
0x1a4: {  	v47 =	vor.u32 $0x1A, v2;
	v44 =	vld.idx.msk [tilespmem:v35+s19+$0x0], $0xffff  }
0x1a5: {  	v50 =	vld.idx.msk [tilespmem:v39+s18+$0x0], $0xffff;
	v49 =	vmul.f32 v36, v38;
	v4 =	vadd.f32 v45, v4  }
0x1a6: {  	v51 =	vor.u32 $0x1B, v2;
	v48 =	vld.idx.msk [tilespmem:v39+s19+$0x0], $0xffff  }
0x1a7: {  	v54 =	vld.idx.msk [tilespmem:v43+s18+$0x0], $0xffff;
	v53 =	vmul.f32 v40, v42;
	v4 =	vadd.f32 v49, v4  }
0x1a8: {  	v55 =	vor.u32 $0x1C, v2;
	v52 =	vld.idx.msk [tilespmem:v43+s19+$0x0], $0xffff  }
0x1a9: {  	v58 =	vld.idx.msk [tilespmem:v47+s18+$0x0], $0xffff;
	v57 =	vmul.f32 v44, v46;
	v4 =	vadd.f32 v53, v4  }
0x1aa: {  	v59 =	vor.u32 $0x1D, v2;
	v56 =	vld.idx.msk [tilespmem:v47+s19+$0x0], $0xffff  }
0x1ab: {  	v62 =	vld.idx.msk [tilespmem:v51+s18+$0x0], $0xffff;
	v61 =	vmul.f32 v48, v50;
	v4 =	vadd.f32 v57, v4  }
0x1ac: {  	v63 =	vor.u32 $0x1E, v2;
	v60 =	vld.idx.msk [tilespmem:v51+s19+$0x0], $0xffff  }
0x1ad: {  	v16 =	vld.idx.msk [tilespmem:v55+s19+$0x0], $0xffff;
	v17 =	vmul.f32 v52, v54;
	v4 =	vadd.f32 v61, v4  }
0x1ae: {  	v18 =	vld.idx.msk [tilespmem:v55+s18+$0x0], $0xffff;
	v19 =	vor.u32 $0x1F, v2  }
0x1af: {  	v20 =	vld.idx.msk [tilespmem:v59+s19+$0x0], $0xffff;
	v21 =	vmul.f32 v56, v58;
	v4 =	vadd.f32 v17, v4  }
0x1b0: {  	v22 =	vld.idx.msk [tilespmem:v59+s18+$0x0], $0xffff  }
0x1b1: {  	v23 =	vld.idx.msk [tilespmem:v63+s19+$0x0], $0xffff;
	v24 =	vmul.f32 v60, v62;
	v4 =	vadd.f32 v21, v4  }
0x1b2: {  	v25 =	vld.idx.msk [tilespmem:v63+s18+$0x0], $0xffff  }
0x1b3: {  	v27 =	vmul.f32 v16, v18;
	v26 =	vld.idx.msk [tilespmem:v19+s19+$0x0], $0xffff;
	v4 =	vadd.f32 v24, v4  }
0x1b4: {  	v28 =	vld.idx.msk [tilespmem:v19+s18+$0x0], $0xffff  }
0x1b5: {  	v29 =	vmul.f32 v20, v22;
	v4 =	vadd.f32 v27, v4;
	_ =	sdelay $0x1  }
0x1b6: {  	v30 =	vmul.f32 v23, v25;
	v4 =	vadd.f32 v29, v4;
	_ =	sdelay $0x1  }
0x1b7: {  	v31 =	vmul.f32 v26, v28;
	v4 =	vadd.f32 v30, v4;
	_ =	sdelay $0x1  }
0x1b8: {  	v4 =	vadd.f32 v31, v4;
	_ =	sdelay $0x1  }
0x1b9: {  	v4 =	vmul.f32 $1.767766920e-01, v4;
	_ =	sdelay $0x1  }
0x1ba: {  	v4 =	vmul.f32 $1.442695020e+00, v4;
	_ =	sdelay $0x1  }
0x1bb: {  	(erf) = vpow2.f32 v4;
	_ =	sdelay $0x4  }
0x1bc: {  	v4 =	vshll.u32 v3, $0x4  }
0x1bd: {  	v3 =	vshll.u32 v3, $0x3  }
0x1be: {  	v32 =	vor.u32 $0x20, v2;
	_ =	sdelay $0x1  }
0x1bf: {  	v33 =	vor.u32 $0x21, v2;
	v34 =	vpop (erf)  }
0x1c0: {  	[tilespmem:v4+s21+$0x0] =	vst.idx.msk $0xffff, v34  }
0x1c1: {  	v35 =	vor.u32 $0x22, v2;
	[tilespmem:v3+s22+$0x0] =	vst.idx.msk $0xffff, v34  }
0x1c2: {  	v36 =	vld.idx.msk [tilespmem:v32+s18+$0x0], $0xffff  }
0x1c3: {  	v37 =	vor.u32 $0x23, v2;
	v5 =	vld.idx.msk [tilespmem:v32+s19+$0x0], $0xffff  }
0x1c4: {  	v38 =	vld.idx.msk [tilespmem:v33+s19+$0x0], $0xffff  }
0x1c5: {  	v39 =	vor.u32 $0x24, v2;
	v6 =	vld.idx.msk [tilespmem:v33+s18+$0x0], $0xffff  }
0x1c6: {  	v40 =	vld.idx.msk [tilespmem:v35+s19+$0x0], $0xffff  }
0x1c7: {  	v41 =	vor.u32 $0x25, v2;
	v7 =	vld.idx.msk [tilespmem:v35+s18+$0x0], $0xffff  }
0x1c8: {  	v42 =	vld.idx.msk [tilespmem:v37+s19+$0x0], $0xffff;
	v5 =	vmul.f32 v5, v36  }
0x1c9: {  	v44 =	vor.u32 $0x26, v2;
	v43 =	vld.idx.msk [tilespmem:v37+s18+$0x0], $0xffff  }
0x1ca: {  	v45 =	vld.idx.msk [tilespmem:v39+s19+$0x0], $0xffff;
	v6 =	vmul.f32 v38, v6;
	v5 =	vadd.f32 $0.0e+00, v5  }
0x1cb: {  	v47 =	vor.u32 $0x27, v2;
	v46 =	vld.idx.msk [tilespmem:v39+s18+$0x0], $0xffff  }
0x1cc: {  	v16 =	vld.idx.msk [tilespmem:v41+s19+$0x0], $0xffff;
	v48 =	vmul.f32 v40, v7;
	v5 =	vadd.f32 v6, v5  }
0x1cd: {  	v50 =	vor.u32 $0x28, v2;
	v49 =	vld.idx.msk [tilespmem:v41+s18+$0x0], $0xffff  }
0x1ce: {  	v51 =	vld.idx.msk [tilespmem:v44+s19+$0x0], $0xffff;
	v52 =	vmul.f32 v42, v43;
	v5 =	vadd.f32 v48, v5  }
0x1cf: {  	v54 =	vor.u32 $0x29, v2;
	v53 =	vld.idx.msk [tilespmem:v44+s18+$0x0], $0xffff  }
0x1d0: {  	v55 =	vld.idx.msk [tilespmem:v47+s19+$0x0], $0xffff;
	v56 =	vmul.f32 v45, v46;
	v5 =	vadd.f32 v52, v5  }
0x1d1: {  	v58 =	vor.u32 $0x2A, v2;
	v57 =	vld.idx.msk [tilespmem:v47+s18+$0x0], $0xffff  }
0x1d2: {  	v59 =	vld.idx.msk [tilespmem:v50+s19+$0x0], $0xffff;
	v60 =	vmul.f32 v16, v49;
	v5 =	vadd.f32 v56, v5  }
0x1d3: {  	v62 =	vor.u32 $0x2B, v2;
	v61 =	vld.idx.msk [tilespmem:v50+s18+$0x0], $0xffff  }
0x1d4: {  	v63 =	vld.idx.msk [tilespmem:v54+s19+$0x0], $0xffff;
	v19 =	vmul.f32 v51, v53;
	v5 =	vadd.f32 v60, v5  }
0x1d5: {  	v21 =	vor.u32 $0x2C, v2;
	v20 =	vld.idx.msk [tilespmem:v54+s18+$0x0], $0xffff  }
0x1d6: {  	v22 =	vld.idx.msk [tilespmem:v58+s19+$0x0], $0xffff;
	v23 =	vmul.f32 v55, v57;
	v5 =	vadd.f32 v19, v5  }
0x1d7: {  	v25 =	vor.u32 $0x2D, v2;
	v24 =	vld.idx.msk [tilespmem:v58+s18+$0x0], $0xffff  }
0x1d8: {  	v26 =	vld.idx.msk [tilespmem:v62+s19+$0x0], $0xffff;
	v27 =	vmul.f32 v59, v61;
	v5 =	vadd.f32 v23, v5  }
0x1d9: {  	v29 =	vor.u32 $0x2E, v2;
	v28 =	vld.idx.msk [tilespmem:v62+s18+$0x0], $0xffff  }
0x1da: {  	v30 =	vld.idx.msk [tilespmem:v21+s19+$0x0], $0xffff;
	v31 =	vmul.f32 v63, v20;
	v5 =	vadd.f32 v27, v5  }
0x1db: {  	v32 =	vld.idx.msk [tilespmem:v21+s18+$0x0], $0xffff;
	v33 =	vor.u32 $0x2F, v2  }
0x1dc: {  	v34 =	vld.idx.msk [tilespmem:v25+s19+$0x0], $0xffff;
	v35 =	vmul.f32 v22, v24;
	v5 =	vadd.f32 v31, v5  }
0x1dd: {  	v37 =	vor.u32 $0x30, v2;
	v36 =	vld.idx.msk [tilespmem:v25+s18+$0x0], $0xffff  }
0x1de: {  	v38 =	vld.idx.msk [tilespmem:v29+s19+$0x0], $0xffff;
	v39 =	vmul.f32 v26, v28;
	v5 =	vadd.f32 v35, v5  }
0x1df: {  	v41 =	vor.u32 $0x31, v2;
	v40 =	vld.idx.msk [tilespmem:v29+s18+$0x0], $0xffff  }
0x1e0: {  	v42 =	vld.idx.msk [tilespmem:v33+s19+$0x0], $0xffff;
	v43 =	vmul.f32 v30, v32;
	v5 =	vadd.f32 v39, v5  }
0x1e1: {  	v44 =	vld.idx.msk [tilespmem:v33+s18+$0x0], $0xffff;
	v45 =	vor.u32 $0x32, v2  }
0x1e2: {  	v46 =	vld.idx.msk [tilespmem:v37+s19+$0x0], $0xffff;
	v47 =	vmul.f32 v34, v36;
	v5 =	vadd.f32 v43, v5  }
0x1e3: {  	v49 =	vor.u32 $0x33, v2;
	v48 =	vld.idx.msk [tilespmem:v37+s18+$0x0], $0xffff  }
0x1e4: {  	v50 =	vld.idx.msk [tilespmem:v41+s19+$0x0], $0xffff;
	v51 =	vmul.f32 v38, v40;
	v5 =	vadd.f32 v47, v5  }
0x1e5: {  	v53 =	vor.u32 $0x34, v2;
	v52 =	vld.idx.msk [tilespmem:v41+s18+$0x0], $0xffff  }
0x1e6: {  	v54 =	vld.idx.msk [tilespmem:v45+s19+$0x0], $0xffff;
	v55 =	vmul.f32 v42, v44;
	v5 =	vadd.f32 v51, v5  }
0x1e7: {  	v57 =	vor.u32 $0x35, v2;
	v56 =	vld.idx.msk [tilespmem:v45+s18+$0x0], $0xffff  }
0x1e8: {  	v58 =	vld.idx.msk [tilespmem:v49+s19+$0x0], $0xffff;
	v59 =	vmul.f32 v46, v48;
	v5 =	vadd.f32 v55, v5  }
0x1e9: {  	v61 =	vor.u32 $0x36, v2;
	v60 =	vld.idx.msk [tilespmem:v49+s18+$0x0], $0xffff  }
0x1ea: {  	v62 =	vld.idx.msk [tilespmem:v53+s19+$0x0], $0xffff;
	v63 =	vmul.f32 v50, v52;
	v5 =	vadd.f32 v59, v5  }
0x1eb: {  	v21 =	vor.u32 $0x37, v2;
	v20 =	vld.idx.msk [tilespmem:v53+s18+$0x0], $0xffff  }
0x1ec: {  	v22 =	vld.idx.msk [tilespmem:v57+s19+$0x0], $0xffff;
	v23 =	vmul.f32 v54, v56;
	v5 =	vadd.f32 v63, v5  }
0x1ed: {  	v25 =	vor.u32 $0x38, v2;
	v24 =	vld.idx.msk [tilespmem:v57+s18+$0x0], $0xffff  }
0x1ee: {  	v26 =	vld.idx.msk [tilespmem:v61+s19+$0x0], $0xffff;
	v27 =	vmul.f32 v58, v60;
	v5 =	vadd.f32 v23, v5  }
0x1ef: {  	v29 =	vor.u32 $0x39, v2;
	v28 =	vld.idx.msk [tilespmem:v61+s18+$0x0], $0xffff  }
0x1f0: {  	v30 =	vld.idx.msk [tilespmem:v21+s19+$0x0], $0xffff;
	v31 =	vmul.f32 v62, v20;
	v5 =	vadd.f32 v27, v5  }
0x1f1: {  	v32 =	vld.idx.msk [tilespmem:v21+s18+$0x0], $0xffff;
	v33 =	vor.u32 $0x3A, v2  }
0x1f2: {  	v34 =	vld.idx.msk [tilespmem:v25+s19+$0x0], $0xffff;
	v35 =	vmul.f32 v22, v24;
	v5 =	vadd.f32 v31, v5  }
0x1f3: {  	v36 =	vld.idx.msk [tilespmem:v25+s18+$0x0], $0xffff;
	v37 =	vor.u32 $0x3B, v2  }
0x1f4: {  	v38 =	vld.idx.msk [tilespmem:v29+s19+$0x0], $0xffff;
	v39 =	vmul.f32 v26, v28;
	v5 =	vadd.f32 v35, v5  }
0x1f5: {  	v40 =	vld.idx.msk [tilespmem:v29+s18+$0x0], $0xffff;
	v41 =	vor.u32 $0x3C, v2  }
0x1f6: {  	v42 =	vld.idx.msk [tilespmem:v33+s19+$0x0], $0xffff;
	v43 =	vmul.f32 v30, v32;
	v5 =	vadd.f32 v39, v5  }
0x1f7: {  	v44 =	vld.idx.msk [tilespmem:v33+s18+$0x0], $0xffff;
	v45 =	vor.u32 $0x3D, v2  }
0x1f8: {  	v46 =	vld.idx.msk [tilespmem:v37+s19+$0x0], $0xffff;
	v47 =	vmul.f32 v34, v36;
	v5 =	vadd.f32 v43, v5  }
0x1f9: {  	v48 =	vld.idx.msk [tilespmem:v37+s18+$0x0], $0xffff;
	v49 =	vor.u32 $0x3E, v2  }
0x1fa: {  	v50 =	vld.idx.msk [tilespmem:v41+s19+$0x0], $0xffff;
	v51 =	vmul.f32 v38, v40;
	v5 =	vadd.f32 v47, v5  }
0x1fb: {  	v2 =	vor.u32 $0x3F, v2;
	v52 =	vld.idx.msk [tilespmem:v41+s18+$0x0], $0xffff  }
0x1fc: {  	v53 =	vld.idx.msk [tilespmem:v45+s19+$0x0], $0xffff;
	v54 =	vmul.f32 v42, v44;
	v5 =	vadd.f32 v51, v5  }
0x1fd: {  	v55 =	vld.idx.msk [tilespmem:v45+s18+$0x0], $0xffff  }
0x1fe: {  	v57 =	vmul.f32 v46, v48;
	v56 =	vld.idx.msk [tilespmem:v49+s19+$0x0], $0xffff;
	v5 =	vadd.f32 v54, v5  }
0x1ff: {  	v58 =	vld.idx.msk [tilespmem:v49+s18+$0x0], $0xffff  }
0x200: {  	v60 =	vmul.f32 v50, v52;
	v59 =	vld.idx.msk [tilespmem:v2+s19+$0x0], $0xffff;
	v5 =	vadd.f32 v57, v5  }
0x201: {  	v2 =	vld.idx.msk [tilespmem:v2+s18+$0x0], $0xffff  }
0x202: {  	v61 =	vmul.f32 v53, v55;
	v5 =	vadd.f32 v60, v5;
	_ =	sdelay $0x1  }
0x203: {  	v62 =	vmul.f32 v56, v58;
	v5 =	vadd.f32 v61, v5;
	_ =	sdelay $0x1  }
0x204: {  	v2 =	vmul.f32 v59, v2;
	v5 =	vadd.f32 v62, v5;
	_ =	sdelay $0x1  }
0x205: {  	v2 =	vadd.f32 v2, v5;
	_ =	sdelay $0x1  }
0x206: {  	v2 =	vmul.f32 $1.767766920e-01, v2;
	_ =	sdelay $0x1  }
0x207: {  	v2 =	vmul.f32 $1.442695020e+00, v2;
	_ =	sdelay $0x1  }
0x208: {  	(erf) = vpow2.f32 v2;
	_ =	sdelay $0x4  }
0x209: {  	v2 =	vor.u32 $0x1, v4  }
0x20a: {  	v3 =	vor.u32 $0x1, v3;
	_ =	sdelay $0x2  }
0x20b: {  	v63 =	vpop (erf)  }
0x20c: {  	[tilespmem:v2+s21+$0x0] =	vst.idx.msk $0xffff, v63  }
0x20d: {  	s31 =	sadd.s32 s26, s28;
	[tilespmem:v3+s22+$0x0] =	vst.idx.msk $0xffff, v63  }
0x20e: {  	[spmem:s1] =	stream.indirect.scatter.add.f32 [tilespmem:s21], [sflag:$0x2], $0x10, s29, s17, $0xb8;
	[tilespmem:$0x12400] =	vst v63  }
0x20f: {  	s29 =	sshll.u32 s31, $0xA  }
0x210: {  	s28 =	sadd.s32 $0x1, s28;
	_ =	swait.ge [sflag:s15], $0x800;
	s29 =	sadd.s32 s11, s29  }
0x211: {  	p0 =	sne.s32 s28, $0x8;
	[sflag:s15] =	ssyncset.done $0x0;
	s29 =	sshrl.u32 s29, $0x3  }
.Ltmp4:
0x212: {  	[sflag:s15] =	ssyncadd.s32 $0xFFFFF800;
	s29 =	sadd.s32 s8, s29;
	(pc) =	sbr.rel @p0 .LBB2_9-.Ltmp4, $4  }
0x213: {  	[hbm4b:s29+s2] =	stream.linear.scatter [tilespmem:s22], [sflag:$0x2], $0x400, $0x38;
	[tilespmem:$0x12400] =	vst v63  }
0x214: {  	_ =	swait.ge [sflag:s15], $0x400  }
0x215: {  	[sflag:s15] =	ssyncset.done $0x0  }
0x216: {  	[sflag:s15] =	ssyncadd.s32 $0xFFFFFC00  }
0x217: {  	s25 =	sadd.s32 $0x1, s25  }
0x218: {  	p0 =	sne.s32 s25, $0x19  }
.Ltmp5:
0x219: {  	_ = 	snop;
	(pc) =	sbr.rel @p0 .LBB2_8-.Ltmp5, $1  }
0x21a: {  	_ =	sdelay $0x3  }
0x21b: {  	s23 =	sadd.s32 $0x1, s23  }
0x21c: {  	s24 =	sshll.u32 s3, $0x6;
	[bflag:$0x0] =	sbarrier.arrive $0xFFFF;
	p0 =	sne.s32 s23, s13  }
.Ltmp6:
0x21d: {  	s25 =	sshrl.u32 s10, $0x3;
	s24 =	sor.u32 $0x1C02, s24;
	(pc) =	sbr.rel @p0 .LBB2_1-.Ltmp6, $4  }
0x21e: {  	[hbm:s12], [sflag:s24] =	dma.local [spmem:s25], $0x1900  }
0x21f: {  	_ =	swait.ge [sflag:s15], $0x1900  }
0x220: {  	[sflag:s15] =	ssyncset.done $0x0  }
0x221: {  	[sflag:s15] =	ssyncadd.s32 $0xFFFFE700  }
0x222: {  	_ =	sfence.sel $0x180000  }
0x223: {  	[bflag:$0x0] =	sbarrier.arrive $0xFFFF  }
0x224: {  	p0 =	sne.s32 s3, $0x0;
	_ =	strace $0x9000004A  }
0x225: {  	s0 =	sadd.s32 @!p0 $0x100000, s0;
	[bflag:$0x2] =	sbarrier.arrive $0xFFFF  }
0x226: {  	[sflag:s0] =	ssyncadd.tile.s32 @!p0 $0x1;
	_ =	shalt  }
.Lfunc_end2:
_tile_overlayer_lowered:
.L_overlay_start_2:
0x227: {  	(tag) =	ssettag $0x2  }
0x228: {  	s0 =	rddreg [dreg:$0x0];
	s2 =	stileid.u32  }
0x229: {  	s1 =	rddreg [dreg:$0x1];
	p0 =	sne.s32 s2, $0x0  }
0x22a: {  	s3 =	rddreg [dreg:$0x2];
	[bflag:$0x3] =	sbarrier.arrive $0xFFFF;
	s2 =	simm.s32 @!p0 $0x1C02  }
0x22b: {  	[timem:s3], [sflag:s2] =	dma.local @!p0 [hbm:s0], s1  }
0x22c: {  	s0 =	simm.s32 @!p0 $0x2  }
0x22d: {  	_ =	swait.ge @!p0 [sflag:s0], s1  }
0x22e: {  	s1 =	ssub.s32 @!p0 $0x0, s1;
	[sflag:s0] =	ssyncset.done @!p0 $0x0  }
0x22f: {  	[sflag:s0] =	ssyncadd.s32 @!p0 s1  }
0x230: {  	[bflag:$0x3] =	sbarrier.arrive $0xFFFF  }
0x231: {  	_ =	shalt  }

// kernel: kernel.14.cloned.1.call-start
scs
__scs_entry_jumppad:
0x0: {  	(pc) =	sbr.rel $0x88, $3  }
0x1: {  	(tag) =	ssettag $0x0;
	lr =	simm.s32 $0x1  }
0x2: {  	[smem:$0x3F95] =	sst lr;
	_ =	strace $0xD0000000  }
0x3: {  	_ = 	snop  }
0x4: {  	_ = 	snop  }
0x5: {  	_ = 	snop  }
0x6: {  	_ = 	snop  }
0x7: {  	_ = 	snop  }
__scs_overlays_trampoline_lowered:
0x8: {  	[smem:$0x3FA4] =	sst s0  }
0x9: {  	[smem:$0x3FA5] =	sst s1  }
0xa: {  	[smem:$0x3FA6] =	sst s2  }
0xb: {  	[smem:$0x3FA7] =	sst s3  }
0xc: {  	[smem:$0x3FA8] =	sst s4  }
0xd: {  	[smem:$0x3FA9] =	sst s5  }
0xe: {  	[smem:$0x3FAA] =	sst s6  }
0xf: {  	[smem:$0x3FAB] =	sst s7  }
0x10: {  	[smem:$0x3FAC] =	sst s8  }
0x11: {  	[smem:$0x3FAD] =	sst s9;
	s0 =	simm.s32 @!p0 $0x0  }
0x12: {  	s1 =	sld [smem:$0x3F93];
	s0 =	simm.s32 @p0 $0x1  }
0x13: {  	[smem:$0x3FAE] =	sst s0;
	s0 =	simm.s32 @!p1 $0x0  }
0x14: {  	s2 =	sld [smem:$0x3F92];
	s0 =	simm.s32 @p1 $0x1  }
0x15: {  	[smem:$0x3FAF] =	sst s0;
	s0 =	simm.s32 @!p2 $0x0  }
0x16: {  	s3 =	sld [smem:$0x3FDB];
	s0 =	simm.s32 @p2 $0x1  }
0x17: {  	s4 =	simm.s32 $0x1BF5;
	[smem:$0x3FB1] =	sst s0  }
0x18: {  	s0 =	sld [smem:$0x3F94];
	_ =	swait.ge [sflag:s4], $0x0  }
0x19: {  	s7 =	sld [smem:$0x3F95]  }
0x1a: {  	s8 =	sadd.s32 $0xFFFFE003, lr  }
0x1b: {  	s9 =	sadd.s32 $0xFFFFFEF7, lr;
	s5 =	simm.s32 $0xFFFFFFFF;
	p2 =	slt.u32 s8, $0xFFFFF086  }
0x1c: {  	p1 =	slt.u32 s9, $0xF7A;
	s5 =	simm.s32 @!p2 $0x0  }
0x1d: {  	s5 =	simm.s32 @p1 $0x1;
	p0 =	seq.s32 s7, s2  }
0x1e: {  	s7 =	smul.u32 @!p0 $0xF7A, s2;
	p2 =	seq.s32 @!p0 s5, $0x0  }
0x1f: {  	s9 =	smul.u32 $0xF7A, s1;
	s8 =	simm.s32 @!p0 $0x1BF5;
	p2 =	por !p2, p0  }
0x20: {  	[sflag:s8] =	ssyncset.s32 @!p0 $0xFFFFF086;
	s6 =	sadd.s32 @!p0 s3, s7;
	s7 =	simm.s32 @!p0 $0x108  }
0x21: {  	s3 =	sadd.s32 s3, s9;
	s6 =	sadd.s32 @!p0 $0x88, s6;
	s7 =	simm.s32 @p2 $0x1082  }
0x22: {  	[simem:s7], [sflag:s8] =	dma.local @!p0 [hbm:s6], $0xF7A  }
0x23: {  	s9 =	sor.u32 $0xD0000000, s2;
	s6 =	simm.s32 $0x108;
	_ =	swait.ge @!p0 [sflag:s8], $0x0  }
0x24: {  	s3 =	sadd.s32 $0x88, s3;
	s6 =	simm.s32 @!p1 $0x1082;
	[sflag:s4] =	ssyncset.s32 $0xFFFFF086  }
0x25: {  	[simem:s6], [sflag:s4] =	dma.local [hbm:s3], $0xF7A  }
0x26: {  	[smem:$0x3F95] =	sst s1;
	(tag) =	ssettag s2;
	_ =	strace s9  }
0x27: {  	s1 =	sld [smem:$0x3FA5]  }
0x28: {  	s2 =	sld [smem:$0x3FA6]  }
0x29: {  	s4 =	sld [smem:$0x3FA8]  }
0x2a: {  	p0 =	seq.s32 s5, $0x0;
	s5 =	sld [smem:$0x3FA9]  }
0x2b: {  	s6 =	sld [smem:$0x3FAA]  }
0x2c: {  	s7 =	sld [smem:$0x3FAB]  }
0x2d: {  	s3 =	simm.s32 $0x108;
	s8 =	sld [smem:$0x3FAC]  }
0x2e: {  	s3 =	simm.s32 @!p0 $0x1082;
	s9 =	sld [smem:$0x3FAD]  }
0x2f: {  	lr =	sadd.s32 s0, s3;
	s0 =	sld [smem:$0x3FA4]  }
0x30: {  	s3 =	sld [smem:$0x3FA7]  }
0x31: {  	[smem:$0x3FB0] =	sst s10  }
0x32: {  	s10 =	sld [smem:$0x3FAE];
	_ =	sdelay $0x3  }
0x33: {  	p0 =	seq.s32 s10, $0x1;
	s10 =	sld [smem:$0x3FB0];
	_ =	sdelay $0x3  }
0x34: {  	[smem:$0x3FB0] =	sst s10  }
0x35: {  	s10 =	sld [smem:$0x3FAF];
	_ =	sdelay $0x3  }
0x36: {  	p1 =	seq.s32 s10, $0x1;
	s10 =	sld [smem:$0x3FB0];
	_ =	sdelay $0x3  }
0x37: {  	[smem:$0x3FB0] =	sst s10  }
0x38: {  	s10 =	sld [smem:$0x3FB1]  }
0x39: {  	_ = 	snop;
	(pc) =	sbr.ind lr, $3  }
0x3a: {  	_ = 	snop  }
0x3b: {  	_ = 	snop  }
0x3c: {  	p2 =	seq.s32 s10, $0x1;
	s10 =	sld [smem:$0x3FB0]  }
0x3d: {  	_ =	shalt  }
0x3e: {  	_ =	shalt  }
0x3f: {  	_ =	shalt  }
0x40: {  	_ =	shalt  }
0x41: {  	_ =	shalt  }
0x42: {  	_ =	shalt  }
0x43: {  	_ =	shalt  }
0x44: {  	_ =	shalt  }
0x45: {  	_ =	shalt  }
0x46: {  	_ =	shalt  }
0x47: {  	_ =	shalt  }
0x48: {  	_ =	shalt  }
0x49: {  	_ =	shalt  }
0x4a: {  	_ =	shalt  }
0x4b: {  	_ =	shalt  }
0x4c: {  	_ =	shalt  }
0x4d: {  	_ =	shalt  }
0x4e: {  	_ =	shalt  }
0x4f: {  	_ =	shalt  }
0x50: {  	_ =	shalt  }
0x51: {  	_ =	shalt  }
0x52: {  	_ =	shalt  }
0x53: {  	_ =	shalt  }
0x54: {  	_ =	shalt  }
0x55: {  	_ =	shalt  }
0x56: {  	_ =	shalt  }
0x57: {  	_ =	shalt  }
0x58: {  	_ =	shalt  }
0x59: {  	_ =	shalt  }
0x5a: {  	_ =	shalt  }
0x5b: {  	_ =	shalt  }
0x5c: {  	_ =	shalt  }
0x5d: {  	_ =	shalt  }
0x5e: {  	_ =	shalt  }
0x5f: {  	_ =	shalt  }
0x60: {  	_ =	shalt  }
0x61: {  	_ =	shalt  }
0x62: {  	_ =	shalt  }
0x63: {  	_ =	shalt  }
0x64: {  	_ =	shalt  }
0x65: {  	_ =	shalt  }
0x66: {  	_ =	shalt  }
0x67: {  	_ =	shalt  }
0x68: {  	_ =	shalt  }
0x69: {  	_ =	shalt  }
0x6a: {  	_ =	shalt  }
0x6b: {  	_ =	shalt  }
0x6c: {  	_ =	shalt  }
0x6d: {  	_ =	shalt  }
0x6e: {  	_ =	shalt  }
0x6f: {  	_ =	shalt  }
0x70: {  	_ =	shalt  }
0x71: {  	_ =	shalt  }
0x72: {  	_ =	shalt  }
0x73: {  	_ =	shalt  }
0x74: {  	_ =	shalt  }
0x75: {  	_ =	shalt  }
0x76: {  	_ =	shalt  }
0x77: {  	_ =	shalt  }
0x78: {  	_ =	shalt  }
0x79: {  	_ =	shalt  }
0x7a: {  	_ =	shalt  }
0x7b: {  	_ =	shalt  }
0x7c: {  	_ =	shalt  }
0x7d: {  	_ =	shalt  }
0x7e: {  	_ =	shalt  }
0x7f: {  	_ =	shalt  }
0x80: {  	_ =	shalt  }
0x81: {  	_ =	shalt  }
0x82: {  	_ =	shalt  }
0x83: {  	_ =	shalt  }
0x84: {  	_ =	shalt  }
0x85: {  	_ =	shalt  }
0x86: {  	_ =	shalt  }
0x87: {  	_ =	shalt  }
.Lfunc_end0:
.L_simem_size_0:
called_computation.2_lowered:
.L_overlay_start_0:
0x88: {  	s2 =	sld [smem:$0x3FD9]  }
0x89: {  	s3 =	sld [smem:$0x3FFE];
	_ =	sdelay $0x1  }
0x8a: {  	s1 =	srdreg.scid  }
0x8b: {  	s0 =	sand.u32 $0x1, s1  }
0x8c: {  	s17 =	sshll.u32 s0, $0xA;
	s2 =	sadd.s32 s3, s2  }
0x8d: {  	s2 =	sadd.s32 s2, s17  }
0x8e: {  	[smem:$0x3FBC] =	sst s2  }
0x8f: {  	_ = 	snop  }
0x90: {  	s2 =	sld [smem:$0x3FD0];
	(tm) =	ssettm $0x1  }
0x91: {  	s18 =	sld [smem:$0x3FFB];
	_ =	sdelay $0x3  }
0x92: {  	_ =	strace s18  }
0x93: {  	s3 =	sld [smem:$0x3FFC];
	_ =	sdelay $0x3  }
0x94: {  	_ =	strace s3  }
0x95: {  	s3 =	sld [smem:$0x3FFD];
	_ =	sdelay $0x3  }
0x96: {  	_ =	strace s3  }
0x97: {  	_ =	strace $0x8FFFFFFF  }
0x98: {  	s19 =	sld [smem:$0x3FDB];
	_ =	sdelay $0x1  }
0x99: {  	s4 =	simm.s32 $_scs_section_size  }
0x9a: {  	s5 =	simm.s32 $_size__tile_overlayer_lowered;
	s6 =	simm.s32 $_tile_overlayer_lowered  }
0x9b: {  	s22 =	simm.s32 $0x1BFF;
	s21 =	sshll.u32 s6, $0x1;
	s3 =	sadd.s32 s4, s19  }
0x9c: {  	s7 =	simm.s32 $0x0;
	s20 =	sshll.u32 s5, $0x1;
	s5 =	sadd.s32 s21, s3  }
0x9d: {  	[timem:s7], [sflag:s22] =	dma.local [hbm:s5], s20  }
0x9e: {  	_ =	swait.ge [sflag:s22], s20  }
0x9f: {  	s4 =	ssub.s32 $0x0, s20;
	[sflag:s22] =	ssyncset.done $0x0  }
0xa0: {  	[sflag:s22] =	ssyncadd.s32 s4;
	_ =	sdelay $0x1  }
0xa1: {  	s23 =	simm.s32 $0x1B8B  }
0xa2: {  	_ =	swait.ge [sflag:s23], $0x1  }
0xa3: {  	[sflag:s23] =	ssyncset.done $0x0  }
0xa4: {  	s25 =	simm.s32 $0x1B8E;
	s24 =	sld [smem:$0x3FFE];
	[sflag:s23] =	ssyncadd.s32 $0xFFFFFFFF  }
0xa5: {  	s26 =	simm.s32 $execute0_lowered;
	[smem:$0x3FD2] =	sst s25  }
0xa6: {  	s5 =	sshll.u32 s26, $0x1;
	_ =	strace $0x8000004C;
	[dreg:$0x1] =	wrdreg $0xFFFFFFFF  }
0xa7: {  	s28 =	simm.s32 $_size_execute0_lowered;
	s3 =	sadd.s32 s3, s5;
	[dreg:$0x0] =	wrdreg $0x0  }
0xa8: {  	s5 =	sshll.u32 s28, $0x1;
	[dreg:$0x2] =	wrdreg s3  }
0xa9: {  	[dreg:$0x3] =	wrdreg s5  }
0xaa: {  	[dreg:$0x4] =	wrdreg $0xC0  }
0xab: {  	_ =	task [dreg:s7], $0x5FFFF  }
0xac: {  	[dreg:$0x1] =	wrdreg $0xFFFFFFFF  }
0xad: {  	[dreg:$0x0] =	wrdreg $0x60  }
0xae: {  	[dreg:$0x2] =	wrdreg s24  }
0xaf: {  	[dreg:$0x3] =	wrdreg s2  }
0xb0: {  	[dreg:$0x4] =	wrdreg $0x58000  }
0xb1: {  	[dreg:$0x5] =	wrdreg $0x9  }
0xb2: {  	_ =	task.clear_ibuf [dreg:s7], $0x6FFFF;
	_ =	strace $0x9000004C  }
0xb3: {  	s29 =	simm.s32 $0x9;
	_ =	strace $0x8000004E  }
0xb4: {  	_ =	swait.ge [sflag:s29], $0x1  }
0xb5: {  	[sflag:s29] =	ssyncadd.s32 $0xFFFFFFFF  }
0xb6: {  	_ =	strace $0x9000004E  }
0xb7: {  	_ =	sfence  }
0xb8: {  	s30 =	sld [smem:$0x0];
	_ =	sdelay $0x2  }
0xb9: {  	s31 =	sshll.u32 s1, $0xD;
	s1 =	sshrl.u32 s1, $0x2  }
0xba: {  	s3 =	sand.u32 $0x4000, s31;
	s1 =	sadd.s32 s1, s30  }
0xbb: {  	s0 =	sor.u32 s3, s0;
	s1 =	sshll.u32 s1, $0x11  }
0xbc: {  	s0 =	sor.u32 s1, s0  }
0xbd: {  	s0 =	sadd.s32 $0x8F2B, s0  }
0xbe: {  	[sflag:s0] =	ssyncadd.remote.s32 $0x1  }
0xbf: {  	_ =	sfence.sel $0xFFFF  }
0xc0: {  	[dreg:$0x0] =	wrdreg $0xFFFFFFFF;
	(pc) =	sbr.abs _section_cstart, $3  }
0xc1: {  	[dreg:$0x1] =	wrdreg $0xFFFFFFFF  }
0xc2: {  	_ =	task.clear_ibuf [dreg:s7], $0x2FFFF;
	_ =	strace $0x9FFFFFFF  }
0xc3: {  	(tm) =	ssettm $0x7FFFFFFF  }
tec
execute0_lowered:
.L_overlay_start_1:
0x0: {  	(tag) =	ssettag $0x1  }
0x1: {  	s0 =	rddreg [dreg:$0x0]  }
0x2: {  	s1 =	rddreg [dreg:$0x1]  }
0x3: {  	s2 =	rddreg [dreg:$0x2]  }
0x4: {  	s3 =	simm.s32 $0x0;
	s4 =	srdreg.scid;
	s11 =	stileid.u32  }
0x5: {  	s14 =	simm.s32 $0x4800;
	s15 =	simm.s32 $0x2;
	s16 =	simm.s32 $0x400  }
0x6: {  	s17 =	simm.s32 $0x80;
	s18 =	simm.s32 $0x800;
	s19 =	simm.s32 $0x2800  }
0x7: {  	s20 =	simm.s32 $0x3000;
	s21 =	simm.s32 $0x1;
	s22 =	simm.s32 $0x3400  }
0x8: {  	s23 =	simm.s32 $0x3800;
	[smem:$0x7FF] =	sst s3;
	s4 =	sand.u32 $0x1, s4  }
0x9: {  	s5 =	sadd.s32 $0x97E00, s0;
	s6 =	sadd.s32 $0x7EE00, s0;
	s10 =	smul.u32 $0x3200, s11  }
0xa: {  	s7 =	sadd.s32 $0x1B0E00, s0;
	s29 =	sshll.u32 s11, $0x1;
	s11 =	smul.u32 $0x64000, s11  }
0xb: {  	s8 =	sadd.s32 $0x278E00, s0;
	s9 =	smul.u32 $0x32000, s4;
	s12 =	ssub.s32 $0x2, s4  }
0xc: {  	_ =	strace $0x8000004D;
	s4 =	sor.u32 s4, s29;
	s30 =	sshrl.u32 s12, $0x1  }
0xd: {  	s11 =	sshrl.u32 s11, $0x2;
	s9 =	sadd.s32 s10, s9;
	s13 =	ssub.s32 s12, s30  }
0xe: {  	s10 =	sadd.s32 s11, s2;
	s0 =	sadd.s32 s9, s0;
	s31 =	smax.u32 s13, $0x1  }
0xf: {  	s11 =	smul.u32 $0x32000, s4;
	s0 =	sadd.s32 $0x4600, s0;
	[dreg:$0x5] =	wrdreg s31  }
0x10: {  	v0 =	vimm.f32 $0.0e+00;
	v1 =	vlaneseq.u32;
	s24 =	simm.s32 $0x0;
	s9 =	smul.u32 $0xC8, s4;
	[dreg:$0x4] =	wrdreg s0  }
.LBB2_1:
0x11: {  	s0 =	simm.s32 $0x0  }
.LBB2_2:
0x12: {  	p0 =	sne.s32 s0, $0x3F80  }
.Ltmp0:
0x13: {  	_ = 	snop;
	(pc) =	sbr.rel @p0 .LBB2_2-.Ltmp0, $4  }
0x14: {  	_ = 	snop  }
0x15: {  	s4 =	sshra.s32 s0, $0x2  }
0x16: {  	[tilespmem:s4+$0x4800] =	vst v0  }
0x17: {  	s0 =	sadd.s32 $0x80, s0;
	[tilespmem:s4+$0x4810] =	vst v0  }
0x18: {  	s0 =	sadd.s32 $0x0, s10  }
0x19: {  	[spmem:s0] =	stream.linear.scatter [tilespmem:s14], [sflag:$0x2], $0x1000, $0x38;
	[tilespmem:$0x1E800] =	vst v63  }
0x1a: {  	s0 =	simm.s32 $0x4000;
	_ =	swait.ge [sflag:s15], $0x1000  }
.LBB2_4:
0x1b: {  	s4 =	sshra.s32 s0, $0x2;
	[sflag:s15] =	ssyncset.done $0x0;
	p0 =	sne.s32 s0, $0x60000  }
.Ltmp1:
0x1c: {  	s4 =	sadd.s32 s4, s10;
	[sflag:s15] =	ssyncadd.s32 $0xFFFFF000;
	(pc) =	sbr.rel @p0 .LBB2_4-.Ltmp1, $3  }
0x1d: {  	[spmem:s4] =	stream.linear.scatter [tilespmem:s14], [sflag:$0x2], $0x1000, $0x38;
	[tilespmem:$0x1E800] =	vst v63  }
0x1e: {  	s0 =	sadd.s32 $0x4000, s0;
	_ =	sdelay $0x1  }
0x1f: {  	_ =	swait.ge [sflag:s15], $0x1000  }
0x20: {  	[sflag:s15] =	ssyncset.done $0x0  }
0x21: {  	[sflag:s15] =	ssyncadd.s32 $0xFFFFF000  }
0x22: {  	s25 =	simm.s32 $0x0;
	[bflag:$0x0] =	sbarrier.arrive $0xFFFF  }
.LBB2_6:
0x23: {  	s26 =	sshll.u32 s25, $0x3  }
0x24: {  	s0 =	sadd.s32 s9, s26  }
0x25: {  	s0 =	sshll.u32 s0, $0x4  }
0x26: {  	s4 =	sadd.s32 s5, s0  }
0x27: {  	[tilespmem:s24], [sflag:$0x2] =	stream.linear.gather [hbm4b:s4+s24], $0x400, $0x38;
	[tilespmem:$0x1E800] =	vst v63  }
0x28: {  	_ =	swait.ge [sflag:s15], $0x400  }
0x29: {  	[sflag:s15] =	ssyncset.done $0x0  }
0x2a: {  	s0 =	sadd.s32 s6, s0;
	[sflag:s15] =	ssyncadd.s32 $0xFFFFFC00  }
0x2b: {  	[tilespmem:s16], [sflag:$0x2] =	stream.linear.gather [hbm4b:s0+s24], $0x400, $0x38;
	[tilespmem:$0x1E800] =	vst v63  }
0x2c: {  	_ =	swait.ge [sflag:s15], $0x400  }
0x2d: {  	[sflag:s15] =	ssyncset.done $0x0  }
0x2e: {  	s28 =	simm.s32 $0x0;
	[sflag:s15] =	ssyncadd.s32 $0xFFFFFC00  }
.LBB2_7:
0x2f: {  	s29 =	sshll.u32 s28, $0x7  }
0x30: {  	s30 =	sadd.s32 s26, s28;
	s0 =	sadd.s32 $0x400, s29  }
0x31: {  	[tilespmem:s18], [sflag:$0x1] =	stream.indirect.gather [hbm4b:s8+s17], $0x40, s0, s17, $0xb8;
	[tilespmem:$0x1E800] =	vst v63  }
0x32: {  	s0 =	sshll.u32 s30, $0xA  }
0x33: {  	s0 =	sadd.s32 s11, s0  }
0x34: {  	[tilespmem:s19], [sflag:$0x1] =	stream.indirect.gather [hbm4b:s1+s17], $0x10, s29, s17, $0xb8;
	[tilespmem:$0x1E800] =	vst v63  }
0x35: {  	s0 =	sshrl.u32 s0, $0x3  }
0x36: {  	s4 =	simm.s32 $0x0;
	s0 =	sadd.s32 s7, s0  }
0x37: {  	[tilespmem:s20], [sflag:$0x2] =	stream.linear.gather [hbm4b:s0+s4], $0x400, $0x38;
	[tilespmem:$0x1E800] =	vst v63  }
0x38: {  	_ =	swait.ge [sflag:s15], $0x400  }
0x39: {  	[sflag:s15] =	ssyncset.done $0x0  }
0x3a: {  	[sflag:s15] =	ssyncadd.s32 $0xFFFFFC00  }
0x3b: {  	v2 =	vor.u32 s4, v1;
	_ =	swait.ge [sflag:s21], $0x2000  }
0x3c: {  	v3 =	vshll.u32 v2, $0x3;
	[sflag:s21] =	ssyncset.done $0x0  }
0x3d: {  	v4 =	vshll.u32 v2, $0x4;
	[sflag:s21] =	ssyncadd.s32 $0xFFFFE000  }
0x3e: {  	_ =	swait.ge [sflag:s21], $0x800  }
0x3f: {  	[sflag:s21] =	ssyncset.done $0x0  }
0x40: {  	[sflag:s21] =	ssyncadd.s32 $0xFFFFF800  }
0x41: {  	v2 =	vld.idx.msk [tilespmem:v3+s20+$0x0], $0xffff  }
0x42: {  	v5 =	vld.idx.msk [tilespmem:v4+s19+$0x0], $0xffff;
	_ =	sdelay $0x4  }
0x43: {  	v5 =	vmul.f32 v5, v2;
	v2 =	vor.u32 $0x1, v3  }
0x44: {  	v4 =	vor.u32 $0x1, v4  }
0x45: {  	v5 =	vmul.f32 $5.000000000e-01, v5;
	_ =	sdelay $0x1  }
0x46: {  	[tilespmem:v3+s22+$0x0] =	vst.idx.msk $0xffff, v5  }
0x47: {  	v5 =	vld.idx.msk [tilespmem:v2+s20+$0x0], $0xffff  }
0x48: {  	v6 =	vld.idx.msk [tilespmem:v4+s19+$0x0], $0xffff;
	_ =	sdelay $0x2  }
0x49: {  	s31 =	simm.s32 $0x10  }
0x4a: {  	v4 =	vor.u32 s31, v1  }
0x4b: {  	s0 =	simm.s32 $0x20;
	v3 =	vshll.u32 v4, $0x3;
	v4 =	vshll.u32 v4, $0x4;
	v5 =	vmul.f32 v6, v5  }
.LBB2_8:
0x4c: {  	_ = 	snop  }
0x4d: {  	p0 =	sne.s32 s0, $0x70;
	s4 =	smov.u32 s0;
	s0 =	sadd.s32 $0x10, s0;
	v5 =	vmul.f32 $5.000000000e-01, v5  }
0x4e: {  	_ = 	snop  }
0x4f: {  	[tilespmem:v2+s22+$0x0] =	vst.idx.msk $0xffff, v5  }
0x50: {  	v2 =	vld.idx.msk [tilespmem:v3+s20+$0x0], $0xffff  }
0x51: {  	v5 =	vld.idx.msk [tilespmem:v4+s19+$0x0], $0xffff;
	_ =	sdelay $0x5  }
0x52: {  	v4 =	vor.u32 $0x1, v4;
	v5 =	vmul.f32 v5, v2;
	v2 =	vor.u32 $0x1, v3;
	_ =	sdelay $0x1  }
0x53: {  	v5 =	vmul.f32 $5.000000000e-01, v5;
	_ =	sdelay $0x1  }
0x54: {  	[tilespmem:v3+s22+$0x0] =	vst.idx.msk $0xffff, v5  }
0x55: {  	v5 =	vld.idx.msk [tilespmem:v2+s20+$0x0], $0xffff  }
0x56: {  	v6 =	vld.idx.msk [tilespmem:v4+s19+$0x0], $0xffff;
	_ =	sdelay $0x1  }
.Ltmp2:
0x57: {  	(pc) =	sbr.rel @p0 .LBB2_8-.Ltmp2, $3  }
0x58: {  	_ =	sdelay $0x1  }
0x59: {  	v4 =	vor.u32 s4, v1  }
0x5a: {  	v3 =	vshll.u32 v4, $0x3;
	v4 =	vshll.u32 v4, $0x4;
	v5 =	vmul.f32 v6, v5  }
0x5b: {  	_ =	sdelay $0x1  }
0x5c: {  	v5 =	vmul.f32 $5.000000000e-01, v5;
	_ =	sdelay $0x1  }
0x5d: {  	[tilespmem:v2+s22+$0x0] =	vst.idx.msk $0xffff, v5  }
0x5e: {  	v2 =	vld.idx.msk [tilespmem:v3+s20+$0x0], $0xffff  }
0x5f: {  	v5 =	vld.idx.msk [tilespmem:v4+s19+$0x0], $0xffff;
	_ =	sdelay $0x4  }
0x60: {  	v2 =	vmul.f32 v5, v2;
	v5 =	vor.u32 $0x1, v3  }
0x61: {  	v4 =	vor.u32 $0x1, v4  }
0x62: {  	v2 =	vmul.f32 $5.000000000e-01, v2;
	_ =	sdelay $0x1  }
0x63: {  	[tilespmem:v3+s22+$0x0] =	vst.idx.msk $0xffff, v2  }
0x64: {  	v2 =	vld.idx.msk [tilespmem:v5+s20+$0x0], $0xffff  }
0x65: {  	v3 =	vld.idx.msk [tilespmem:v4+s19+$0x0], $0xffff;
	_ =	sdelay $0x4  }
0x66: {  	s0 =	simm.s32 $0x0;
	v2 =	vmul.f32 v3, v2  }
0x67: {  	v3 =	vmov s0  }
0x68: {  	v2 =	vmul.f32 $5.000000000e-01, v2  }
0x69: {  	v4 =	vor.u32 $0x1, v3  }
0x6a: {  	s31 =	simm.s32 $0x820;
	[tilespmem:v5+s22+$0x0] =	vst.idx.msk $0xffff, v2  }
0x6b: {  	v2 =	vld [tilespmem:s31+$0x0]  }
0x6c: {  	v3 =	vld.idx.msk [tilespmem:v3+s22+$0x0], $0xffff  }
0x6d: {  	v5 =	vld [tilespmem:s31+$0xFFFFFFE0]  }
0x6e: {  	v4 =	vld.idx.msk [tilespmem:v4+s22+$0x0], $0xffff;
	_ =	sdelay $0x4  }
0x6f: {  	v5 =	vmul.f32 v5, v3;
	v2 =	vmul.f32 v2, v4;
	_ =	sdelay $0x1  }
0x70: {  	v2 =	vadd.f32 v2, v5  }
0x71: {  	s30 =	simm.s32 $0x3810  }
0x72: {  	[tilespmem:s30+$0xFFFFFFF0] =	vst v2  }
0x73: {  	v2 =	vld [tilespmem:s31+$0xFFFFFFF0]  }
0x74: {  	v5 =	vld [tilespmem:s31+$0x10];
	_ =	sdelay $0x4  }
0x75: {  	s13 =	simm.s32 $0x8;
	v6 =	vmul.f32 v2, v3;
	v4 =	vmul.f32 v5, v4  }
0x76: {  	v2 =	vmov s13  }
0x77: {  	s4 =	simm.s32 $0x2;
	s0 =	simm.s32 $0x3810;
	v3 =	vor.u32 $0x1, v2;
	v4 =	vadd.f32 v4, v6  }
.LBB2_10:
0x78: {  	s30 =	sadd.s32 $0x20, s30  }
0x79: {  	s31 =	sadd.s32 $0x40, s31;
	s12 =	smov.u32 s4;
	s13 =	sadd.s32 $0x1, s4  }
0x7a: {  	p0 =	sne.s32 s4, $0x7F;
	[tilespmem:s0+$0x0] =	vst v4;
	s0 =	smov.u32 s30  }
0x7b: {  	v4 =	vld [tilespmem:s31+$0x0]  }
0x7c: {  	v2 =	vld.idx.msk [tilespmem:v2+s22+$0x0], $0xffff  }
0x7d: {  	v3 =	vld.idx.msk [tilespmem:v3+s22+$0x0], $0xffff  }
0x7e: {  	v5 =	vld [tilespmem:s31+$0xFFFFFFE0];
	_ =	sdelay $0x4  }
0x7f: {  	v4 =	vmul.f32 v4, v3;
	v5 =	vmul.f32 v5, v2;
	_ =	sdelay $0x1  }
0x80: {  	v4 =	vadd.f32 v4, v5;
	_ =	sdelay $0x1  }
0x81: {  	[tilespmem:s30+$0xFFFFFFF0] =	vst v4  }
0x82: {  	v4 =	vld [tilespmem:s31+$0xFFFFFFF0]  }
0x83: {  	v5 =	vld [tilespmem:s31+$0x10];
	_ =	sdelay $0x2  }
.Ltmp3:
0x84: {  	(pc) =	sbr.rel @p0 .LBB2_10-.Ltmp3, $4  }
0x85: {  	v4 =	vmul.f32 v4, v2  }
0x86: {  	s4 =	sshll.u32 s12, $0x3;
	v5 =	vmul.f32 v5, v3  }
0x87: {  	v2 =	vmov s4  }
0x88: {  	s4 =	smov.u32 s13;
	v3 =	vor.u32 $0x1, v2;
	v4 =	vadd.f32 v5, v4  }
0x89: {  	_ =	sdelay $0x1  }
0x8a: {  	s4 =	sadd.s32 $0x40, s31;
	[tilespmem:s0+$0x0] =	vst v4  }
0x8b: {  	v4 =	vld [tilespmem:s4+$0x0]  }
0x8c: {  	v2 =	vld.idx.msk [tilespmem:v2+s22+$0x0], $0xffff  }
0x8d: {  	v3 =	vld.idx.msk [tilespmem:v3+s22+$0x0], $0xffff  }
0x8e: {  	v5 =	vld [tilespmem:s4+$0xFFFFFFE0];
	_ =	sdelay $0x4  }
0x8f: {  	v5 =	vmul.f32 v5, v2;
	v4 =	vmul.f32 v4, v3;
	_ =	sdelay $0x1  }
0x90: {  	v4 =	vadd.f32 v4, v5  }
0x91: {  	s31 =	sadd.s32 $0x20, s30  }
0x92: {  	[tilespmem:s31+$0xFFFFFFF0] =	vst v4  }
0x93: {  	v4 =	vld [tilespmem:s4+$0xFFFFFFF0]  }
0x94: {  	v63 =	vld [tilespmem:s4+$0x10];
	_ =	sdelay $0x4  }
0x95: {  	v2 =	vmul.f32 v4, v2;
	v3 =	vmul.f32 v63, v3;
	_ =	sdelay $0x1  }
0x96: {  	s28 =	sadd.s32 $0x1, s28;
	v2 =	vadd.f32 v3, v2  }
0x97: {  	p0 =	sne.s32 s28, $0x8  }
.Ltmp4:
0x98: {  	[tilespmem:s31+$0x0] =	vst v2;
	(pc) =	sbr.rel @p0 .LBB2_7-.Ltmp4, $4  }
0x99: {  	[spmem:s2] =	stream.indirect.scatter.add.f32 [tilespmem:s23], [sflag:$0x2], $0x20, s29, s17, $0xb8;
	[tilespmem:$0x1E800] =	vst v63  }
0x9a: {  	_ =	swait.ge [sflag:s15], $0x1000  }
0x9b: {  	[sflag:s15] =	ssyncset.done $0x0  }
0x9c: {  	[sflag:s15] =	ssyncadd.s32 $0xFFFFF000  }
0x9d: {  	s25 =	sadd.s32 $0x1, s25  }
0x9e: {  	p0 =	sne.s32 s25, $0x19  }
.Ltmp5:
0x9f: {  	_ = 	snop;
	(pc) =	sbr.rel @p0 .LBB2_6-.Ltmp5, $1  }
0xa0: {  	_ =	sdelay $0x3  }
0xa1: {  	s0 =	stileid.u32  }
0xa2: {  	[bflag:$0x0] =	sbarrier.arrive $0xFFFF;
	s0 =	sshll.u32 s0, $0x6  }
0xa3: {  	s4 =	sshrl.u32 s10, $0x3;
	s12 =	rddreg [dreg:$0x4];
	s0 =	sor.u32 $0x1C02, s0  }
0xa4: {  	[hbm:s12], [sflag:s0] =	dma.local [spmem:s4], $0x3200  }
0xa5: {  	_ =	swait.ge [sflag:s15], $0x3200  }
0xa6: {  	s3 =	sadd.s32 $0x1, s3;
	s31 =	rddreg [dreg:$0x5]  }
0xa7: {  	p0 =	sne.s32 s3, s31  }
.Ltmp6:
0xa8: {  	_ = 	snop;
	(pc) =	sbr.rel @p0 .LBB2_1-.Ltmp6, $3  }
0xa9: {  	_ =	sdelay $0x1  }
0xaa: {  	[sflag:s15] =	ssyncset.done $0x0  }
0xab: {  	[sflag:s15] =	ssyncadd.s32 $0xFFFFCE00  }
0xac: {  	_ =	sfence.sel $0x180000  }
0xad: {  	[bflag:$0x0] =	sbarrier.arrive $0xFFFF  }
0xae: {  	_ =	strace $0x9000004D  }
0xaf: {  	s0 =	stileid.u32;
	[bflag:$0x2] =	sbarrier.arrive $0xFFFF  }
0xb0: {  	p0 =	sne.s32 s0, $0x0;
	s0 =	rddreg [dreg:$0x3]  }
0xb1: {  	s0 =	sadd.s32 @!p0 $0x100000, s0  }
0xb2: {  	[sflag:s0] =	ssyncadd.tile.s32 @!p0 $0x1;
	_ =	shalt  }
.Lfunc_end2:
_tile_overlayer_lowered:
.L_overlay_start_2:
0xb3: {  	(tag) =	ssettag $0x2  }
0xb4: {  	s0 =	rddreg [dreg:$0x0];
	s2 =	stileid.u32  }
0xb5: {  	s1 =	rddreg [dreg:$0x1];
	p0 =	sne.s32 s2, $0x0  }
0xb6: {  	s3 =	rddreg [dreg:$0x2];
	[bflag:$0x3] =	sbarrier.arrive $0xFFFF;
	s2 =	simm.s32 @!p0 $0x1C02  }
0xb7: {  	[timem:s3], [sflag:s2] =	dma.local @!p0 [hbm:s0], s1  }
0xb8: {  	s0 =	simm.s32 @!p0 $0x2  }
0xb9: {  	_ =	swait.ge @!p0 [sflag:s0], s1  }
0xba: {  	s1 =	ssub.s32 @!p0 $0x0, s1;
	[sflag:s0] =	ssyncset.done @!p0 $0x0  }
0xbb: {  	[sflag:s0] =	ssyncadd.s32 @!p0 s1  }
0xbc: {  	[bflag:$0x3] =	sbarrier.arrive $0xFFFF  }
0xbd: {  	_ =	shalt  }

// kernel: kernel.8.cloned.1.call-start
scs
__scs_entry_jumppad:
0x0: {  	(pc) =	sbr.rel $0x88, $3  }
0x1: {  	(tag) =	ssettag $0x0;
	lr =	simm.s32 $0x1  }
0x2: {  	[smem:$0x3F95] =	sst lr;
	_ =	strace $0xD0000000  }
0x3: {  	_ = 	snop  }
0x4: {  	_ = 	snop  }
0x5: {  	_ = 	snop  }
0x6: {  	_ = 	snop  }
0x7: {  	_ = 	snop  }
__scs_overlays_trampoline_lowered:
0x8: {  	[smem:$0x3FA4] =	sst s0  }
0x9: {  	[smem:$0x3FA5] =	sst s1  }
0xa: {  	[smem:$0x3FA6] =	sst s2  }
0xb: {  	[smem:$0x3FA7] =	sst s3  }
0xc: {  	[smem:$0x3FA8] =	sst s4  }
0xd: {  	[smem:$0x3FA9] =	sst s5  }
0xe: {  	[smem:$0x3FAA] =	sst s6  }
0xf: {  	[smem:$0x3FAB] =	sst s7  }
0x10: {  	[smem:$0x3FAC] =	sst s8  }
0x11: {  	[smem:$0x3FAD] =	sst s9;
	s0 =	simm.s32 @!p0 $0x0  }
0x12: {  	s1 =	sld [smem:$0x3F93];
	s0 =	simm.s32 @p0 $0x1  }
0x13: {  	[smem:$0x3FAE] =	sst s0;
	s0 =	simm.s32 @!p1 $0x0  }
0x14: {  	s2 =	sld [smem:$0x3F92];
	s0 =	simm.s32 @p1 $0x1  }
0x15: {  	[smem:$0x3FAF] =	sst s0;
	s0 =	simm.s32 @!p2 $0x0  }
0x16: {  	s3 =	sld [smem:$0x3FDB];
	s0 =	simm.s32 @p2 $0x1  }
0x17: {  	s4 =	simm.s32 $0x1BF5;
	[smem:$0x3FB1] =	sst s0  }
0x18: {  	s0 =	sld [smem:$0x3F94];
	_ =	swait.ge [sflag:s4], $0x0  }
0x19: {  	s7 =	sld [smem:$0x3F95]  }
0x1a: {  	s8 =	sadd.s32 $0xFFFFE003, lr  }
0x1b: {  	s9 =	sadd.s32 $0xFFFFFEF7, lr;
	s5 =	simm.s32 $0xFFFFFFFF;
	p2 =	slt.u32 s8, $0xFFFFF086  }
0x1c: {  	p1 =	slt.u32 s9, $0xF7A;
	s5 =	simm.s32 @!p2 $0x0  }
0x1d: {  	s5 =	simm.s32 @p1 $0x1;
	p0 =	seq.s32 s7, s2  }
0x1e: {  	s7 =	smul.u32 @!p0 $0xF7A, s2;
	p2 =	seq.s32 @!p0 s5, $0x0  }
0x1f: {  	s9 =	smul.u32 $0xF7A, s1;
	s8 =	simm.s32 @!p0 $0x1BF5;
	p2 =	por !p2, p0  }
0x20: {  	[sflag:s8] =	ssyncset.s32 @!p0 $0xFFFFF086;
	s6 =	sadd.s32 @!p0 s3, s7;
	s7 =	simm.s32 @!p0 $0x108  }
0x21: {  	s3 =	sadd.s32 s3, s9;
	s6 =	sadd.s32 @!p0 $0x88, s6;
	s7 =	simm.s32 @p2 $0x1082  }
0x22: {  	[simem:s7], [sflag:s8] =	dma.local @!p0 [hbm:s6], $0xF7A  }
0x23: {  	s9 =	sor.u32 $0xD0000000, s2;
	s6 =	simm.s32 $0x108;
	_ =	swait.ge @!p0 [sflag:s8], $0x0  }
0x24: {  	s3 =	sadd.s32 $0x88, s3;
	s6 =	simm.s32 @!p1 $0x1082;
	[sflag:s4] =	ssyncset.s32 $0xFFFFF086  }
0x25: {  	[simem:s6], [sflag:s4] =	dma.local [hbm:s3], $0xF7A  }
0x26: {  	[smem:$0x3F95] =	sst s1;
	(tag) =	ssettag s2;
	_ =	strace s9  }
0x27: {  	s1 =	sld [smem:$0x3FA5]  }
0x28: {  	s2 =	sld [smem:$0x3FA6]  }
0x29: {  	s4 =	sld [smem:$0x3FA8]  }
0x2a: {  	p0 =	seq.s32 s5, $0x0;
	s5 =	sld [smem:$0x3FA9]  }
0x2b: {  	s6 =	sld [smem:$0x3FAA]  }
0x2c: {  	s7 =	sld [smem:$0x3FAB]  }
0x2d: {  	s3 =	simm.s32 $0x108;
	s8 =	sld [smem:$0x3FAC]  }
0x2e: {  	s3 =	simm.s32 @!p0 $0x1082;
	s9 =	sld [smem:$0x3FAD]  }
0x2f: {  	lr =	sadd.s32 s0, s3;
	s0 =	sld [smem:$0x3FA4]  }
0x30: {  	s3 =	sld [smem:$0x3FA7]  }
0x31: {  	[smem:$0x3FB0] =	sst s10  }
0x32: {  	s10 =	sld [smem:$0x3FAE];
	_ =	sdelay $0x3  }
0x33: {  	p0 =	seq.s32 s10, $0x1;
	s10 =	sld [smem:$0x3FB0];
	_ =	sdelay $0x3  }
0x34: {  	[smem:$0x3FB0] =	sst s10  }
0x35: {  	s10 =	sld [smem:$0x3FAF];
	_ =	sdelay $0x3  }
0x36: {  	p1 =	seq.s32 s10, $0x1;
	s10 =	sld [smem:$0x3FB0];
	_ =	sdelay $0x3  }
0x37: {  	[smem:$0x3FB0] =	sst s10  }
0x38: {  	s10 =	sld [smem:$0x3FB1]  }
0x39: {  	_ = 	snop;
	(pc) =	sbr.ind lr, $3  }
0x3a: {  	_ = 	snop  }
0x3b: {  	_ = 	snop  }
0x3c: {  	p2 =	seq.s32 s10, $0x1;
	s10 =	sld [smem:$0x3FB0]  }
0x3d: {  	_ =	shalt  }
0x3e: {  	_ =	shalt  }
0x3f: {  	_ =	shalt  }
0x40: {  	_ =	shalt  }
0x41: {  	_ =	shalt  }
0x42: {  	_ =	shalt  }
0x43: {  	_ =	shalt  }
0x44: {  	_ =	shalt  }
0x45: {  	_ =	shalt  }
0x46: {  	_ =	shalt  }
0x47: {  	_ =	shalt  }
0x48: {  	_ =	shalt  }
0x49: {  	_ =	shalt  }
0x4a: {  	_ =	shalt  }
0x4b: {  	_ =	shalt  }
0x4c: {  	_ =	shalt  }
0x4d: {  	_ =	shalt  }
0x4e: {  	_ =	shalt  }
0x4f: {  	_ =	shalt  }
0x50: {  	_ =	shalt  }
0x51: {  	_ =	shalt  }
0x52: {  	_ =	shalt  }
0x53: {  	_ =	shalt  }
0x54: {  	_ =	shalt  }
0x55: {  	_ =	shalt  }
0x56: {  	_ =	shalt  }
0x57: {  	_ =	shalt  }
0x58: {  	_ =	shalt  }
0x59: {  	_ =	shalt  }
0x5a: {  	_ =	shalt  }
0x5b: {  	_ =	shalt  }
0x5c: {  	_ =	shalt  }
0x5d: {  	_ =	shalt  }
0x5e: {  	_ =	shalt  }
0x5f: {  	_ =	shalt  }
0x60: {  	_ =	shalt  }
0x61: {  	_ =	shalt  }
0x62: {  	_ =	shalt  }
0x63: {  	_ =	shalt  }
0x64: {  	_ =	shalt  }
0x65: {  	_ =	shalt  }
0x66: {  	_ =	shalt  }
0x67: {  	_ =	shalt  }
0x68: {  	_ =	shalt  }
0x69: {  	_ =	shalt  }
0x6a: {  	_ =	shalt  }
0x6b: {  	_ =	shalt  }
0x6c: {  	_ =	shalt  }
0x6d: {  	_ =	shalt  }
0x6e: {  	_ =	shalt  }
0x6f: {  	_ =	shalt  }
0x70: {  	_ =	shalt  }
0x71: {  	_ =	shalt  }
0x72: {  	_ =	shalt  }
0x73: {  	_ =	shalt  }
0x74: {  	_ =	shalt  }
0x75: {  	_ =	shalt  }
0x76: {  	_ =	shalt  }
0x77: {  	_ =	shalt  }
0x78: {  	_ =	shalt  }
0x79: {  	_ =	shalt  }
0x7a: {  	_ =	shalt  }
0x7b: {  	_ =	shalt  }
0x7c: {  	_ =	shalt  }
0x7d: {  	_ =	shalt  }
0x7e: {  	_ =	shalt  }
0x7f: {  	_ =	shalt  }
0x80: {  	_ =	shalt  }
0x81: {  	_ =	shalt  }
0x82: {  	_ =	shalt  }
0x83: {  	_ =	shalt  }
0x84: {  	_ =	shalt  }
0x85: {  	_ =	shalt  }
0x86: {  	_ =	shalt  }
0x87: {  	_ =	shalt  }
.Lfunc_end0:
.L_simem_size_0:
called_computation_lowered:
.L_overlay_start_0:
0x88: {  	s2 =	sld [smem:$0x3FD9]  }
0x89: {  	s3 =	sld [smem:$0x3FFE];
	_ =	sdelay $0x1  }
0x8a: {  	s1 =	srdreg.scid  }
0x8b: {  	s0 =	sand.u32 $0x1, s1  }
0x8c: {  	s17 =	sshll.u32 s0, $0xA;
	s2 =	sadd.s32 s3, s2  }
0x8d: {  	s2 =	sadd.s32 s2, s17  }
0x8e: {  	[smem:$0x3FBC] =	sst s2  }
0x8f: {  	_ = 	snop  }
0x90: {  	s2 =	sld [smem:$0x3FD0];
	(tm) =	ssettm $0x1  }
0x91: {  	s18 =	sld [smem:$0x3FFB];
	_ =	sdelay $0x3  }
0x92: {  	_ =	strace s18  }
0x93: {  	s3 =	sld [smem:$0x3FFC];
	_ =	sdelay $0x3  }
0x94: {  	_ =	strace s3  }
0x95: {  	s3 =	sld [smem:$0x3FFD];
	_ =	sdelay $0x3  }
0x96: {  	_ =	strace s3  }
0x97: {  	_ =	strace $0x8FFFFFFF  }
0x98: {  	s19 =	sld [smem:$0x3FDB];
	_ =	sdelay $0x1  }
0x99: {  	s4 =	simm.s32 $_scs_section_size  }
0x9a: {  	s5 =	simm.s32 $_size__tile_overlayer_lowered;
	s6 =	simm.s32 $_tile_overlayer_lowered  }
0x9b: {  	s22 =	simm.s32 $0x1BFF;
	s21 =	sshll.u32 s6, $0x1;
	s3 =	sadd.s32 s4, s19  }
0x9c: {  	s7 =	simm.s32 $0x0;
	s20 =	sshll.u32 s5, $0x1;
	s5 =	sadd.s32 s21, s3  }
0x9d: {  	[timem:s7], [sflag:s22] =	dma.local [hbm:s5], s20  }
0x9e: {  	_ =	swait.ge [sflag:s22], s20  }
0x9f: {  	s4 =	ssub.s32 $0x0, s20;
	[sflag:s22] =	ssyncset.done $0x0  }
0xa0: {  	[sflag:s22] =	ssyncadd.s32 s4;
	_ =	sdelay $0x1  }
0xa1: {  	s23 =	simm.s32 $0x1B8B  }
0xa2: {  	_ =	swait.ge [sflag:s23], $0x1  }
0xa3: {  	[sflag:s23] =	ssyncset.done $0x0  }
0xa4: {  	s25 =	simm.s32 $0x1B8E;
	s24 =	sld [smem:$0x3FFE];
	[sflag:s23] =	ssyncadd.s32 $0xFFFFFFFF  }
0xa5: {  	s26 =	simm.s32 $execute0_lowered;
	[smem:$0x3FD2] =	sst s25  }
0xa6: {  	s5 =	sshll.u32 s26, $0x1;
	_ =	strace $0x80000046;
	[dreg:$0x1] =	wrdreg $0xFFFFFFFF  }
0xa7: {  	s28 =	simm.s32 $_size_execute0_lowered;
	s3 =	sadd.s32 s3, s5;
	[dreg:$0x0] =	wrdreg $0x0  }
0xa8: {  	s5 =	sshll.u32 s28, $0x1;
	[dreg:$0x2] =	wrdreg s3  }
0xa9: {  	[dreg:$0x3] =	wrdreg s5  }
0xaa: {  	[dreg:$0x4] =	wrdreg $0xC0  }
0xab: {  	_ =	task [dreg:s7], $0x5FFFF  }
0xac: {  	[dreg:$0x1] =	wrdreg $0xFFFFFFFF  }
0xad: {  	[dreg:$0x0] =	wrdreg $0x60  }
0xae: {  	[dreg:$0x2] =	wrdreg s24  }
0xaf: {  	[dreg:$0x3] =	wrdreg s2  }
0xb0: {  	[dreg:$0x4] =	wrdreg $0x9  }
0xb1: {  	_ =	task.clear_ibuf [dreg:s7], $0x5FFFF;
	_ =	strace $0x90000046  }
0xb2: {  	s29 =	simm.s32 $0x9;
	_ =	strace $0x80000048  }
0xb3: {  	_ =	swait.ge [sflag:s29], $0x1  }
0xb4: {  	[sflag:s29] =	ssyncadd.s32 $0xFFFFFFFF  }
0xb5: {  	_ =	strace $0x90000048  }
0xb6: {  	_ =	sfence  }
0xb7: {  	s30 =	sld [smem:$0x0];
	_ =	sdelay $0x2  }
0xb8: {  	s31 =	sshll.u32 s1, $0xD;
	s1 =	sshrl.u32 s1, $0x2  }
0xb9: {  	s3 =	sand.u32 $0x4000, s31;
	s1 =	sadd.s32 s1, s30  }
0xba: {  	s0 =	sor.u32 s3, s0;
	s1 =	sshll.u32 s1, $0x11  }
0xbb: {  	s0 =	sor.u32 s1, s0  }
0xbc: {  	s0 =	sadd.s32 $0x8F2B, s0  }
0xbd: {  	[sflag:s0] =	ssyncadd.remote.s32 $0x1  }
0xbe: {  	_ =	sfence.sel $0xFFFF  }
0xbf: {  	[dreg:$0x0] =	wrdreg $0xFFFFFFFF;
	(pc) =	sbr.abs _section_cstart, $3  }
0xc0: {  	[dreg:$0x1] =	wrdreg $0xFFFFFFFF  }
0xc1: {  	_ =	task.clear_ibuf [dreg:s7], $0x2FFFF;
	_ =	strace $0x9FFFFFFF  }
0xc2: {  	(tm) =	ssettm $0x7FFFFFFF  }
0xc3: {  	_ =	shalt  }
tec
execute0_lowered:
.L_overlay_start_1:
0x0: {  	(tag) =	ssettag $0x1  }
0x1: {  	s0 =	rddreg [dreg:$0x0];
	s1 =	srdreg.scid  }
0x2: {  	s2 =	stileid.u32;
	s6 =	rddreg [dreg:$0x1]  }
0x3: {  	s18 =	simm.s32 $0x1000;
	s3 =	sshll.u32 s2, $0x1;
	s2 =	simm.s32 $0x0  }
0x4: {  	s19 =	simm.s32 $0x9800;
	s20 =	simm.s32 $0x1800;
	[smem:$0x7FF] =	sst s2  }
0x5: {  	s21 =	simm.s32 $0xA800;
	_ =	strace $0x80000047;
	[dreg:$0x6] =	wrdreg s18  }
0x6: {  	s22 =	simm.s32 $0x2000;
	s23 =	simm.s32 $0xB800;
	[dreg:$0x7] =	wrdreg s19  }
0x7: {  	s24 =	simm.s32 $0x2800;
	s26 =	simm.s32 $0xC800;
	[dreg:$0x8] =	wrdreg s20  }
0x8: {  	s7 =	simm.s32 $0x3800;
	s9 =	simm.s32 $0x80;
	[dreg:$0x9] =	wrdreg s21  }
0x9: {  	s10 =	simm.s32 $0xE800;
	s11 =	simm.s32 $0x4000;
	[dreg:$0xa] =	wrdreg s22  }
0xa: {  	s12 =	simm.s32 $0xF800;
	s31 =	simm.s32 $0x100;
	[dreg:$0xb] =	wrdreg s23  }
0xb: {  	s13 =	simm.s32 $0x4800;
	s30 =	simm.s32 $0x180;
	[dreg:$0xc] =	wrdreg s24  }
0xc: {  	s14 =	simm.s32 $0x10800;
	s15 =	simm.s32 $0x5000;
	[dreg:$0xd] =	wrdreg s26  }
0xd: {  	s16 =	simm.s32 $0x11800;
	p0 =	por $0x0, $0x0;
	[dreg:$0x10] =	wrdreg s7  }
0xe: {  	s28 =	simm.s32 $0x16800;
	s29 =	simm.s32 $0x8000;
	[dreg:$0x11] =	wrdreg s10  }
0xf: {  	s1 =	sand.u32 $0x1, s1;
	s8 =	sadd.s32 $0x4600, s0;
	[dreg:$0x12] =	wrdreg s11  }
0x10: {  	s3 =	sor.u32 s1, s3;
	s1 =	ssub.s32 $0x2, s1;
	[dreg:$0x13] =	wrdreg s12  }
0x11: {  	s4 =	sshll.u32 s3, $0x8;
	s5 =	sshll.u32 s3, $0xC;
	[dreg:$0x14] =	wrdreg s13  }
0x12: {  	s3 =	sshll.u32 s3, $0xD;
	s25 =	sshrl.u32 s1, $0x1;
	[dreg:$0x15] =	wrdreg s14  }
0x13: {  	s26 =	simm.s32 $0x200;
	s23 =	simm.s32 $0x280;
	[dreg:$0x16] =	wrdreg s15  }
0x14: {  	s21 =	simm.s32 $0x300;
	[dreg:$0x17] =	wrdreg s16;
	s20 =	simm.s32 $0x380  }
0x15: {  	s18 =	simm.s32 $0x12800;
	s19 =	simm.s32 $0x400;
	s22 =	simm.s32 $0x6000  }
0x16: {  	s16 =	simm.s32 $0x480;
	s24 =	simm.s32 $0x13800;
	s13 =	simm.s32 $0x500  }
0x17: {  	s11 =	simm.s32 $0x580;
	s10 =	simm.s32 $0x600;
	s12 =	simm.s32 $0x680  }
0x18: {  	s15 =	simm.s32 $0x700;
	s7 =	simm.s32 $0x1;
	[dreg:$0x19] =	wrdreg s18  }
0x19: {  	s4 =	sadd.s32 s4, s0;
	s5 =	sadd.s32 s5, s0;
	[dreg:$0x1a] =	wrdreg s22  }
0x1a: {  	s3 =	sadd.s32 s3, s0;
	s1 =	ssub.s32 s1, s25;
	[dreg:$0x1b] =	wrdreg s24  }
0x1b: {  	s25 =	simm.s32 $0x6800;
	s18 =	simm.s32 $0x7000;
	s24 =	simm.s32 $0x15800  }
0x1c: {  	s22 =	simm.s32 $0x780;
	s4 =	sadd.s32 $0x1CE00, s4;
	[dreg:$0x1c] =	wrdreg s25  }
0x1d: {  	s17 =	sadd.s32 $0x5EE00, s5;
	s1 =	smax.u32 s1, $0x1;
	[dreg:$0x3] =	wrdreg s4  }
0x1e: {  	s3 =	sadd.s32 $0x1EE00, s3;
	[dreg:$0x4] =	wrdreg s17;
	p1 =	sne.s32 s1, $0x1  }
.Ltmp0:
0x1f: {  	s5 =	simm.s32 $0xD800;
	[dreg:$0x5] =	wrdreg s3;
	(pc) =	sbr.rel @!p1 .LBB2_1-.Ltmp0, $4  }
0x20: {  	s25 =	simm.s32 $0x7800;
	s4 =	simm.s32 $0x3000;
	[dreg:$0xf] =	wrdreg s5  }
0x21: {  	s3 =	simm.s32 $0x2;
	s17 =	simm.s32 $0x5800;
	[dreg:$0xe] =	wrdreg s4  }
0x22: {  	s5 =	simm.s32 $0x800;
	s14 =	sadd.s32 $0xFFFFFFFF, s1;
	[dreg:$0x18] =	wrdreg s17  }
0x23: {  	s4 =	simm.s32 $0x8800;
	s17 =	simm.s32 $0x17800;
	s0 =	rddreg [dreg:$0x3]  }
0x24: {  	[tilespmem:s2], [sflag:$0x2] =	stream.linear.gather [hbm4b:s0+s2], $0x800, $0x38;
	[tilespmem:$0x18800] =	vst v63  }
0x25: {  	_ =	swait.ge [sflag:s3], $0x800  }
0x26: {  	[sflag:s3] =	ssyncset.done $0x0  }
0x27: {  	[sflag:s3] =	ssyncadd.s32 $0xFFFFF800  }
0x28: {  	[tilespmem:s5], [sflag:$0x1] =	stream.indirect.gather [hbm4b:s8+s9], $0x10, s2, s9, $0xb8;
	[tilespmem:$0x18800] =	vst v63  }
0x29: {  	_ = 	snop  }
0x2a: {  	[tilespmem:s4], [sflag:$0x1] =	stream.indirect.gather [hbm4b:s6+s9], $0x20, s2, s9, $0xb8;
	[tilespmem:$0x18800] =	vst v63  }
0x2b: {  	s0 =	rddreg [dreg:$0x6]  }
0x2c: {  	[tilespmem:s0], [sflag:$0x1] =	stream.indirect.gather [hbm4b:s8+s9], $0x10, s9, s9, $0xb8;
	[tilespmem:$0x18800] =	vst v63  }
0x2d: {  	s1 =	rddreg [dreg:$0x7]  }
0x2e: {  	[tilespmem:s1], [sflag:$0x1] =	stream.indirect.gather [hbm4b:s6+s9], $0x20, s9, s9, $0xb8;
	[tilespmem:$0x18800] =	vst v63  }
0x2f: {  	s0 =	rddreg [dreg:$0x8]  }
0x30: {  	[tilespmem:s0], [sflag:$0x1] =	stream.indirect.gather [hbm4b:s8+s9], $0x10, s31, s9, $0xb8;
	[tilespmem:$0x18800] =	vst v63  }
0x31: {  	s1 =	rddreg [dreg:$0x9]  }
0x32: {  	[tilespmem:s1], [sflag:$0x1] =	stream.indirect.gather [hbm4b:s6+s9], $0x20, s31, s9, $0xb8;
	[tilespmem:$0x18800] =	vst v63  }
0x33: {  	s0 =	rddreg [dreg:$0xa]  }
0x34: {  	[tilespmem:s0], [sflag:$0x1] =	stream.indirect.gather [hbm4b:s8+s9], $0x10, s30, s9, $0xb8;
	[tilespmem:$0x18800] =	vst v63  }
0x35: {  	s1 =	rddreg [dreg:$0xb]  }
0x36: {  	[tilespmem:s1], [sflag:$0x1] =	stream.indirect.gather [hbm4b:s6+s9], $0x20, s30, s9, $0xb8;
	[tilespmem:$0x18800] =	vst v63  }
0x37: {  	s0 =	rddreg [dreg:$0xc]  }
0x38: {  	[tilespmem:s0], [sflag:$0x1] =	stream.indirect.gather [hbm4b:s8+s9], $0x10, s26, s9, $0xb8;
	[tilespmem:$0x18800] =	vst v63  }
0x39: {  	s1 =	rddreg [dreg:$0xd]  }
0x3a: {  	[tilespmem:s1], [sflag:$0x1] =	stream.indirect.gather [hbm4b:s6+s9], $0x20, s26, s9, $0xb8;
	[tilespmem:$0x18800] =	vst v63  }
0x3b: {  	s0 =	rddreg [dreg:$0xe]  }
0x3c: {  	[tilespmem:s0], [sflag:$0x1] =	stream.indirect.gather [hbm4b:s8+s9], $0x10, s23, s9, $0xb8;
	[tilespmem:$0x18800] =	vst v63  }
0x3d: {  	s1 =	rddreg [dreg:$0xf]  }
0x3e: {  	[tilespmem:s1], [sflag:$0x1] =	stream.indirect.gather [hbm4b:s6+s9], $0x20, s23, s9, $0xb8;
	[tilespmem:$0x18800] =	vst v63  }
0x3f: {  	s0 =	rddreg [dreg:$0x10]  }
0x40: {  	[tilespmem:s0], [sflag:$0x1] =	stream.indirect.gather [hbm4b:s8+s9], $0x10, s21, s9, $0xb8;
	[tilespmem:$0x18800] =	vst v63  }
0x41: {  	s1 =	rddreg [dreg:$0x11]  }
0x42: {  	[tilespmem:s1], [sflag:$0x1] =	stream.indirect.gather [hbm4b:s6+s9], $0x20, s21, s9, $0xb8;
	[tilespmem:$0x18800] =	vst v63  }
0x43: {  	s0 =	rddreg [dreg:$0x12]  }
0x44: {  	[tilespmem:s0], [sflag:$0x1] =	stream.indirect.gather [hbm4b:s8+s9], $0x10, s20, s9, $0xb8;
	[tilespmem:$0x18800] =	vst v63  }
0x45: {  	s1 =	rddreg [dreg:$0x13]  }
0x46: {  	[tilespmem:s1], [sflag:$0x1] =	stream.indirect.gather [hbm4b:s6+s9], $0x20, s20, s9, $0xb8;
	[tilespmem:$0x18800] =	vst v63  }
0x47: {  	s0 =	rddreg [dreg:$0x14]  }
0x48: {  	[tilespmem:s0], [sflag:$0x1] =	stream.indirect.gather [hbm4b:s8+s9], $0x10, s19, s9, $0xb8;
	[tilespmem:$0x18800] =	vst v63  }
0x49: {  	s1 =	rddreg [dreg:$0x15]  }
0x4a: {  	[tilespmem:s1], [sflag:$0x1] =	stream.indirect.gather [hbm4b:s6+s9], $0x20, s19, s9, $0xb8;
	[tilespmem:$0x18800] =	vst v63  }
0x4b: {  	s0 =	rddreg [dreg:$0x16]  }
0x4c: {  	[tilespmem:s0], [sflag:$0x1] =	stream.indirect.gather [hbm4b:s8+s9], $0x10, s16, s9, $0xb8;
	[tilespmem:$0x18800] =	vst v63  }
0x4d: {  	s1 =	rddreg [dreg:$0x17]  }
0x4e: {  	[tilespmem:s1], [sflag:$0x1] =	stream.indirect.gather [hbm4b:s6+s9], $0x20, s16, s9, $0xb8;
	[tilespmem:$0x18800] =	vst v63  }
0x4f: {  	s0 =	rddreg [dreg:$0x18]  }
0x50: {  	[tilespmem:s0], [sflag:$0x1] =	stream.indirect.gather [hbm4b:s8+s9], $0x10, s13, s9, $0xb8;
	[tilespmem:$0x18800] =	vst v63  }
0x51: {  	s1 =	rddreg [dreg:$0x19]  }
0x52: {  	[tilespmem:s1], [sflag:$0x1] =	stream.indirect.gather [hbm4b:s6+s9], $0x20, s13, s9, $0xb8;
	[tilespmem:$0x18800] =	vst v63  }
0x53: {  	s0 =	rddreg [dreg:$0x1a]  }
0x54: {  	[tilespmem:s0], [sflag:$0x1] =	stream.indirect.gather [hbm4b:s8+s9], $0x10, s11, s9, $0xb8;
	[tilespmem:$0x18800] =	vst v63  }
0x55: {  	s1 =	rddreg [dreg:$0x1b]  }
0x56: {  	[tilespmem:s1], [sflag:$0x1] =	stream.indirect.gather [hbm4b:s6+s9], $0x20, s11, s9, $0xb8;
	[tilespmem:$0x18800] =	vst v63  }
0x57: {  	s0 =	rddreg [dreg:$0x1c]  }
0x58: {  	[tilespmem:s0], [sflag:$0x1] =	stream.indirect.gather [hbm4b:s8+s9], $0x10, s10, s9, $0xb8;
	[tilespmem:$0x18800] =	vst v63  }
0x59: {  	s1 =	simm.s32 $0x14800  }
0x5a: {  	[tilespmem:s1], [sflag:$0x1] =	stream.indirect.gather [hbm4b:s6+s9], $0x20, s10, s9, $0xb8;
	[tilespmem:$0x18800] =	vst v63  }
0x5b: {  	_ = 	snop  }
0x5c: {  	[tilespmem:s18], [sflag:$0x1] =	stream.indirect.gather [hbm4b:s8+s9], $0x10, s12, s9, $0xb8;
	[tilespmem:$0x18800] =	vst v63  }
0x5d: {  	_ = 	snop  }
0x5e: {  	[tilespmem:s24], [sflag:$0x1] =	stream.indirect.gather [hbm4b:s6+s9], $0x20, s12, s9, $0xb8;
	[tilespmem:$0x18800] =	vst v63  }
0x5f: {  	_ = 	snop  }
0x60: {  	[tilespmem:s25], [sflag:$0x1] =	stream.indirect.gather [hbm4b:s8+s9], $0x10, s15, s9, $0xb8;
	[tilespmem:$0x18800] =	vst v63  }
0x61: {  	_ = 	snop  }
0x62: {  	[tilespmem:s28], [sflag:$0x1] =	stream.indirect.gather [hbm4b:s6+s9], $0x20, s15, s9, $0xb8;
	[tilespmem:$0x18800] =	vst v63  }
0x63: {  	_ = 	snop  }
0x64: {  	[tilespmem:s29], [sflag:$0x1] =	stream.indirect.gather [hbm4b:s8+s9], $0x10, s22, s9, $0xb8;
	[tilespmem:$0x18800] =	vst v63  }
0x65: {  	_ = 	snop  }
0x66: {  	[tilespmem:s17], [sflag:$0x1] =	stream.indirect.gather [hbm4b:s6+s9], $0x20, s22, s9, $0xb8;
	[tilespmem:$0x18800] =	vst v63  }
0x67: {  	_ =	swait.ge [sflag:s7], $0x800  }
0x68: {  	[sflag:s7] =	ssyncset.done $0x0  }
0x69: {  	[sflag:s7] =	ssyncadd.s32 $0xFFFFF800  }
0x6a: {  	_ =	swait.ge [sflag:s7], $0x1000  }
0x6b: {  	[sflag:s7] =	ssyncset.done $0x0  }
0x6c: {  	[sflag:s7] =	ssyncadd.s32 $0xFFFFF000  }
0x6d: {  	_ =	swait.ge [sflag:s7], $0x800  }
0x6e: {  	[sflag:s7] =	ssyncset.done $0x0  }
0x6f: {  	[sflag:s7] =	ssyncadd.s32 $0xFFFFF800  }
0x70: {  	_ =	swait.ge [sflag:s7], $0x1000  }
0x71: {  	[sflag:s7] =	ssyncset.done $0x0  }
0x72: {  	[sflag:s7] =	ssyncadd.s32 $0xFFFFF000  }
0x73: {  	_ =	swait.ge [sflag:s7], $0x800  }
0x74: {  	[sflag:s7] =	ssyncset.done $0x0  }
0x75: {  	[sflag:s7] =	ssyncadd.s32 $0xFFFFF800  }
0x76: {  	_ =	swait.ge [sflag:s7], $0x1000  }
0x77: {  	[sflag:s7] =	ssyncset.done $0x0  }
0x78: {  	[sflag:s7] =	ssyncadd.s32 $0xFFFFF000  }
0x79: {  	_ =	swait.ge [sflag:s7], $0x800  }
0x7a: {  	[sflag:s7] =	ssyncset.done $0x0  }
0x7b: {  	[sflag:s7] =	ssyncadd.s32 $0xFFFFF800  }
0x7c: {  	_ =	swait.ge [sflag:s7], $0x1000  }
0x7d: {  	[sflag:s7] =	ssyncset.done $0x0  }
0x7e: {  	[sflag:s7] =	ssyncadd.s32 $0xFFFFF000  }
0x7f: {  	_ =	swait.ge [sflag:s7], $0x800  }
0x80: {  	[sflag:s7] =	ssyncset.done $0x0  }
0x81: {  	[sflag:s7] =	ssyncadd.s32 $0xFFFFF800  }
0x82: {  	_ =	swait.ge [sflag:s7], $0x1000  }
0x83: {  	[sflag:s7] =	ssyncset.done $0x0  }
0x84: {  	[sflag:s7] =	ssyncadd.s32 $0xFFFFF000  }
0x85: {  	_ =	swait.ge [sflag:s7], $0x800  }
0x86: {  	[sflag:s7] =	ssyncset.done $0x0  }
0x87: {  	[sflag:s7] =	ssyncadd.s32 $0xFFFFF800  }
0x88: {  	_ =	swait.ge [sflag:s7], $0x1000  }
0x89: {  	[sflag:s7] =	ssyncset.done $0x0  }
0x8a: {  	[sflag:s7] =	ssyncadd.s32 $0xFFFFF000  }
0x8b: {  	_ =	swait.ge [sflag:s7], $0x800  }
0x8c: {  	[sflag:s7] =	ssyncset.done $0x0  }
0x8d: {  	[sflag:s7] =	ssyncadd.s32 $0xFFFFF800  }
0x8e: {  	_ =	swait.ge [sflag:s7], $0x1000  }
0x8f: {  	[sflag:s7] =	ssyncset.done $0x0  }
0x90: {  	[sflag:s7] =	ssyncadd.s32 $0xFFFFF000  }
0x91: {  	_ =	swait.ge [sflag:s7], $0x800  }
0x92: {  	[sflag:s7] =	ssyncset.done $0x0  }
0x93: {  	[sflag:s7] =	ssyncadd.s32 $0xFFFFF800  }
0x94: {  	_ =	swait.ge [sflag:s7], $0x1000  }
0x95: {  	[sflag:s7] =	ssyncset.done $0x0  }
0x96: {  	[sflag:s7] =	ssyncadd.s32 $0xFFFFF000  }
0x97: {  	_ =	swait.ge [sflag:s7], $0x800  }
0x98: {  	[sflag:s7] =	ssyncset.done $0x0  }
0x99: {  	[sflag:s7] =	ssyncadd.s32 $0xFFFFF800  }
0x9a: {  	_ =	swait.ge [sflag:s7], $0x1000  }
0x9b: {  	[sflag:s7] =	ssyncset.done $0x0  }
0x9c: {  	[sflag:s7] =	ssyncadd.s32 $0xFFFFF000  }
0x9d: {  	_ =	swait.ge [sflag:s7], $0x800  }
0x9e: {  	[sflag:s7] =	ssyncset.done $0x0  }
0x9f: {  	[sflag:s7] =	ssyncadd.s32 $0xFFFFF800  }
0xa0: {  	_ =	swait.ge [sflag:s7], $0x1000  }
0xa1: {  	[sflag:s7] =	ssyncset.done $0x0  }
0xa2: {  	[sflag:s7] =	ssyncadd.s32 $0xFFFFF000  }
0xa3: {  	_ =	swait.ge [sflag:s7], $0x800  }
0xa4: {  	[sflag:s7] =	ssyncset.done $0x0  }
0xa5: {  	[sflag:s7] =	ssyncadd.s32 $0xFFFFF800  }
0xa6: {  	_ =	swait.ge [sflag:s7], $0x1000  }
0xa7: {  	[sflag:s7] =	ssyncset.done $0x0  }
0xa8: {  	[sflag:s7] =	ssyncadd.s32 $0xFFFFF000  }
0xa9: {  	_ =	swait.ge [sflag:s7], $0x800  }
0xaa: {  	[sflag:s7] =	ssyncset.done $0x0  }
0xab: {  	[sflag:s7] =	ssyncadd.s32 $0xFFFFF800  }
0xac: {  	_ =	swait.ge [sflag:s7], $0x1000  }
0xad: {  	[sflag:s7] =	ssyncset.done $0x0  }
0xae: {  	[sflag:s7] =	ssyncadd.s32 $0xFFFFF000  }
0xaf: {  	_ =	swait.ge [sflag:s7], $0x800  }
0xb0: {  	[sflag:s7] =	ssyncset.done $0x0  }
0xb1: {  	[sflag:s7] =	ssyncadd.s32 $0xFFFFF800  }
0xb2: {  	_ =	swait.ge [sflag:s7], $0x1000  }
0xb3: {  	[sflag:s7] =	ssyncset.done $0x0  }
0xb4: {  	[sflag:s7] =	ssyncadd.s32 $0xFFFFF000  }
0xb5: {  	_ =	swait.ge [sflag:s7], $0x800  }
0xb6: {  	[sflag:s7] =	ssyncset.done $0x0  }
0xb7: {  	[sflag:s7] =	ssyncadd.s32 $0xFFFFF800  }
0xb8: {  	_ =	swait.ge [sflag:s7], $0x1000  }
0xb9: {  	[sflag:s7] =	ssyncset.done $0x0  }
0xba: {  	[sflag:s7] =	ssyncadd.s32 $0xFFFFF000  }
0xbb: {  	_ =	swait.ge [sflag:s7], $0x800  }
0xbc: {  	[sflag:s7] =	ssyncset.done $0x0  }
0xbd: {  	[sflag:s7] =	ssyncadd.s32 $0xFFFFF800  }
0xbe: {  	_ =	swait.ge [sflag:s7], $0x1000  }
0xbf: {  	[sflag:s7] =	ssyncset.done $0x0  }
0xc0: {  	[sflag:s7] =	ssyncadd.s32 $0xFFFFF000  }
0xc1: {  	_ =	swait.ge [sflag:s7], $0x800  }
0xc2: {  	[sflag:s7] =	ssyncset.done $0x0  }
0xc3: {  	[sflag:s7] =	ssyncadd.s32 $0xFFFFF800  }
0xc4: {  	_ =	swait.ge [sflag:s7], $0x1000  }
0xc5: {  	[sflag:s7] =	ssyncset.done $0x0  }
0xc6: {  	s1 =	rddreg [dreg:$0x4];
	[sflag:s7] =	ssyncadd.s32 $0xFFFFF000  }
0xc7: {  	[hbm4b:s1+s2] =	stream.linear.scatter [tilespmem:s5], [sflag:$0x2], $0x8000, $0x38;
	[tilespmem:$0x18800] =	vst v63  }
0xc8: {  	p1 =	sne.s32 s14, $0x1;
	_ =	swait.ge [sflag:s3], $0x8000  }
.Ltmp1:
0xc9: {  	[sflag:s3] =	ssyncset.done $0x0;
	(pc) =	sbr.rel @!p1 .LBB2_3-.Ltmp1, $4  }
0xca: {  	s1 =	rddreg [dreg:$0x5];
	[sflag:s3] =	ssyncadd.s32 $0xFFFF8000  }
0xcb: {  	[hbm4b:s1+s2] =	stream.linear.scatter [tilespmem:s4], [sflag:$0x2], $0x10000, $0x38;
	[tilespmem:$0x18800] =	vst v63  }
0xcc: {  	p0 =	por $0x1, $0x1;
	_ =	swait.ge [sflag:s3], $0x10000  }
0xcd: {  	s1 =	sadd.s32 $0xFFFFFFFF, s14;
	s0 =	rddreg [dreg:$0x3];
	[sflag:s3] =	ssyncset.done $0x0  }
.LBB2_4:
0xce: {  	[sflag:s3] =	ssyncadd.s32 $0xFFFF0000  }
0xcf: {  	[tilespmem:s2], [sflag:$0x2] =	stream.linear.gather [hbm4b:s0+s2], $0x800, $0x38;
	[tilespmem:$0x18800] =	vst v63  }
0xd0: {  	_ =	swait.ge [sflag:s3], $0x800  }
0xd1: {  	[sflag:s3] =	ssyncset.done $0x0  }
0xd2: {  	[sflag:s3] =	ssyncadd.s32 $0xFFFFF800  }
0xd3: {  	[tilespmem:s5], [sflag:$0x1] =	stream.indirect.gather [hbm4b:s8+s9], $0x10, s2, s9, $0xb8;
	[tilespmem:$0x18800] =	vst v63  }
0xd4: {  	_ = 	snop  }
0xd5: {  	[tilespmem:s4], [sflag:$0x1] =	stream.indirect.gather [hbm4b:s6+s9], $0x20, s2, s9, $0xb8;
	[tilespmem:$0x18800] =	vst v63  }
0xd6: {  	s0 =	rddreg [dreg:$0x6]  }
0xd7: {  	[tilespmem:s0], [sflag:$0x1] =	stream.indirect.gather [hbm4b:s8+s9], $0x10, s9, s9, $0xb8;
	[tilespmem:$0x18800] =	vst v63  }
0xd8: {  	s14 =	rddreg [dreg:$0x7]  }
0xd9: {  	[tilespmem:s14], [sflag:$0x1] =	stream.indirect.gather [hbm4b:s6+s9], $0x20, s9, s9, $0xb8;
	[tilespmem:$0x18800] =	vst v63  }
0xda: {  	s0 =	rddreg [dreg:$0x8]  }
0xdb: {  	[tilespmem:s0], [sflag:$0x1] =	stream.indirect.gather [hbm4b:s8+s9], $0x10, s31, s9, $0xb8;
	[tilespmem:$0x18800] =	vst v63  }
0xdc: {  	s14 =	rddreg [dreg:$0x9]  }
0xdd: {  	[tilespmem:s14], [sflag:$0x1] =	stream.indirect.gather [hbm4b:s6+s9], $0x20, s31, s9, $0xb8;
	[tilespmem:$0x18800] =	vst v63  }
0xde: {  	s0 =	rddreg [dreg:$0xa]  }
0xdf: {  	[tilespmem:s0], [sflag:$0x1] =	stream.indirect.gather [hbm4b:s8+s9], $0x10, s30, s9, $0xb8;
	[tilespmem:$0x18800] =	vst v63  }
0xe0: {  	s14 =	rddreg [dreg:$0xb]  }
0xe1: {  	[tilespmem:s14], [sflag:$0x1] =	stream.indirect.gather [hbm4b:s6+s9], $0x20, s30, s9, $0xb8;
	[tilespmem:$0x18800] =	vst v63  }
0xe2: {  	s0 =	rddreg [dreg:$0xc]  }
0xe3: {  	[tilespmem:s0], [sflag:$0x1] =	stream.indirect.gather [hbm4b:s8+s9], $0x10, s26, s9, $0xb8;
	[tilespmem:$0x18800] =	vst v63  }
0xe4: {  	s14 =	rddreg [dreg:$0xd]  }
0xe5: {  	[tilespmem:s14], [sflag:$0x1] =	stream.indirect.gather [hbm4b:s6+s9], $0x20, s26, s9, $0xb8;
	[tilespmem:$0x18800] =	vst v63  }
0xe6: {  	s0 =	rddreg [dreg:$0xe]  }
0xe7: {  	[tilespmem:s0], [sflag:$0x1] =	stream.indirect.gather [hbm4b:s8+s9], $0x10, s23, s9, $0xb8;
	[tilespmem:$0x18800] =	vst v63  }
0xe8: {  	s14 =	rddreg [dreg:$0xf]  }
0xe9: {  	[tilespmem:s14], [sflag:$0x1] =	stream.indirect.gather [hbm4b:s6+s9], $0x20, s23, s9, $0xb8;
	[tilespmem:$0x18800] =	vst v63  }
0xea: {  	s0 =	rddreg [dreg:$0x10]  }
0xeb: {  	[tilespmem:s0], [sflag:$0x1] =	stream.indirect.gather [hbm4b:s8+s9], $0x10, s21, s9, $0xb8;
	[tilespmem:$0x18800] =	vst v63  }
0xec: {  	s14 =	rddreg [dreg:$0x11]  }
0xed: {  	[tilespmem:s14], [sflag:$0x1] =	stream.indirect.gather [hbm4b:s6+s9], $0x20, s21, s9, $0xb8;
	[tilespmem:$0x18800] =	vst v63  }
0xee: {  	s0 =	rddreg [dreg:$0x12]  }
0xef: {  	[tilespmem:s0], [sflag:$0x1] =	stream.indirect.gather [hbm4b:s8+s9], $0x10, s20, s9, $0xb8;
	[tilespmem:$0x18800] =	vst v63  }
0xf0: {  	s14 =	rddreg [dreg:$0x13]  }
0xf1: {  	[tilespmem:s14], [sflag:$0x1] =	stream.indirect.gather [hbm4b:s6+s9], $0x20, s20, s9, $0xb8;
	[tilespmem:$0x18800] =	vst v63  }
0xf2: {  	s0 =	rddreg [dreg:$0x14]  }
0xf3: {  	[tilespmem:s0], [sflag:$0x1] =	stream.indirect.gather [hbm4b:s8+s9], $0x10, s19, s9, $0xb8;
	[tilespmem:$0x18800] =	vst v63  }
0xf4: {  	s14 =	rddreg [dreg:$0x15]  }
0xf5: {  	[tilespmem:s14], [sflag:$0x1] =	stream.indirect.gather [hbm4b:s6+s9], $0x20, s19, s9, $0xb8;
	[tilespmem:$0x18800] =	vst v63  }
0xf6: {  	s0 =	rddreg [dreg:$0x16]  }
0xf7: {  	[tilespmem:s0], [sflag:$0x1] =	stream.indirect.gather [hbm4b:s8+s9], $0x10, s16, s9, $0xb8;
	[tilespmem:$0x18800] =	vst v63  }
0xf8: {  	s14 =	rddreg [dreg:$0x17]  }
0xf9: {  	[tilespmem:s14], [sflag:$0x1] =	stream.indirect.gather [hbm4b:s6+s9], $0x20, s16, s9, $0xb8;
	[tilespmem:$0x18800] =	vst v63  }
0xfa: {  	s0 =	rddreg [dreg:$0x18]  }
0xfb: {  	[tilespmem:s0], [sflag:$0x1] =	stream.indirect.gather [hbm4b:s8+s9], $0x10, s13, s9, $0xb8;
	[tilespmem:$0x18800] =	vst v63  }
0xfc: {  	s14 =	rddreg [dreg:$0x19]  }
0xfd: {  	[tilespmem:s14], [sflag:$0x1] =	stream.indirect.gather [hbm4b:s6+s9], $0x20, s13, s9, $0xb8;
	[tilespmem:$0x18800] =	vst v63  }
0xfe: {  	s0 =	rddreg [dreg:$0x1a]  }
0xff: {  	[tilespmem:s0], [sflag:$0x1] =	stream.indirect.gather [hbm4b:s8+s9], $0x10, s11, s9, $0xb8;
	[tilespmem:$0x18800] =	vst v63  }
0x100: {  	s14 =	rddreg [dreg:$0x1b]  }
0x101: {  	[tilespmem:s14], [sflag:$0x1] =	stream.indirect.gather [hbm4b:s6+s9], $0x20, s11, s9, $0xb8;
	[tilespmem:$0x18800] =	vst v63  }
0x102: {  	s0 =	rddreg [dreg:$0x1c]  }
0x103: {  	[tilespmem:s0], [sflag:$0x1] =	stream.indirect.gather [hbm4b:s8+s9], $0x10, s10, s9, $0xb8;
	[tilespmem:$0x18800] =	vst v63  }
0x104: {  	s14 =	simm.s32 $0x14800  }
0x105: {  	[tilespmem:s14], [sflag:$0x1] =	stream.indirect.gather [hbm4b:s6+s9], $0x20, s10, s9, $0xb8;
	[tilespmem:$0x18800] =	vst v63  }
0x106: {  	_ = 	snop  }
0x107: {  	[tilespmem:s18], [sflag:$0x1] =	stream.indirect.gather [hbm4b:s8+s9], $0x10, s12, s9, $0xb8;
	[tilespmem:$0x18800] =	vst v63  }
0x108: {  	_ = 	snop  }
0x109: {  	[tilespmem:s24], [sflag:$0x1] =	stream.indirect.gather [hbm4b:s6+s9], $0x20, s12, s9, $0xb8;
	[tilespmem:$0x18800] =	vst v63  }
0x10a: {  	_ = 	snop  }
0x10b: {  	[tilespmem:s25], [sflag:$0x1] =	stream.indirect.gather [hbm4b:s8+s9], $0x10, s15, s9, $0xb8;
	[tilespmem:$0x18800] =	vst v63  }
0x10c: {  	_ = 	snop  }
0x10d: {  	[tilespmem:s28], [sflag:$0x1] =	stream.indirect.gather [hbm4b:s6+s9], $0x20, s15, s9, $0xb8;
	[tilespmem:$0x18800] =	vst v63  }
0x10e: {  	_ = 	snop  }
0x10f: {  	[tilespmem:s29], [sflag:$0x1] =	stream.indirect.gather [hbm4b:s8+s9], $0x10, s22, s9, $0xb8;
	[tilespmem:$0x18800] =	vst v63  }
0x110: {  	_ = 	snop  }
0x111: {  	[tilespmem:s17], [sflag:$0x1] =	stream.indirect.gather [hbm4b:s6+s9], $0x20, s22, s9, $0xb8;
	[tilespmem:$0x18800] =	vst v63  }
0x112: {  	_ =	swait.ge [sflag:s7], $0x800  }
0x113: {  	[sflag:s7] =	ssyncset.done $0x0  }
0x114: {  	[sflag:s7] =	ssyncadd.s32 $0xFFFFF800  }
0x115: {  	_ =	swait.ge [sflag:s7], $0x1000  }
0x116: {  	[sflag:s7] =	ssyncset.done $0x0  }
0x117: {  	[sflag:s7] =	ssyncadd.s32 $0xFFFFF000  }
0x118: {  	_ =	swait.ge [sflag:s7], $0x800  }
0x119: {  	[sflag:s7] =	ssyncset.done $0x0  }
0x11a: {  	[sflag:s7] =	ssyncadd.s32 $0xFFFFF800  }
0x11b: {  	_ =	swait.ge [sflag:s7], $0x1000  }
0x11c: {  	[sflag:s7] =	ssyncset.done $0x0  }
0x11d: {  	[sflag:s7] =	ssyncadd.s32 $0xFFFFF000  }
0x11e: {  	_ =	swait.ge [sflag:s7], $0x800  }
0x11f: {  	[sflag:s7] =	ssyncset.done $0x0  }
0x120: {  	[sflag:s7] =	ssyncadd.s32 $0xFFFFF800  }
0x121: {  	_ =	swait.ge [sflag:s7], $0x1000  }
0x122: {  	[sflag:s7] =	ssyncset.done $0x0  }
0x123: {  	[sflag:s7] =	ssyncadd.s32 $0xFFFFF000  }
0x124: {  	_ =	swait.ge [sflag:s7], $0x800  }
0x125: {  	[sflag:s7] =	ssyncset.done $0x0  }
0x126: {  	[sflag:s7] =	ssyncadd.s32 $0xFFFFF800  }
0x127: {  	_ =	swait.ge [sflag:s7], $0x1000  }
0x128: {  	[sflag:s7] =	ssyncset.done $0x0  }
0x129: {  	[sflag:s7] =	ssyncadd.s32 $0xFFFFF000  }
0x12a: {  	_ =	swait.ge [sflag:s7], $0x800  }
0x12b: {  	[sflag:s7] =	ssyncset.done $0x0  }
0x12c: {  	[sflag:s7] =	ssyncadd.s32 $0xFFFFF800  }
0x12d: {  	_ =	swait.ge [sflag:s7], $0x1000  }
0x12e: {  	[sflag:s7] =	ssyncset.done $0x0  }
0x12f: {  	[sflag:s7] =	ssyncadd.s32 $0xFFFFF000  }
0x130: {  	_ =	swait.ge [sflag:s7], $0x800  }
0x131: {  	[sflag:s7] =	ssyncset.done $0x0  }
0x132: {  	[sflag:s7] =	ssyncadd.s32 $0xFFFFF800  }
0x133: {  	_ =	swait.ge [sflag:s7], $0x1000  }
0x134: {  	[sflag:s7] =	ssyncset.done $0x0  }
0x135: {  	[sflag:s7] =	ssyncadd.s32 $0xFFFFF000  }
0x136: {  	_ =	swait.ge [sflag:s7], $0x800  }
0x137: {  	[sflag:s7] =	ssyncset.done $0x0  }
0x138: {  	[sflag:s7] =	ssyncadd.s32 $0xFFFFF800  }
0x139: {  	_ =	swait.ge [sflag:s7], $0x1000  }
0x13a: {  	[sflag:s7] =	ssyncset.done $0x0  }
0x13b: {  	[sflag:s7] =	ssyncadd.s32 $0xFFFFF000  }
0x13c: {  	_ =	swait.ge [sflag:s7], $0x800  }
0x13d: {  	[sflag:s7] =	ssyncset.done $0x0  }
0x13e: {  	[sflag:s7] =	ssyncadd.s32 $0xFFFFF800  }
0x13f: {  	_ =	swait.ge [sflag:s7], $0x1000  }
0x140: {  	[sflag:s7] =	ssyncset.done $0x0  }
0x141: {  	[sflag:s7] =	ssyncadd.s32 $0xFFFFF000  }
0x142: {  	_ =	swait.ge [sflag:s7], $0x800  }
0x143: {  	[sflag:s7] =	ssyncset.done $0x0  }
0x144: {  	[sflag:s7] =	ssyncadd.s32 $0xFFFFF800  }
0x145: {  	_ =	swait.ge [sflag:s7], $0x1000  }
0x146: {  	[sflag:s7] =	ssyncset.done $0x0  }
0x147: {  	[sflag:s7] =	ssyncadd.s32 $0xFFFFF000  }
0x148: {  	_ =	swait.ge [sflag:s7], $0x800  }
0x149: {  	[sflag:s7] =	ssyncset.done $0x0  }
0x14a: {  	[sflag:s7] =	ssyncadd.s32 $0xFFFFF800  }
0x14b: {  	_ =	swait.ge [sflag:s7], $0x1000  }
0x14c: {  	[sflag:s7] =	ssyncset.done $0x0  }
0x14d: {  	[sflag:s7] =	ssyncadd.s32 $0xFFFFF000  }
0x14e: {  	_ =	swait.ge [sflag:s7], $0x800  }
0x14f: {  	[sflag:s7] =	ssyncset.done $0x0  }
0x150: {  	[sflag:s7] =	ssyncadd.s32 $0xFFFFF800  }
0x151: {  	_ =	swait.ge [sflag:s7], $0x1000  }
0x152: {  	[sflag:s7] =	ssyncset.done $0x0  }
0x153: {  	[sflag:s7] =	ssyncadd.s32 $0xFFFFF000  }
0x154: {  	_ =	swait.ge [sflag:s7], $0x800  }
0x155: {  	[sflag:s7] =	ssyncset.done $0x0  }
0x156: {  	[sflag:s7] =	ssyncadd.s32 $0xFFFFF800  }
0x157: {  	_ =	swait.ge [sflag:s7], $0x1000  }
0x158: {  	[sflag:s7] =	ssyncset.done $0x0  }
0x159: {  	[sflag:s7] =	ssyncadd.s32 $0xFFFFF000  }
0x15a: {  	_ =	swait.ge [sflag:s7], $0x800  }
0x15b: {  	[sflag:s7] =	ssyncset.done $0x0  }
0x15c: {  	[sflag:s7] =	ssyncadd.s32 $0xFFFFF800  }
0x15d: {  	_ =	swait.ge [sflag:s7], $0x1000  }
0x15e: {  	[sflag:s7] =	ssyncset.done $0x0  }
0x15f: {  	[sflag:s7] =	ssyncadd.s32 $0xFFFFF000  }
0x160: {  	_ =	swait.ge [sflag:s7], $0x800  }
0x161: {  	[sflag:s7] =	ssyncset.done $0x0  }
0x162: {  	[sflag:s7] =	ssyncadd.s32 $0xFFFFF800  }
0x163: {  	_ =	swait.ge [sflag:s7], $0x1000  }
0x164: {  	[sflag:s7] =	ssyncset.done $0x0  }
0x165: {  	[sflag:s7] =	ssyncadd.s32 $0xFFFFF000  }
0x166: {  	_ =	swait.ge [sflag:s7], $0x800  }
0x167: {  	[sflag:s7] =	ssyncset.done $0x0  }
0x168: {  	[sflag:s7] =	ssyncadd.s32 $0xFFFFF800  }
0x169: {  	_ =	swait.ge [sflag:s7], $0x1000  }
0x16a: {  	[sflag:s7] =	ssyncset.done $0x0  }
0x16b: {  	[sflag:s7] =	ssyncadd.s32 $0xFFFFF000  }
0x16c: {  	_ =	swait.ge [sflag:s7], $0x800  }
0x16d: {  	[sflag:s7] =	ssyncset.done $0x0  }
0x16e: {  	[sflag:s7] =	ssyncadd.s32 $0xFFFFF800  }
0x16f: {  	_ =	swait.ge [sflag:s7], $0x1000  }
0x170: {  	[sflag:s7] =	ssyncset.done $0x0  }
0x171: {  	s14 =	rddreg [dreg:$0x4];
	[sflag:s7] =	ssyncadd.s32 $0xFFFFF000  }
0x172: {  	[hbm4b:s14+s2] =	stream.linear.scatter [tilespmem:s5], [sflag:$0x2], $0x8000, $0x38;
	[tilespmem:$0x18800] =	vst v63  }
0x173: {  	p1 =	sne.s32 s1, $0x1;
	_ =	swait.ge [sflag:s3], $0x8000  }
.Ltmp2:
0x174: {  	[sflag:s3] =	ssyncset.done $0x0;
	(pc) =	sbr.rel @p1 .LBB2_4-.Ltmp2, $4  }
0x175: {  	s14 =	rddreg [dreg:$0x5];
	[sflag:s3] =	ssyncadd.s32 $0xFFFF8000  }
0x176: {  	[hbm4b:s14+s2] =	stream.linear.scatter [tilespmem:s4], [sflag:$0x2], $0x10000, $0x38;
	[tilespmem:$0x18800] =	vst v63  }
0x177: {  	_ =	swait.ge [sflag:s3], $0x10000  }
0x178: {  	s1 =	sadd.s32 $0xFFFFFFFF, s1;
	s0 =	rddreg [dreg:$0x3];
	[sflag:s3] =	ssyncset.done $0x0  }
0x179: {  	s14 =	simm.s32 $0x17800  }
0x17a: {  	s29 =	simm.s32 $0x8000;
	s28 =	simm.s32 $0x16800;
	s25 =	simm.s32 $0x7800  }
0x17b: {  	s24 =	simm.s32 $0x15800;
	s18 =	simm.s32 $0x7000;
	s17 =	simm.s32 $0x14800  }
.LBB2_6:
0x17c: {  	[sflag:s3] =	ssyncadd.s32 @p0 $0xFFFF0000  }
0x17d: {  	[tilespmem:s2], [sflag:$0x2] =	stream.linear.gather [hbm4b:s0+s2], $0x800, $0x38;
	[tilespmem:$0x18800] =	vst v63  }
0x17e: {  	_ =	swait.ge [sflag:s3], $0x800  }
0x17f: {  	[sflag:s3] =	ssyncset.done $0x0  }
0x180: {  	[sflag:s3] =	ssyncadd.s32 $0xFFFFF800  }
0x181: {  	[tilespmem:s5], [sflag:$0x1] =	stream.indirect.gather [hbm4b:s8+s9], $0x10, s2, s9, $0xb8;
	[tilespmem:$0x18800] =	vst v63  }
0x182: {  	_ = 	snop  }
0x183: {  	[tilespmem:s4], [sflag:$0x1] =	stream.indirect.gather [hbm4b:s6+s9], $0x20, s2, s9, $0xb8;
	[tilespmem:$0x18800] =	vst v63  }
0x184: {  	s0 =	rddreg [dreg:$0x6]  }
0x185: {  	[tilespmem:s0], [sflag:$0x1] =	stream.indirect.gather [hbm4b:s8+s9], $0x10, s9, s9, $0xb8;
	[tilespmem:$0x18800] =	vst v63  }
0x186: {  	s1 =	rddreg [dreg:$0x7]  }
0x187: {  	[tilespmem:s1], [sflag:$0x1] =	stream.indirect.gather [hbm4b:s6+s9], $0x20, s9, s9, $0xb8;
	[tilespmem:$0x18800] =	vst v63  }
0x188: {  	s0 =	rddreg [dreg:$0x8]  }
0x189: {  	[tilespmem:s0], [sflag:$0x1] =	stream.indirect.gather [hbm4b:s8+s9], $0x10, s31, s9, $0xb8;
	[tilespmem:$0x18800] =	vst v63  }
0x18a: {  	s1 =	rddreg [dreg:$0x9]  }
0x18b: {  	[tilespmem:s1], [sflag:$0x1] =	stream.indirect.gather [hbm4b:s6+s9], $0x20, s31, s9, $0xb8;
	[tilespmem:$0x18800] =	vst v63  }
0x18c: {  	s0 =	rddreg [dreg:$0xa]  }
0x18d: {  	[tilespmem:s0], [sflag:$0x1] =	stream.indirect.gather [hbm4b:s8+s9], $0x10, s30, s9, $0xb8;
	[tilespmem:$0x18800] =	vst v63  }
0x18e: {  	s31 =	rddreg [dreg:$0xb]  }
0x18f: {  	[tilespmem:s31], [sflag:$0x1] =	stream.indirect.gather [hbm4b:s6+s9], $0x20, s30, s9, $0xb8;
	[tilespmem:$0x18800] =	vst v63  }
0x190: {  	s0 =	rddreg [dreg:$0xc]  }
0x191: {  	[tilespmem:s0], [sflag:$0x1] =	stream.indirect.gather [hbm4b:s8+s9], $0x10, s26, s9, $0xb8;
	[tilespmem:$0x18800] =	vst v63  }
0x192: {  	s31 =	rddreg [dreg:$0xd]  }
0x193: {  	[tilespmem:s31], [sflag:$0x1] =	stream.indirect.gather [hbm4b:s6+s9], $0x20, s26, s9, $0xb8;
	[tilespmem:$0x18800] =	vst v63  }
0x194: {  	s30 =	rddreg [dreg:$0xe]  }
0x195: {  	[tilespmem:s30], [sflag:$0x1] =	stream.indirect.gather [hbm4b:s8+s9], $0x10, s23, s9, $0xb8;
	[tilespmem:$0x18800] =	vst v63  }
0x196: {  	s31 =	rddreg [dreg:$0xf]  }
0x197: {  	[tilespmem:s31], [sflag:$0x1] =	stream.indirect.gather [hbm4b:s6+s9], $0x20, s23, s9, $0xb8;
	[tilespmem:$0x18800] =	vst v63  }
0x198: {  	s26 =	rddreg [dreg:$0x10]  }
0x199: {  	[tilespmem:s26], [sflag:$0x1] =	stream.indirect.gather [hbm4b:s8+s9], $0x10, s21, s9, $0xb8;
	[tilespmem:$0x18800] =	vst v63  }
0x19a: {  	s30 =	rddreg [dreg:$0x11]  }
0x19b: {  	[tilespmem:s30], [sflag:$0x1] =	stream.indirect.gather [hbm4b:s6+s9], $0x20, s21, s9, $0xb8;
	[tilespmem:$0x18800] =	vst v63  }
0x19c: {  	s31 =	rddreg [dreg:$0x12]  }
0x19d: {  	[tilespmem:s31], [sflag:$0x1] =	stream.indirect.gather [hbm4b:s8+s9], $0x10, s20, s9, $0xb8;
	[tilespmem:$0x18800] =	vst v63  }
0x19e: {  	s21 =	rddreg [dreg:$0x13]  }
0x19f: {  	[tilespmem:s21], [sflag:$0x1] =	stream.indirect.gather [hbm4b:s6+s9], $0x20, s20, s9, $0xb8;
	[tilespmem:$0x18800] =	vst v63  }
0x1a0: {  	s23 =	rddreg [dreg:$0x14]  }
0x1a1: {  	[tilespmem:s23], [sflag:$0x1] =	stream.indirect.gather [hbm4b:s8+s9], $0x10, s19, s9, $0xb8;
	[tilespmem:$0x18800] =	vst v63  }
0x1a2: {  	s26 =	rddreg [dreg:$0x15]  }
0x1a3: {  	[tilespmem:s26], [sflag:$0x1] =	stream.indirect.gather [hbm4b:s6+s9], $0x20, s19, s9, $0xb8;
	[tilespmem:$0x18800] =	vst v63  }
0x1a4: {  	s30 =	rddreg [dreg:$0x16]  }
0x1a5: {  	[tilespmem:s30], [sflag:$0x1] =	stream.indirect.gather [hbm4b:s8+s9], $0x10, s16, s9, $0xb8;
	[tilespmem:$0x18800] =	vst v63  }
0x1a6: {  	s31 =	rddreg [dreg:$0x17]  }
0x1a7: {  	[tilespmem:s31], [sflag:$0x1] =	stream.indirect.gather [hbm4b:s6+s9], $0x20, s16, s9, $0xb8;
	[tilespmem:$0x18800] =	vst v63  }
0x1a8: {  	s19 =	rddreg [dreg:$0x18]  }
0x1a9: {  	[tilespmem:s19], [sflag:$0x1] =	stream.indirect.gather [hbm4b:s8+s9], $0x10, s13, s9, $0xb8;
	[tilespmem:$0x18800] =	vst v63  }
0x1aa: {  	s20 =	rddreg [dreg:$0x19]  }
0x1ab: {  	[tilespmem:s20], [sflag:$0x1] =	stream.indirect.gather [hbm4b:s6+s9], $0x20, s13, s9, $0xb8;
	[tilespmem:$0x18800] =	vst v63  }
0x1ac: {  	s21 =	rddreg [dreg:$0x1a]  }
0x1ad: {  	[tilespmem:s21], [sflag:$0x1] =	stream.indirect.gather [hbm4b:s8+s9], $0x10, s11, s9, $0xb8;
	[tilespmem:$0x18800] =	vst v63  }
0x1ae: {  	s23 =	rddreg [dreg:$0x1b]  }
0x1af: {  	[tilespmem:s23], [sflag:$0x1] =	stream.indirect.gather [hbm4b:s6+s9], $0x20, s11, s9, $0xb8;
	[tilespmem:$0x18800] =	vst v63  }
0x1b0: {  	s26 =	rddreg [dreg:$0x1c]  }
0x1b1: {  	[tilespmem:s26], [sflag:$0x1] =	stream.indirect.gather [hbm4b:s8+s9], $0x10, s10, s9, $0xb8;
	[tilespmem:$0x18800] =	vst v63  }
0x1b2: {  	_ = 	snop  }
0x1b3: {  	[tilespmem:s17], [sflag:$0x1] =	stream.indirect.gather [hbm4b:s6+s9], $0x20, s10, s9, $0xb8;
	[tilespmem:$0x18800] =	vst v63  }
0x1b4: {  	_ = 	snop  }
0x1b5: {  	[tilespmem:s18], [sflag:$0x1] =	stream.indirect.gather [hbm4b:s8+s9], $0x10, s12, s9, $0xb8;
	[tilespmem:$0x18800] =	vst v63  }
0x1b6: {  	_ = 	snop  }
0x1b7: {  	[tilespmem:s24], [sflag:$0x1] =	stream.indirect.gather [hbm4b:s6+s9], $0x20, s12, s9, $0xb8;
	[tilespmem:$0x18800] =	vst v63  }
0x1b8: {  	_ = 	snop  }
0x1b9: {  	[tilespmem:s25], [sflag:$0x1] =	stream.indirect.gather [hbm4b:s8+s9], $0x10, s15, s9, $0xb8;
	[tilespmem:$0x18800] =	vst v63  }
0x1ba: {  	_ = 	snop  }
0x1bb: {  	[tilespmem:s28], [sflag:$0x1] =	stream.indirect.gather [hbm4b:s6+s9], $0x20, s15, s9, $0xb8;
	[tilespmem:$0x18800] =	vst v63  }
0x1bc: {  	_ = 	snop  }
0x1bd: {  	[tilespmem:s29], [sflag:$0x1] =	stream.indirect.gather [hbm4b:s8+s9], $0x10, s22, s9, $0xb8;
	[tilespmem:$0x18800] =	vst v63  }
0x1be: {  	_ = 	snop  }
0x1bf: {  	[tilespmem:s14], [sflag:$0x1] =	stream.indirect.gather [hbm4b:s6+s9], $0x20, s22, s9, $0xb8;
	[tilespmem:$0x18800] =	vst v63  }
0x1c0: {  	_ =	swait.ge [sflag:s7], $0x800  }
0x1c1: {  	[sflag:s7] =	ssyncset.done $0x0  }
0x1c2: {  	[sflag:s7] =	ssyncadd.s32 $0xFFFFF800  }
0x1c3: {  	_ =	swait.ge [sflag:s7], $0x1000  }
0x1c4: {  	[sflag:s7] =	ssyncset.done $0x0  }
0x1c5: {  	[sflag:s7] =	ssyncadd.s32 $0xFFFFF000  }
0x1c6: {  	_ =	swait.ge [sflag:s7], $0x800  }
0x1c7: {  	[sflag:s7] =	ssyncset.done $0x0  }
0x1c8: {  	[sflag:s7] =	ssyncadd.s32 $0xFFFFF800  }
0x1c9: {  	_ =	swait.ge [sflag:s7], $0x1000  }
0x1ca: {  	[sflag:s7] =	ssyncset.done $0x0  }
0x1cb: {  	[sflag:s7] =	ssyncadd.s32 $0xFFFFF000  }
0x1cc: {  	_ =	swait.ge [sflag:s7], $0x800  }
0x1cd: {  	[sflag:s7] =	ssyncset.done $0x0  }
0x1ce: {  	[sflag:s7] =	ssyncadd.s32 $0xFFFFF800  }
0x1cf: {  	_ =	swait.ge [sflag:s7], $0x1000  }
0x1d0: {  	[sflag:s7] =	ssyncset.done $0x0  }
0x1d1: {  	[sflag:s7] =	ssyncadd.s32 $0xFFFFF000  }
0x1d2: {  	_ =	swait.ge [sflag:s7], $0x800  }
0x1d3: {  	[sflag:s7] =	ssyncset.done $0x0  }
0x1d4: {  	[sflag:s7] =	ssyncadd.s32 $0xFFFFF800  }
0x1d5: {  	_ =	swait.ge [sflag:s7], $0x1000  }
0x1d6: {  	[sflag:s7] =	ssyncset.done $0x0  }
0x1d7: {  	[sflag:s7] =	ssyncadd.s32 $0xFFFFF000  }
0x1d8: {  	_ =	swait.ge [sflag:s7], $0x800  }
0x1d9: {  	[sflag:s7] =	ssyncset.done $0x0  }
0x1da: {  	[sflag:s7] =	ssyncadd.s32 $0xFFFFF800  }
0x1db: {  	_ =	swait.ge [sflag:s7], $0x1000  }
0x1dc: {  	[sflag:s7] =	ssyncset.done $0x0  }
0x1dd: {  	[sflag:s7] =	ssyncadd.s32 $0xFFFFF000  }
0x1de: {  	_ =	swait.ge [sflag:s7], $0x800  }
0x1df: {  	[sflag:s7] =	ssyncset.done $0x0  }
0x1e0: {  	[sflag:s7] =	ssyncadd.s32 $0xFFFFF800  }
0x1e1: {  	_ =	swait.ge [sflag:s7], $0x1000  }
0x1e2: {  	[sflag:s7] =	ssyncset.done $0x0  }
0x1e3: {  	[sflag:s7] =	ssyncadd.s32 $0xFFFFF000  }
0x1e4: {  	_ =	swait.ge [sflag:s7], $0x800  }
0x1e5: {  	[sflag:s7] =	ssyncset.done $0x0  }
0x1e6: {  	[sflag:s7] =	ssyncadd.s32 $0xFFFFF800  }
0x1e7: {  	_ =	swait.ge [sflag:s7], $0x1000  }
0x1e8: {  	[sflag:s7] =	ssyncset.done $0x0  }
0x1e9: {  	[sflag:s7] =	ssyncadd.s32 $0xFFFFF000  }
0x1ea: {  	_ =	swait.ge [sflag:s7], $0x800  }
0x1eb: {  	[sflag:s7] =	ssyncset.done $0x0  }
0x1ec: {  	[sflag:s7] =	ssyncadd.s32 $0xFFFFF800  }
0x1ed: {  	_ =	swait.ge [sflag:s7], $0x1000  }
0x1ee: {  	[sflag:s7] =	ssyncset.done $0x0  }
0x1ef: {  	[sflag:s7] =	ssyncadd.s32 $0xFFFFF000  }
0x1f0: {  	_ =	swait.ge [sflag:s7], $0x800  }
0x1f1: {  	[sflag:s7] =	ssyncset.done $0x0  }
0x1f2: {  	[sflag:s7] =	ssyncadd.s32 $0xFFFFF800  }
0x1f3: {  	_ =	swait.ge [sflag:s7], $0x1000  }
0x1f4: {  	[sflag:s7] =	ssyncset.done $0x0  }
0x1f5: {  	[sflag:s7] =	ssyncadd.s32 $0xFFFFF000  }
0x1f6: {  	_ =	swait.ge [sflag:s7], $0x800  }
0x1f7: {  	[sflag:s7] =	ssyncset.done $0x0  }
0x1f8: {  	[sflag:s7] =	ssyncadd.s32 $0xFFFFF800  }
0x1f9: {  	_ =	swait.ge [sflag:s7], $0x1000  }
0x1fa: {  	[sflag:s7] =	ssyncset.done $0x0  }
0x1fb: {  	[sflag:s7] =	ssyncadd.s32 $0xFFFFF000  }
0x1fc: {  	_ =	swait.ge [sflag:s7], $0x800  }
0x1fd: {  	[sflag:s7] =	ssyncset.done $0x0  }
0x1fe: {  	[sflag:s7] =	ssyncadd.s32 $0xFFFFF800  }
0x1ff: {  	_ =	swait.ge [sflag:s7], $0x1000  }
0x200: {  	[sflag:s7] =	ssyncset.done $0x0  }
0x201: {  	[sflag:s7] =	ssyncadd.s32 $0xFFFFF000  }
0x202: {  	_ =	swait.ge [sflag:s7], $0x800  }
0x203: {  	[sflag:s7] =	ssyncset.done $0x0  }
0x204: {  	[sflag:s7] =	ssyncadd.s32 $0xFFFFF800  }
0x205: {  	_ =	swait.ge [sflag:s7], $0x1000  }
0x206: {  	[sflag:s7] =	ssyncset.done $0x0  }
0x207: {  	[sflag:s7] =	ssyncadd.s32 $0xFFFFF000  }
0x208: {  	_ =	swait.ge [sflag:s7], $0x800  }
0x209: {  	[sflag:s7] =	ssyncset.done $0x0  }
0x20a: {  	[sflag:s7] =	ssyncadd.s32 $0xFFFFF800  }
0x20b: {  	_ =	swait.ge [sflag:s7], $0x1000  }
0x20c: {  	[sflag:s7] =	ssyncset.done $0x0  }
0x20d: {  	[sflag:s7] =	ssyncadd.s32 $0xFFFFF000  }
0x20e: {  	_ =	swait.ge [sflag:s7], $0x800  }
0x20f: {  	[sflag:s7] =	ssyncset.done $0x0  }
0x210: {  	[sflag:s7] =	ssyncadd.s32 $0xFFFFF800  }
0x211: {  	_ =	swait.ge [sflag:s7], $0x1000  }
0x212: {  	[sflag:s7] =	ssyncset.done $0x0  }
0x213: {  	[sflag:s7] =	ssyncadd.s32 $0xFFFFF000  }
0x214: {  	_ =	swait.ge [sflag:s7], $0x800  }
0x215: {  	[sflag:s7] =	ssyncset.done $0x0  }
0x216: {  	[sflag:s7] =	ssyncadd.s32 $0xFFFFF800  }
0x217: {  	_ =	swait.ge [sflag:s7], $0x1000  }
0x218: {  	[sflag:s7] =	ssyncset.done $0x0  }
0x219: {  	[sflag:s7] =	ssyncadd.s32 $0xFFFFF000  }
0x21a: {  	_ =	swait.ge [sflag:s7], $0x800  }
0x21b: {  	[sflag:s7] =	ssyncset.done $0x0  }
0x21c: {  	[sflag:s7] =	ssyncadd.s32 $0xFFFFF800  }
0x21d: {  	_ =	swait.ge [sflag:s7], $0x1000  }
0x21e: {  	[sflag:s7] =	ssyncset.done $0x0  }
0x21f: {  	s29 =	rddreg [dreg:$0x4];
	[sflag:s7] =	ssyncadd.s32 $0xFFFFF000  }
0x220: {  	[hbm4b:s29+s2] =	stream.linear.scatter [tilespmem:s5], [sflag:$0x2], $0x8000, $0x38;
	[tilespmem:$0x18800] =	vst v63  }
0x221: {  	_ =	swait.ge [sflag:s3], $0x8000  }
0x222: {  	[sflag:s3] =	ssyncset.done $0x0  }
0x223: {  	s30 =	rddreg [dreg:$0x5];
	[sflag:s3] =	ssyncadd.s32 $0xFFFF8000  }
0x224: {  	[hbm4b:s30+s2] =	stream.linear.scatter [tilespmem:s4], [sflag:$0x2], $0x10000, $0x38;
	[tilespmem:$0x18800] =	vst v63  }
0x225: {  	_ =	swait.ge [sflag:s3], $0x10000  }
0x226: {  	[sflag:s3] =	ssyncset.done $0x0  }
0x227: {  	[sflag:s3] =	ssyncadd.s32 $0xFFFF0000  }
0x228: {  	_ =	sfence.sel $0x180000  }
0x229: {  	[bflag:$0x0] =	sbarrier.arrive $0xFFFF  }
0x22a: {  	_ =	strace $0x90000047  }
0x22b: {  	s31 =	stileid.u32;
	[bflag:$0x2] =	sbarrier.arrive $0xFFFF  }
0x22c: {  	p0 =	sne.s32 s31, $0x0;
	s0 =	rddreg [dreg:$0x2]  }
0x22d: {  	s0 =	sadd.s32 @!p0 $0x100000, s0  }
0x22e: {  	[sflag:s0] =	ssyncadd.tile.s32 @!p0 $0x1;
	_ =	shalt  }
.LBB2_1:
.Ltmp3:
0x22f: {  	(pc) =	sbr.rel .LBB2_6-.Ltmp3, $4  }
0x230: {  	_ = 	snop  }
0x231: {  	s14 =	simm.s32 $0x17800  }
0x232: {  	s29 =	simm.s32 $0x8000;
	s28 =	simm.s32 $0x16800;
	s25 =	simm.s32 $0x7800  }
0x233: {  	s24 =	simm.s32 $0x15800;
	s18 =	simm.s32 $0x7000;
	s17 =	simm.s32 $0x14800  }
.LBB2_3:
.Ltmp4:
0x234: {  	(pc) =	sbr.rel .LBB2_6-.Ltmp4, $4  }
0x235: {  	_ = 	snop  }
0x236: {  	s14 =	simm.s32 $0x17800  }
0x237: {  	s29 =	simm.s32 $0x8000;
	s28 =	simm.s32 $0x16800;
	s25 =	simm.s32 $0x7800  }
0x238: {  	s24 =	simm.s32 $0x15800;
	s18 =	simm.s32 $0x7000;
	s17 =	simm.s32 $0x14800  }
.Lfunc_end2:
_tile_overlayer_lowered:
.L_overlay_start_2:
0x239: {  	(tag) =	ssettag $0x2  }
0x23a: {  	s0 =	rddreg [dreg:$0x0];
	s2 =	stileid.u32  }
0x23b: {  	s1 =	rddreg [dreg:$0x1];
	p0 =	sne.s32 s2, $0x0  }
0x23c: {  	s3 =	rddreg [dreg:$0x2];
	[bflag:$0x3] =	sbarrier.arrive $0xFFFF;
	s2 =	simm.s32 @!p0 $0x1C02  }
0x23d: {  	[timem:s3], [sflag:s2] =	dma.local @!p0 [hbm:s0], s1  }
0x23e: {  	s0 =	simm.s32 @!p0 $0x2  }
0x23f: {  	_ =	swait.ge @!p0 [sflag:s0], s1  }
0x240: {  	s1 =	ssub.s32 @!p0 $0x0, s1;
	[sflag:s0] =	ssyncset.done @!p0 $0x0  }
0x241: {  	[sflag:s0] =	ssyncadd.s32 @!p0 s1  }
0x242: {  	[bflag:$0x3] =	sbarrier.arrive $0xFFFF  }
0x243: {  	_ =	shalt  }

</sc_bundles>
